<compile_context>
chip_gen: v7x
topology: tpu7x:2x2x1
jax: 0.10.2.dev20260603
libtpu: 0.0.44.dev20260713+nightly
codegen_flags: <defaults>
</compile_context>

<pallas_src>
import functools

import jax
import jax.numpy as jnp
from jax import lax
from jax.experimental import pallas as pl
from jax.experimental.pallas import tpu as pltpu
from jax.experimental.pallas import tpu_sc as plsc

N_NODES = 10000
N_EDGES = 320000
D_FEAT = 128
DW = D_FEAT // 2

NC = 2
NS = 16
L = 16
NW = NC * NS
EPW = N_EDGES // NW
C = 80
NCHUNK = EPW // C
NGRP = C // L

_mesh = plsc.VectorSubcoreMesh(
    core_axis_name="c", subcore_axis_name="s", num_cores=NC, num_subcores=NS
)


def _tree_sum(vs):
    while len(vs) > 1:
        vs = [a + b for a, b in zip(vs[::2], vs[1::2])]
    return vs[0]


@functools.partial(
    pl.kernel,
    out_type=jax.ShapeDtypeStruct((N_EDGES,), jnp.float32),
    mesh=_mesh,
    scratch_types=[
        pltpu.VMEM((EPW,), jnp.int32),
        pltpu.VMEM((EPW,), jnp.int32),
        pltpu.VMEM((2, C, DW), jnp.int32),
        pltpu.VMEM((2, C, DW), jnp.int32),
        pltpu.VMEM((L * L,), jnp.float32),
        pltpu.VMEM((EPW,), jnp.float32),
        pltpu.SemaphoreType.DMA,
        pltpu.SemaphoreType.DMA,
        pltpu.SemaphoreType.DMA,
        pltpu.SemaphoreType.DMA,
    ],
    compiler_params=pltpu.CompilerParams(
        needs_layout_passes=False, use_tc_tiling_on_sc=False),
)
def _node_dot_sc(x_hbm, s_hbm, r_hbm, out_hbm,
                 sidx_v, ridx_v, srows_v, rrows_v, stage_v, out_v,
                 sem_s0, sem_s1, sem_r0, sem_r1):
    wid = lax.axis_index("s") * NC + lax.axis_index("c")
    wbase = wid * EPW
    sems_s = (sem_s0, sem_s1)
    sems_r = (sem_r0, sem_r1)

    pltpu.sync_copy(s_hbm.at[pl.ds(wbase, EPW)], sidx_v)
    pltpu.sync_copy(r_hbm.at[pl.ds(wbase, EPW)], ridx_v)

    def start(c, b):
        pltpu.async_copy(
            x_hbm.at[sidx_v.at[pl.ds(c * C, C)]], srows_v.at[b], sems_s[b])
        pltpu.async_copy(
            x_hbm.at[ridx_v.at[pl.ds(c * C, C)]], rrows_v.at[b], sems_r[b])

    def wait(b):
        pltpu.make_async_copy(
            x_hbm.at[sidx_v.at[pl.ds(0, C)]], srows_v.at[b], sems_s[b]).wait()
        pltpu.make_async_copy(
            x_hbm.at[ridx_v.at[pl.ds(0, C)]], rrows_v.at[b], sems_r[b]).wait()

    lanes16 = lax.iota(jnp.int32, L) * L

    def compute(c, b):
        def group_body(g, carry):
            row0 = g * L
            for i in range(L):
                prods = []
                for j in range(DW // L):
                    sw = srows_v[b, row0 + i, pl.ds(j * L, L)]
                    rw = rrows_v[b, row0 + i, pl.ds(j * L, L)]
                    p = plsc.bitcast(sw, jnp.bfloat16) * plsc.bitcast(
                        rw, jnp.bfloat16)
                    pe, po = plsc.unpack(
                        p, format=plsc.PackFormat.INTERLEAVED,
                        preferred_element_type=jnp.float32)
                    prods.append(pe + po)
                stage_v[pl.ds(i * L, L)] = _tree_sum(prods)
            tot = jnp.zeros((L,), jnp.float32)
            for k in range(L):
                tot = tot + plsc.load_gather(stage_v, [lanes16 + k])
            out_v[pl.ds(c * C + row0, L)] = tot
            return carry

        lax.fori_loop(0, NGRP, group_body, 0)

    start(0, 0)

    def pair_body(p, carry):
        for b in range(2):
            c = 2 * p + b
            start(c + 1, 1 - b)
            wait(b)
            compute(c, b)
        return carry

    lax.fori_loop(0, (NCHUNK - 1) // 2, pair_body, 0)
    wait(0)
    compute(NCHUNK - 1, 0)

    pltpu.sync_copy(out_v, out_hbm.at[pl.ds(wbase, EPW)])


def kernel(x, senders, receivers):
    x_packed = jax.lax.bitcast_convert_type(
        x.astype(jnp.bfloat16).reshape(N_NODES, DW, 2), jnp.int32)
    return _node_dot_sc(x_packed, senders, receivers)

# --- scband reference (transcript-rebuilt; emitter-appended) ---
"""Pipeline reference for scband-node-dot-59012850647614 (READ-ONLY COPY).

The authoritative reference and input builder live on the scoring server;
editing this copy changes nothing except your own understanding.
"""

import jax, jax.numpy as jnp
import numpy as np

N_NODES = 10000
N_EDGES = 320000
D_FEAT = 128


def setup_inputs(seed: int = 0) -> dict:
    key = jax.random.key(seed)
    kx, ks, kr = jax.random.split(key, 3)
    x = jax.random.normal(kx, (N_NODES, D_FEAT), dtype=jnp.float32)
    senders = jax.random.randint(ks, (N_EDGES,), 0, N_NODES, dtype=jnp.int64 if jax.config.jax_enable_x64 else jnp.int32).astype(jnp.int32)
    receivers = jax.random.randint(kr, (N_EDGES,), 0, N_NODES, dtype=jnp.int64 if jax.config.jax_enable_x64 else jnp.int32).astype(jnp.int32)
    return {"x": x, "senders": senders, "receivers": receivers}


def reference(x, senders, receivers):
    # NodeDot: per-edge dot product between sender and receiver node features
    return jnp.sum(x[senders] * x[receivers], axis=-1)

if __name__ == "__main__":
    import jax
    _d = setup_inputs()
    print(jax.jit(kernel)(*tuple(_d.values())))

</pallas_src>

<mosaic_0001>
#map = affine_map<(d0, d1) -> (0, 0)>
#map1 = affine_map<(d0, d1) -> (0)>
module attributes {stable_mosaic.version = 14 : i64} {
  func.func @_node_dot_sc(%arg0: i32, %arg1: i32, %arg2: memref<10000x64xi32, #tpu.memory_space<hbm>>, %arg3: memref<320000xi32, #tpu.memory_space<hbm>>, %arg4: memref<320000xi32, #tpu.memory_space<hbm>>, %arg5: memref<320000xf32, #tpu.memory_space<hbm>>, %arg6: memref<10000xi32, #tpu.memory_space<vmem>>, %arg7: memref<10000xi32, #tpu.memory_space<vmem>>, %arg8: memref<2x80x64xi32, #tpu.memory_space<vmem>>, %arg9: memref<2x80x64xi32, #tpu.memory_space<vmem>>, %arg10: memref<256xf32, #tpu.memory_space<vmem>>, %arg11: memref<10000xf32, #tpu.memory_space<vmem>>, %arg12: memref<!tpu.dma_semaphore, #tpu.memory_space<semaphore_mem>>, %arg13: memref<!tpu.dma_semaphore, #tpu.memory_space<semaphore_mem>>, %arg14: memref<!tpu.dma_semaphore, #tpu.memory_space<semaphore_mem>>, %arg15: memref<!tpu.dma_semaphore, #tpu.memory_space<semaphore_mem>>) attributes {dimension_semantics = [#tpu.dimension_semantics<core_parallel>, #tpu.dimension_semantics<subcore_parallel>], iteration_bounds = array<i64: 2, 16>, scalar_prefetch = 0 : i64, scratch_operands = 10 : i64, tpu.core_type = #tpu.core_type<sc_vector_subcore>, window_params = [{transform_indices = #map}, {transform_indices = #map1}, {transform_indices = #map1}, {transform_indices = #map1}]} {
    %mul3A = arith.constant 2 : i32
    %mul3A_0 = arith.muli %arg1, %mul3A : i32
    %add3A = arith.addi %mul3A_0, %arg0 : i32
    %mul3A_1 = arith.constant 10000 : i32
    %mul3A_2 = arith.muli %add3A, %mul3A_1 : i32
    "tpu.region"() ({
      %run_scoped3A = tpu.sem_alloc : memref<!tpu.dma_semaphore, #tpu.memory_space<semaphore_mem>>
      %dma_start3A_55 = tpu.memref_slice %arg3[%mul3A_2] : memref<320000xi32, #tpu.memory_space<hbm>> -> memref<10000xi32, #tpu.memory_space<hbm>>
      %dma_start3A_56 = tpu.memref_slice %arg3[%mul3A_2] : memref<320000xi32, #tpu.memory_space<hbm>> -> memref<10000xi32, #tpu.memory_space<hbm>>
      tpu.enqueue_dma source(%dma_start3A_56 : memref<10000xi32, #tpu.memory_space<hbm>>) target(%arg6 : memref<10000xi32, #tpu.memory_space<vmem>>) target_semaphore(%run_scoped3A : memref<!tpu.dma_semaphore, #tpu.memory_space<semaphore_mem>>)
      %dma_wait3A_57 = tpu.memref_slice %arg3[%mul3A_2] : memref<320000xi32, #tpu.memory_space<hbm>> -> memref<10000xi32, #tpu.memory_space<hbm>>
      %dma_wait3A_58 = tpu.memref_slice %arg3[%mul3A_2] : memref<320000xi32, #tpu.memory_space<hbm>> -> memref<10000xi32, #tpu.memory_space<hbm>>
      tpu.wait_dma2 semaphore(%run_scoped3A : memref<!tpu.dma_semaphore, #tpu.memory_space<semaphore_mem>>) src(%dma_wait3A_58 : memref<10000xi32, #tpu.memory_space<hbm>>) dst(%arg6 : memref<10000xi32, #tpu.memory_space<vmem>>)
      tpu.yield
    }) : () -> ()
    "tpu.region"() ({
      %run_scoped3A = tpu.sem_alloc : memref<!tpu.dma_semaphore, #tpu.memory_space<semaphore_mem>>
      %dma_start3A_55 = tpu.memref_slice %arg4[%mul3A_2] : memref<320000xi32, #tpu.memory_space<hbm>> -> memref<10000xi32, #tpu.memory_space<hbm>>
      %dma_start3A_56 = tpu.memref_slice %arg4[%mul3A_2] : memref<320000xi32, #tpu.memory_space<hbm>> -> memref<10000xi32, #tpu.memory_space<hbm>>
      tpu.enqueue_dma source(%dma_start3A_56 : memref<10000xi32, #tpu.memory_space<hbm>>) target(%arg7 : memref<10000xi32, #tpu.memory_space<vmem>>) target_semaphore(%run_scoped3A : memref<!tpu.dma_semaphore, #tpu.memory_space<semaphore_mem>>)
      %dma_wait3A_57 = tpu.memref_slice %arg4[%mul3A_2] : memref<320000xi32, #tpu.memory_space<hbm>> -> memref<10000xi32, #tpu.memory_space<hbm>>
      %dma_wait3A_58 = tpu.memref_slice %arg4[%mul3A_2] : memref<320000xi32, #tpu.memory_space<hbm>> -> memref<10000xi32, #tpu.memory_space<hbm>>
      tpu.wait_dma2 semaphore(%run_scoped3A : memref<!tpu.dma_semaphore, #tpu.memory_space<semaphore_mem>>) src(%dma_wait3A_58 : memref<10000xi32, #tpu.memory_space<hbm>>) dst(%arg7 : memref<10000xi32, #tpu.memory_space<vmem>>)
      tpu.yield
    }) : () -> ()
    %iota3A = tpu.iota {dimensions = array<i32: 0>} : vector<16xi32>
    %mul3A_3 = arith.constant 16 : i32
    %mul3A_4 = vector.broadcast %mul3A_3 : i32 to vector<16xi32>
    %mul3A_5 = arith.muli %iota3A, %mul3A_4 : vector<16xi32>
    %dma_start3A = arith.constant 0 : i32
    %dma_start3A_6 = arith.constant 0 : i32
    %dma_start3A_7 = arith.constant 0 : i32
    %dma_start3A_8 = tpu.memref_slice %arg8[%dma_start3A, %dma_start3A_6, %dma_start3A_7] : memref<2x80x64xi32, #tpu.memory_space<vmem>> -> memref<1x80x64xi32, #tpu.memory_space<vmem>>
    %dma_start3A_9 = tpu.memref_squeeze %dma_start3A_8 : memref<1x80x64xi32, #tpu.memory_space<vmem>> -> memref<80x64xi32, #tpu.memory_space<vmem>>
    %dma_start3A_10 = arith.constant 0 : i32
    %dma_start3A_11 = tpu.memref_slice %arg6[%dma_start3A_10] : memref<10000xi32, #tpu.memory_space<vmem>> -> memref<80xi32, #tpu.memory_space<vmem>>
    %dma_start3A_12 = arith.constant 0 : i32
    %dma_start3A_13 = arith.constant 0 : i32
    %dma_start3A_14 = tpu.memref_slice %arg2[%dma_start3A_12, %dma_start3A_13] : memref<10000x64xi32, #tpu.memory_space<hbm>> -> memref<10000x64xi32, #tpu.memory_space<hbm>>
    tpu.enqueue_indirect_dma source(%dma_start3A_14 : memref<10000x64xi32, #tpu.memory_space<hbm>>) target(%dma_start3A_9 : memref<80x64xi32, #tpu.memory_space<vmem>>) offsets(%dma_start3A_11 : memref<80xi32, #tpu.memory_space<vmem>>) semaphore(%arg12 : memref<!tpu.dma_semaphore, #tpu.memory_space<semaphore_mem>>)
    %dma_start3A_15 = arith.constant 0 : i32
    %dma_start3A_16 = arith.constant 0 : i32
    %dma_start3A_17 = arith.constant 0 : i32
    %dma_start3A_18 = tpu.memref_slice %arg9[%dma_start3A_15, %dma_start3A_16, %dma_start3A_17] : memref<2x80x64xi32, #tpu.memory_space<vmem>> -> memref<1x80x64xi32, #tpu.memory_space<vmem>>
    %dma_start3A_19 = tpu.memref_squeeze %dma_start3A_18 : memref<1x80x64xi32, #tpu.memory_space<vmem>> -> memref<80x64xi32, #tpu.memory_space<vmem>>
    %dma_start3A_20 = arith.constant 0 : i32
    %dma_start3A_21 = tpu.memref_slice %arg7[%dma_start3A_20] : memref<10000xi32, #tpu.memory_space<vmem>> -> memref<80xi32, #tpu.memory_space<vmem>>
    %dma_start3A_22 = arith.constant 0 : i32
    %dma_start3A_23 = arith.constant 0 : i32
    %dma_start3A_24 = tpu.memref_slice %arg2[%dma_start3A_22, %dma_start3A_23] : memref<10000x64xi32, #tpu.memory_space<hbm>> -> memref<10000x64xi32, #tpu.memory_space<hbm>>
    tpu.enqueue_indirect_dma source(%dma_start3A_24 : memref<10000x64xi32, #tpu.memory_space<hbm>>) target(%dma_start3A_19 : memref<80x64xi32, #tpu.memory_space<vmem>>) offsets(%dma_start3A_21 : memref<80xi32, #tpu.memory_space<vmem>>) semaphore(%arg14 : memref<!tpu.dma_semaphore, #tpu.memory_space<semaphore_mem>>)
    %scan3A = arith.constant 0 : i32
    %scan3A_25 = arith.constant 0 : i32
    %scan3A_26 = arith.constant 62 : i32
    %scan3A_27 = arith.addi %scan3A_25, %scan3A_26 : i32
    %scan3A_28 = arith.constant 1 : i32
    scf.for %scan3A_55 = %scan3A_25 to %scan3A_27 step %scan3A_28  : i32 {
      %mul3A_56 = arith.constant 2 : i32
      %mul3A_57 = arith.muli %mul3A_56, %scan3A_55 : i32
      %add3A_58 = arith.constant 0 : i32
      %add3A_59 = arith.addi %mul3A_57, %add3A_58 : i32
      %add3A_60 = arith.constant 1 : i32
      %add3A_61 = arith.addi %add3A_59, %add3A_60 : i32
      %mul3A_62 = arith.constant 80 : i32
      %mul3A_63 = arith.muli %add3A_61, %mul3A_62 : i32
      %dma_start3A_64 = arith.constant 1 : i32
      %dma_start3A_65 = arith.constant 0 : i32
      %dma_start3A_66 = arith.constant 0 : i32
      %dma_start3A_67 = tpu.memref_slice %arg8[%dma_start3A_64, %dma_start3A_65, %dma_start3A_66] : memref<2x80x64xi32, #tpu.memory_space<vmem>> -> memref<1x80x64xi32, #tpu.memory_space<vmem>>
      %dma_start3A_68 = tpu.memref_squeeze %dma_start3A_67 : memref<1x80x64xi32, #tpu.memory_space<vmem>> -> memref<80x64xi32, #tpu.memory_space<vmem>>
      %dma_start3A_69 = tpu.memref_slice %arg6[%mul3A_63] : memref<10000xi32, #tpu.memory_space<vmem>> -> memref<80xi32, #tpu.memory_space<vmem>>
      %dma_start3A_70 = arith.constant 0 : i32
      %dma_start3A_71 = arith.constant 0 : i32
      %dma_start3A_72 = tpu.memref_slice %arg2[%dma_start3A_70, %dma_start3A_71] : memref<10000x64xi32, #tpu.memory_space<hbm>> -> memref<10000x64xi32, #tpu.memory_space<hbm>>
      tpu.enqueue_indirect_dma source(%dma_start3A_72 : memref<10000x64xi32, #tpu.memory_space<hbm>>) target(%dma_start3A_68 : memref<80x64xi32, #tpu.memory_space<vmem>>) offsets(%dma_start3A_69 : memref<80xi32, #tpu.memory_space<vmem>>) semaphore(%arg13 : memref<!tpu.dma_semaphore, #tpu.memory_space<semaphore_mem>>)
      %mul3A_73 = arith.constant 80 : i32
      %mul3A_74 = arith.muli %add3A_61, %mul3A_73 : i32
      %dma_start3A_75 = arith.constant 1 : i32
      %dma_start3A_76 = arith.constant 0 : i32
      %dma_start3A_77 = arith.constant 0 : i32
      %dma_start3A_78 = tpu.memref_slice %arg9[%dma_start3A_75, %dma_start3A_76, %dma_start3A_77] : memref<2x80x64xi32, #tpu.memory_space<vmem>> -> memref<1x80x64xi32, #tpu.memory_space<vmem>>
      %dma_start3A_79 = tpu.memref_squeeze %dma_start3A_78 : memref<1x80x64xi32, #tpu.memory_space<vmem>> -> memref<80x64xi32, #tpu.memory_space<vmem>>
      %dma_start3A_80 = tpu.memref_slice %arg7[%mul3A_74] : memref<10000xi32, #tpu.memory_space<vmem>> -> memref<80xi32, #tpu.memory_space<vmem>>
      %dma_start3A_81 = arith.constant 0 : i32
      %dma_start3A_82 = arith.constant 0 : i32
      %dma_start3A_83 = tpu.memref_slice %arg2[%dma_start3A_81, %dma_start3A_82] : memref<10000x64xi32, #tpu.memory_space<hbm>> -> memref<10000x64xi32, #tpu.memory_space<hbm>>
      tpu.enqueue_indirect_dma source(%dma_start3A_83 : memref<10000x64xi32, #tpu.memory_space<hbm>>) target(%dma_start3A_79 : memref<80x64xi32, #tpu.memory_space<vmem>>) offsets(%dma_start3A_80 : memref<80xi32, #tpu.memory_space<vmem>>) semaphore(%arg15 : memref<!tpu.dma_semaphore, #tpu.memory_space<semaphore_mem>>)
      %dma_wait3A_84 = arith.constant 0 : i32
      %dma_wait3A_85 = arith.constant 0 : i32
      %dma_wait3A_86 = arith.constant 0 : i32
      %dma_wait3A_87 = tpu.memref_slice %arg8[%dma_wait3A_84, %dma_wait3A_85, %dma_wait3A_86] : memref<2x80x64xi32, #tpu.memory_space<vmem>> -> memref<1x80x64xi32, #tpu.memory_space<vmem>>
      %dma_wait3A_88 = tpu.memref_squeeze %dma_wait3A_87 : memref<1x80x64xi32, #tpu.memory_space<vmem>> -> memref<80x64xi32, #tpu.memory_space<vmem>>
      %dma_wait3A_89 = arith.constant 0 : i32
      %dma_wait3A_90 = tpu.memref_slice %arg6[%dma_wait3A_89] : memref<10000xi32, #tpu.memory_space<vmem>> -> memref<80xi32, #tpu.memory_space<vmem>>
      %dma_wait3A_91 = arith.constant 0 : i32
      %dma_wait3A_92 = arith.constant 0 : i32
      %dma_wait3A_93 = tpu.memref_slice %arg2[%dma_wait3A_91, %dma_wait3A_92] : memref<10000x64xi32, #tpu.memory_space<hbm>> -> memref<10000x64xi32, #tpu.memory_space<hbm>>
      tpu.wait_indirect_dma semaphore(%arg12 : memref<!tpu.dma_semaphore, #tpu.memory_space<semaphore_mem>>) src(%dma_wait3A_93 : memref<10000x64xi32, #tpu.memory_space<hbm>>) dst(%dma_wait3A_88 : memref<80x64xi32, #tpu.memory_space<vmem>>)
      %dma_wait3A_94 = arith.constant 0 : i32
      %dma_wait3A_95 = arith.constant 0 : i32
      %dma_wait3A_96 = arith.constant 0 : i32
      %dma_wait3A_97 = tpu.memref_slice %arg9[%dma_wait3A_94, %dma_wait3A_95, %dma_wait3A_96] : memref<2x80x64xi32, #tpu.memory_space<vmem>> -> memref<1x80x64xi32, #tpu.memory_space<vmem>>
      %dma_wait3A_98 = tpu.memref_squeeze %dma_wait3A_97 : memref<1x80x64xi32, #tpu.memory_space<vmem>> -> memref<80x64xi32, #tpu.memory_space<vmem>>
      %dma_wait3A_99 = arith.constant 0 : i32
      %dma_wait3A_100 = tpu.memref_slice %arg7[%dma_wait3A_99] : memref<10000xi32, #tpu.memory_space<vmem>> -> memref<80xi32, #tpu.memory_space<vmem>>
      %dma_wait3A_101 = arith.constant 0 : i32
      %dma_wait3A_102 = arith.constant 0 : i32
      %dma_wait3A_103 = tpu.memref_slice %arg2[%dma_wait3A_101, %dma_wait3A_102] : memref<10000x64xi32, #tpu.memory_space<hbm>> -> memref<10000x64xi32, #tpu.memory_space<hbm>>
      tpu.wait_indirect_dma semaphore(%arg14 : memref<!tpu.dma_semaphore, #tpu.memory_space<semaphore_mem>>) src(%dma_wait3A_103 : memref<10000x64xi32, #tpu.memory_space<hbm>>) dst(%dma_wait3A_98 : memref<80x64xi32, #tpu.memory_space<vmem>>)
      %scan3A_104 = arith.constant 0 : i32
      %scan3A_105 = arith.constant 0 : i32
      %scan3A_106 = arith.constant 5 : i32
      %scan3A_107 = arith.addi %scan3A_105, %scan3A_106 : i32
      %scan3A_108 = arith.constant 1 : i32
      scf.for %scan3A_164 = %scan3A_105 to %scan3A_107 step %scan3A_108  : i32 {
        %mul3A_165 = arith.constant 16 : i32
        %mul3A_166 = arith.muli %scan3A_164, %mul3A_165 : i32
        %add3A_167 = arith.constant 0 : i32
        %add3A_168 = arith.addi %mul3A_166, %add3A_167 : i32
        %get3A = arith.constant 0 : i32
        %get3A_169 = arith.index_cast %get3A : i32 to index
        %get3A_170 = arith.index_cast %add3A_168 : i32 to index
        %get3A_171 = arith.constant 0 : index
        %get3A_172 = tpu.vector_load %arg8[%get3A_169, %get3A_170, %get3A_171] {strides = array<i32>} : memref<2x80x64xi32, #tpu.memory_space<vmem>>, vector<16xi32>,
        %add3A_173 = arith.constant 0 : i32
        %add3A_174 = arith.addi %mul3A_166, %add3A_173 : i32
        %get3A_175 = arith.constant 0 : i32
        %get3A_176 = arith.index_cast %get3A_175 : i32 to index
        %get3A_177 = arith.index_cast %add3A_174 : i32 to index
        %get3A_178 = arith.constant 0 : index
        %get3A_179 = tpu.vector_load %arg9[%get3A_176, %get3A_177, %get3A_178] {strides = array<i32>} : memref<2x80x64xi32, #tpu.memory_space<vmem>>, vector<16xi32>,
        %bitcast3A = vector.bitcast %get3A_172 : vector<16xi32> to vector<32xbf16>
        %bitcast3A_180 = vector.bitcast %get3A_179 : vector<16xi32> to vector<32xbf16>
        %mul3A_181 = arith.mulf %bitcast3A, %bitcast3A_180 : vector<32xbf16>
        %unpack3A = tpu.unpack_subelements %mul3A_181, 0 {pack_format = #tpu.pack_format<interleaved>} : vector<32xbf16> -> vector<16xf32>
        %unpack3A_182 = tpu.unpack_subelements %mul3A_181, 1 {pack_format = #tpu.pack_format<interleaved>} : vector<32xbf16> -> vector<16xf32>
        %add3A_183 = arith.addf %unpack3A, %unpack3A_182 : vector<16xf32>
        %add3A_184 = arith.constant 0 : i32
        %add3A_185 = arith.addi %mul3A_166, %add3A_184 : i32
        %get3A_186 = arith.constant 0 : i32
        %get3A_187 = arith.index_cast %get3A_186 : i32 to index
        %get3A_188 = arith.index_cast %add3A_185 : i32 to index
        %get3A_189 = arith.constant 16 : index
        %get3A_190 = tpu.vector_load %arg8[%get3A_187, %get3A_188, %get3A_189] {strides = array<i32>} : memref<2x80x64xi32, #tpu.memory_space<vmem>>, vector<16xi32>,
        %add3A_191 = arith.constant 0 : i32
        %add3A_192 = arith.addi %mul3A_166, %add3A_191 : i32
        %get3A_193 = arith.constant 0 : i32
        %get3A_194 = arith.index_cast %get3A_193 : i32 to index
        %get3A_195 = arith.index_cast %add3A_192 : i32 to index
        %get3A_196 = arith.constant 16 : index
        %get3A_197 = tpu.vector_load %arg9[%get3A_194, %get3A_195, %get3A_196] {strides = array<i32>} : memref<2x80x64xi32, #tpu.memory_space<vmem>>, vector<16xi32>,
        %bitcast3A_198 = vector.bitcast %get3A_190 : vector<16xi32> to vector<32xbf16>
        %bitcast3A_199 = vector.bitcast %get3A_197 : vector<16xi32> to vector<32xbf16>
        %mul3A_200 = arith.mulf %bitcast3A_198, %bitcast3A_199 : vector<32xbf16>
        %unpack3A_201 = tpu.unpack_subelements %mul3A_200, 0 {pack_format = #tpu.pack_format<interleaved>} : vector<32xbf16> -> vector<16xf32>
        %unpack3A_202 = tpu.unpack_subelements %mul3A_200, 1 {pack_format = #tpu.pack_format<interleaved>} : vector<32xbf16> -> vector<16xf32>
        %add3A_203 = arith.addf %unpack3A_201, %unpack3A_202 : vector<16xf32>
        %add3A_204 = arith.constant 0 : i32
        %add3A_205 = arith.addi %mul3A_166, %add3A_204 : i32
        %get3A_206 = arith.constant 0 : i32
        %get3A_207 = arith.index_cast %get3A_206 : i32 to index
        %get3A_208 = arith.index_cast %add3A_205 : i32 to index
        %get3A_209 = arith.constant 32 : index
        %get3A_210 = tpu.vector_load %arg8[%get3A_207, %get3A_208, %get3A_209] {strides = array<i32>} : memref<2x80x64xi32, #tpu.memory_space<vmem>>, vector<16xi32>,
        %add3A_211 = arith.constant 0 : i32
        %add3A_212 = arith.addi %mul3A_166, %add3A_211 : i32
        %get3A_213 = arith.constant 0 : i32
        %get3A_214 = arith.index_cast %get3A_213 : i32 to index
        %get3A_215 = arith.index_cast %add3A_212 : i32 to index
        %get3A_216 = arith.constant 32 : index
        %get3A_217 = tpu.vector_load %arg9[%get3A_214, %get3A_215, %get3A_216] {strides = array<i32>} : memref<2x80x64xi32, #tpu.memory_space<vmem>>, vector<16xi32>,
        %bitcast3A_218 = vector.bitcast %get3A_210 : vector<16xi32> to vector<32xbf16>
        %bitcast3A_219 = vector.bitcast %get3A_217 : vector<16xi32> to vector<32xbf16>
        %mul3A_220 = arith.mulf %bitcast3A_218, %bitcast3A_219 : vector<32xbf16>
        %unpack3A_221 = tpu.unpack_subelements %mul3A_220, 0 {pack_format = #tpu.pack_format<interleaved>} : vector<32xbf16> -> vector<16xf32>
        %unpack3A_222 = tpu.unpack_subelements %mul3A_220, 1 {pack_format = #tpu.pack_format<interleaved>} : vector<32xbf16> -> vector<16xf32>
        %add3A_223 = arith.addf %unpack3A_221, %unpack3A_222 : vector<16xf32>
        %add3A_224 = arith.constant 0 : i32
        %add3A_225 = arith.addi %mul3A_166, %add3A_224 : i32
        %get3A_226 = arith.constant 0 : i32
        %get3A_227 = arith.index_cast %get3A_226 : i32 to index
        %get3A_228 = arith.index_cast %add3A_225 : i32 to index
        %get3A_229 = arith.constant 48 : index
        %get3A_230 = tpu.vector_load %arg8[%get3A_227, %get3A_228, %get3A_229] {strides = array<i32>} : memref<2x80x64xi32, #tpu.memory_space<vmem>>, vector<16xi32>,
        %add3A_231 = arith.constant 0 : i32
        %add3A_232 = arith.addi %mul3A_166, %add3A_231 : i32
        %get3A_233 = arith.constant 0 : i32
        %get3A_234 = arith.index_cast %get3A_233 : i32 to index
        %get3A_235 = arith.index_cast %add3A_232 : i32 to index
        %get3A_236 = arith.constant 48 : index
        %get3A_237 = tpu.vector_load %arg9[%get3A_234, %get3A_235, %get3A_236] {strides = array<i32>} : memref<2x80x64xi32, #tpu.memory_space<vmem>>, vector<16xi32>,
        %bitcast3A_238 = vector.bitcast %get3A_230 : vector<16xi32> to vector<32xbf16>
        %bitcast3A_239 = vector.bitcast %get3A_237 : vector<16xi32> to vector<32xbf16>
        %mul3A_240 = arith.mulf %bitcast3A_238, %bitcast3A_239 : vector<32xbf16>
        %unpack3A_241 = tpu.unpack_subelements %mul3A_240, 0 {pack_format = #tpu.pack_format<interleaved>} : vector<32xbf16> -> vector<16xf32>
        %unpack3A_242 = tpu.unpack_subelements %mul3A_240, 1 {pack_format = #tpu.pack_format<interleaved>} : vector<32xbf16> -> vector<16xf32>
        %add3A_243 = arith.addf %unpack3A_241, %unpack3A_242 : vector<16xf32>
        %add3A_244 = arith.addf %add3A_183, %add3A_203 : vector<16xf32>
        %add3A_245 = arith.addf %add3A_223, %add3A_243 : vector<16xf32>
        %add3A_246 = arith.addf %add3A_244, %add3A_245 : vector<16xf32>
        %swap3A = arith.constant 0 : index
        %swap3A_247 = tpu.vector_load %arg10[%swap3A] {strides = array<i32>} : memref<256xf32, #tpu.memory_space<vmem>>, vector<16xf32>,
        tpu.vector_store %arg10[%swap3A], %add3A_246 {strides = array<i32>} : memref<256xf32, #tpu.memory_space<vmem>>, vector<16xf32>,
        %add3A_248 = arith.constant 1 : i32
        %add3A_249 = arith.addi %mul3A_166, %add3A_248 : i32
        %get3A_250 = arith.constant 0 : i32
        %get3A_251 = arith.index_cast %get3A_250 : i32 to index
        %get3A_252 = arith.index_cast %add3A_249 : i32 to index
        %get3A_253 = arith.constant 0 : index
        %get3A_254 = tpu.vector_load %arg8[%get3A_251, %get3A_252, %get3A_253] {strides = array<i32>} : memref<2x80x64xi32, #tpu.memory_space<vmem>>, vector<16xi32>,
        %add3A_255 = arith.constant 1 : i32
        %add3A_256 = arith.addi %mul3A_166, %add3A_255 : i32
        %get3A_257 = arith.constant 0 : i32
        %get3A_258 = arith.index_cast %get3A_257 : i32 to index
        %get3A_259 = arith.index_cast %add3A_256 : i32 to index
        %get3A_260 = arith.constant 0 : index
        %get3A_261 = tpu.vector_load %arg9[%get3A_258, %get3A_259, %get3A_260] {strides = array<i32>} : memref<2x80x64xi32, #tpu.memory_space<vmem>>, vector<16xi32>,
        %bitcast3A_262 = vector.bitcast %get3A_254 : vector<16xi32> to vector<32xbf16>
        %bitcast3A_263 = vector.bitcast %get3A_261 : vector<16xi32> to vector<32xbf16>
        %mul3A_264 = arith.mulf %bitcast3A_262, %bitcast3A_263 : vector<32xbf16>
        %unpack3A_265 = tpu.unpack_subelements %mul3A_264, 0 {pack_format = #tpu.pack_format<interleaved>} : vector<32xbf16> -> vector<16xf32>
        %unpack3A_266 = tpu.unpack_subelements %mul3A_264, 1 {pack_format = #tpu.pack_format<interleaved>} : vector<32xbf16> -> vector<16xf32>
        %add3A_267 = arith.addf %unpack3A_265, %unpack3A_266 : vector<16xf32>
        %add3A_268 = arith.constant 1 : i32
        %add3A_269 = arith.addi %mul3A_166, %add3A_268 : i32
        %get3A_270 = arith.constant 0 : i32
        %get3A_271 = arith.index_cast %get3A_270 : i32 to index
        %get3A_272 = arith.index_cast %add3A_269 : i32 to index
        %get3A_273 = arith.constant 16 : index
        %get3A_274 = tpu.vector_load %arg8[%get3A_271, %get3A_272, %get3A_273] {strides = array<i32>} : memref<2x80x64xi32, #tpu.memory_space<vmem>>, vector<16xi32>,
        %add3A_275 = arith.constant 1 : i32
        %add3A_276 = arith.addi %mul3A_166, %add3A_275 : i32
        %get3A_277 = arith.constant 0 : i32
        %get3A_278 = arith.index_cast %get3A_277 : i32 to index
        %get3A_279 = arith.index_cast %add3A_276 : i32 to index
        %get3A_280 = arith.constant 16 : index
        %get3A_281 = tpu.vector_load %arg9[%get3A_278, %get3A_279, %get3A_280] {strides = array<i32>} : memref<2x80x64xi32, #tpu.memory_space<vmem>>, vector<16xi32>,
        %bitcast3A_282 = vector.bitcast %get3A_274 : vector<16xi32> to vector<32xbf16>
        %bitcast3A_283 = vector.bitcast %get3A_281 : vector<16xi32> to vector<32xbf16>
        %mul3A_284 = arith.mulf %bitcast3A_282, %bitcast3A_283 : vector<32xbf16>
        %unpack3A_285 = tpu.unpack_subelements %mul3A_284, 0 {pack_format = #tpu.pack_format<interleaved>} : vector<32xbf16> -> vector<16xf32>
        %unpack3A_286 = tpu.unpack_subelements %mul3A_284, 1 {pack_format = #tpu.pack_format<interleaved>} : vector<32xbf16> -> vector<16xf32>
        %add3A_287 = arith.addf %unpack3A_285, %unpack3A_286 : vector<16xf32>
        %add3A_288 = arith.constant 1 : i32
        %add3A_289 = arith.addi %mul3A_166, %add3A_288 : i32
        %get3A_290 = arith.constant 0 : i32
        %get3A_291 = arith.index_cast %get3A_290 : i32 to index
        %get3A_292 = arith.index_cast %add3A_289 : i32 to index
        %get3A_293 = arith.constant 32 : index
        %get3A_294 = tpu.vector_load %arg8[%get3A_291, %get3A_292, %get3A_293] {strides = array<i32>} : memref<2x80x64xi32, #tpu.memory_space<vmem>>, vector<16xi32>,
        %add3A_295 = arith.constant 1 : i32
        %add3A_296 = arith.addi %mul3A_166, %add3A_295 : i32
        %get3A_297 = arith.constant 0 : i32
        %get3A_298 = arith.index_cast %get3A_297 : i32 to index
        %get3A_299 = arith.index_cast %add3A_296 : i32 to index
        %get3A_300 = arith.constant 32 : index
        %get3A_301 = tpu.vector_load %arg9[%get3A_298, %get3A_299, %get3A_300] {strides = array<i32>} : memref<2x80x64xi32, #tpu.memory_space<vmem>>, vector<16xi32>,
        %bitcast3A_302 = vector.bitcast %get3A_294 : vector<16xi32> to vector<32xbf16>
        %bitcast3A_303 = vector.bitcast %get3A_301 : vector<16xi32> to vector<32xbf16>
        %mul3A_304 = arith.mulf %bitcast3A_302, %bitcast3A_303 : vector<32xbf16>
        %unpack3A_305 = tpu.unpack_subelements %mul3A_304, 0 {pack_format = #tpu.pack_format<interleaved>} : vector<32xbf16> -> vector<16xf32>
        %unpack3A_306 = tpu.unpack_subelements %mul3A_304, 1 {pack_format = #tpu.pack_format<interleaved>} : vector<32xbf16> -> vector<16xf32>
        %add3A_307 = arith.addf %unpack3A_305, %unpack3A_306 : vector<16xf32>
        %add3A_308 = arith.constant 1 : i32
        %add3A_309 = arith.addi %mul3A_166, %add3A_308 : i32
        %get3A_310 = arith.constant 0 : i32
        %get3A_311 = arith.index_cast %get3A_310 : i32 to index
        %get3A_312 = arith.index_cast %add3A_309 : i32 to index
        %get3A_313 = arith.constant 48 : index
        %get3A_314 = tpu.vector_load %arg8[%get3A_311, %get3A_312, %get3A_313] {strides = array<i32>} : memref<2x80x64xi32, #tpu.memory_space<vmem>>, vector<16xi32>,
        %add3A_315 = arith.constant 1 : i32
        %add3A_316 = arith.addi %mul3A_166, %add3A_315 : i32
        %get3A_317 = arith.constant 0 : i32
        %get3A_318 = arith.index_cast %get3A_317 : i32 to index
        %get3A_319 = arith.index_cast %add3A_316 : i32 to index
        %get3A_320 = arith.constant 48 : index
        %get3A_321 = tpu.vector_load %arg9[%get3A_318, %get3A_319, %get3A_320] {strides = array<i32>} : memref<2x80x64xi32, #tpu.memory_space<vmem>>, vector<16xi32>,
        %bitcast3A_322 = vector.bitcast %get3A_314 : vector<16xi32> to vector<32xbf16>
        %bitcast3A_323 = vector.bitcast %get3A_321 : vector<16xi32> to vector<32xbf16>
        %mul3A_324 = arith.mulf %bitcast3A_322, %bitcast3A_323 : vector<32xbf16>
        %unpack3A_325 = tpu.unpack_subelements %mul3A_324, 0 {pack_format = #tpu.pack_format<interleaved>} : vector<32xbf16> -> vector<16xf32>
        %unpack3A_326 = tpu.unpack_subelements %mul3A_324, 1 {pack_format = #tpu.pack_format<interleaved>} : vector<32xbf16> -> vector<16xf32>
        %add3A_327 = arith.addf %unpack3A_325, %unpack3A_326 : vector<16xf32>
        %add3A_328 = arith.addf %add3A_267, %add3A_287 : vector<16xf32>
        %add3A_329 = arith.addf %add3A_307, %add3A_327 : vector<16xf32>
        %add3A_330 = arith.addf %add3A_328, %add3A_329 : vector<16xf32>
        %swap3A_331 = arith.constant 16 : index
        %swap3A_332 = tpu.vector_load %arg10[%swap3A_331] {strides = array<i32>} : memref<256xf32, #tpu.memory_space<vmem>>, vector<16xf32>,
        tpu.vector_store %arg10[%swap3A_331], %add3A_330 {strides = array<i32>} : memref<256xf32, #tpu.memory_space<vmem>>, vector<16xf32>,
        %add3A_333 = arith.constant 2 : i32
        %add3A_334 = arith.addi %mul3A_166, %add3A_333 : i32
        %get3A_335 = arith.constant 0 : i32
        %get3A_336 = arith.index_cast %get3A_335 : i32 to index
        %get3A_337 = arith.index_cast %add3A_334 : i32 to index
        %get3A_338 = arith.constant 0 : index
        %get3A_339 = tpu.vector_load %arg8[%get3A_336, %get3A_337, %get3A_338] {strides = array<i32>} : memref<2x80x64xi32, #tpu.memory_space<vmem>>, vector<16xi32>,
        %add3A_340 = arith.constant 2 : i32
        %add3A_341 = arith.addi %mul3A_166, %add3A_340 : i32
        %get3A_342 = arith.constant 0 : i32
        %get3A_343 = arith.index_cast %get3A_342 : i32 to index
        %get3A_344 = arith.index_cast %add3A_341 : i32 to index
        %get3A_345 = arith.constant 0 : index
        %get3A_346 = tpu.vector_load %arg9[%get3A_343, %get3A_344, %get3A_345] {strides = array<i32>} : memref<2x80x64xi32, #tpu.memory_space<vmem>>, vector<16xi32>,
        %bitcast3A_347 = vector.bitcast %get3A_339 : vector<16xi32> to vector<32xbf16>
        %bitcast3A_348 = vector.bitcast %get3A_346 : vector<16xi32> to vector<32xbf16>
        %mul3A_349 = arith.mulf %bitcast3A_347, %bitcast3A_348 : vector<32xbf16>
        %unpack3A_350 = tpu.unpack_subelements %mul3A_349, 0 {pack_format = #tpu.pack_format<interleaved>} : vector<32xbf16> -> vector<16xf32>
        %unpack3A_351 = tpu.unpack_subelements %mul3A_349, 1 {pack_format = #tpu.pack_format<interleaved>} : vector<32xbf16> -> vector<16xf32>
        %add3A_352 = arith.addf %unpack3A_350, %unpack3A_351 : vector<16xf32>
        %add3A_353 = arith.constant 2 : i32
        %add3A_354 = arith.addi %mul3A_166, %add3A_353 : i32
        %get3A_355 = arith.constant 0 : i32
        %get3A_356 = arith.index_cast %get3A_355 : i32 to index
        %get3A_357 = arith.index_cast %add3A_354 : i32 to index
        %get3A_358 = arith.constant 16 : index
        %get3A_359 = tpu.vector_load %arg8[%get3A_356, %get3A_357, %get3A_358] {strides = array<i32>} : memref<2x80x64xi32, #tpu.memory_space<vmem>>, vector<16xi32>,
        %add3A_360 = arith.constant 2 : i32
        %add3A_361 = arith.addi %mul3A_166, %add3A_360 : i32
        %get3A_362 = arith.constant 0 : i32
        %get3A_363 = arith.index_cast %get3A_362 : i32 to index
        %get3A_364 = arith.index_cast %add3A_361 : i32 to index
        %get3A_365 = arith.constant 16 : index
        %get3A_366 = tpu.vector_load %arg9[%get3A_363, %get3A_364, %get3A_365] {strides = array<i32>} : memref<2x80x64xi32, #tpu.memory_space<vmem>>, vector<16xi32>,
        %bitcast3A_367 = vector.bitcast %get3A_359 : vector<16xi32> to vector<32xbf16>
        %bitcast3A_368 = vector.bitcast %get3A_366 : vector<16xi32> to vector<32xbf16>
        %mul3A_369 = arith.mulf %bitcast3A_367, %bitcast3A_368 : vector<32xbf16>
        %unpack3A_370 = tpu.unpack_subelements %mul3A_369, 0 {pack_format = #tpu.pack_format<interleaved>} : vector<32xbf16> -> vector<16xf32>
        %unpack3A_371 = tpu.unpack_subelements %mul3A_369, 1 {pack_format = #tpu.pack_format<interleaved>} : vector<32xbf16> -> vector<16xf32>
        %add3A_372 = arith.addf %unpack3A_370, %unpack3A_371 : vector<16xf32>
        %add3A_373 = arith.constant 2 : i32
        %add3A_374 = arith.addi %mul3A_166, %add3A_373 : i32
        %get3A_375 = arith.constant 0 : i32
        %get3A_376 = arith.index_cast %get3A_375 : i32 to index
        %get3A_377 = arith.index_cast %add3A_374 : i32 to index
        %get3A_378 = arith.constant 32 : index
        %get3A_379 = tpu.vector_load %arg8[%get3A_376, %get3A_377, %get3A_378] {strides = array<i32>} : memref<2x80x64xi32, #tpu.memory_space<vmem>>, vector<16xi32>,
        %add3A_380 = arith.constant 2 : i32
        %add3A_381 = arith.addi %mul3A_166, %add3A_380 : i32
        %get3A_382 = arith.constant 0 : i32
        %get3A_383 = arith.index_cast %get3A_382 : i32 to index
        %get3A_384 = arith.index_cast %add3A_381 : i32 to index
        %get3A_385 = arith.constant 32 : index
        %get3A_386 = tpu.vector_load %arg9[%get3A_383, %get3A_384, %get3A_385] {strides = array<i32>} : memref<2x80x64xi32, #tpu.memory_space<vmem>>, vector<16xi32>,
        %bitcast3A_387 = vector.bitcast %get3A_379 : vector<16xi32> to vector<32xbf16>
        %bitcast3A_388 = vector.bitcast %get3A_386 : vector<16xi32> to vector<32xbf16>
        %mul3A_389 = arith.mulf %bitcast3A_387, %bitcast3A_388 : vector<32xbf16>
        %unpack3A_390 = tpu.unpack_subelements %mul3A_389, 0 {pack_format = #tpu.pack_format<interleaved>} : vector<32xbf16> -> vector<16xf32>
        %unpack3A_391 = tpu.unpack_subelements %mul3A_389, 1 {pack_format = #tpu.pack_format<interleaved>} : vector<32xbf16> -> vector<16xf32>
        %add3A_392 = arith.addf %unpack3A_390, %unpack3A_391 : vector<16xf32>
        %add3A_393 = arith.constant 2 : i32
        %add3A_394 = arith.addi %mul3A_166, %add3A_393 : i32
        %get3A_395 = arith.constant 0 : i32
        %get3A_396 = arith.index_cast %get3A_395 : i32 to index
        %get3A_397 = arith.index_cast %add3A_394 : i32 to index
        %get3A_398 = arith.constant 48 : index
        %get3A_399 = tpu.vector_load %arg8[%get3A_396, %get3A_397, %get3A_398] {strides = array<i32>} : memref<2x80x64xi32, #tpu.memory_space<vmem>>, vector<16xi32>,
        %add3A_400 = arith.constant 2 : i32
        %add3A_401 = arith.addi %mul3A_166, %add3A_400 : i32
        %get3A_402 = arith.constant 0 : i32
        %get3A_403 = arith.index_cast %get3A_402 : i32 to index
        %get3A_404 = arith.index_cast %add3A_401 : i32 to index
        %get3A_405 = arith.constant 48 : index
        %get3A_406 = tpu.vector_load %arg9[%get3A_403, %get3A_404, %get3A_405] {strides = array<i32>} : memref<2x80x64xi32, #tpu.memory_space<vmem>>, vector<16xi32>,
        %bitcast3A_407 = vector.bitcast %get3A_399 : vector<16xi32> to vector<32xbf16>
        %bitcast3A_408 = vector.bitcast %get3A_406 : vector<16xi32> to vector<32xbf16>
        %mul3A_409 = arith.mulf %bitcast3A_407, %bitcast3A_408 : vector<32xbf16>
        %unpack3A_410 = tpu.unpack_subelements %mul3A_409, 0 {pack_format = #tpu.pack_format<interleaved>} : vector<32xbf16> -> vector<16xf32>
        %unpack3A_411 = tpu.unpack_subelements %mul3A_409, 1 {pack_format = #tpu.pack_format<interleaved>} : vector<32xbf16> -> vector<16xf32>
        %add3A_412 = arith.addf %unpack3A_410, %unpack3A_411 : vector<16xf32>
        %add3A_413 = arith.addf %add3A_352, %add3A_372 : vector<16xf32>
        %add3A_414 = arith.addf %add3A_392, %add3A_412 : vector<16xf32>
        %add3A_415 = arith.addf %add3A_413, %add3A_414 : vector<16xf32>
        %swap3A_416 = arith.constant 32 : index
        %swap3A_417 = tpu.vector_load %arg10[%swap3A_416] {strides = array<i32>} : memref<256xf32, #tpu.memory_space<vmem>>, vector<16xf32>,
        tpu.vector_store %arg10[%swap3A_416], %add3A_415 {strides = array<i32>} : memref<256xf32, #tpu.memory_space<vmem>>, vector<16xf32>,
        %add3A_418 = arith.constant 3 : i32
        %add3A_419 = arith.addi %mul3A_166, %add3A_418 : i32
        %get3A_420 = arith.constant 0 : i32
        %get3A_421 = arith.index_cast %get3A_420 : i32 to index
        %get3A_422 = arith.index_cast %add3A_419 : i32 to index
        %get3A_423 = arith.constant 0 : index
        %get3A_424 = tpu.vector_load %arg8[%get3A_421, %get3A_422, %get3A_423] {strides = array<i32>} : memref<2x80x64xi32, #tpu.memory_space<vmem>>, vector<16xi32>,
        %add3A_425 = arith.constant 3 : i32
        %add3A_426 = arith.addi %mul3A_166, %add3A_425 : i32
        %get3A_427 = arith.constant 0 : i32
        %get3A_428 = arith.index_cast %get3A_427 : i32 to index
        %get3A_429 = arith.index_cast %add3A_426 : i32 to index
        %get3A_430 = arith.constant 0 : index
        %get3A_431 = tpu.vector_load %arg9[%get3A_428, %get3A_429, %get3A_430] {strides = array<i32>} : memref<2x80x64xi32, #tpu.memory_space<vmem>>, vector<16xi32>,
        %bitcast3A_432 = vector.bitcast %get3A_424 : vector<16xi32> to vector<32xbf16>
        %bitcast3A_433 = vector.bitcast %get3A_431 : vector<16xi32> to vector<32xbf16>
        %mul3A_434 = arith.mulf %bitcast3A_432, %bitcast3A_433 : vector<32xbf16>
        %unpack3A_435 = tpu.unpack_subelements %mul3A_434, 0 {pack_format = #tpu.pack_format<interleaved>} : vector<32xbf16> -> vector<16xf32>
        %unpack3A_436 = tpu.unpack_subelements %mul3A_434, 1 {pack_format = #tpu.pack_format<interleaved>} : vector<32xbf16> -> vector<16xf32>
        %add3A_437 = arith.addf %unpack3A_435, %unpack3A_436 : vector<16xf32>
        %add3A_438 = arith.constant 3 : i32
        %add3A_439 = arith.addi %mul3A_166, %add3A_438 : i32
        %get3A_440 = arith.constant 0 : i32
        %get3A_441 = arith.index_cast %get3A_440 : i32 to index
        %get3A_442 = arith.index_cast %add3A_439 : i32 to index
        %get3A_443 = arith.constant 16 : index
        %get3A_444 = tpu.vector_load %arg8[%get3A_441, %get3A_442, %get3A_443] {strides = array<i32>} : memref<2x80x64xi32, #tpu.memory_space<vmem>>, vector<16xi32>,
        %add3A_445 = arith.constant 3 : i32
        %add3A_446 = arith.addi %mul3A_166, %add3A_445 : i32
        %get3A_447 = arith.constant 0 : i32
        %get3A_448 = arith.index_cast %get3A_447 : i32 to index
        %get3A_449 = arith.index_cast %add3A_446 : i32 to index
        %get3A_450 = arith.constant 16 : index
        %get3A_451 = tpu.vector_load %arg9[%get3A_448, %get3A_449, %get3A_450] {strides = array<i32>} : memref<2x80x64xi32, #tpu.memory_space<vmem>>, vector<16xi32>,
        %bitcast3A_452 = vector.bitcast %get3A_444 : vector<16xi32> to vector<32xbf16>
        %bitcast3A_453 = vector.bitcast %get3A_451 : vector<16xi32> to vector<32xbf16>
        %mul3A_454 = arith.mulf %bitcast3A_452, %bitcast3A_453 : vector<32xbf16>
        %unpack3A_455 = tpu.unpack_subelements %mul3A_454, 0 {pack_format = #tpu.pack_format<interleaved>} : vector<32xbf16> -> vector<16xf32>
        %unpack3A_456 = tpu.unpack_subelements %mul3A_454, 1 {pack_format = #tpu.pack_format<interleaved>} : vector<32xbf16> -> vector<16xf32>
        %add3A_457 = arith.addf %unpack3A_455, %unpack3A_456 : vector<16xf32>
        %add3A_458 = arith.constant 3 : i32
        %add3A_459 = arith.addi %mul3A_166, %add3A_458 : i32
        %get3A_460 = arith.constant 0 : i32
        %get3A_461 = arith.index_cast %get3A_460 : i32 to index
        %get3A_462 = arith.index_cast %add3A_459 : i32 to index
        %get3A_463 = arith.constant 32 : index
        %get3A_464 = tpu.vector_load %arg8[%get3A_461, %get3A_462, %get3A_463] {strides = array<i32>} : memref<2x80x64xi32, #tpu.memory_space<vmem>>, vector<16xi32>,
        %add3A_465 = arith.constant 3 : i32
        %add3A_466 = arith.addi %mul3A_166, %add3A_465 : i32
        %get3A_467 = arith.constant 0 : i32
        %get3A_468 = arith.index_cast %get3A_467 : i32 to index
        %get3A_469 = arith.index_cast %add3A_466 : i32 to index
        %get3A_470 = arith.constant 32 : index
        %get3A_471 = tpu.vector_load %arg9[%get3A_468, %get3A_469, %get3A_470] {strides = array<i32>} : memref<2x80x64xi32, #tpu.memory_space<vmem>>, vector<16xi32>,
        %bitcast3A_472 = vector.bitcast %get3A_464 : vector<16xi32> to vector<32xbf16>
        %bitcast3A_473 = vector.bitcast %get3A_471 : vector<16xi32> to vector<32xbf16>
        %mul3A_474 = arith.mulf %bitcast3A_472, %bitcast3A_473 : vector<32xbf16>
        %unpack3A_475 = tpu.unpack_subelements %mul3A_474, 0 {pack_format = #tpu.pack_format<interleaved>} : vector<32xbf16> -> vector<16xf32>
        %unpack3A_476 = tpu.unpack_subelements %mul3A_474, 1 {pack_format = #tpu.pack_format<interleaved>} : vector<32xbf16> -> vector<16xf32>
        %add3A_477 = arith.addf %unpack3A_475, %unpack3A_476 : vector<16xf32>
        %add3A_478 = arith.constant 3 : i32
        %add3A_479 = arith.addi %mul3A_166, %add3A_478 : i32
        %get3A_480 = arith.constant 0 : i32
        %get3A_481 = arith.index_cast %get3A_480 : i32 to index
        %get3A_482 = arith.index_cast %add3A_479 : i32 to index
        %get3A_483 = arith.constant 48 : index
        %get3A_484 = tpu.vector_load %arg8[%get3A_481, %get3A_482, %get3A_483] {strides = array<i32>} : memref<2x80x64xi32, #tpu.memory_space<vmem>>, vector<16xi32>,
        %add3A_485 = arith.constant 3 : i32
        %add3A_486 = arith.addi %mul3A_166, %add3A_485 : i32
        %get3A_487 = arith.constant 0 : i32
        %get3A_488 = arith.index_cast %get3A_487 : i32 to index
        %get3A_489 = arith.index_cast %add3A_486 : i32 to index
        %get3A_490 = arith.constant 48 : index
        %get3A_491 = tpu.vector_load %arg9[%get3A_488, %get3A_489, %get3A_490] {strides = array<i32>} : memref<2x80x64xi32, #tpu.memory_space<vmem>>, vector<16xi32>,
        %bitcast3A_492 = vector.bitcast %get3A_484 : vector<16xi32> to vector<32xbf16>
        %bitcast3A_493 = vector.bitcast %get3A_491 : vector<16xi32> to vector<32xbf16>
        %mul3A_494 = arith.mulf %bitcast3A_492, %bitcast3A_493 : vector<32xbf16>
        %unpack3A_495 = tpu.unpack_subelements %mul3A_494, 0 {pack_format = #tpu.pack_format<interleaved>} : vector<32xbf16> -> vector<16xf32>
        %unpack3A_496 = tpu.unpack_subelements %mul3A_494, 1 {pack_format = #tpu.pack_format<interleaved>} : vector<32xbf16> -> vector<16xf32>
        %add3A_497 = arith.addf %unpack3A_495, %unpack3A_496 : vector<16xf32>
        %add3A_498 = arith.addf %add3A_437, %add3A_457 : vector<16xf32>
        %add3A_499 = arith.addf %add3A_477, %add3A_497 : vector<16xf32>
        %add3A_500 = arith.addf %add3A_498, %add3A_499 : vector<16xf32>
        %swap3A_501 = arith.constant 48 : index
        %swap3A_502 = tpu.vector_load %arg10[%swap3A_501] {strides = array<i32>} : memref<256xf32, #tpu.memory_space<vmem>>, vector<16xf32>,
        tpu.vector_store %arg10[%swap3A_501], %add3A_500 {strides = array<i32>} : memref<256xf32, #tpu.memory_space<vmem>>, vector<16xf32>,
        %add3A_503 = arith.constant 4 : i32
        %add3A_504 = arith.addi %mul3A_166, %add3A_503 : i32
        %get3A_505 = arith.constant 0 : i32
        %get3A_506 = arith.index_cast %get3A_505 : i32 to index
        %get3A_507 = arith.index_cast %add3A_504 : i32 to index
        %get3A_508 = arith.constant 0 : index
        %get3A_509 = tpu.vector_load %arg8[%get3A_506, %get3A_507, %get3A_508] {strides = array<i32>} : memref<2x80x64xi32, #tpu.memory_space<vmem>>, vector<16xi32>,
        %add3A_510 = arith.constant 4 : i32
        %add3A_511 = arith.addi %mul3A_166, %add3A_510 : i32
        %get3A_512 = arith.constant 0 : i32
        %get3A_513 = arith.index_cast %get3A_512 : i32 to index
        %get3A_514 = arith.index_cast %add3A_511 : i32 to index
        %get3A_515 = arith.constant 0 : index
        %get3A_516 = tpu.vector_load %arg9[%get3A_513, %get3A_514, %get3A_515] {strides = array<i32>} : memref<2x80x64xi32, #tpu.memory_space<vmem>>, vector<16xi32>,
        %bitcast3A_517 = vector.bitcast %get3A_509 : vector<16xi32> to vector<32xbf16>
        %bitcast3A_518 = vector.bitcast %get3A_516 : vector<16xi32> to vector<32xbf16>
        %mul3A_519 = arith.mulf %bitcast3A_517, %bitcast3A_518 : vector<32xbf16>
        %unpack3A_520 = tpu.unpack_subelements %mul3A_519, 0 {pack_format = #tpu.pack_format<interleaved>} : vector<32xbf16> -> vector<16xf32>
        %unpack3A_521 = tpu.unpack_subelements %mul3A_519, 1 {pack_format = #tpu.pack_format<interleaved>} : vector<32xbf16> -> vector<16xf32>
        %add3A_522 = arith.addf %unpack3A_520, %unpack3A_521 : vector<16xf32>
        %add3A_523 = arith.constant 4 : i32
        %add3A_524 = arith.addi %mul3A_166, %add3A_523 : i32
        %get3A_525 = arith.constant 0 : i32
        %get3A_526 = arith.index_cast %get3A_525 : i32 to index
        %get3A_527 = arith.index_cast %add3A_524 : i32 to index
        %get3A_528 = arith.constant 16 : index
        %get3A_529 = tpu.vector_load %arg8[%get3A_526, %get3A_527, %get3A_528] {strides = array<i32>} : memref<2x80x64xi32, #tpu.memory_space<vmem>>, vector<16xi32>,
        %add3A_530 = arith.constant 4 : i32
        %add3A_531 = arith.addi %mul3A_166, %add3A_530 : i32
        %get3A_532 = arith.constant 0 : i32
        %get3A_533 = arith.index_cast %get3A_532 : i32 to index
        %get3A_534 = arith.index_cast %add3A_531 : i32 to index
        %get3A_535 = arith.constant 16 : index
        %get3A_536 = tpu.vector_load %arg9[%get3A_533, %get3A_534, %get3A_535] {strides = array<i32>} : memref<2x80x64xi32, #tpu.memory_space<vmem>>, vector<16xi32>,
        %bitcast3A_537 = vector.bitcast %get3A_529 : vector<16xi32> to vector<32xbf16>
        %bitcast3A_538 = vector.bitcast %get3A_536 : vector<16xi32> to vector<32xbf16>
        %mul3A_539 = arith.mulf %bitcast3A_537, %bitcast3A_538 : vector<32xbf16>
        %unpack3A_540 = tpu.unpack_subelements %mul3A_539, 0 {pack_format = #tpu.pack_format<interleaved>} : vector<32xbf16> -> vector<16xf32>
        %unpack3A_541 = tpu.unpack_subelements %mul3A_539, 1 {pack_format = #tpu.pack_format<interleaved>} : vector<32xbf16> -> vector<16xf32>
        %add3A_542 = arith.addf %unpack3A_540, %unpack3A_541 : vector<16xf32>
        %add3A_543 = arith.constant 4 : i32
        %add3A_544 = arith.addi %mul3A_166, %add3A_543 : i32
        %get3A_545 = arith.constant 0 : i32
        %get3A_546 = arith.index_cast %get3A_545 : i32 to index
        %get3A_547 = arith.index_cast %add3A_544 : i32 to index
        %get3A_548 = arith.constant 32 : index
        %get3A_549 = tpu.vector_load %arg8[%get3A_546, %get3A_547, %get3A_548] {strides = array<i32>} : memref<2x80x64xi32, #tpu.memory_space<vmem>>, vector<16xi32>,
        %add3A_550 = arith.constant 4 : i32
        %add3A_551 = arith.addi %mul3A_166, %add3A_550 : i32
        %get3A_552 = arith.constant 0 : i32
        %get3A_553 = arith.index_cast %get3A_552 : i32 to index
        %get3A_554 = arith.index_cast %add3A_551 : i32 to index
        %get3A_555 = arith.constant 32 : index
        %get3A_556 = tpu.vector_load %arg9[%get3A_553, %get3A_554, %get3A_555] {strides = array<i32>} : memref<2x80x64xi32, #tpu.memory_space<vmem>>, vector<16xi32>,
        %bitcast3A_557 = vector.bitcast %get3A_549 : vector<16xi32> to vector<32xbf16>
        %bitcast3A_558 = vector.bitcast %get3A_556 : vector<16xi32> to vector<32xbf16>
        %mul3A_559 = arith.mulf %bitcast3A_557, %bitcast3A_558 : vector<32xbf16>
        %unpack3A_560 = tpu.unpack_subelements %mul3A_559, 0 {pack_format = #tpu.pack_format<interleaved>} : vector<32xbf16> -> vector<16xf32>
        %unpack3A_561 = tpu.unpack_subelements %mul3A_559, 1 {pack_format = #tpu.pack_format<interleaved>} : vector<32xbf16> -> vector<16xf32>
        %add3A_562 = arith.addf %unpack3A_560, %unpack3A_561 : vector<16xf32>
        %add3A_563 = arith.constant 4 : i32
        %add3A_564 = arith.addi %mul3A_166, %add3A_563 : i32
        %get3A_565 = arith.constant 0 : i32
        %get3A_566 = arith.index_cast %get3A_565 : i32 to index
        %get3A_567 = arith.index_cast %add3A_564 : i32 to index
        %get3A_568 = arith.constant 48 : index
        %get3A_569 = tpu.vector_load %arg8[%get3A_566, %get3A_567, %get3A_568] {strides = array<i32>} : memref<2x80x64xi32, #tpu.memory_space<vmem>>, vector<16xi32>,
        %add3A_570 = arith.constant 4 : i32
        %add3A_571 = arith.addi %mul3A_166, %add3A_570 : i32
        %get3A_572 = arith.constant 0 : i32
        %get3A_573 = arith.index_cast %get3A_572 : i32 to index
        %get3A_574 = arith.index_cast %add3A_571 : i32 to index
        %get3A_575 = arith.constant 48 : index
        %get3A_576 = tpu.vector_load %arg9[%get3A_573, %get3A_574, %get3A_575] {strides = array<i32>} : memref<2x80x64xi32, #tpu.memory_space<vmem>>, vector<16xi32>,
        %bitcast3A_577 = vector.bitcast %get3A_569 : vector<16xi32> to vector<32xbf16>
        %bitcast3A_578 = vector.bitcast %get3A_576 : vector<16xi32> to vector<32xbf16>
        %mul3A_579 = arith.mulf %bitcast3A_577, %bitcast3A_578 : vector<32xbf16>
        %unpack3A_580 = tpu.unpack_subelements %mul3A_579, 0 {pack_format = #tpu.pack_format<interleaved>} : vector<32xbf16> -> vector<16xf32>
        %unpack3A_581 = tpu.unpack_subelements %mul3A_579, 1 {pack_format = #tpu.pack_format<interleaved>} : vector<32xbf16> -> vector<16xf32>
        %add3A_582 = arith.addf %unpack3A_580, %unpack3A_581 : vector<16xf32>
        %add3A_583 = arith.addf %add3A_522, %add3A_542 : vector<16xf32>
        %add3A_584 = arith.addf %add3A_562, %add3A_582 : vector<16xf32>
        %add3A_585 = arith.addf %add3A_583, %add3A_584 : vector<16xf32>
        %swap3A_586 = arith.constant 64 : index
        %swap3A_587 = tpu.vector_load %arg10[%swap3A_586] {strides = array<i32>} : memref<256xf32, #tpu.memory_space<vmem>>, vector<16xf32>,
        tpu.vector_store %arg10[%swap3A_586], %add3A_585 {strides = array<i32>} : memref<256xf32, #tpu.memory_space<vmem>>, vector<16xf32>,
        %add3A_588 = arith.constant 5 : i32
        %add3A_589 = arith.addi %mul3A_166, %add3A_588 : i32
        %get3A_590 = arith.constant 0 : i32
        %get3A_591 = arith.index_cast %get3A_590 : i32 to index
        %get3A_592 = arith.index_cast %add3A_589 : i32 to index
        %get3A_593 = arith.constant 0 : index
        %get3A_594 = tpu.vector_load %arg8[%get3A_591, %get3A_592, %get3A_593] {strides = array<i32>} : memref<2x80x64xi32, #tpu.memory_space<vmem>>, vector<16xi32>,
        %add3A_595 = arith.constant 5 : i32
        %add3A_596 = arith.addi %mul3A_166, %add3A_595 : i32
        %get3A_597 = arith.constant 0 : i32
        %get3A_598 = arith.index_cast %get3A_597 : i32 to index
        %get3A_599 = arith.index_cast %add3A_596 : i32 to index
        %get3A_600 = arith.constant 0 : index
        %get3A_601 = tpu.vector_load %arg9[%get3A_598, %get3A_599, %get3A_600] {strides = array<i32>} : memref<2x80x64xi32, #tpu.memory_space<vmem>>, vector<16xi32>,
        %bitcast3A_602 = vector.bitcast %get3A_594 : vector<16xi32> to vector<32xbf16>
        %bitcast3A_603 = vector.bitcast %get3A_601 : vector<16xi32> to vector<32xbf16>
        %mul3A_604 = arith.mulf %bitcast3A_602, %bitcast3A_603 : vector<32xbf16>
        %unpack3A_605 = tpu.unpack_subelements %mul3A_604, 0 {pack_format = #tpu.pack_format<interleaved>} : vector<32xbf16> -> vector<16xf32>
        %unpack3A_606 = tpu.unpack_subelements %mul3A_604, 1 {pack_format = #tpu.pack_format<interleaved>} : vector<32xbf16> -> vector<16xf32>
        %add3A_607 = arith.addf %unpack3A_605, %unpack3A_606 : vector<16xf32>
        %add3A_608 = arith.constant 5 : i32
        %add3A_609 = arith.addi %mul3A_166, %add3A_608 : i32
        %get3A_610 = arith.constant 0 : i32
        %get3A_611 = arith.index_cast %get3A_610 : i32 to index
        %get3A_612 = arith.index_cast %add3A_609 : i32 to index
        %get3A_613 = arith.constant 16 : index
        %get3A_614 = tpu.vector_load %arg8[%get3A_611, %get3A_612, %get3A_613] {strides = array<i32>} : memref<2x80x64xi32, #tpu.memory_space<vmem>>, vector<16xi32>,
        %add3A_615 = arith.constant 5 : i32
        %add3A_616 = arith.addi %mul3A_166, %add3A_615 : i32
        %get3A_617 = arith.constant 0 : i32
        %get3A_618 = arith.index_cast %get3A_617 : i32 to index
        %get3A_619 = arith.index_cast %add3A_616 : i32 to index
        %get3A_620 = arith.constant 16 : index
        %get3A_621 = tpu.vector_load %arg9[%get3A_618, %get3A_619, %get3A_620] {strides = array<i32>} : memref<2x80x64xi32, #tpu.memory_space<vmem>>, vector<16xi32>,
        %bitcast3A_622 = vector.bitcast %get3A_614 : vector<16xi32> to vector<32xbf16>
        %bitcast3A_623 = vector.bitcast %get3A_621 : vector<16xi32> to vector<32xbf16>
        %mul3A_624 = arith.mulf %bitcast3A_622, %bitcast3A_623 : vector<32xbf16>
        %unpack3A_625 = tpu.unpack_subelements %mul3A_624, 0 {pack_format = #tpu.pack_format<interleaved>} : vector<32xbf16> -> vector<16xf32>
        %unpack3A_626 = tpu.unpack_subelements %mul3A_624, 1 {pack_format = #tpu.pack_format<interleaved>} : vector<32xbf16> -> vector<16xf32>
        %add3A_627 = arith.addf %unpack3A_625, %unpack3A_626 : vector<16xf32>
        %add3A_628 = arith.constant 5 : i32
        %add3A_629 = arith.addi %mul3A_166, %add3A_628 : i32
        %get3A_630 = arith.constant 0 : i32
        %get3A_631 = arith.index_cast %get3A_630 : i32 to index
        %get3A_632 = arith.index_cast %add3A_629 : i32 to index
        %get3A_633 = arith.constant 32 : index
        %get3A_634 = tpu.vector_load %arg8[%get3A_631, %get3A_632, %get3A_633] {strides = array<i32>} : memref<2x80x64xi32, #tpu.memory_space<vmem>>, vector<16xi32>,
        %add3A_635 = arith.constant 5 : i32
        %add3A_636 = arith.addi %mul3A_166, %add3A_635 : i32
        %get3A_637 = arith.constant 0 : i32
        %get3A_638 = arith.index_cast %get3A_637 : i32 to index
        %get3A_639 = arith.index_cast %add3A_636 : i32 to index
        %get3A_640 = arith.constant 32 : index
        %get3A_641 = tpu.vector_load %arg9[%get3A_638, %get3A_639, %get3A_640] {strides = array<i32>} : memref<2x80x64xi32, #tpu.memory_space<vmem>>, vector<16xi32>,
        %bitcast3A_642 = vector.bitcast %get3A_634 : vector<16xi32> to vector<32xbf16>
        %bitcast3A_643 = vector.bitcast %get3A_641 : vector<16xi32> to vector<32xbf16>
        %mul3A_644 = arith.mulf %bitcast3A_642, %bitcast3A_643 : vector<32xbf16>
        %unpack3A_645 = tpu.unpack_subelements %mul3A_644, 0 {pack_format = #tpu.pack_format<interleaved>} : vector<32xbf16> -> vector<16xf32>
        %unpack3A_646 = tpu.unpack_subelements %mul3A_644, 1 {pack_format = #tpu.pack_format<interleaved>} : vector<32xbf16> -> vector<16xf32>
        %add3A_647 = arith.addf %unpack3A_645, %unpack3A_646 : vector<16xf32>
        %add3A_648 = arith.constant 5 : i32
        %add3A_649 = arith.addi %mul3A_166, %add3A_648 : i32
        %get3A_650 = arith.constant 0 : i32
        %get3A_651 = arith.index_cast %get3A_650 : i32 to index
        %get3A_652 = arith.index_cast %add3A_649 : i32 to index
        %get3A_653 = arith.constant 48 : index
        %get3A_654 = tpu.vector_load %arg8[%get3A_651, %get3A_652, %get3A_653] {strides = array<i32>} : memref<2x80x64xi32, #tpu.memory_space<vmem>>, vector<16xi32>,
        %add3A_655 = arith.constant 5 : i32
        %add3A_656 = arith.addi %mul3A_166, %add3A_655 : i32
        %get3A_657 = arith.constant 0 : i32
        %get3A_658 = arith.index_cast %get3A_657 : i32 to index
        %get3A_659 = arith.index_cast %add3A_656 : i32 to index
        %get3A_660 = arith.constant 48 : index
        %get3A_661 = tpu.vector_load %arg9[%get3A_658, %get3A_659, %get3A_660] {strides = array<i32>} : memref<2x80x64xi32, #tpu.memory_space<vmem>>, vector<16xi32>,
        %bitcast3A_662 = vector.bitcast %get3A_654 : vector<16xi32> to vector<32xbf16>
        %bitcast3A_663 = vector.bitcast %get3A_661 : vector<16xi32> to vector<32xbf16>
        %mul3A_664 = arith.mulf %bitcast3A_662, %bitcast3A_663 : vector<32xbf16>
        %unpack3A_665 = tpu.unpack_subelements %mul3A_664, 0 {pack_format = #tpu.pack_format<interleaved>} : vector<32xbf16> -> vector<16xf32>
        %unpack3A_666 = tpu.unpack_subelements %mul3A_664, 1 {pack_format = #tpu.pack_format<interleaved>} : vector<32xbf16> -> vector<16xf32>
        %add3A_667 = arith.addf %unpack3A_665, %unpack3A_666 : vector<16xf32>
        %add3A_668 = arith.addf %add3A_607, %add3A_627 : vector<16xf32>
        %add3A_669 = arith.addf %add3A_647, %add3A_667 : vector<16xf32>
        %add3A_670 = arith.addf %add3A_668, %add3A_669 : vector<16xf32>
        %swap3A_671 = arith.constant 80 : index
        %swap3A_672 = tpu.vector_load %arg10[%swap3A_671] {strides = array<i32>} : memref<256xf32, #tpu.memory_space<vmem>>, vector<16xf32>,
        tpu.vector_store %arg10[%swap3A_671], %add3A_670 {strides = array<i32>} : memref<256xf32, #tpu.memory_space<vmem>>, vector<16xf32>,
        %add3A_673 = arith.constant 6 : i32
        %add3A_674 = arith.addi %mul3A_166, %add3A_673 : i32
        %get3A_675 = arith.constant 0 : i32
        %get3A_676 = arith.index_cast %get3A_675 : i32 to index
        %get3A_677 = arith.index_cast %add3A_674 : i32 to index
        %get3A_678 = arith.constant 0 : index
        %get3A_679 = tpu.vector_load %arg8[%get3A_676, %get3A_677, %get3A_678] {strides = array<i32>} : memref<2x80x64xi32, #tpu.memory_space<vmem>>, vector<16xi32>,
        %add3A_680 = arith.constant 6 : i32
        %add3A_681 = arith.addi %mul3A_166, %add3A_680 : i32
        %get3A_682 = arith.constant 0 : i32
        %get3A_683 = arith.index_cast %get3A_682 : i32 to index
        %get3A_684 = arith.index_cast %add3A_681 : i32 to index
        %get3A_685 = arith.constant 0 : index
        %get3A_686 = tpu.vector_load %arg9[%get3A_683, %get3A_684, %get3A_685] {strides = array<i32>} : memref<2x80x64xi32, #tpu.memory_space<vmem>>, vector<16xi32>,
        %bitcast3A_687 = vector.bitcast %get3A_679 : vector<16xi32> to vector<32xbf16>
        %bitcast3A_688 = vector.bitcast %get3A_686 : vector<16xi32> to vector<32xbf16>
        %mul3A_689 = arith.mulf %bitcast3A_687, %bitcast3A_688 : vector<32xbf16>
        %unpack3A_690 = tpu.unpack_subelements %mul3A_689, 0 {pack_format = #tpu.pack_format<interleaved>} : vector<32xbf16> -> vector<16xf32>
        %unpack3A_691 = tpu.unpack_subelements %mul3A_689, 1 {pack_format = #tpu.pack_format<interleaved>} : vector<32xbf16> -> vector<16xf32>
        %add3A_692 = arith.addf %unpack3A_690, %unpack3A_691 : vector<16xf32>
        %add3A_693 = arith.constant 6 : i32
        %add3A_694 = arith.addi %mul3A_166, %add3A_693 : i32
        %get3A_695 = arith.constant 0 : i32
        %get3A_696 = arith.index_cast %get3A_695 : i32 to index
        %get3A_697 = arith.index_cast %add3A_694 : i32 to index
        %get3A_698 = arith.constant 16 : index
        %get3A_699 = tpu.vector_load %arg8[%get3A_696, %get3A_697, %get3A_698] {strides = array<i32>} : memref<2x80x64xi32, #tpu.memory_space<vmem>>, vector<16xi32>,
        %add3A_700 = arith.constant 6 : i32
        %add3A_701 = arith.addi %mul3A_166, %add3A_700 : i32
        %get3A_702 = arith.constant 0 : i32
        %get3A_703 = arith.index_cast %get3A_702 : i32 to index
        %get3A_704 = arith.index_cast %add3A_701 : i32 to index
        %get3A_705 = arith.constant 16 : index
        %get3A_706 = tpu.vector_load %arg9[%get3A_703, %get3A_704, %get3A_705] {strides = array<i32>} : memref<2x80x64xi32, #tpu.memory_space<vmem>>, vector<16xi32>,
        %bitcast3A_707 = vector.bitcast %get3A_699 : vector<16xi32> to vector<32xbf16>
        %bitcast3A_708 = vector.bitcast %get3A_706 : vector<16xi32> to vector<32xbf16>
        %mul3A_709 = arith.mulf %bitcast3A_707, %bitcast3A_708 : vector<32xbf16>
        %unpack3A_710 = tpu.unpack_subelements %mul3A_709, 0 {pack_format = #tpu.pack_format<interleaved>} : vector<32xbf16> -> vector<16xf32>
        %unpack3A_711 = tpu.unpack_subelements %mul3A_709, 1 {pack_format = #tpu.pack_format<interleaved>} : vector<32xbf16> -> vector<16xf32>
        %add3A_712 = arith.addf %unpack3A_710, %unpack3A_711 : vector<16xf32>
        %add3A_713 = arith.constant 6 : i32
        %add3A_714 = arith.addi %mul3A_166, %add3A_713 : i32
        %get3A_715 = arith.constant 0 : i32
        %get3A_716 = arith.index_cast %get3A_715 : i32 to index
        %get3A_717 = arith.index_cast %add3A_714 : i32 to index
        %get3A_718 = arith.constant 32 : index
        %get3A_719 = tpu.vector_load %arg8[%get3A_716, %get3A_717, %get3A_718] {strides = array<i32>} : memref<2x80x64xi32, #tpu.memory_space<vmem>>, vector<16xi32>,
        %add3A_720 = arith.constant 6 : i32
        %add3A_721 = arith.addi %mul3A_166, %add3A_720 : i32
        %get3A_722 = arith.constant 0 : i32
        %get3A_723 = arith.index_cast %get3A_722 : i32 to index
        %get3A_724 = arith.index_cast %add3A_721 : i32 to index
        %get3A_725 = arith.constant 32 : index
        %get3A_726 = tpu.vector_load %arg9[%get3A_723, %get3A_724, %get3A_725] {strides = array<i32>} : memref<2x80x64xi32, #tpu.memory_space<vmem>>, vector<16xi32>,
        %bitcast3A_727 = vector.bitcast %get3A_719 : vector<16xi32> to vector<32xbf16>
        %bitcast3A_728 = vector.bitcast %get3A_726 : vector<16xi32> to vector<32xbf16>
        %mul3A_729 = arith.mulf %bitcast3A_727, %bitcast3A_728 : vector<32xbf16>
        %unpack3A_730 = tpu.unpack_subelements %mul3A_729, 0 {pack_format = #tpu.pack_format<interleaved>} : vector<32xbf16> -> vector<16xf32>
        %unpack3A_731 = tpu.unpack_subelements %mul3A_729, 1 {pack_format = #tpu.pack_format<interleaved>} : vector<32xbf16> -> vector<16xf32>
        %add3A_732 = arith.addf %unpack3A_730, %unpack3A_731 : vector<16xf32>
        %add3A_733 = arith.constant 6 : i32
        %add3A_734 = arith.addi %mul3A_166, %add3A_733 : i32
        %get3A_735 = arith.constant 0 : i32
        %get3A_736 = arith.index_cast %get3A_735 : i32 to index
        %get3A_737 = arith.index_cast %add3A_734 : i32 to index
        %get3A_738 = arith.constant 48 : index
        %get3A_739 = tpu.vector_load %arg8[%get3A_736, %get3A_737, %get3A_738] {strides = array<i32>} : memref<2x80x64xi32, #tpu.memory_space<vmem>>, vector<16xi32>,
        %add3A_740 = arith.constant 6 : i32
        %add3A_741 = arith.addi %mul3A_166, %add3A_740 : i32
        %get3A_742 = arith.constant 0 : i32
        %get3A_743 = arith.index_cast %get3A_742 : i32 to index
        %get3A_744 = arith.index_cast %add3A_741 : i32 to index
        %get3A_745 = arith.constant 48 : index
        %get3A_746 = tpu.vector_load %arg9[%get3A_743, %get3A_744, %get3A_745] {strides = array<i32>} : memref<2x80x64xi32, #tpu.memory_space<vmem>>, vector<16xi32>,
        %bitcast3A_747 = vector.bitcast %get3A_739 : vector<16xi32> to vector<32xbf16>
        %bitcast3A_748 = vector.bitcast %get3A_746 : vector<16xi32> to vector<32xbf16>
        %mul3A_749 = arith.mulf %bitcast3A_747, %bitcast3A_748 : vector<32xbf16>
        %unpack3A_750 = tpu.unpack_subelements %mul3A_749, 0 {pack_format = #tpu.pack_format<interleaved>} : vector<32xbf16> -> vector<16xf32>
        %unpack3A_751 = tpu.unpack_subelements %mul3A_749, 1 {pack_format = #tpu.pack_format<interleaved>} : vector<32xbf16> -> vector<16xf32>
        %add3A_752 = arith.addf %unpack3A_750, %unpack3A_751 : vector<16xf32>
        %add3A_753 = arith.addf %add3A_692, %add3A_712 : vector<16xf32>
        %add3A_754 = arith.addf %add3A_732, %add3A_752 : vector<16xf32>
        %add3A_755 = arith.addf %add3A_753, %add3A_754 : vector<16xf32>
        %swap3A_756 = arith.constant 96 : index
        %swap3A_757 = tpu.vector_load %arg10[%swap3A_756] {strides = array<i32>} : memref<256xf32, #tpu.memory_space<vmem>>, vector<16xf32>,
        tpu.vector_store %arg10[%swap3A_756], %add3A_755 {strides = array<i32>} : memref<256xf32, #tpu.memory_space<vmem>>, vector<16xf32>,
        %add3A_758 = arith.constant 7 : i32
        %add3A_759 = arith.addi %mul3A_166, %add3A_758 : i32
        %get3A_760 = arith.constant 0 : i32
        %get3A_761 = arith.index_cast %get3A_760 : i32 to index
        %get3A_762 = arith.index_cast %add3A_759 : i32 to index
        %get3A_763 = arith.constant 0 : index
        %get3A_764 = tpu.vector_load %arg8[%get3A_761, %get3A_762, %get3A_763] {strides = array<i32>} : memref<2x80x64xi32, #tpu.memory_space<vmem>>, vector<16xi32>,
        %add3A_765 = arith.constant 7 : i32
        %add3A_766 = arith.addi %mul3A_166, %add3A_765 : i32
        %get3A_767 = arith.constant 0 : i32
        %get3A_768 = arith.index_cast %get3A_767 : i32 to index
        %get3A_769 = arith.index_cast %add3A_766 : i32 to index
        %get3A_770 = arith.constant 0 : index
        %get3A_771 = tpu.vector_load %arg9[%get3A_768, %get3A_769, %get3A_770] {strides = array<i32>} : memref<2x80x64xi32, #tpu.memory_space<vmem>>, vector<16xi32>,
        %bitcast3A_772 = vector.bitcast %get3A_764 : vector<16xi32> to vector<32xbf16>
        %bitcast3A_773 = vector.bitcast %get3A_771 : vector<16xi32> to vector<32xbf16>
        %mul3A_774 = arith.mulf %bitcast3A_772, %bitcast3A_773 : vector<32xbf16>
        %unpack3A_775 = tpu.unpack_subelements %mul3A_774, 0 {pack_format = #tpu.pack_format<interleaved>} : vector<32xbf16> -> vector<16xf32>
        %unpack3A_776 = tpu.unpack_subelements %mul3A_774, 1 {pack_format = #tpu.pack_format<interleaved>} : vector<32xbf16> -> vector<16xf32>
        %add3A_777 = arith.addf %unpack3A_775, %unpack3A_776 : vector<16xf32>
        %add3A_778 = arith.constant 7 : i32
        %add3A_779 = arith.addi %mul3A_166, %add3A_778 : i32
        %get3A_780 = arith.constant 0 : i32
        %get3A_781 = arith.index_cast %get3A_780 : i32 to index
        %get3A_782 = arith.index_cast %add3A_779 : i32 to index
        %get3A_783 = arith.constant 16 : index
        %get3A_784 = tpu.vector_load %arg8[%get3A_781, %get3A_782, %get3A_783] {strides = array<i32>} : memref<2x80x64xi32, #tpu.memory_space<vmem>>, vector<16xi32>,
        %add3A_785 = arith.constant 7 : i32
        %add3A_786 = arith.addi %mul3A_166, %add3A_785 : i32
        %get3A_787 = arith.constant 0 : i32
        %get3A_788 = arith.index_cast %get3A_787 : i32 to index
        %get3A_789 = arith.index_cast %add3A_786 : i32 to index
        %get3A_790 = arith.constant 16 : index
        %get3A_791 = tpu.vector_load %arg9[%get3A_788, %get3A_789, %get3A_790] {strides = array<i32>} : memref<2x80x64xi32, #tpu.memory_space<vmem>>, vector<16xi32>,
        %bitcast3A_792 = vector.bitcast %get3A_784 : vector<16xi32> to vector<32xbf16>
        %bitcast3A_793 = vector.bitcast %get3A_791 : vector<16xi32> to vector<32xbf16>
        %mul3A_794 = arith.mulf %bitcast3A_792, %bitcast3A_793 : vector<32xbf16>
        %unpack3A_795 = tpu.unpack_subelements %mul3A_794, 0 {pack_format = #tpu.pack_format<interleaved>} : vector<32xbf16> -> vector<16xf32>
        %unpack3A_796 = tpu.unpack_subelements %mul3A_794, 1 {pack_format = #tpu.pack_format<interleaved>} : vector<32xbf16> -> vector<16xf32>
        %add3A_797 = arith.addf %unpack3A_795, %unpack3A_796 : vector<16xf32>
        %add3A_798 = arith.constant 7 : i32
        %add3A_799 = arith.addi %mul3A_166, %add3A_798 : i32
        %get3A_800 = arith.constant 0 : i32
        %get3A_801 = arith.index_cast %get3A_800 : i32 to index
        %get3A_802 = arith.index_cast %add3A_799 : i32 to index
        %get3A_803 = arith.constant 32 : index
        %get3A_804 = tpu.vector_load %arg8[%get3A_801, %get3A_802, %get3A_803] {strides = array<i32>} : memref<2x80x64xi32, #tpu.memory_space<vmem>>, vector<16xi32>,
        %add3A_805 = arith.constant 7 : i32
        %add3A_806 = arith.addi %mul3A_166, %add3A_805 : i32
        %get3A_807 = arith.constant 0 : i32
        %get3A_808 = arith.index_cast %get3A_807 : i32 to index
        %get3A_809 = arith.index_cast %add3A_806 : i32 to index
        %get3A_810 = arith.constant 32 : index
        %get3A_811 = tpu.vector_load %arg9[%get3A_808, %get3A_809, %get3A_810] {strides = array<i32>} : memref<2x80x64xi32, #tpu.memory_space<vmem>>, vector<16xi32>,
        %bitcast3A_812 = vector.bitcast %get3A_804 : vector<16xi32> to vector<32xbf16>
        %bitcast3A_813 = vector.bitcast %get3A_811 : vector<16xi32> to vector<32xbf16>
        %mul3A_814 = arith.mulf %bitcast3A_812, %bitcast3A_813 : vector<32xbf16>
        %unpack3A_815 = tpu.unpack_subelements %mul3A_814, 0 {pack_format = #tpu.pack_format<interleaved>} : vector<32xbf16> -> vector<16xf32>
        %unpack3A_816 = tpu.unpack_subelements %mul3A_814, 1 {pack_format = #tpu.pack_format<interleaved>} : vector<32xbf16> -> vector<16xf32>
        %add3A_817 = arith.addf %unpack3A_815, %unpack3A_816 : vector<16xf32>
        %add3A_818 = arith.constant 7 : i32
        %add3A_819 = arith.addi %mul3A_166, %add3A_818 : i32
        %get3A_820 = arith.constant 0 : i32
        %get3A_821 = arith.index_cast %get3A_820 : i32 to index
        %get3A_822 = arith.index_cast %add3A_819 : i32 to index
        %get3A_823 = arith.constant 48 : index
        %get3A_824 = tpu.vector_load %arg8[%get3A_821, %get3A_822, %get3A_823] {strides = array<i32>} : memref<2x80x64xi32, #tpu.memory_space<vmem>>, vector<16xi32>,
        %add3A_825 = arith.constant 7 : i32
        %add3A_826 = arith.addi %mul3A_166, %add3A_825 : i32
        %get3A_827 = arith.constant 0 : i32
        %get3A_828 = arith.index_cast %get3A_827 : i32 to index
        %get3A_829 = arith.index_cast %add3A_826 : i32 to index
        %get3A_830 = arith.constant 48 : index
        %get3A_831 = tpu.vector_load %arg9[%get3A_828, %get3A_829, %get3A_830] {strides = array<i32>} : memref<2x80x64xi32, #tpu.memory_space<vmem>>, vector<16xi32>,
        %bitcast3A_832 = vector.bitcast %get3A_824 : vector<16xi32> to vector<32xbf16>
        %bitcast3A_833 = vector.bitcast %get3A_831 : vector<16xi32> to vector<32xbf16>
        %mul3A_834 = arith.mulf %bitcast3A_832, %bitcast3A_833 : vector<32xbf16>
        %unpack3A_835 = tpu.unpack_subelements %mul3A_834, 0 {pack_format = #tpu.pack_format<interleaved>} : vector<32xbf16> -> vector<16xf32>
        %unpack3A_836 = tpu.unpack_subelements %mul3A_834, 1 {pack_format = #tpu.pack_format<interleaved>} : vector<32xbf16> -> vector<16xf32>
        %add3A_837 = arith.addf %unpack3A_835, %unpack3A_836 : vector<16xf32>
        %add3A_838 = arith.addf %add3A_777, %add3A_797 : vector<16xf32>
        %add3A_839 = arith.addf %add3A_817, %add3A_837 : vector<16xf32>
        %add3A_840 = arith.addf %add3A_838, %add3A_839 : vector<16xf32>
        %swap3A_841 = arith.constant 112 : index
        %swap3A_842 = tpu.vector_load %arg10[%swap3A_841] {strides = array<i32>} : memref<256xf32, #tpu.memory_space<vmem>>, vector<16xf32>,
        tpu.vector_store %arg10[%swap3A_841], %add3A_840 {strides = array<i32>} : memref<256xf32, #tpu.memory_space<vmem>>, vector<16xf32>,
        %add3A_843 = arith.constant 8 : i32
        %add3A_844 = arith.addi %mul3A_166, %add3A_843 : i32
        %get3A_845 = arith.constant 0 : i32
        %get3A_846 = arith.index_cast %get3A_845 : i32 to index
        %get3A_847 = arith.index_cast %add3A_844 : i32 to index
        %get3A_848 = arith.constant 0 : index
        %get3A_849 = tpu.vector_load %arg8[%get3A_846, %get3A_847, %get3A_848] {strides = array<i32>} : memref<2x80x64xi32, #tpu.memory_space<vmem>>, vector<16xi32>,
        %add3A_850 = arith.constant 8 : i32
        %add3A_851 = arith.addi %mul3A_166, %add3A_850 : i32
        %get3A_852 = arith.constant 0 : i32
        %get3A_853 = arith.index_cast %get3A_852 : i32 to index
        %get3A_854 = arith.index_cast %add3A_851 : i32 to index
        %get3A_855 = arith.constant 0 : index
        %get3A_856 = tpu.vector_load %arg9[%get3A_853, %get3A_854, %get3A_855] {strides = array<i32>} : memref<2x80x64xi32, #tpu.memory_space<vmem>>, vector<16xi32>,
        %bitcast3A_857 = vector.bitcast %get3A_849 : vector<16xi32> to vector<32xbf16>
        %bitcast3A_858 = vector.bitcast %get3A_856 : vector<16xi32> to vector<32xbf16>
        %mul3A_859 = arith.mulf %bitcast3A_857, %bitcast3A_858 : vector<32xbf16>
        %unpack3A_860 = tpu.unpack_subelements %mul3A_859, 0 {pack_format = #tpu.pack_format<interleaved>} : vector<32xbf16> -> vector<16xf32>
        %unpack3A_861 = tpu.unpack_subelements %mul3A_859, 1 {pack_format = #tpu.pack_format<interleaved>} : vector<32xbf16> -> vector<16xf32>
        %add3A_862 = arith.addf %unpack3A_860, %unpack3A_861 : vector<16xf32>
        %add3A_863 = arith.constant 8 : i32
        %add3A_864 = arith.addi %mul3A_166, %add3A_863 : i32
        %get3A_865 = arith.constant 0 : i32
        %get3A_866 = arith.index_cast %get3A_865 : i32 to index
        %get3A_867 = arith.index_cast %add3A_864 : i32 to index
        %get3A_868 = arith.constant 16 : index
        %get3A_869 = tpu.vector_load %arg8[%get3A_866, %get3A_867, %get3A_868] {strides = array<i32>} : memref<2x80x64xi32, #tpu.memory_space<vmem>>, vector<16xi32>,
        %add3A_870 = arith.constant 8 : i32
        %add3A_871 = arith.addi %mul3A_166, %add3A_870 : i32
        %get3A_872 = arith.constant 0 : i32
        %get3A_873 = arith.index_cast %get3A_872 : i32 to index
        %get3A_874 = arith.index_cast %add3A_871 : i32 to index
        %get3A_875 = arith.constant 16 : index
        %get3A_876 = tpu.vector_load %arg9[%get3A_873, %get3A_874, %get3A_875] {strides = array<i32>} : memref<2x80x64xi32, #tpu.memory_space<vmem>>, vector<16xi32>,
        %bitcast3A_877 = vector.bitcast %get3A_869 : vector<16xi32> to vector<32xbf16>
        %bitcast3A_878 = vector.bitcast %get3A_876 : vector<16xi32> to vector<32xbf16>
        %mul3A_879 = arith.mulf %bitcast3A_877, %bitcast3A_878 : vector<32xbf16>
        %unpack3A_880 = tpu.unpack_subelements %mul3A_879, 0 {pack_format = #tpu.pack_format<interleaved>} : vector<32xbf16> -> vector<16xf32>
        %unpack3A_881 = tpu.unpack_subelements %mul3A_879, 1 {pack_format = #tpu.pack_format<interleaved>} : vector<32xbf16> -> vector<16xf32>
        %add3A_882 = arith.addf %unpack3A_880, %unpack3A_881 : vector<16xf32>
        %add3A_883 = arith.constant 8 : i32
        %add3A_884 = arith.addi %mul3A_166, %add3A_883 : i32
        %get3A_885 = arith.constant 0 : i32
        %get3A_886 = arith.index_cast %get3A_885 : i32 to index
        %get3A_887 = arith.index_cast %add3A_884 : i32 to index
        %get3A_888 = arith.constant 32 : index
        %get3A_889 = tpu.vector_load %arg8[%get3A_886, %get3A_887, %get3A_888] {strides = array<i32>} : memref<2x80x64xi32, #tpu.memory_space<vmem>>, vector<16xi32>,
        %add3A_890 = arith.constant 8 : i32
        %add3A_891 = arith.addi %mul3A_166, %add3A_890 : i32
        %get3A_892 = arith.constant 0 : i32
        %get3A_893 = arith.index_cast %get3A_892 : i32 to index
        %get3A_894 = arith.index_cast %add3A_891 : i32 to index
        %get3A_895 = arith.constant 32 : index
        %get3A_896 = tpu.vector_load %arg9[%get3A_893, %get3A_894, %get3A_895] {strides = array<i32>} : memref<2x80x64xi32, #tpu.memory_space<vmem>>, vector<16xi32>,
        %bitcast3A_897 = vector.bitcast %get3A_889 : vector<16xi32> to vector<32xbf16>
        %bitcast3A_898 = vector.bitcast %get3A_896 : vector<16xi32> to vector<32xbf16>
        %mul3A_899 = arith.mulf %bitcast3A_897, %bitcast3A_898 : vector<32xbf16>
        %unpack3A_900 = tpu.unpack_subelements %mul3A_899, 0 {pack_format = #tpu.pack_format<interleaved>} : vector<32xbf16> -> vector<16xf32>
        %unpack3A_901 = tpu.unpack_subelements %mul3A_899, 1 {pack_format = #tpu.pack_format<interleaved>} : vector<32xbf16> -> vector<16xf32>
        %add3A_902 = arith.addf %unpack3A_900, %unpack3A_901 : vector<16xf32>
        %add3A_903 = arith.constant 8 : i32
        %add3A_904 = arith.addi %mul3A_166, %add3A_903 : i32
        %get3A_905 = arith.constant 0 : i32
        %get3A_906 = arith.index_cast %get3A_905 : i32 to index
        %get3A_907 = arith.index_cast %add3A_904 : i32 to index
        %get3A_908 = arith.constant 48 : index
        %get3A_909 = tpu.vector_load %arg8[%get3A_906, %get3A_907, %get3A_908] {strides = array<i32>} : memref<2x80x64xi32, #tpu.memory_space<vmem>>, vector<16xi32>,
        %add3A_910 = arith.constant 8 : i32
        %add3A_911 = arith.addi %mul3A_166, %add3A_910 : i32
        %get3A_912 = arith.constant 0 : i32
        %get3A_913 = arith.index_cast %get3A_912 : i32 to index
        %get3A_914 = arith.index_cast %add3A_911 : i32 to index
        %get3A_915 = arith.constant 48 : index
        %get3A_916 = tpu.vector_load %arg9[%get3A_913, %get3A_914, %get3A_915] {strides = array<i32>} : memref<2x80x64xi32, #tpu.memory_space<vmem>>, vector<16xi32>,
        %bitcast3A_917 = vector.bitcast %get3A_909 : vector<16xi32> to vector<32xbf16>
        %bitcast3A_918 = vector.bitcast %get3A_916 : vector<16xi32> to vector<32xbf16>
        %mul3A_919 = arith.mulf %bitcast3A_917, %bitcast3A_918 : vector<32xbf16>
        %unpack3A_920 = tpu.unpack_subelements %mul3A_919, 0 {pack_format = #tpu.pack_format<interleaved>} : vector<32xbf16> -> vector<16xf32>
        %unpack3A_921 = tpu.unpack_subelements %mul3A_919, 1 {pack_format = #tpu.pack_format<interleaved>} : vector<32xbf16> -> vector<16xf32>
        %add3A_922 = arith.addf %unpack3A_920, %unpack3A_921 : vector<16xf32>
        %add3A_923 = arith.addf %add3A_862, %add3A_882 : vector<16xf32>
        %add3A_924 = arith.addf %add3A_902, %add3A_922 : vector<16xf32>
        %add3A_925 = arith.addf %add3A_923, %add3A_924 : vector<16xf32>
        %swap3A_926 = arith.constant 128 : index
        %swap3A_927 = tpu.vector_load %arg10[%swap3A_926] {strides = array<i32>} : memref<256xf32, #tpu.memory_space<vmem>>, vector<16xf32>,
        tpu.vector_store %arg10[%swap3A_926], %add3A_925 {strides = array<i32>} : memref<256xf32, #tpu.memory_space<vmem>>, vector<16xf32>,
        %add3A_928 = arith.constant 9 : i32
        %add3A_929 = arith.addi %mul3A_166, %add3A_928 : i32
        %get3A_930 = arith.constant 0 : i32
        %get3A_931 = arith.index_cast %get3A_930 : i32 to index
        %get3A_932 = arith.index_cast %add3A_929 : i32 to index
        %get3A_933 = arith.constant 0 : index
        %get3A_934 = tpu.vector_load %arg8[%get3A_931, %get3A_932, %get3A_933] {strides = array<i32>} : memref<2x80x64xi32, #tpu.memory_space<vmem>>, vector<16xi32>,
        %add3A_935 = arith.constant 9 : i32
        %add3A_936 = arith.addi %mul3A_166, %add3A_935 : i32
        %get3A_937 = arith.constant 0 : i32
        %get3A_938 = arith.index_cast %get3A_937 : i32 to index
        %get3A_939 = arith.index_cast %add3A_936 : i32 to index
        %get3A_940 = arith.constant 0 : index
        %get3A_941 = tpu.vector_load %arg9[%get3A_938, %get3A_939, %get3A_940] {strides = array<i32>} : memref<2x80x64xi32, #tpu.memory_space<vmem>>, vector<16xi32>,
        %bitcast3A_942 = vector.bitcast %get3A_934 : vector<16xi32> to vector<32xbf16>
        %bitcast3A_943 = vector.bitcast %get3A_941 : vector<16xi32> to vector<32xbf16>
        %mul3A_944 = arith.mulf %bitcast3A_942, %bitcast3A_943 : vector<32xbf16>
        %unpack3A_945 = tpu.unpack_subelements %mul3A_944, 0 {pack_format = #tpu.pack_format<interleaved>} : vector<32xbf16> -> vector<16xf32>
        %unpack3A_946 = tpu.unpack_subelements %mul3A_944, 1 {pack_format = #tpu.pack_format<interleaved>} : vector<32xbf16> -> vector<16xf32>
        %add3A_947 = arith.addf %unpack3A_945, %unpack3A_946 : vector<16xf32>
        %add3A_948 = arith.constant 9 : i32
        %add3A_949 = arith.addi %mul3A_166, %add3A_948 : i32
        %get3A_950 = arith.constant 0 : i32
        %get3A_951 = arith.index_cast %get3A_950 : i32 to index
        %get3A_952 = arith.index_cast %add3A_949 : i32 to index
        %get3A_953 = arith.constant 16 : index
        %get3A_954 = tpu.vector_load %arg8[%get3A_951, %get3A_952, %get3A_953] {strides = array<i32>} : memref<2x80x64xi32, #tpu.memory_space<vmem>>, vector<16xi32>,
        %add3A_955 = arith.constant 9 : i32
        %add3A_956 = arith.addi %mul3A_166, %add3A_955 : i32
        %get3A_957 = arith.constant 0 : i32
        %get3A_958 = arith.index_cast %get3A_957 : i32 to index
        %get3A_959 = arith.index_cast %add3A_956 : i32 to index
        %get3A_960 = arith.constant 16 : index
        %get3A_961 = tpu.vector_load %arg9[%get3A_958, %get3A_959, %get3A_960] {strides = array<i32>} : memref<2x80x64xi32, #tpu.memory_space<vmem>>, vector<16xi32>,
        %bitcast3A_962 = vector.bitcast %get3A_954 : vector<16xi32> to vector<32xbf16>
        %bitcast3A_963 = vector.bitcast %get3A_961 : vector<16xi32> to vector<32xbf16>
        %mul3A_964 = arith.mulf %bitcast3A_962, %bitcast3A_963 : vector<32xbf16>
        %unpack3A_965 = tpu.unpack_subelements %mul3A_964, 0 {pack_format = #tpu.pack_format<interleaved>} : vector<32xbf16> -> vector<16xf32>
        %unpack3A_966 = tpu.unpack_subelements %mul3A_964, 1 {pack_format = #tpu.pack_format<interleaved>} : vector<32xbf16> -> vector<16xf32>
        %add3A_967 = arith.addf %unpack3A_965, %unpack3A_966 : vector<16xf32>
        %add3A_968 = arith.constant 9 : i32
        %add3A_969 = arith.addi %mul3A_166, %add3A_968 : i32
        %get3A_970 = arith.constant 0 : i32
        %get3A_971 = arith.index_cast %get3A_970 : i32 to index
        %get3A_972 = arith.index_cast %add3A_969 : i32 to index
        %get3A_973 = arith.constant 32 : index
        %get3A_974 = tpu.vector_load %arg8[%get3A_971, %get3A_972, %get3A_973] {strides = array<i32>} : memref<2x80x64xi32, #tpu.memory_space<vmem>>, vector<16xi32>,
        %add3A_975 = arith.constant 9 : i32
        %add3A_976 = arith.addi %mul3A_166, %add3A_975 : i32
        %get3A_977 = arith.constant 0 : i32
        %get3A_978 = arith.index_cast %get3A_977 : i32 to index
        %get3A_979 = arith.index_cast %add3A_976 : i32 to index
        %get3A_980 = arith.constant 32 : index
        %get3A_981 = tpu.vector_load %arg9[%get3A_978, %get3A_979, %get3A_980] {strides = array<i32>} : memref<2x80x64xi32, #tpu.memory_space<vmem>>, vector<16xi32>,
        %bitcast3A_982 = vector.bitcast %get3A_974 : vector<16xi32> to vector<32xbf16>
        %bitcast3A_983 = vector.bitcast %get3A_981 : vector<16xi32> to vector<32xbf16>
        %mul3A_984 = arith.mulf %bitcast3A_982, %bitcast3A_983 : vector<32xbf16>
        %unpack3A_985 = tpu.unpack_subelements %mul3A_984, 0 {pack_format = #tpu.pack_format<interleaved>} : vector<32xbf16> -> vector<16xf32>
        %unpack3A_986 = tpu.unpack_subelements %mul3A_984, 1 {pack_format = #tpu.pack_format<interleaved>} : vector<32xbf16> -> vector<16xf32>
        %add3A_987 = arith.addf %unpack3A_985, %unpack3A_986 : vector<16xf32>
        %add3A_988 = arith.constant 9 : i32
        %add3A_989 = arith.addi %mul3A_166, %add3A_988 : i32
        %get3A_990 = arith.constant 0 : i32
        %get3A_991 = arith.index_cast %get3A_990 : i32 to index
        %get3A_992 = arith.index_cast %add3A_989 : i32 to index
        %get3A_993 = arith.constant 48 : index
        %get3A_994 = tpu.vector_load %arg8[%get3A_991, %get3A_992, %get3A_993] {strides = array<i32>} : memref<2x80x64xi32, #tpu.memory_space<vmem>>, vector<16xi32>,
        %add3A_995 = arith.constant 9 : i32
        %add3A_996 = arith.addi %mul3A_166, %add3A_995 : i32
        %get3A_997 = arith.constant 0 : i32
        %get3A_998 = arith.index_cast %get3A_997 : i32 to index
        %get3A_999 = arith.index_cast %add3A_996 : i32 to index
        %get3A_1000 = arith.constant 48 : index
        %get3A_1001 = tpu.vector_load %arg9[%get3A_998, %get3A_999, %get3A_1000] {strides = array<i32>} : memref<2x80x64xi32, #tpu.memory_space<vmem>>, vector<16xi32>,
        %bitcast3A_1002 = vector.bitcast %get3A_994 : vector<16xi32> to vector<32xbf16>
        %bitcast3A_1003 = vector.bitcast %get3A_1001 : vector<16xi32> to vector<32xbf16>
        %mul3A_1004 = arith.mulf %bitcast3A_1002, %bitcast3A_1003 : vector<32xbf16>
        %unpack3A_1005 = tpu.unpack_subelements %mul3A_1004, 0 {pack_format = #tpu.pack_format<interleaved>} : vector<32xbf16> -> vector<16xf32>
        %unpack3A_1006 = tpu.unpack_subelements %mul3A_1004, 1 {pack_format = #tpu.pack_format<interleaved>} : vector<32xbf16> -> vector<16xf32>
        %add3A_1007 = arith.addf %unpack3A_1005, %unpack3A_1006 : vector<16xf32>
        %add3A_1008 = arith.addf %add3A_947, %add3A_967 : vector<16xf32>
        %add3A_1009 = arith.addf %add3A_987, %add3A_1007 : vector<16xf32>
        %add3A_1010 = arith.addf %add3A_1008, %add3A_1009 : vector<16xf32>
        %swap3A_1011 = arith.constant 144 : index
        %swap3A_1012 = tpu.vector_load %arg10[%swap3A_1011] {strides = array<i32>} : memref<256xf32, #tpu.memory_space<vmem>>, vector<16xf32>,
        tpu.vector_store %arg10[%swap3A_1011], %add3A_1010 {strides = array<i32>} : memref<256xf32, #tpu.memory_space<vmem>>, vector<16xf32>,
        %add3A_1013 = arith.constant 10 : i32
        %add3A_1014 = arith.addi %mul3A_166, %add3A_1013 : i32
        %get3A_1015 = arith.constant 0 : i32
        %get3A_1016 = arith.index_cast %get3A_1015 : i32 to index
        %get3A_1017 = arith.index_cast %add3A_1014 : i32 to index
        %get3A_1018 = arith.constant 0 : index
        %get3A_1019 = tpu.vector_load %arg8[%get3A_1016, %get3A_1017, %get3A_1018] {strides = array<i32>} : memref<2x80x64xi32, #tpu.memory_space<vmem>>, vector<16xi32>,
        %add3A_1020 = arith.constant 10 : i32
        %add3A_1021 = arith.addi %mul3A_166, %add3A_1020 : i32
        %get3A_1022 = arith.constant 0 : i32
        %get3A_1023 = arith.index_cast %get3A_1022 : i32 to index
        %get3A_1024 = arith.index_cast %add3A_1021 : i32 to index
        %get3A_1025 = arith.constant 0 : index
        %get3A_1026 = tpu.vector_load %arg9[%get3A_1023, %get3A_1024, %get3A_1025] {strides = array<i32>} : memref<2x80x64xi32, #tpu.memory_space<vmem>>, vector<16xi32>,
        %bitcast3A_1027 = vector.bitcast %get3A_1019 : vector<16xi32> to vector<32xbf16>
        %bitcast3A_1028 = vector.bitcast %get3A_1026 : vector<16xi32> to vector<32xbf16>
        %mul3A_1029 = arith.mulf %bitcast3A_1027, %bitcast3A_1028 : vector<32xbf16>
        %unpack3A_1030 = tpu.unpack_subelements %mul3A_1029, 0 {pack_format = #tpu.pack_format<interleaved>} : vector<32xbf16> -> vector<16xf32>
        %unpack3A_1031 = tpu.unpack_subelements %mul3A_1029, 1 {pack_format = #tpu.pack_format<interleaved>} : vector<32xbf16> -> vector<16xf32>
        %add3A_1032 = arith.addf %unpack3A_1030, %unpack3A_1031 : vector<16xf32>
        %add3A_1033 = arith.constant 10 : i32
        %add3A_1034 = arith.addi %mul3A_166, %add3A_1033 : i32
        %get3A_1035 = arith.constant 0 : i32
        %get3A_1036 = arith.index_cast %get3A_1035 : i32 to index
        %get3A_1037 = arith.index_cast %add3A_1034 : i32 to index
        %get3A_1038 = arith.constant 16 : index
        %get3A_1039 = tpu.vector_load %arg8[%get3A_1036, %get3A_1037, %get3A_1038] {strides = array<i32>} : memref<2x80x64xi32, #tpu.memory_space<vmem>>, vector<16xi32>,
        %add3A_1040 = arith.constant 10 : i32
        %add3A_1041 = arith.addi %mul3A_166, %add3A_1040 : i32
        %get3A_1042 = arith.constant 0 : i32
        %get3A_1043 = arith.index_cast %get3A_1042 : i32 to index
        %get3A_1044 = arith.index_cast %add3A_1041 : i32 to index
        %get3A_1045 = arith.constant 16 : index
        %get3A_1046 = tpu.vector_load %arg9[%get3A_1043, %get3A_1044, %get3A_1045] {strides = array<i32>} : memref<2x80x64xi32, #tpu.memory_space<vmem>>, vector<16xi32>,
        %bitcast3A_1047 = vector.bitcast %get3A_1039 : vector<16xi32> to vector<32xbf16>
        %bitcast3A_1048 = vector.bitcast %get3A_1046 : vector<16xi32> to vector<32xbf16>
        %mul3A_1049 = arith.mulf %bitcast3A_1047, %bitcast3A_1048 : vector<32xbf16>
        %unpack3A_1050 = tpu.unpack_subelements %mul3A_1049, 0 {pack_format = #tpu.pack_format<interleaved>} : vector<32xbf16> -> vector<16xf32>
        %unpack3A_1051 = tpu.unpack_subelements %mul3A_1049, 1 {pack_format = #tpu.pack_format<interleaved>} : vector<32xbf16> -> vector<16xf32>
        %add3A_1052 = arith.addf %unpack3A_1050, %unpack3A_1051 : vector<16xf32>
        %add3A_1053 = arith.constant 10 : i32
        %add3A_1054 = arith.addi %mul3A_166, %add3A_1053 : i32
        %get3A_1055 = arith.constant 0 : i32
        %get3A_1056 = arith.index_cast %get3A_1055 : i32 to index
        %get3A_1057 = arith.index_cast %add3A_1054 : i32 to index
        %get3A_1058 = arith.constant 32 : index
        %get3A_1059 = tpu.vector_load %arg8[%get3A_1056, %get3A_1057, %get3A_1058] {strides = array<i32>} : memref<2x80x64xi32, #tpu.memory_space<vmem>>, vector<16xi32>,
        %add3A_1060 = arith.constant 10 : i32
        %add3A_1061 = arith.addi %mul3A_166, %add3A_1060 : i32
        %get3A_1062 = arith.constant 0 : i32
        %get3A_1063 = arith.index_cast %get3A_1062 : i32 to index
        %get3A_1064 = arith.index_cast %add3A_1061 : i32 to index
        %get3A_1065 = arith.constant 32 : index
        %get3A_1066 = tpu.vector_load %arg9[%get3A_1063, %get3A_1064, %get3A_1065] {strides = array<i32>} : memref<2x80x64xi32, #tpu.memory_space<vmem>>, vector<16xi32>,
        %bitcast3A_1067 = vector.bitcast %get3A_1059 : vector<16xi32> to vector<32xbf16>
        %bitcast3A_1068 = vector.bitcast %get3A_1066 : vector<16xi32> to vector<32xbf16>
        %mul3A_1069 = arith.mulf %bitcast3A_1067, %bitcast3A_1068 : vector<32xbf16>
        %unpack3A_1070 = tpu.unpack_subelements %mul3A_1069, 0 {pack_format = #tpu.pack_format<interleaved>} : vector<32xbf16> -> vector<16xf32>
        %unpack3A_1071 = tpu.unpack_subelements %mul3A_1069, 1 {pack_format = #tpu.pack_format<interleaved>} : vector<32xbf16> -> vector<16xf32>
        %add3A_1072 = arith.addf %unpack3A_1070, %unpack3A_1071 : vector<16xf32>
        %add3A_1073 = arith.constant 10 : i32
        %add3A_1074 = arith.addi %mul3A_166, %add3A_1073 : i32
        %get3A_1075 = arith.constant 0 : i32
        %get3A_1076 = arith.index_cast %get3A_1075 : i32 to index
        %get3A_1077 = arith.index_cast %add3A_1074 : i32 to index
        %get3A_1078 = arith.constant 48 : index
        %get3A_1079 = tpu.vector_load %arg8[%get3A_1076, %get3A_1077, %get3A_1078] {strides = array<i32>} : memref<2x80x64xi32, #tpu.memory_space<vmem>>, vector<16xi32>,
        %add3A_1080 = arith.constant 10 : i32
        %add3A_1081 = arith.addi %mul3A_166, %add3A_1080 : i32
        %get3A_1082 = arith.constant 0 : i32
        %get3A_1083 = arith.index_cast %get3A_1082 : i32 to index
        %get3A_1084 = arith.index_cast %add3A_1081 : i32 to index
        %get3A_1085 = arith.constant 48 : index
        %get3A_1086 = tpu.vector_load %arg9[%get3A_1083, %get3A_1084, %get3A_1085] {strides = array<i32>} : memref<2x80x64xi32, #tpu.memory_space<vmem>>, vector<16xi32>,
        %bitcast3A_1087 = vector.bitcast %get3A_1079 : vector<16xi32> to vector<32xbf16>
        %bitcast3A_1088 = vector.bitcast %get3A_1086 : vector<16xi32> to vector<32xbf16>
        %mul3A_1089 = arith.mulf %bitcast3A_1087, %bitcast3A_1088 : vector<32xbf16>
        %unpack3A_1090 = tpu.unpack_subelements %mul3A_1089, 0 {pack_format = #tpu.pack_format<interleaved>} : vector<32xbf16> -> vector<16xf32>
        %unpack3A_1091 = tpu.unpack_subelements %mul3A_1089, 1 {pack_format = #tpu.pack_format<interleaved>} : vector<32xbf16> -> vector<16xf32>
        %add3A_1092 = arith.addf %unpack3A_1090, %unpack3A_1091 : vector<16xf32>
        %add3A_1093 = arith.addf %add3A_1032, %add3A_1052 : vector<16xf32>
        %add3A_1094 = arith.addf %add3A_1072, %add3A_1092 : vector<16xf32>
        %add3A_1095 = arith.addf %add3A_1093, %add3A_1094 : vector<16xf32>
        %swap3A_1096 = arith.constant 160 : index
        %swap3A_1097 = tpu.vector_load %arg10[%swap3A_1096] {strides = array<i32>} : memref<256xf32, #tpu.memory_space<vmem>>, vector<16xf32>,
        tpu.vector_store %arg10[%swap3A_1096], %add3A_1095 {strides = array<i32>} : memref<256xf32, #tpu.memory_space<vmem>>, vector<16xf32>,
        %add3A_1098 = arith.constant 11 : i32
        %add3A_1099 = arith.addi %mul3A_166, %add3A_1098 : i32
        %get3A_1100 = arith.constant 0 : i32
        %get3A_1101 = arith.index_cast %get3A_1100 : i32 to index
        %get3A_1102 = arith.index_cast %add3A_1099 : i32 to index
        %get3A_1103 = arith.constant 0 : index
        %get3A_1104 = tpu.vector_load %arg8[%get3A_1101, %get3A_1102, %get3A_1103] {strides = array<i32>} : memref<2x80x64xi32, #tpu.memory_space<vmem>>, vector<16xi32>,
        %add3A_1105 = arith.constant 11 : i32
        %add3A_1106 = arith.addi %mul3A_166, %add3A_1105 : i32
        %get3A_1107 = arith.constant 0 : i32
        %get3A_1108 = arith.index_cast %get3A_1107 : i32 to index
        %get3A_1109 = arith.index_cast %add3A_1106 : i32 to index
        %get3A_1110 = arith.constant 0 : index
        %get3A_1111 = tpu.vector_load %arg9[%get3A_1108, %get3A_1109, %get3A_1110] {strides = array<i32>} : memref<2x80x64xi32, #tpu.memory_space<vmem>>, vector<16xi32>,
        %bitcast3A_1112 = vector.bitcast %get3A_1104 : vector<16xi32> to vector<32xbf16>
        %bitcast3A_1113 = vector.bitcast %get3A_1111 : vector<16xi32> to vector<32xbf16>
        %mul3A_1114 = arith.mulf %bitcast3A_1112, %bitcast3A_1113 : vector<32xbf16>
        %unpack3A_1115 = tpu.unpack_subelements %mul3A_1114, 0 {pack_format = #tpu.pack_format<interleaved>} : vector<32xbf16> -> vector<16xf32>
        %unpack3A_1116 = tpu.unpack_subelements %mul3A_1114, 1 {pack_format = #tpu.pack_format<interleaved>} : vector<32xbf16> -> vector<16xf32>
        %add3A_1117 = arith.addf %unpack3A_1115, %unpack3A_1116 : vector<16xf32>
        %add3A_1118 = arith.constant 11 : i32
        %add3A_1119 = arith.addi %mul3A_166, %add3A_1118 : i32
        %get3A_1120 = arith.constant 0 : i32
        %get3A_1121 = arith.index_cast %get3A_1120 : i32 to index
        %get3A_1122 = arith.index_cast %add3A_1119 : i32 to index
        %get3A_1123 = arith.constant 16 : index
        %get3A_1124 = tpu.vector_load %arg8[%get3A_1121, %get3A_1122, %get3A_1123] {strides = array<i32>} : memref<2x80x64xi32, #tpu.memory_space<vmem>>, vector<16xi32>,
        %add3A_1125 = arith.constant 11 : i32
        %add3A_1126 = arith.addi %mul3A_166, %add3A_1125 : i32
        %get3A_1127 = arith.constant 0 : i32
        %get3A_1128 = arith.index_cast %get3A_1127 : i32 to index
        %get3A_1129 = arith.index_cast %add3A_1126 : i32 to index
        %get3A_1130 = arith.constant 16 : index
        %get3A_1131 = tpu.vector_load %arg9[%get3A_1128, %get3A_1129, %get3A_1130] {strides = array<i32>} : memref<2x80x64xi32, #tpu.memory_space<vmem>>, vector<16xi32>,
        %bitcast3A_1132 = vector.bitcast %get3A_1124 : vector<16xi32> to vector<32xbf16>
        %bitcast3A_1133 = vector.bitcast %get3A_1131 : vector<16xi32> to vector<32xbf16>
        %mul3A_1134 = arith.mulf %bitcast3A_1132, %bitcast3A_1133 : vector<32xbf16>
        %unpack3A_1135 = tpu.unpack_subelements %mul3A_1134, 0 {pack_format = #tpu.pack_format<interleaved>} : vector<32xbf16> -> vector<16xf32>
        %unpack3A_1136 = tpu.unpack_subelements %mul3A_1134, 1 {pack_format = #tpu.pack_format<interleaved>} : vector<32xbf16> -> vector<16xf32>
        %add3A_1137 = arith.addf %unpack3A_1135, %unpack3A_1136 : vector<16xf32>
        %add3A_1138 = arith.constant 11 : i32
        %add3A_1139 = arith.addi %mul3A_166, %add3A_1138 : i32
        %get3A_1140 = arith.constant 0 : i32
        %get3A_1141 = arith.index_cast %get3A_1140 : i32 to index
        %get3A_1142 = arith.index_cast %add3A_1139 : i32 to index
        %get3A_1143 = arith.constant 32 : index
        %get3A_1144 = tpu.vector_load %arg8[%get3A_1141, %get3A_1142, %get3A_1143] {strides = array<i32>} : memref<2x80x64xi32, #tpu.memory_space<vmem>>, vector<16xi32>,
        %add3A_1145 = arith.constant 11 : i32
        %add3A_1146 = arith.addi %mul3A_166, %add3A_1145 : i32
        %get3A_1147 = arith.constant 0 : i32
        %get3A_1148 = arith.index_cast %get3A_1147 : i32 to index
        %get3A_1149 = arith.index_cast %add3A_1146 : i32 to index
        %get3A_1150 = arith.constant 32 : index
        %get3A_1151 = tpu.vector_load %arg9[%get3A_1148, %get3A_1149, %get3A_1150] {strides = array<i32>} : memref<2x80x64xi32, #tpu.memory_space<vmem>>, vector<16xi32>,
        %bitcast3A_1152 = vector.bitcast %get3A_1144 : vector<16xi32> to vector<32xbf16>
        %bitcast3A_1153 = vector.bitcast %get3A_1151 : vector<16xi32> to vector<32xbf16>
        %mul3A_1154 = arith.mulf %bitcast3A_1152, %bitcast3A_1153 : vector<32xbf16>
        %unpack3A_1155 = tpu.unpack_subelements %mul3A_1154, 0 {pack_format = #tpu.pack_format<interleaved>} : vector<32xbf16> -> vector<16xf32>
        %unpack3A_1156 = tpu.unpack_subelements %mul3A_1154, 1 {pack_format = #tpu.pack_format<interleaved>} : vector<32xbf16> -> vector<16xf32>
        %add3A_1157 = arith.addf %unpack3A_1155, %unpack3A_1156 : vector<16xf32>
        %add3A_1158 = arith.constant 11 : i32
        %add3A_1159 = arith.addi %mul3A_166, %add3A_1158 : i32
        %get3A_1160 = arith.constant 0 : i32
        %get3A_1161 = arith.index_cast %get3A_1160 : i32 to index
        %get3A_1162 = arith.index_cast %add3A_1159 : i32 to index
        %get3A_1163 = arith.constant 48 : index
        %get3A_1164 = tpu.vector_load %arg8[%get3A_1161, %get3A_1162, %get3A_1163] {strides = array<i32>} : memref<2x80x64xi32, #tpu.memory_space<vmem>>, vector<16xi32>,
        %add3A_1165 = arith.constant 11 : i32
        %add3A_1166 = arith.addi %mul3A_166, %add3A_1165 : i32
        %get3A_1167 = arith.constant 0 : i32
        %get3A_1168 = arith.index_cast %get3A_1167 : i32 to index
        %get3A_1169 = arith.index_cast %add3A_1166 : i32 to index
        %get3A_1170 = arith.constant 48 : index
        %get3A_1171 = tpu.vector_load %arg9[%get3A_1168, %get3A_1169, %get3A_1170] {strides = array<i32>} : memref<2x80x64xi32, #tpu.memory_space<vmem>>, vector<16xi32>,
        %bitcast3A_1172 = vector.bitcast %get3A_1164 : vector<16xi32> to vector<32xbf16>
        %bitcast3A_1173 = vector.bitcast %get3A_1171 : vector<16xi32> to vector<32xbf16>
        %mul3A_1174 = arith.mulf %bitcast3A_1172, %bitcast3A_1173 : vector<32xbf16>
        %unpack3A_1175 = tpu.unpack_subelements %mul3A_1174, 0 {pack_format = #tpu.pack_format<interleaved>} : vector<32xbf16> -> vector<16xf32>
        %unpack3A_1176 = tpu.unpack_subelements %mul3A_1174, 1 {pack_format = #tpu.pack_format<interleaved>} : vector<32xbf16> -> vector<16xf32>
        %add3A_1177 = arith.addf %unpack3A_1175, %unpack3A_1176 : vector<16xf32>
        %add3A_1178 = arith.addf %add3A_1117, %add3A_1137 : vector<16xf32>
        %add3A_1179 = arith.addf %add3A_1157, %add3A_1177 : vector<16xf32>
        %add3A_1180 = arith.addf %add3A_1178, %add3A_1179 : vector<16xf32>
        %swap3A_1181 = arith.constant 176 : index
        %swap3A_1182 = tpu.vector_load %arg10[%swap3A_1181] {strides = array<i32>} : memref<256xf32, #tpu.memory_space<vmem>>, vector<16xf32>,
        tpu.vector_store %arg10[%swap3A_1181], %add3A_1180 {strides = array<i32>} : memref<256xf32, #tpu.memory_space<vmem>>, vector<16xf32>,
        %add3A_1183 = arith.constant 12 : i32
        %add3A_1184 = arith.addi %mul3A_166, %add3A_1183 : i32
        %get3A_1185 = arith.constant 0 : i32
        %get3A_1186 = arith.index_cast %get3A_1185 : i32 to index
        %get3A_1187 = arith.index_cast %add3A_1184 : i32 to index
        %get3A_1188 = arith.constant 0 : index
        %get3A_1189 = tpu.vector_load %arg8[%get3A_1186, %get3A_1187, %get3A_1188] {strides = array<i32>} : memref<2x80x64xi32, #tpu.memory_space<vmem>>, vector<16xi32>,
        %add3A_1190 = arith.constant 12 : i32
        %add3A_1191 = arith.addi %mul3A_166, %add3A_1190 : i32
        %get3A_1192 = arith.constant 0 : i32
        %get3A_1193 = arith.index_cast %get3A_1192 : i32 to index
        %get3A_1194 = arith.index_cast %add3A_1191 : i32 to index
        %get3A_1195 = arith.constant 0 : index
        %get3A_1196 = tpu.vector_load %arg9[%get3A_1193, %get3A_1194, %get3A_1195] {strides = array<i32>} : memref<2x80x64xi32, #tpu.memory_space<vmem>>, vector<16xi32>,
        %bitcast3A_1197 = vector.bitcast %get3A_1189 : vector<16xi32> to vector<32xbf16>
        %bitcast3A_1198 = vector.bitcast %get3A_1196 : vector<16xi32> to vector<32xbf16>
        %mul3A_1199 = arith.mulf %bitcast3A_1197, %bitcast3A_1198 : vector<32xbf16>
        %unpack3A_1200 = tpu.unpack_subelements %mul3A_1199, 0 {pack_format = #tpu.pack_format<interleaved>} : vector<32xbf16> -> vector<16xf32>
        %unpack3A_1201 = tpu.unpack_subelements %mul3A_1199, 1 {pack_format = #tpu.pack_format<interleaved>} : vector<32xbf16> -> vector<16xf32>
        %add3A_1202 = arith.addf %unpack3A_1200, %unpack3A_1201 : vector<16xf32>
        %add3A_1203 = arith.constant 12 : i32
        %add3A_1204 = arith.addi %mul3A_166, %add3A_1203 : i32
        %get3A_1205 = arith.constant 0 : i32
        %get3A_1206 = arith.index_cast %get3A_1205 : i32 to index
        %get3A_1207 = arith.index_cast %add3A_1204 : i32 to index
        %get3A_1208 = arith.constant 16 : index
        %get3A_1209 = tpu.vector_load %arg8[%get3A_1206, %get3A_1207, %get3A_1208] {strides = array<i32>} : memref<2x80x64xi32, #tpu.memory_space<vmem>>, vector<16xi32>,
        %add3A_1210 = arith.constant 12 : i32
        %add3A_1211 = arith.addi %mul3A_166, %add3A_1210 : i32
        %get3A_1212 = arith.constant 0 : i32
        %get3A_1213 = arith.index_cast %get3A_1212 : i32 to index
        %get3A_1214 = arith.index_cast %add3A_1211 : i32 to index
        %get3A_1215 = arith.constant 16 : index
        %get3A_1216 = tpu.vector_load %arg9[%get3A_1213, %get3A_1214, %get3A_1215] {strides = array<i32>} : memref<2x80x64xi32, #tpu.memory_space<vmem>>, vector<16xi32>,
        %bitcast3A_1217 = vector.bitcast %get3A_1209 : vector<16xi32> to vector<32xbf16>
        %bitcast3A_1218 = vector.bitcast %get3A_1216 : vector<16xi32> to vector<32xbf16>
        %mul3A_1219 = arith.mulf %bitcast3A_1217, %bitcast3A_1218 : vector<32xbf16>
        %unpack3A_1220 = tpu.unpack_subelements %mul3A_1219, 0 {pack_format = #tpu.pack_format<interleaved>} : vector<32xbf16> -> vector<16xf32>
        %unpack3A_1221 = tpu.unpack_subelements %mul3A_1219, 1 {pack_format = #tpu.pack_format<interleaved>} : vector<32xbf16> -> vector<16xf32>
        %add3A_1222 = arith.addf %unpack3A_1220, %unpack3A_1221 : vector<16xf32>
        %add3A_1223 = arith.constant 12 : i32
        %add3A_1224 = arith.addi %mul3A_166, %add3A_1223 : i32
        %get3A_1225 = arith.constant 0 : i32
        %get3A_1226 = arith.index_cast %get3A_1225 : i32 to index
        %get3A_1227 = arith.index_cast %add3A_1224 : i32 to index
        %get3A_1228 = arith.constant 32 : index
        %get3A_1229 = tpu.vector_load %arg8[%get3A_1226, %get3A_1227, %get3A_1228] {strides = array<i32>} : memref<2x80x64xi32, #tpu.memory_space<vmem>>, vector<16xi32>,
        %add3A_1230 = arith.constant 12 : i32
        %add3A_1231 = arith.addi %mul3A_166, %add3A_1230 : i32
        %get3A_1232 = arith.constant 0 : i32
        %get3A_1233 = arith.index_cast %get3A_1232 : i32 to index
        %get3A_1234 = arith.index_cast %add3A_1231 : i32 to index
        %get3A_1235 = arith.constant 32 : index
        %get3A_1236 = tpu.vector_load %arg9[%get3A_1233, %get3A_1234, %get3A_1235] {strides = array<i32>} : memref<2x80x64xi32, #tpu.memory_space<vmem>>, vector<16xi32>,
        %bitcast3A_1237 = vector.bitcast %get3A_1229 : vector<16xi32> to vector<32xbf16>
        %bitcast3A_1238 = vector.bitcast %get3A_1236 : vector<16xi32> to vector<32xbf16>
        %mul3A_1239 = arith.mulf %bitcast3A_1237, %bitcast3A_1238 : vector<32xbf16>
        %unpack3A_1240 = tpu.unpack_subelements %mul3A_1239, 0 {pack_format = #tpu.pack_format<interleaved>} : vector<32xbf16> -> vector<16xf32>
        %unpack3A_1241 = tpu.unpack_subelements %mul3A_1239, 1 {pack_format = #tpu.pack_format<interleaved>} : vector<32xbf16> -> vector<16xf32>
        %add3A_1242 = arith.addf %unpack3A_1240, %unpack3A_1241 : vector<16xf32>
        %add3A_1243 = arith.constant 12 : i32
        %add3A_1244 = arith.addi %mul3A_166, %add3A_1243 : i32
        %get3A_1245 = arith.constant 0 : i32
        %get3A_1246 = arith.index_cast %get3A_1245 : i32 to index
        %get3A_1247 = arith.index_cast %add3A_1244 : i32 to index
        %get3A_1248 = arith.constant 48 : index
        %get3A_1249 = tpu.vector_load %arg8[%get3A_1246, %get3A_1247, %get3A_1248] {strides = array<i32>} : memref<2x80x64xi32, #tpu.memory_space<vmem>>, vector<16xi32>,
        %add3A_1250 = arith.constant 12 : i32
        %add3A_1251 = arith.addi %mul3A_166, %add3A_1250 : i32
        %get3A_1252 = arith.constant 0 : i32
        %get3A_1253 = arith.index_cast %get3A_1252 : i32 to index
        %get3A_1254 = arith.index_cast %add3A_1251 : i32 to index
        %get3A_1255 = arith.constant 48 : index
        %get3A_1256 = tpu.vector_load %arg9[%get3A_1253, %get3A_1254, %get3A_1255] {strides = array<i32>} : memref<2x80x64xi32, #tpu.memory_space<vmem>>, vector<16xi32>,
        %bitcast3A_1257 = vector.bitcast %get3A_1249 : vector<16xi32> to vector<32xbf16>
        %bitcast3A_1258 = vector.bitcast %get3A_1256 : vector<16xi32> to vector<32xbf16>
        %mul3A_1259 = arith.mulf %bitcast3A_1257, %bitcast3A_1258 : vector<32xbf16>
        %unpack3A_1260 = tpu.unpack_subelements %mul3A_1259, 0 {pack_format = #tpu.pack_format<interleaved>} : vector<32xbf16> -> vector<16xf32>
        %unpack3A_1261 = tpu.unpack_subelements %mul3A_1259, 1 {pack_format = #tpu.pack_format<interleaved>} : vector<32xbf16> -> vector<16xf32>
        %add3A_1262 = arith.addf %unpack3A_1260, %unpack3A_1261 : vector<16xf32>
        %add3A_1263 = arith.addf %add3A_1202, %add3A_1222 : vector<16xf32>
        %add3A_1264 = arith.addf %add3A_1242, %add3A_1262 : vector<16xf32>
        %add3A_1265 = arith.addf %add3A_1263, %add3A_1264 : vector<16xf32>
        %swap3A_1266 = arith.constant 192 : index
        %swap3A_1267 = tpu.vector_load %arg10[%swap3A_1266] {strides = array<i32>} : memref<256xf32, #tpu.memory_space<vmem>>, vector<16xf32>,
        tpu.vector_store %arg10[%swap3A_1266], %add3A_1265 {strides = array<i32>} : memref<256xf32, #tpu.memory_space<vmem>>, vector<16xf32>,
        %add3A_1268 = arith.constant 13 : i32
        %add3A_1269 = arith.addi %mul3A_166, %add3A_1268 : i32
        %get3A_1270 = arith.constant 0 : i32
        %get3A_1271 = arith.index_cast %get3A_1270 : i32 to index
        %get3A_1272 = arith.index_cast %add3A_1269 : i32 to index
        %get3A_1273 = arith.constant 0 : index
        %get3A_1274 = tpu.vector_load %arg8[%get3A_1271, %get3A_1272, %get3A_1273] {strides = array<i32>} : memref<2x80x64xi32, #tpu.memory_space<vmem>>, vector<16xi32>,
        %add3A_1275 = arith.constant 13 : i32
        %add3A_1276 = arith.addi %mul3A_166, %add3A_1275 : i32
        %get3A_1277 = arith.constant 0 : i32
        %get3A_1278 = arith.index_cast %get3A_1277 : i32 to index
        %get3A_1279 = arith.index_cast %add3A_1276 : i32 to index
        %get3A_1280 = arith.constant 0 : index
        %get3A_1281 = tpu.vector_load %arg9[%get3A_1278, %get3A_1279, %get3A_1280] {strides = array<i32>} : memref<2x80x64xi32, #tpu.memory_space<vmem>>, vector<16xi32>,
        %bitcast3A_1282 = vector.bitcast %get3A_1274 : vector<16xi32> to vector<32xbf16>
        %bitcast3A_1283 = vector.bitcast %get3A_1281 : vector<16xi32> to vector<32xbf16>
        %mul3A_1284 = arith.mulf %bitcast3A_1282, %bitcast3A_1283 : vector<32xbf16>
        %unpack3A_1285 = tpu.unpack_subelements %mul3A_1284, 0 {pack_format = #tpu.pack_format<interleaved>} : vector<32xbf16> -> vector<16xf32>
        %unpack3A_1286 = tpu.unpack_subelements %mul3A_1284, 1 {pack_format = #tpu.pack_format<interleaved>} : vector<32xbf16> -> vector<16xf32>
        %add3A_1287 = arith.addf %unpack3A_1285, %unpack3A_1286 : vector<16xf32>
        %add3A_1288 = arith.constant 13 : i32
        %add3A_1289 = arith.addi %mul3A_166, %add3A_1288 : i32
        %get3A_1290 = arith.constant 0 : i32
        %get3A_1291 = arith.index_cast %get3A_1290 : i32 to index
        %get3A_1292 = arith.index_cast %add3A_1289 : i32 to index
        %get3A_1293 = arith.constant 16 : index
        %get3A_1294 = tpu.vector_load %arg8[%get3A_1291, %get3A_1292, %get3A_1293] {strides = array<i32>} : memref<2x80x64xi32, #tpu.memory_space<vmem>>, vector<16xi32>,
        %add3A_1295 = arith.constant 13 : i32
        %add3A_1296 = arith.addi %mul3A_166, %add3A_1295 : i32
        %get3A_1297 = arith.constant 0 : i32
        %get3A_1298 = arith.index_cast %get3A_1297 : i32 to index
        %get3A_1299 = arith.index_cast %add3A_1296 : i32 to index
        %get3A_1300 = arith.constant 16 : index
        %get3A_1301 = tpu.vector_load %arg9[%get3A_1298, %get3A_1299, %get3A_1300] {strides = array<i32>} : memref<2x80x64xi32, #tpu.memory_space<vmem>>, vector<16xi32>,
        %bitcast3A_1302 = vector.bitcast %get3A_1294 : vector<16xi32> to vector<32xbf16>
        %bitcast3A_1303 = vector.bitcast %get3A_1301 : vector<16xi32> to vector<32xbf16>
        %mul3A_1304 = arith.mulf %bitcast3A_1302, %bitcast3A_1303 : vector<32xbf16>
        %unpack3A_1305 = tpu.unpack_subelements %mul3A_1304, 0 {pack_format = #tpu.pack_format<interleaved>} : vector<32xbf16> -> vector<16xf32>
        %unpack3A_1306 = tpu.unpack_subelements %mul3A_1304, 1 {pack_format = #tpu.pack_format<interleaved>} : vector<32xbf16> -> vector<16xf32>
        %add3A_1307 = arith.addf %unpack3A_1305, %unpack3A_1306 : vector<16xf32>
        %add3A_1308 = arith.constant 13 : i32
        %add3A_1309 = arith.addi %mul3A_166, %add3A_1308 : i32
        %get3A_1310 = arith.constant 0 : i32
        %get3A_1311 = arith.index_cast %get3A_1310 : i32 to index
        %get3A_1312 = arith.index_cast %add3A_1309 : i32 to index
        %get3A_1313 = arith.constant 32 : index
        %get3A_1314 = tpu.vector_load %arg8[%get3A_1311, %get3A_1312, %get3A_1313] {strides = array<i32>} : memref<2x80x64xi32, #tpu.memory_space<vmem>>, vector<16xi32>,
        %add3A_1315 = arith.constant 13 : i32
        %add3A_1316 = arith.addi %mul3A_166, %add3A_1315 : i32
        %get3A_1317 = arith.constant 0 : i32
        %get3A_1318 = arith.index_cast %get3A_1317 : i32 to index
        %get3A_1319 = arith.index_cast %add3A_1316 : i32 to index
        %get3A_1320 = arith.constant 32 : index
        %get3A_1321 = tpu.vector_load %arg9[%get3A_1318, %get3A_1319, %get3A_1320] {strides = array<i32>} : memref<2x80x64xi32, #tpu.memory_space<vmem>>, vector<16xi32>,
        %bitcast3A_1322 = vector.bitcast %get3A_1314 : vector<16xi32> to vector<32xbf16>
        %bitcast3A_1323 = vector.bitcast %get3A_1321 : vector<16xi32> to vector<32xbf16>
        %mul3A_1324 = arith.mulf %bitcast3A_1322, %bitcast3A_1323 : vector<32xbf16>
        %unpack3A_1325 = tpu.unpack_subelements %mul3A_1324, 0 {pack_format = #tpu.pack_format<interleaved>} : vector<32xbf16> -> vector<16xf32>
        %unpack3A_1326 = tpu.unpack_subelements %mul3A_1324, 1 {pack_format = #tpu.pack_format<interleaved>} : vector<32xbf16> -> vector<16xf32>
        %add3A_1327 = arith.addf %unpack3A_1325, %unpack3A_1326 : vector<16xf32>
        %add3A_1328 = arith.constant 13 : i32
        %add3A_1329 = arith.addi %mul3A_166, %add3A_1328 : i32
        %get3A_1330 = arith.constant 0 : i32
        %get3A_1331 = arith.index_cast %get3A_1330 : i32 to index
        %get3A_1332 = arith.index_cast %add3A_1329 : i32 to index
        %get3A_1333 = arith.constant 48 : index
        %get3A_1334 = tpu.vector_load %arg8[%get3A_1331, %get3A_1332, %get3A_1333] {strides = array<i32>} : memref<2x80x64xi32, #tpu.memory_space<vmem>>, vector<16xi32>,
        %add3A_1335 = arith.constant 13 : i32
        %add3A_1336 = arith.addi %mul3A_166, %add3A_1335 : i32
        %get3A_1337 = arith.constant 0 : i32
        %get3A_1338 = arith.index_cast %get3A_1337 : i32 to index
        %get3A_1339 = arith.index_cast %add3A_1336 : i32 to index
        %get3A_1340 = arith.constant 48 : index
        %get3A_1341 = tpu.vector_load %arg9[%get3A_1338, %get3A_1339, %get3A_1340] {strides = array<i32>} : memref<2x80x64xi32, #tpu.memory_space<vmem>>, vector<16xi32>,
        %bitcast3A_1342 = vector.bitcast %get3A_1334 : vector<16xi32> to vector<32xbf16>
        %bitcast3A_1343 = vector.bitcast %get3A_1341 : vector<16xi32> to vector<32xbf16>
        %mul3A_1344 = arith.mulf %bitcast3A_1342, %bitcast3A_1343 : vector<32xbf16>
        %unpack3A_1345 = tpu.unpack_subelements %mul3A_1344, 0 {pack_format = #tpu.pack_format<interleaved>} : vector<32xbf16> -> vector<16xf32>
        %unpack3A_1346 = tpu.unpack_subelements %mul3A_1344, 1 {pack_format = #tpu.pack_format<interleaved>} : vector<32xbf16> -> vector<16xf32>
        %add3A_1347 = arith.addf %unpack3A_1345, %unpack3A_1346 : vector<16xf32>
        %add3A_1348 = arith.addf %add3A_1287, %add3A_1307 : vector<16xf32>
        %add3A_1349 = arith.addf %add3A_1327, %add3A_1347 : vector<16xf32>
        %add3A_1350 = arith.addf %add3A_1348, %add3A_1349 : vector<16xf32>
        %swap3A_1351 = arith.constant 208 : index
        %swap3A_1352 = tpu.vector_load %arg10[%swap3A_1351] {strides = array<i32>} : memref<256xf32, #tpu.memory_space<vmem>>, vector<16xf32>,
        tpu.vector_store %arg10[%swap3A_1351], %add3A_1350 {strides = array<i32>} : memref<256xf32, #tpu.memory_space<vmem>>, vector<16xf32>,
        %add3A_1353 = arith.constant 14 : i32
        %add3A_1354 = arith.addi %mul3A_166, %add3A_1353 : i32
        %get3A_1355 = arith.constant 0 : i32
        %get3A_1356 = arith.index_cast %get3A_1355 : i32 to index
        %get3A_1357 = arith.index_cast %add3A_1354 : i32 to index
        %get3A_1358 = arith.constant 0 : index
        %get3A_1359 = tpu.vector_load %arg8[%get3A_1356, %get3A_1357, %get3A_1358] {strides = array<i32>} : memref<2x80x64xi32, #tpu.memory_space<vmem>>, vector<16xi32>,
        %add3A_1360 = arith.constant 14 : i32
        %add3A_1361 = arith.addi %mul3A_166, %add3A_1360 : i32
        %get3A_1362 = arith.constant 0 : i32
        %get3A_1363 = arith.index_cast %get3A_1362 : i32 to index
        %get3A_1364 = arith.index_cast %add3A_1361 : i32 to index
        %get3A_1365 = arith.constant 0 : index
        %get3A_1366 = tpu.vector_load %arg9[%get3A_1363, %get3A_1364, %get3A_1365] {strides = array<i32>} : memref<2x80x64xi32, #tpu.memory_space<vmem>>, vector<16xi32>,
        %bitcast3A_1367 = vector.bitcast %get3A_1359 : vector<16xi32> to vector<32xbf16>
        %bitcast3A_1368 = vector.bitcast %get3A_1366 : vector<16xi32> to vector<32xbf16>
        %mul3A_1369 = arith.mulf %bitcast3A_1367, %bitcast3A_1368 : vector<32xbf16>
        %unpack3A_1370 = tpu.unpack_subelements %mul3A_1369, 0 {pack_format = #tpu.pack_format<interleaved>} : vector<32xbf16> -> vector<16xf32>
        %unpack3A_1371 = tpu.unpack_subelements %mul3A_1369, 1 {pack_format = #tpu.pack_format<interleaved>} : vector<32xbf16> -> vector<16xf32>
        %add3A_1372 = arith.addf %unpack3A_1370, %unpack3A_1371 : vector<16xf32>
        %add3A_1373 = arith.constant 14 : i32
        %add3A_1374 = arith.addi %mul3A_166, %add3A_1373 : i32
        %get3A_1375 = arith.constant 0 : i32
        %get3A_1376 = arith.index_cast %get3A_1375 : i32 to index
        %get3A_1377 = arith.index_cast %add3A_1374 : i32 to index
        %get3A_1378 = arith.constant 16 : index
        %get3A_1379 = tpu.vector_load %arg8[%get3A_1376, %get3A_1377, %get3A_1378] {strides = array<i32>} : memref<2x80x64xi32, #tpu.memory_space<vmem>>, vector<16xi32>,
        %add3A_1380 = arith.constant 14 : i32
        %add3A_1381 = arith.addi %mul3A_166, %add3A_1380 : i32
        %get3A_1382 = arith.constant 0 : i32
        %get3A_1383 = arith.index_cast %get3A_1382 : i32 to index
        %get3A_1384 = arith.index_cast %add3A_1381 : i32 to index
        %get3A_1385 = arith.constant 16 : index
        %get3A_1386 = tpu.vector_load %arg9[%get3A_1383, %get3A_1384, %get3A_1385] {strides = array<i32>} : memref<2x80x64xi32, #tpu.memory_space<vmem>>, vector<16xi32>,
        %bitcast3A_1387 = vector.bitcast %get3A_1379 : vector<16xi32> to vector<32xbf16>
        %bitcast3A_1388 = vector.bitcast %get3A_1386 : vector<16xi32> to vector<32xbf16>
        %mul3A_1389 = arith.mulf %bitcast3A_1387, %bitcast3A_1388 : vector<32xbf16>
        %unpack3A_1390 = tpu.unpack_subelements %mul3A_1389, 0 {pack_format = #tpu.pack_format<interleaved>} : vector<32xbf16> -> vector<16xf32>
        %unpack3A_1391 = tpu.unpack_subelements %mul3A_1389, 1 {pack_format = #tpu.pack_format<interleaved>} : vector<32xbf16> -> vector<16xf32>
        %add3A_1392 = arith.addf %unpack3A_1390, %unpack3A_1391 : vector<16xf32>
        %add3A_1393 = arith.constant 14 : i32
        %add3A_1394 = arith.addi %mul3A_166, %add3A_1393 : i32
        %get3A_1395 = arith.constant 0 : i32
        %get3A_1396 = arith.index_cast %get3A_1395 : i32 to index
        %get3A_1397 = arith.index_cast %add3A_1394 : i32 to index
        %get3A_1398 = arith.constant 32 : index
        %get3A_1399 = tpu.vector_load %arg8[%get3A_1396, %get3A_1397, %get3A_1398] {strides = array<i32>} : memref<2x80x64xi32, #tpu.memory_space<vmem>>, vector<16xi32>,
        %add3A_1400 = arith.constant 14 : i32
        %add3A_1401 = arith.addi %mul3A_166, %add3A_1400 : i32
        %get3A_1402 = arith.constant 0 : i32
        %get3A_1403 = arith.index_cast %get3A_1402 : i32 to index
        %get3A_1404 = arith.index_cast %add3A_1401 : i32 to index
        %get3A_1405 = arith.constant 32 : index
        %get3A_1406 = tpu.vector_load %arg9[%get3A_1403, %get3A_1404, %get3A_1405] {strides = array<i32>} : memref<2x80x64xi32, #tpu.memory_space<vmem>>, vector<16xi32>,
        %bitcast3A_1407 = vector.bitcast %get3A_1399 : vector<16xi32> to vector<32xbf16>
        %bitcast3A_1408 = vector.bitcast %get3A_1406 : vector<16xi32> to vector<32xbf16>
        %mul3A_1409 = arith.mulf %bitcast3A_1407, %bitcast3A_1408 : vector<32xbf16>
        %unpack3A_1410 = tpu.unpack_subelements %mul3A_1409, 0 {pack_format = #tpu.pack_format<interleaved>} : vector<32xbf16> -> vector<16xf32>
        %unpack3A_1411 = tpu.unpack_subelements %mul3A_1409, 1 {pack_format = #tpu.pack_format<interleaved>} : vector<32xbf16> -> vector<16xf32>
        %add3A_1412 = arith.addf %unpack3A_1410, %unpack3A_1411 : vector<16xf32>
        %add3A_1413 = arith.constant 14 : i32
        %add3A_1414 = arith.addi %mul3A_166, %add3A_1413 : i32
        %get3A_1415 = arith.constant 0 : i32
        %get3A_1416 = arith.index_cast %get3A_1415 : i32 to index
        %get3A_1417 = arith.index_cast %add3A_1414 : i32 to index
        %get3A_1418 = arith.constant 48 : index
        %get3A_1419 = tpu.vector_load %arg8[%get3A_1416, %get3A_1417, %get3A_1418] {strides = array<i32>} : memref<2x80x64xi32, #tpu.memory_space<vmem>>, vector<16xi32>,
        %add3A_1420 = arith.constant 14 : i32
        %add3A_1421 = arith.addi %mul3A_166, %add3A_1420 : i32
        %get3A_1422 = arith.constant 0 : i32
        %get3A_1423 = arith.index_cast %get3A_1422 : i32 to index
        %get3A_1424 = arith.index_cast %add3A_1421 : i32 to index
        %get3A_1425 = arith.constant 48 : index
        %get3A_1426 = tpu.vector_load %arg9[%get3A_1423, %get3A_1424, %get3A_1425] {strides = array<i32>} : memref<2x80x64xi32, #tpu.memory_space<vmem>>, vector<16xi32>,
        %bitcast3A_1427 = vector.bitcast %get3A_1419 : vector<16xi32> to vector<32xbf16>
        %bitcast3A_1428 = vector.bitcast %get3A_1426 : vector<16xi32> to vector<32xbf16>
        %mul3A_1429 = arith.mulf %bitcast3A_1427, %bitcast3A_1428 : vector<32xbf16>
        %unpack3A_1430 = tpu.unpack_subelements %mul3A_1429, 0 {pack_format = #tpu.pack_format<interleaved>} : vector<32xbf16> -> vector<16xf32>
        %unpack3A_1431 = tpu.unpack_subelements %mul3A_1429, 1 {pack_format = #tpu.pack_format<interleaved>} : vector<32xbf16> -> vector<16xf32>
        %add3A_1432 = arith.addf %unpack3A_1430, %unpack3A_1431 : vector<16xf32>
        %add3A_1433 = arith.addf %add3A_1372, %add3A_1392 : vector<16xf32>
        %add3A_1434 = arith.addf %add3A_1412, %add3A_1432 : vector<16xf32>
        %add3A_1435 = arith.addf %add3A_1433, %add3A_1434 : vector<16xf32>
        %swap3A_1436 = arith.constant 224 : index
        %swap3A_1437 = tpu.vector_load %arg10[%swap3A_1436] {strides = array<i32>} : memref<256xf32, #tpu.memory_space<vmem>>, vector<16xf32>,
        tpu.vector_store %arg10[%swap3A_1436], %add3A_1435 {strides = array<i32>} : memref<256xf32, #tpu.memory_space<vmem>>, vector<16xf32>,
        %add3A_1438 = arith.constant 15 : i32
        %add3A_1439 = arith.addi %mul3A_166, %add3A_1438 : i32
        %get3A_1440 = arith.constant 0 : i32
        %get3A_1441 = arith.index_cast %get3A_1440 : i32 to index
        %get3A_1442 = arith.index_cast %add3A_1439 : i32 to index
        %get3A_1443 = arith.constant 0 : index
        %get3A_1444 = tpu.vector_load %arg8[%get3A_1441, %get3A_1442, %get3A_1443] {strides = array<i32>} : memref<2x80x64xi32, #tpu.memory_space<vmem>>, vector<16xi32>,
        %add3A_1445 = arith.constant 15 : i32
        %add3A_1446 = arith.addi %mul3A_166, %add3A_1445 : i32
        %get3A_1447 = arith.constant 0 : i32
        %get3A_1448 = arith.index_cast %get3A_1447 : i32 to index
        %get3A_1449 = arith.index_cast %add3A_1446 : i32 to index
        %get3A_1450 = arith.constant 0 : index
        %get3A_1451 = tpu.vector_load %arg9[%get3A_1448, %get3A_1449, %get3A_1450] {strides = array<i32>} : memref<2x80x64xi32, #tpu.memory_space<vmem>>, vector<16xi32>,
        %bitcast3A_1452 = vector.bitcast %get3A_1444 : vector<16xi32> to vector<32xbf16>
        %bitcast3A_1453 = vector.bitcast %get3A_1451 : vector<16xi32> to vector<32xbf16>
        %mul3A_1454 = arith.mulf %bitcast3A_1452, %bitcast3A_1453 : vector<32xbf16>
        %unpack3A_1455 = tpu.unpack_subelements %mul3A_1454, 0 {pack_format = #tpu.pack_format<interleaved>} : vector<32xbf16> -> vector<16xf32>
        %unpack3A_1456 = tpu.unpack_subelements %mul3A_1454, 1 {pack_format = #tpu.pack_format<interleaved>} : vector<32xbf16> -> vector<16xf32>
        %add3A_1457 = arith.addf %unpack3A_1455, %unpack3A_1456 : vector<16xf32>
        %add3A_1458 = arith.constant 15 : i32
        %add3A_1459 = arith.addi %mul3A_166, %add3A_1458 : i32
        %get3A_1460 = arith.constant 0 : i32
        %get3A_1461 = arith.index_cast %get3A_1460 : i32 to index
        %get3A_1462 = arith.index_cast %add3A_1459 : i32 to index
        %get3A_1463 = arith.constant 16 : index
        %get3A_1464 = tpu.vector_load %arg8[%get3A_1461, %get3A_1462, %get3A_1463] {strides = array<i32>} : memref<2x80x64xi32, #tpu.memory_space<vmem>>, vector<16xi32>,
        %add3A_1465 = arith.constant 15 : i32
        %add3A_1466 = arith.addi %mul3A_166, %add3A_1465 : i32
        %get3A_1467 = arith.constant 0 : i32
        %get3A_1468 = arith.index_cast %get3A_1467 : i32 to index
        %get3A_1469 = arith.index_cast %add3A_1466 : i32 to index
        %get3A_1470 = arith.constant 16 : index
        %get3A_1471 = tpu.vector_load %arg9[%get3A_1468, %get3A_1469, %get3A_1470] {strides = array<i32>} : memref<2x80x64xi32, #tpu.memory_space<vmem>>, vector<16xi32>,
        %bitcast3A_1472 = vector.bitcast %get3A_1464 : vector<16xi32> to vector<32xbf16>
        %bitcast3A_1473 = vector.bitcast %get3A_1471 : vector<16xi32> to vector<32xbf16>
        %mul3A_1474 = arith.mulf %bitcast3A_1472, %bitcast3A_1473 : vector<32xbf16>
        %unpack3A_1475 = tpu.unpack_subelements %mul3A_1474, 0 {pack_format = #tpu.pack_format<interleaved>} : vector<32xbf16> -> vector<16xf32>
        %unpack3A_1476 = tpu.unpack_subelements %mul3A_1474, 1 {pack_format = #tpu.pack_format<interleaved>} : vector<32xbf16> -> vector<16xf32>
        %add3A_1477 = arith.addf %unpack3A_1475, %unpack3A_1476 : vector<16xf32>
        %add3A_1478 = arith.constant 15 : i32
        %add3A_1479 = arith.addi %mul3A_166, %add3A_1478 : i32
        %get3A_1480 = arith.constant 0 : i32
        %get3A_1481 = arith.index_cast %get3A_1480 : i32 to index
        %get3A_1482 = arith.index_cast %add3A_1479 : i32 to index
        %get3A_1483 = arith.constant 32 : index
        %get3A_1484 = tpu.vector_load %arg8[%get3A_1481, %get3A_1482, %get3A_1483] {strides = array<i32>} : memref<2x80x64xi32, #tpu.memory_space<vmem>>, vector<16xi32>,
        %add3A_1485 = arith.constant 15 : i32
        %add3A_1486 = arith.addi %mul3A_166, %add3A_1485 : i32
        %get3A_1487 = arith.constant 0 : i32
        %get3A_1488 = arith.index_cast %get3A_1487 : i32 to index
        %get3A_1489 = arith.index_cast %add3A_1486 : i32 to index
        %get3A_1490 = arith.constant 32 : index
        %get3A_1491 = tpu.vector_load %arg9[%get3A_1488, %get3A_1489, %get3A_1490] {strides = array<i32>} : memref<2x80x64xi32, #tpu.memory_space<vmem>>, vector<16xi32>,
        %bitcast3A_1492 = vector.bitcast %get3A_1484 : vector<16xi32> to vector<32xbf16>
        %bitcast3A_1493 = vector.bitcast %get3A_1491 : vector<16xi32> to vector<32xbf16>
        %mul3A_1494 = arith.mulf %bitcast3A_1492, %bitcast3A_1493 : vector<32xbf16>
        %unpack3A_1495 = tpu.unpack_subelements %mul3A_1494, 0 {pack_format = #tpu.pack_format<interleaved>} : vector<32xbf16> -> vector<16xf32>
        %unpack3A_1496 = tpu.unpack_subelements %mul3A_1494, 1 {pack_format = #tpu.pack_format<interleaved>} : vector<32xbf16> -> vector<16xf32>
        %add3A_1497 = arith.addf %unpack3A_1495, %unpack3A_1496 : vector<16xf32>
        %add3A_1498 = arith.constant 15 : i32
        %add3A_1499 = arith.addi %mul3A_166, %add3A_1498 : i32
        %get3A_1500 = arith.constant 0 : i32
        %get3A_1501 = arith.index_cast %get3A_1500 : i32 to index
        %get3A_1502 = arith.index_cast %add3A_1499 : i32 to index
        %get3A_1503 = arith.constant 48 : index
        %get3A_1504 = tpu.vector_load %arg8[%get3A_1501, %get3A_1502, %get3A_1503] {strides = array<i32>} : memref<2x80x64xi32, #tpu.memory_space<vmem>>, vector<16xi32>,
        %add3A_1505 = arith.constant 15 : i32
        %add3A_1506 = arith.addi %mul3A_166, %add3A_1505 : i32
        %get3A_1507 = arith.constant 0 : i32
        %get3A_1508 = arith.index_cast %get3A_1507 : i32 to index
        %get3A_1509 = arith.index_cast %add3A_1506 : i32 to index
        %get3A_1510 = arith.constant 48 : index
        %get3A_1511 = tpu.vector_load %arg9[%get3A_1508, %get3A_1509, %get3A_1510] {strides = array<i32>} : memref<2x80x64xi32, #tpu.memory_space<vmem>>, vector<16xi32>,
        %bitcast3A_1512 = vector.bitcast %get3A_1504 : vector<16xi32> to vector<32xbf16>
        %bitcast3A_1513 = vector.bitcast %get3A_1511 : vector<16xi32> to vector<32xbf16>
        %mul3A_1514 = arith.mulf %bitcast3A_1512, %bitcast3A_1513 : vector<32xbf16>
        %unpack3A_1515 = tpu.unpack_subelements %mul3A_1514, 0 {pack_format = #tpu.pack_format<interleaved>} : vector<32xbf16> -> vector<16xf32>
        %unpack3A_1516 = tpu.unpack_subelements %mul3A_1514, 1 {pack_format = #tpu.pack_format<interleaved>} : vector<32xbf16> -> vector<16xf32>
        %add3A_1517 = arith.addf %unpack3A_1515, %unpack3A_1516 : vector<16xf32>
        %add3A_1518 = arith.addf %add3A_1457, %add3A_1477 : vector<16xf32>
        %add3A_1519 = arith.addf %add3A_1497, %add3A_1517 : vector<16xf32>
        %add3A_1520 = arith.addf %add3A_1518, %add3A_1519 : vector<16xf32>
        %swap3A_1521 = arith.constant 240 : index
        %swap3A_1522 = tpu.vector_load %arg10[%swap3A_1521] {strides = array<i32>} : memref<256xf32, #tpu.memory_space<vmem>>, vector<16xf32>,
        tpu.vector_store %arg10[%swap3A_1521], %add3A_1520 {strides = array<i32>} : memref<256xf32, #tpu.memory_space<vmem>>, vector<16xf32>,
        %broadcast_in_dim3A = arith.constant 0.000000e+00 : f32
        %broadcast_in_dim3A_1523 = vector.broadcast %broadcast_in_dim3A : f32 to vector<16xf32>
        %add3A_1524 = arith.constant 0 : i32
        %add3A_1525 = vector.broadcast %add3A_1524 : i32 to vector<16xi32>
        %add3A_1526 = arith.addi %mul3A_5, %add3A_1525 : vector<16xi32>
        %gather3A = tpu.vector_load_idx %arg10[%add3A_1526] : memref<256xf32, #tpu.memory_space<vmem>>[vector<16xi32>], vector<16xf32>,
        %add3A_1527 = arith.addf %broadcast_in_dim3A_1523, %gather3A : vector<16xf32>
        %add3A_1528 = arith.constant 1 : i32
        %add3A_1529 = vector.broadcast %add3A_1528 : i32 to vector<16xi32>
        %add3A_1530 = arith.addi %mul3A_5, %add3A_1529 : vector<16xi32>
        %gather3A_1531 = tpu.vector_load_idx %arg10[%add3A_1530] : memref<256xf32, #tpu.memory_space<vmem>>[vector<16xi32>], vector<16xf32>,
        %add3A_1532 = arith.addf %add3A_1527, %gather3A_1531 : vector<16xf32>
        %add3A_1533 = arith.constant 2 : i32
        %add3A_1534 = vector.broadcast %add3A_1533 : i32 to vector<16xi32>
        %add3A_1535 = arith.addi %mul3A_5, %add3A_1534 : vector<16xi32>
        %gather3A_1536 = tpu.vector_load_idx %arg10[%add3A_1535] : memref<256xf32, #tpu.memory_space<vmem>>[vector<16xi32>], vector<16xf32>,
        %add3A_1537 = arith.addf %add3A_1532, %gather3A_1536 : vector<16xf32>
        %add3A_1538 = arith.constant 3 : i32
        %add3A_1539 = vector.broadcast %add3A_1538 : i32 to vector<16xi32>
        %add3A_1540 = arith.addi %mul3A_5, %add3A_1539 : vector<16xi32>
        %gather3A_1541 = tpu.vector_load_idx %arg10[%add3A_1540] : memref<256xf32, #tpu.memory_space<vmem>>[vector<16xi32>], vector<16xf32>,
        %add3A_1542 = arith.addf %add3A_1537, %gather3A_1541 : vector<16xf32>
        %add3A_1543 = arith.constant 4 : i32
        %add3A_1544 = vector.broadcast %add3A_1543 : i32 to vector<16xi32>
        %add3A_1545 = arith.addi %mul3A_5, %add3A_1544 : vector<16xi32>
        %gather3A_1546 = tpu.vector_load_idx %arg10[%add3A_1545] : memref<256xf32, #tpu.memory_space<vmem>>[vector<16xi32>], vector<16xf32>,
        %add3A_1547 = arith.addf %add3A_1542, %gather3A_1546 : vector<16xf32>
        %add3A_1548 = arith.constant 5 : i32
        %add3A_1549 = vector.broadcast %add3A_1548 : i32 to vector<16xi32>
        %add3A_1550 = arith.addi %mul3A_5, %add3A_1549 : vector<16xi32>
        %gather3A_1551 = tpu.vector_load_idx %arg10[%add3A_1550] : memref<256xf32, #tpu.memory_space<vmem>>[vector<16xi32>], vector<16xf32>,
        %add3A_1552 = arith.addf %add3A_1547, %gather3A_1551 : vector<16xf32>
        %add3A_1553 = arith.constant 6 : i32
        %add3A_1554 = vector.broadcast %add3A_1553 : i32 to vector<16xi32>
        %add3A_1555 = arith.addi %mul3A_5, %add3A_1554 : vector<16xi32>
        %gather3A_1556 = tpu.vector_load_idx %arg10[%add3A_1555] : memref<256xf32, #tpu.memory_space<vmem>>[vector<16xi32>], vector<16xf32>,
        %add3A_1557 = arith.addf %add3A_1552, %gather3A_1556 : vector<16xf32>
        %add3A_1558 = arith.constant 7 : i32
        %add3A_1559 = vector.broadcast %add3A_1558 : i32 to vector<16xi32>
        %add3A_1560 = arith.addi %mul3A_5, %add3A_1559 : vector<16xi32>
        %gather3A_1561 = tpu.vector_load_idx %arg10[%add3A_1560] : memref<256xf32, #tpu.memory_space<vmem>>[vector<16xi32>], vector<16xf32>,
        %add3A_1562 = arith.addf %add3A_1557, %gather3A_1561 : vector<16xf32>
        %add3A_1563 = arith.constant 8 : i32
        %add3A_1564 = vector.broadcast %add3A_1563 : i32 to vector<16xi32>
        %add3A_1565 = arith.addi %mul3A_5, %add3A_1564 : vector<16xi32>
        %gather3A_1566 = tpu.vector_load_idx %arg10[%add3A_1565] : memref<256xf32, #tpu.memory_space<vmem>>[vector<16xi32>], vector<16xf32>,
        %add3A_1567 = arith.addf %add3A_1562, %gather3A_1566 : vector<16xf32>
        %add3A_1568 = arith.constant 9 : i32
        %add3A_1569 = vector.broadcast %add3A_1568 : i32 to vector<16xi32>
        %add3A_1570 = arith.addi %mul3A_5, %add3A_1569 : vector<16xi32>
        %gather3A_1571 = tpu.vector_load_idx %arg10[%add3A_1570] : memref<256xf32, #tpu.memory_space<vmem>>[vector<16xi32>], vector<16xf32>,
        %add3A_1572 = arith.addf %add3A_1567, %gather3A_1571 : vector<16xf32>
        %add3A_1573 = arith.constant 10 : i32
        %add3A_1574 = vector.broadcast %add3A_1573 : i32 to vector<16xi32>
        %add3A_1575 = arith.addi %mul3A_5, %add3A_1574 : vector<16xi32>
        %gather3A_1576 = tpu.vector_load_idx %arg10[%add3A_1575] : memref<256xf32, #tpu.memory_space<vmem>>[vector<16xi32>], vector<16xf32>,
        %add3A_1577 = arith.addf %add3A_1572, %gather3A_1576 : vector<16xf32>
        %add3A_1578 = arith.constant 11 : i32
        %add3A_1579 = vector.broadcast %add3A_1578 : i32 to vector<16xi32>
        %add3A_1580 = arith.addi %mul3A_5, %add3A_1579 : vector<16xi32>
        %gather3A_1581 = tpu.vector_load_idx %arg10[%add3A_1580] : memref<256xf32, #tpu.memory_space<vmem>>[vector<16xi32>], vector<16xf32>,
        %add3A_1582 = arith.addf %add3A_1577, %gather3A_1581 : vector<16xf32>
        %add3A_1583 = arith.constant 12 : i32
        %add3A_1584 = vector.broadcast %add3A_1583 : i32 to vector<16xi32>
        %add3A_1585 = arith.addi %mul3A_5, %add3A_1584 : vector<16xi32>
        %gather3A_1586 = tpu.vector_load_idx %arg10[%add3A_1585] : memref<256xf32, #tpu.memory_space<vmem>>[vector<16xi32>], vector<16xf32>,
        %add3A_1587 = arith.addf %add3A_1582, %gather3A_1586 : vector<16xf32>
        %add3A_1588 = arith.constant 13 : i32
        %add3A_1589 = vector.broadcast %add3A_1588 : i32 to vector<16xi32>
        %add3A_1590 = arith.addi %mul3A_5, %add3A_1589 : vector<16xi32>
        %gather3A_1591 = tpu.vector_load_idx %arg10[%add3A_1590] : memref<256xf32, #tpu.memory_space<vmem>>[vector<16xi32>], vector<16xf32>,
        %add3A_1592 = arith.addf %add3A_1587, %gather3A_1591 : vector<16xf32>
        %add3A_1593 = arith.constant 14 : i32
        %add3A_1594 = vector.broadcast %add3A_1593 : i32 to vector<16xi32>
        %add3A_1595 = arith.addi %mul3A_5, %add3A_1594 : vector<16xi32>
        %gather3A_1596 = tpu.vector_load_idx %arg10[%add3A_1595] : memref<256xf32, #tpu.memory_space<vmem>>[vector<16xi32>], vector<16xf32>,
        %add3A_1597 = arith.addf %add3A_1592, %gather3A_1596 : vector<16xf32>
        %add3A_1598 = arith.constant 15 : i32
        %add3A_1599 = vector.broadcast %add3A_1598 : i32 to vector<16xi32>
        %add3A_1600 = arith.addi %mul3A_5, %add3A_1599 : vector<16xi32>
        %gather3A_1601 = tpu.vector_load_idx %arg10[%add3A_1600] : memref<256xf32, #tpu.memory_space<vmem>>[vector<16xi32>], vector<16xf32>,
        %add3A_1602 = arith.addf %add3A_1597, %gather3A_1601 : vector<16xf32>
        %mul3A_1603 = arith.constant 80 : i32
        %mul3A_1604 = arith.muli %add3A_59, %mul3A_1603 : i32
        %add3A_1605 = arith.addi %mul3A_1604, %mul3A_166 : i32
        %swap3A_1606 = arith.index_cast %add3A_1605 : i32 to index
        %swap3A_1607 = tpu.vector_load %arg11[%swap3A_1606] {strides = array<i32>} : memref<10000xf32, #tpu.memory_space<vmem>>, vector<16xf32>,
        tpu.vector_store %arg11[%swap3A_1606], %add3A_1602 {strides = array<i32>} : memref<10000xf32, #tpu.memory_space<vmem>>, vector<16xf32>,
      }
      %scan3A_109 = arith.constant 5 : i32
      %mul3A_110 = arith.constant 2 : i32
      %mul3A_111 = arith.muli %mul3A_110, %scan3A_55 : i32
      %add3A_112 = arith.constant 1 : i32
      %add3A_113 = arith.addi %mul3A_111, %add3A_112 : i32
      %add3A_114 = arith.constant 1 : i32
      %add3A_115 = arith.addi %add3A_113, %add3A_114 : i32
      %mul3A_116 = arith.constant 80 : i32
      %mul3A_117 = arith.muli %add3A_115, %mul3A_116 : i32
      %dma_start3A_118 = arith.constant 0 : i32
      %dma_start3A_119 = arith.constant 0 : i32
      %dma_start3A_120 = arith.constant 0 : i32
      %dma_start3A_121 = tpu.memref_slice %arg8[%dma_start3A_118, %dma_start3A_119, %dma_start3A_120] : memref<2x80x64xi32, #tpu.memory_space<vmem>> -> memref<1x80x64xi32, #tpu.memory_space<vmem>>
      %dma_start3A_122 = tpu.memref_squeeze %dma_start3A_121 : memref<1x80x64xi32, #tpu.memory_space<vmem>> -> memref<80x64xi32, #tpu.memory_space<vmem>>
      %dma_start3A_123 = tpu.memref_slice %arg6[%mul3A_117] : memref<10000xi32, #tpu.memory_space<vmem>> -> memref<80xi32, #tpu.memory_space<vmem>>
      %dma_start3A_124 = arith.constant 0 : i32
      %dma_start3A_125 = arith.constant 0 : i32
      %dma_start3A_126 = tpu.memref_slice %arg2[%dma_start3A_124, %dma_start3A_125] : memref<10000x64xi32, #tpu.memory_space<hbm>> -> memref<10000x64xi32, #tpu.memory_space<hbm>>
      tpu.enqueue_indirect_dma source(%dma_start3A_126 : memref<10000x64xi32, #tpu.memory_space<hbm>>) target(%dma_start3A_122 : memref<80x64xi32, #tpu.memory_space<vmem>>) offsets(%dma_start3A_123 : memref<80xi32, #tpu.memory_space<vmem>>) semaphore(%arg12 : memref<!tpu.dma_semaphore, #tpu.memory_space<semaphore_mem>>)
      %mul3A_127 = arith.constant 80 : i32
      %mul3A_128 = arith.muli %add3A_115, %mul3A_127 : i32
      %dma_start3A_129 = arith.constant 0 : i32
      %dma_start3A_130 = arith.constant 0 : i32
      %dma_start3A_131 = arith.constant 0 : i32
      %dma_start3A_132 = tpu.memref_slice %arg9[%dma_start3A_129, %dma_start3A_130, %dma_start3A_131] : memref<2x80x64xi32, #tpu.memory_space<vmem>> -> memref<1x80x64xi32, #tpu.memory_space<vmem>>
      %dma_start3A_133 = tpu.memref_squeeze %dma_start3A_132 : memref<1x80x64xi32, #tpu.memory_space<vmem>> -> memref<80x64xi32, #tpu.memory_space<vmem>>
      %dma_start3A_134 = tpu.memref_slice %arg7[%mul3A_128] : memref<10000xi32, #tpu.memory_space<vmem>> -> memref<80xi32, #tpu.memory_space<vmem>>
      %dma_start3A_135 = arith.constant 0 : i32
      %dma_start3A_136 = arith.constant 0 : i32
      %dma_start3A_137 = tpu.memref_slice %arg2[%dma_start3A_135, %dma_start3A_136] : memref<10000x64xi32, #tpu.memory_space<hbm>> -> memref<10000x64xi32, #tpu.memory_space<hbm>>
      tpu.enqueue_indirect_dma source(%dma_start3A_137 : memref<10000x64xi32, #tpu.memory_space<hbm>>) target(%dma_start3A_133 : memref<80x64xi32, #tpu.memory_space<vmem>>) offsets(%dma_start3A_134 : memref<80xi32, #tpu.memory_space<vmem>>) semaphore(%arg14 : memref<!tpu.dma_semaphore, #tpu.memory_space<semaphore_mem>>)
      %dma_wait3A_138 = arith.constant 1 : i32
      %dma_wait3A_139 = arith.constant 0 : i32
      %dma_wait3A_140 = arith.constant 0 : i32
      %dma_wait3A_141 = tpu.memref_slice %arg8[%dma_wait3A_138, %dma_wait3A_139, %dma_wait3A_140] : memref<2x80x64xi32, #tpu.memory_space<vmem>> -> memref<1x80x64xi32, #tpu.memory_space<vmem>>
      %dma_wait3A_142 = tpu.memref_squeeze %dma_wait3A_141 : memref<1x80x64xi32, #tpu.memory_space<vmem>> -> memref<80x64xi32, #tpu.memory_space<vmem>>
      %dma_wait3A_143 = arith.constant 0 : i32
      %dma_wait3A_144 = tpu.memref_slice %arg6[%dma_wait3A_143] : memref<10000xi32, #tpu.memory_space<vmem>> -> memref<80xi32, #tpu.memory_space<vmem>>
      %dma_wait3A_145 = arith.constant 0 : i32
      %dma_wait3A_146 = arith.constant 0 : i32
      %dma_wait3A_147 = tpu.memref_slice %arg2[%dma_wait3A_145, %dma_wait3A_146] : memref<10000x64xi32, #tpu.memory_space<hbm>> -> memref<10000x64xi32, #tpu.memory_space<hbm>>
      tpu.wait_indirect_dma semaphore(%arg13 : memref<!tpu.dma_semaphore, #tpu.memory_space<semaphore_mem>>) src(%dma_wait3A_147 : memref<10000x64xi32, #tpu.memory_space<hbm>>) dst(%dma_wait3A_142 : memref<80x64xi32, #tpu.memory_space<vmem>>)
      %dma_wait3A_148 = arith.constant 1 : i32
      %dma_wait3A_149 = arith.constant 0 : i32
      %dma_wait3A_150 = arith.constant 0 : i32
      %dma_wait3A_151 = tpu.memref_slice %arg9[%dma_wait3A_148, %dma_wait3A_149, %dma_wait3A_150] : memref<2x80x64xi32, #tpu.memory_space<vmem>> -> memref<1x80x64xi32, #tpu.memory_space<vmem>>
      %dma_wait3A_152 = tpu.memref_squeeze %dma_wait3A_151 : memref<1x80x64xi32, #tpu.memory_space<vmem>> -> memref<80x64xi32, #tpu.memory_space<vmem>>
      %dma_wait3A_153 = arith.constant 0 : i32
      %dma_wait3A_154 = tpu.memref_slice %arg7[%dma_wait3A_153] : memref<10000xi32, #tpu.memory_space<vmem>> -> memref<80xi32, #tpu.memory_space<vmem>>
      %dma_wait3A_155 = arith.constant 0 : i32
      %dma_wait3A_156 = arith.constant 0 : i32
      %dma_wait3A_157 = tpu.memref_slice %arg2[%dma_wait3A_155, %dma_wait3A_156] : memref<10000x64xi32, #tpu.memory_space<hbm>> -> memref<10000x64xi32, #tpu.memory_space<hbm>>
      tpu.wait_indirect_dma semaphore(%arg15 : memref<!tpu.dma_semaphore, #tpu.memory_space<semaphore_mem>>) src(%dma_wait3A_157 : memref<10000x64xi32, #tpu.memory_space<hbm>>) dst(%dma_wait3A_152 : memref<80x64xi32, #tpu.memory_space<vmem>>)
      %scan3A_158 = arith.constant 0 : i32
      %scan3A_159 = arith.constant 0 : i32
      %scan3A_160 = arith.constant 5 : i32
      %scan3A_161 = arith.addi %scan3A_159, %scan3A_160 : i32
      %scan3A_162 = arith.constant 1 : i32
      scf.for %scan3A_164 = %scan3A_159 to %scan3A_161 step %scan3A_162  : i32 {
        %mul3A_165 = arith.constant 16 : i32
        %mul3A_166 = arith.muli %scan3A_164, %mul3A_165 : i32
        %add3A_167 = arith.constant 0 : i32
        %add3A_168 = arith.addi %mul3A_166, %add3A_167 : i32
        %get3A = arith.constant 1 : i32
        %get3A_169 = arith.index_cast %get3A : i32 to index
        %get3A_170 = arith.index_cast %add3A_168 : i32 to index
        %get3A_171 = arith.constant 0 : index
        %get3A_172 = tpu.vector_load %arg8[%get3A_169, %get3A_170, %get3A_171] {strides = array<i32>} : memref<2x80x64xi32, #tpu.memory_space<vmem>>, vector<16xi32>,
        %add3A_173 = arith.constant 0 : i32
        %add3A_174 = arith.addi %mul3A_166, %add3A_173 : i32
        %get3A_175 = arith.constant 1 : i32
        %get3A_176 = arith.index_cast %get3A_175 : i32 to index
        %get3A_177 = arith.index_cast %add3A_174 : i32 to index
        %get3A_178 = arith.constant 0 : index
        %get3A_179 = tpu.vector_load %arg9[%get3A_176, %get3A_177, %get3A_178] {strides = array<i32>} : memref<2x80x64xi32, #tpu.memory_space<vmem>>, vector<16xi32>,
        %bitcast3A = vector.bitcast %get3A_172 : vector<16xi32> to vector<32xbf16>
        %bitcast3A_180 = vector.bitcast %get3A_179 : vector<16xi32> to vector<32xbf16>
        %mul3A_181 = arith.mulf %bitcast3A, %bitcast3A_180 : vector<32xbf16>
        %unpack3A = tpu.unpack_subelements %mul3A_181, 0 {pack_format = #tpu.pack_format<interleaved>} : vector<32xbf16> -> vector<16xf32>
        %unpack3A_182 = tpu.unpack_subelements %mul3A_181, 1 {pack_format = #tpu.pack_format<interleaved>} : vector<32xbf16> -> vector<16xf32>
        %add3A_183 = arith.addf %unpack3A, %unpack3A_182 : vector<16xf32>
        %add3A_184 = arith.constant 0 : i32
        %add3A_185 = arith.addi %mul3A_166, %add3A_184 : i32
        %get3A_186 = arith.constant 1 : i32
        %get3A_187 = arith.index_cast %get3A_186 : i32 to index
        %get3A_188 = arith.index_cast %add3A_185 : i32 to index
        %get3A_189 = arith.constant 16 : index
        %get3A_190 = tpu.vector_load %arg8[%get3A_187, %get3A_188, %get3A_189] {strides = array<i32>} : memref<2x80x64xi32, #tpu.memory_space<vmem>>, vector<16xi32>,
        %add3A_191 = arith.constant 0 : i32
        %add3A_192 = arith.addi %mul3A_166, %add3A_191 : i32
        %get3A_193 = arith.constant 1 : i32
        %get3A_194 = arith.index_cast %get3A_193 : i32 to index
        %get3A_195 = arith.index_cast %add3A_192 : i32 to index
        %get3A_196 = arith.constant 16 : index
        %get3A_197 = tpu.vector_load %arg9[%get3A_194, %get3A_195, %get3A_196] {strides = array<i32>} : memref<2x80x64xi32, #tpu.memory_space<vmem>>, vector<16xi32>,
        %bitcast3A_198 = vector.bitcast %get3A_190 : vector<16xi32> to vector<32xbf16>
        %bitcast3A_199 = vector.bitcast %get3A_197 : vector<16xi32> to vector<32xbf16>
        %mul3A_200 = arith.mulf %bitcast3A_198, %bitcast3A_199 : vector<32xbf16>
        %unpack3A_201 = tpu.unpack_subelements %mul3A_200, 0 {pack_format = #tpu.pack_format<interleaved>} : vector<32xbf16> -> vector<16xf32>
        %unpack3A_202 = tpu.unpack_subelements %mul3A_200, 1 {pack_format = #tpu.pack_format<interleaved>} : vector<32xbf16> -> vector<16xf32>
        %add3A_203 = arith.addf %unpack3A_201, %unpack3A_202 : vector<16xf32>
        %add3A_204 = arith.constant 0 : i32
        %add3A_205 = arith.addi %mul3A_166, %add3A_204 : i32
        %get3A_206 = arith.constant 1 : i32
        %get3A_207 = arith.index_cast %get3A_206 : i32 to index
        %get3A_208 = arith.index_cast %add3A_205 : i32 to index
        %get3A_209 = arith.constant 32 : index
        %get3A_210 = tpu.vector_load %arg8[%get3A_207, %get3A_208, %get3A_209] {strides = array<i32>} : memref<2x80x64xi32, #tpu.memory_space<vmem>>, vector<16xi32>,
        %add3A_211 = arith.constant 0 : i32
        %add3A_212 = arith.addi %mul3A_166, %add3A_211 : i32
        %get3A_213 = arith.constant 1 : i32
        %get3A_214 = arith.index_cast %get3A_213 : i32 to index
        %get3A_215 = arith.index_cast %add3A_212 : i32 to index
        %get3A_216 = arith.constant 32 : index
        %get3A_217 = tpu.vector_load %arg9[%get3A_214, %get3A_215, %get3A_216] {strides = array<i32>} : memref<2x80x64xi32, #tpu.memory_space<vmem>>, vector<16xi32>,
        %bitcast3A_218 = vector.bitcast %get3A_210 : vector<16xi32> to vector<32xbf16>
        %bitcast3A_219 = vector.bitcast %get3A_217 : vector<16xi32> to vector<32xbf16>
        %mul3A_220 = arith.mulf %bitcast3A_218, %bitcast3A_219 : vector<32xbf16>
        %unpack3A_221 = tpu.unpack_subelements %mul3A_220, 0 {pack_format = #tpu.pack_format<interleaved>} : vector<32xbf16> -> vector<16xf32>
        %unpack3A_222 = tpu.unpack_subelements %mul3A_220, 1 {pack_format = #tpu.pack_format<interleaved>} : vector<32xbf16> -> vector<16xf32>
        %add3A_223 = arith.addf %unpack3A_221, %unpack3A_222 : vector<16xf32>
        %add3A_224 = arith.constant 0 : i32
        %add3A_225 = arith.addi %mul3A_166, %add3A_224 : i32
        %get3A_226 = arith.constant 1 : i32
        %get3A_227 = arith.index_cast %get3A_226 : i32 to index
        %get3A_228 = arith.index_cast %add3A_225 : i32 to index
        %get3A_229 = arith.constant 48 : index
        %get3A_230 = tpu.vector_load %arg8[%get3A_227, %get3A_228, %get3A_229] {strides = array<i32>} : memref<2x80x64xi32, #tpu.memory_space<vmem>>, vector<16xi32>,
        %add3A_231 = arith.constant 0 : i32
        %add3A_232 = arith.addi %mul3A_166, %add3A_231 : i32
        %get3A_233 = arith.constant 1 : i32
        %get3A_234 = arith.index_cast %get3A_233 : i32 to index
        %get3A_235 = arith.index_cast %add3A_232 : i32 to index
        %get3A_236 = arith.constant 48 : index
        %get3A_237 = tpu.vector_load %arg9[%get3A_234, %get3A_235, %get3A_236] {strides = array<i32>} : memref<2x80x64xi32, #tpu.memory_space<vmem>>, vector<16xi32>,
        %bitcast3A_238 = vector.bitcast %get3A_230 : vector<16xi32> to vector<32xbf16>
        %bitcast3A_239 = vector.bitcast %get3A_237 : vector<16xi32> to vector<32xbf16>
        %mul3A_240 = arith.mulf %bitcast3A_238, %bitcast3A_239 : vector<32xbf16>
        %unpack3A_241 = tpu.unpack_subelements %mul3A_240, 0 {pack_format = #tpu.pack_format<interleaved>} : vector<32xbf16> -> vector<16xf32>
        %unpack3A_242 = tpu.unpack_subelements %mul3A_240, 1 {pack_format = #tpu.pack_format<interleaved>} : vector<32xbf16> -> vector<16xf32>
        %add3A_243 = arith.addf %unpack3A_241, %unpack3A_242 : vector<16xf32>
        %add3A_244 = arith.addf %add3A_183, %add3A_203 : vector<16xf32>
        %add3A_245 = arith.addf %add3A_223, %add3A_243 : vector<16xf32>
        %add3A_246 = arith.addf %add3A_244, %add3A_245 : vector<16xf32>
        %swap3A = arith.constant 0 : index
        %swap3A_247 = tpu.vector_load %arg10[%swap3A] {strides = array<i32>} : memref<256xf32, #tpu.memory_space<vmem>>, vector<16xf32>,
        tpu.vector_store %arg10[%swap3A], %add3A_246 {strides = array<i32>} : memref<256xf32, #tpu.memory_space<vmem>>, vector<16xf32>,
        %add3A_248 = arith.constant 1 : i32
        %add3A_249 = arith.addi %mul3A_166, %add3A_248 : i32
        %get3A_250 = arith.constant 1 : i32
        %get3A_251 = arith.index_cast %get3A_250 : i32 to index
        %get3A_252 = arith.index_cast %add3A_249 : i32 to index
        %get3A_253 = arith.constant 0 : index
        %get3A_254 = tpu.vector_load %arg8[%get3A_251, %get3A_252, %get3A_253] {strides = array<i32>} : memref<2x80x64xi32, #tpu.memory_space<vmem>>, vector<16xi32>,
        %add3A_255 = arith.constant 1 : i32
        %add3A_256 = arith.addi %mul3A_166, %add3A_255 : i32
        %get3A_257 = arith.constant 1 : i32
        %get3A_258 = arith.index_cast %get3A_257 : i32 to index
        %get3A_259 = arith.index_cast %add3A_256 : i32 to index
        %get3A_260 = arith.constant 0 : index
        %get3A_261 = tpu.vector_load %arg9[%get3A_258, %get3A_259, %get3A_260] {strides = array<i32>} : memref<2x80x64xi32, #tpu.memory_space<vmem>>, vector<16xi32>,
        %bitcast3A_262 = vector.bitcast %get3A_254 : vector<16xi32> to vector<32xbf16>
        %bitcast3A_263 = vector.bitcast %get3A_261 : vector<16xi32> to vector<32xbf16>
        %mul3A_264 = arith.mulf %bitcast3A_262, %bitcast3A_263 : vector<32xbf16>
        %unpack3A_265 = tpu.unpack_subelements %mul3A_264, 0 {pack_format = #tpu.pack_format<interleaved>} : vector<32xbf16> -> vector<16xf32>
        %unpack3A_266 = tpu.unpack_subelements %mul3A_264, 1 {pack_format = #tpu.pack_format<interleaved>} : vector<32xbf16> -> vector<16xf32>
        %add3A_267 = arith.addf %unpack3A_265, %unpack3A_266 : vector<16xf32>
        %add3A_268 = arith.constant 1 : i32
        %add3A_269 = arith.addi %mul3A_166, %add3A_268 : i32
        %get3A_270 = arith.constant 1 : i32
        %get3A_271 = arith.index_cast %get3A_270 : i32 to index
        %get3A_272 = arith.index_cast %add3A_269 : i32 to index
        %get3A_273 = arith.constant 16 : index
        %get3A_274 = tpu.vector_load %arg8[%get3A_271, %get3A_272, %get3A_273] {strides = array<i32>} : memref<2x80x64xi32, #tpu.memory_space<vmem>>, vector<16xi32>,
        %add3A_275 = arith.constant 1 : i32
        %add3A_276 = arith.addi %mul3A_166, %add3A_275 : i32
        %get3A_277 = arith.constant 1 : i32
        %get3A_278 = arith.index_cast %get3A_277 : i32 to index
        %get3A_279 = arith.index_cast %add3A_276 : i32 to index
        %get3A_280 = arith.constant 16 : index
        %get3A_281 = tpu.vector_load %arg9[%get3A_278, %get3A_279, %get3A_280] {strides = array<i32>} : memref<2x80x64xi32, #tpu.memory_space<vmem>>, vector<16xi32>,
        %bitcast3A_282 = vector.bitcast %get3A_274 : vector<16xi32> to vector<32xbf16>
        %bitcast3A_283 = vector.bitcast %get3A_281 : vector<16xi32> to vector<32xbf16>
        %mul3A_284 = arith.mulf %bitcast3A_282, %bitcast3A_283 : vector<32xbf16>
        %unpack3A_285 = tpu.unpack_subelements %mul3A_284, 0 {pack_format = #tpu.pack_format<interleaved>} : vector<32xbf16> -> vector<16xf32>
        %unpack3A_286 = tpu.unpack_subelements %mul3A_284, 1 {pack_format = #tpu.pack_format<interleaved>} : vector<32xbf16> -> vector<16xf32>
        %add3A_287 = arith.addf %unpack3A_285, %unpack3A_286 : vector<16xf32>
        %add3A_288 = arith.constant 1 : i32
        %add3A_289 = arith.addi %mul3A_166, %add3A_288 : i32
        %get3A_290 = arith.constant 1 : i32
        %get3A_291 = arith.index_cast %get3A_290 : i32 to index
        %get3A_292 = arith.index_cast %add3A_289 : i32 to index
        %get3A_293 = arith.constant 32 : index
        %get3A_294 = tpu.vector_load %arg8[%get3A_291, %get3A_292, %get3A_293] {strides = array<i32>} : memref<2x80x64xi32, #tpu.memory_space<vmem>>, vector<16xi32>,
        %add3A_295 = arith.constant 1 : i32
        %add3A_296 = arith.addi %mul3A_166, %add3A_295 : i32
        %get3A_297 = arith.constant 1 : i32
        %get3A_298 = arith.index_cast %get3A_297 : i32 to index
        %get3A_299 = arith.index_cast %add3A_296 : i32 to index
        %get3A_300 = arith.constant 32 : index
        %get3A_301 = tpu.vector_load %arg9[%get3A_298, %get3A_299, %get3A_300] {strides = array<i32>} : memref<2x80x64xi32, #tpu.memory_space<vmem>>, vector<16xi32>,
        %bitcast3A_302 = vector.bitcast %get3A_294 : vector<16xi32> to vector<32xbf16>
        %bitcast3A_303 = vector.bitcast %get3A_301 : vector<16xi32> to vector<32xbf16>
        %mul3A_304 = arith.mulf %bitcast3A_302, %bitcast3A_303 : vector<32xbf16>
        %unpack3A_305 = tpu.unpack_subelements %mul3A_304, 0 {pack_format = #tpu.pack_format<interleaved>} : vector<32xbf16> -> vector<16xf32>
        %unpack3A_306 = tpu.unpack_subelements %mul3A_304, 1 {pack_format = #tpu.pack_format<interleaved>} : vector<32xbf16> -> vector<16xf32>
        %add3A_307 = arith.addf %unpack3A_305, %unpack3A_306 : vector<16xf32>
        %add3A_308 = arith.constant 1 : i32
        %add3A_309 = arith.addi %mul3A_166, %add3A_308 : i32
        %get3A_310 = arith.constant 1 : i32
        %get3A_311 = arith.index_cast %get3A_310 : i32 to index
        %get3A_312 = arith.index_cast %add3A_309 : i32 to index
        %get3A_313 = arith.constant 48 : index
        %get3A_314 = tpu.vector_load %arg8[%get3A_311, %get3A_312, %get3A_313] {strides = array<i32>} : memref<2x80x64xi32, #tpu.memory_space<vmem>>, vector<16xi32>,
        %add3A_315 = arith.constant 1 : i32
        %add3A_316 = arith.addi %mul3A_166, %add3A_315 : i32
        %get3A_317 = arith.constant 1 : i32
        %get3A_318 = arith.index_cast %get3A_317 : i32 to index
        %get3A_319 = arith.index_cast %add3A_316 : i32 to index
        %get3A_320 = arith.constant 48 : index
        %get3A_321 = tpu.vector_load %arg9[%get3A_318, %get3A_319, %get3A_320] {strides = array<i32>} : memref<2x80x64xi32, #tpu.memory_space<vmem>>, vector<16xi32>,
        %bitcast3A_322 = vector.bitcast %get3A_314 : vector<16xi32> to vector<32xbf16>
        %bitcast3A_323 = vector.bitcast %get3A_321 : vector<16xi32> to vector<32xbf16>
        %mul3A_324 = arith.mulf %bitcast3A_322, %bitcast3A_323 : vector<32xbf16>
        %unpack3A_325 = tpu.unpack_subelements %mul3A_324, 0 {pack_format = #tpu.pack_format<interleaved>} : vector<32xbf16> -> vector<16xf32>
        %unpack3A_326 = tpu.unpack_subelements %mul3A_324, 1 {pack_format = #tpu.pack_format<interleaved>} : vector<32xbf16> -> vector<16xf32>
        %add3A_327 = arith.addf %unpack3A_325, %unpack3A_326 : vector<16xf32>
        %add3A_328 = arith.addf %add3A_267, %add3A_287 : vector<16xf32>
        %add3A_329 = arith.addf %add3A_307, %add3A_327 : vector<16xf32>
        %add3A_330 = arith.addf %add3A_328, %add3A_329 : vector<16xf32>
        %swap3A_331 = arith.constant 16 : index
        %swap3A_332 = tpu.vector_load %arg10[%swap3A_331] {strides = array<i32>} : memref<256xf32, #tpu.memory_space<vmem>>, vector<16xf32>,
        tpu.vector_store %arg10[%swap3A_331], %add3A_330 {strides = array<i32>} : memref<256xf32, #tpu.memory_space<vmem>>, vector<16xf32>,
        %add3A_333 = arith.constant 2 : i32
        %add3A_334 = arith.addi %mul3A_166, %add3A_333 : i32
        %get3A_335 = arith.constant 1 : i32
        %get3A_336 = arith.index_cast %get3A_335 : i32 to index
        %get3A_337 = arith.index_cast %add3A_334 : i32 to index
        %get3A_338 = arith.constant 0 : index
        %get3A_339 = tpu.vector_load %arg8[%get3A_336, %get3A_337, %get3A_338] {strides = array<i32>} : memref<2x80x64xi32, #tpu.memory_space<vmem>>, vector<16xi32>,
        %add3A_340 = arith.constant 2 : i32
        %add3A_341 = arith.addi %mul3A_166, %add3A_340 : i32
        %get3A_342 = arith.constant 1 : i32
        %get3A_343 = arith.index_cast %get3A_342 : i32 to index
        %get3A_344 = arith.index_cast %add3A_341 : i32 to index
        %get3A_345 = arith.constant 0 : index
        %get3A_346 = tpu.vector_load %arg9[%get3A_343, %get3A_344, %get3A_345] {strides = array<i32>} : memref<2x80x64xi32, #tpu.memory_space<vmem>>, vector<16xi32>,
        %bitcast3A_347 = vector.bitcast %get3A_339 : vector<16xi32> to vector<32xbf16>
        %bitcast3A_348 = vector.bitcast %get3A_346 : vector<16xi32> to vector<32xbf16>
        %mul3A_349 = arith.mulf %bitcast3A_347, %bitcast3A_348 : vector<32xbf16>
        %unpack3A_350 = tpu.unpack_subelements %mul3A_349, 0 {pack_format = #tpu.pack_format<interleaved>} : vector<32xbf16> -> vector<16xf32>
        %unpack3A_351 = tpu.unpack_subelements %mul3A_349, 1 {pack_format = #tpu.pack_format<interleaved>} : vector<32xbf16> -> vector<16xf32>
        %add3A_352 = arith.addf %unpack3A_350, %unpack3A_351 : vector<16xf32>
        %add3A_353 = arith.constant 2 : i32
        %add3A_354 = arith.addi %mul3A_166, %add3A_353 : i32
        %get3A_355 = arith.constant 1 : i32
        %get3A_356 = arith.index_cast %get3A_355 : i32 to index
        %get3A_357 = arith.index_cast %add3A_354 : i32 to index
        %get3A_358 = arith.constant 16 : index
        %get3A_359 = tpu.vector_load %arg8[%get3A_356, %get3A_357, %get3A_358] {strides = array<i32>} : memref<2x80x64xi32, #tpu.memory_space<vmem>>, vector<16xi32>,
        %add3A_360 = arith.constant 2 : i32
        %add3A_361 = arith.addi %mul3A_166, %add3A_360 : i32
        %get3A_362 = arith.constant 1 : i32
        %get3A_363 = arith.index_cast %get3A_362 : i32 to index
        %get3A_364 = arith.index_cast %add3A_361 : i32 to index
        %get3A_365 = arith.constant 16 : index
        %get3A_366 = tpu.vector_load %arg9[%get3A_363, %get3A_364, %get3A_365] {strides = array<i32>} : memref<2x80x64xi32, #tpu.memory_space<vmem>>, vector<16xi32>,
        %bitcast3A_367 = vector.bitcast %get3A_359 : vector<16xi32> to vector<32xbf16>
        %bitcast3A_368 = vector.bitcast %get3A_366 : vector<16xi32> to vector<32xbf16>
        %mul3A_369 = arith.mulf %bitcast3A_367, %bitcast3A_368 : vector<32xbf16>
        %unpack3A_370 = tpu.unpack_subelements %mul3A_369, 0 {pack_format = #tpu.pack_format<interleaved>} : vector<32xbf16> -> vector<16xf32>
        %unpack3A_371 = tpu.unpack_subelements %mul3A_369, 1 {pack_format = #tpu.pack_format<interleaved>} : vector<32xbf16> -> vector<16xf32>
        %add3A_372 = arith.addf %unpack3A_370, %unpack3A_371 : vector<16xf32>
        %add3A_373 = arith.constant 2 : i32
        %add3A_374 = arith.addi %mul3A_166, %add3A_373 : i32
        %get3A_375 = arith.constant 1 : i32
        %get3A_376 = arith.index_cast %get3A_375 : i32 to index
        %get3A_377 = arith.index_cast %add3A_374 : i32 to index
        %get3A_378 = arith.constant 32 : index
        %get3A_379 = tpu.vector_load %arg8[%get3A_376, %get3A_377, %get3A_378] {strides = array<i32>} : memref<2x80x64xi32, #tpu.memory_space<vmem>>, vector<16xi32>,
        %add3A_380 = arith.constant 2 : i32
        %add3A_381 = arith.addi %mul3A_166, %add3A_380 : i32
        %get3A_382 = arith.constant 1 : i32
        %get3A_383 = arith.index_cast %get3A_382 : i32 to index
        %get3A_384 = arith.index_cast %add3A_381 : i32 to index
        %get3A_385 = arith.constant 32 : index
        %get3A_386 = tpu.vector_load %arg9[%get3A_383, %get3A_384, %get3A_385] {strides = array<i32>} : memref<2x80x64xi32, #tpu.memory_space<vmem>>, vector<16xi32>,
        %bitcast3A_387 = vector.bitcast %get3A_379 : vector<16xi32> to vector<32xbf16>
        %bitcast3A_388 = vector.bitcast %get3A_386 : vector<16xi32> to vector<32xbf16>
        %mul3A_389 = arith.mulf %bitcast3A_387, %bitcast3A_388 : vector<32xbf16>
        %unpack3A_390 = tpu.unpack_subelements %mul3A_389, 0 {pack_format = #tpu.pack_format<interleaved>} : vector<32xbf16> -> vector<16xf32>
        %unpack3A_391 = tpu.unpack_subelements %mul3A_389, 1 {pack_format = #tpu.pack_format<interleaved>} : vector<32xbf16> -> vector<16xf32>
        %add3A_392 = arith.addf %unpack3A_390, %unpack3A_391 : vector<16xf32>
        %add3A_393 = arith.constant 2 : i32
        %add3A_394 = arith.addi %mul3A_166, %add3A_393 : i32
        %get3A_395 = arith.constant 1 : i32
        %get3A_396 = arith.index_cast %get3A_395 : i32 to index
        %get3A_397 = arith.index_cast %add3A_394 : i32 to index
        %get3A_398 = arith.constant 48 : index
        %get3A_399 = tpu.vector_load %arg8[%get3A_396, %get3A_397, %get3A_398] {strides = array<i32>} : memref<2x80x64xi32, #tpu.memory_space<vmem>>, vector<16xi32>,
        %add3A_400 = arith.constant 2 : i32
        %add3A_401 = arith.addi %mul3A_166, %add3A_400 : i32
        %get3A_402 = arith.constant 1 : i32
        %get3A_403 = arith.index_cast %get3A_402 : i32 to index
        %get3A_404 = arith.index_cast %add3A_401 : i32 to index
        %get3A_405 = arith.constant 48 : index
        %get3A_406 = tpu.vector_load %arg9[%get3A_403, %get3A_404, %get3A_405] {strides = array<i32>} : memref<2x80x64xi32, #tpu.memory_space<vmem>>, vector<16xi32>,
        %bitcast3A_407 = vector.bitcast %get3A_399 : vector<16xi32> to vector<32xbf16>
        %bitcast3A_408 = vector.bitcast %get3A_406 : vector<16xi32> to vector<32xbf16>
        %mul3A_409 = arith.mulf %bitcast3A_407, %bitcast3A_408 : vector<32xbf16>
        %unpack3A_410 = tpu.unpack_subelements %mul3A_409, 0 {pack_format = #tpu.pack_format<interleaved>} : vector<32xbf16> -> vector<16xf32>
        %unpack3A_411 = tpu.unpack_subelements %mul3A_409, 1 {pack_format = #tpu.pack_format<interleaved>} : vector<32xbf16> -> vector<16xf32>
        %add3A_412 = arith.addf %unpack3A_410, %unpack3A_411 : vector<16xf32>
        %add3A_413 = arith.addf %add3A_352, %add3A_372 : vector<16xf32>
        %add3A_414 = arith.addf %add3A_392, %add3A_412 : vector<16xf32>
        %add3A_415 = arith.addf %add3A_413, %add3A_414 : vector<16xf32>
        %swap3A_416 = arith.constant 32 : index
        %swap3A_417 = tpu.vector_load %arg10[%swap3A_416] {strides = array<i32>} : memref<256xf32, #tpu.memory_space<vmem>>, vector<16xf32>,
        tpu.vector_store %arg10[%swap3A_416], %add3A_415 {strides = array<i32>} : memref<256xf32, #tpu.memory_space<vmem>>, vector<16xf32>,
        %add3A_418 = arith.constant 3 : i32
        %add3A_419 = arith.addi %mul3A_166, %add3A_418 : i32
        %get3A_420 = arith.constant 1 : i32
        %get3A_421 = arith.index_cast %get3A_420 : i32 to index
        %get3A_422 = arith.index_cast %add3A_419 : i32 to index
        %get3A_423 = arith.constant 0 : index
        %get3A_424 = tpu.vector_load %arg8[%get3A_421, %get3A_422, %get3A_423] {strides = array<i32>} : memref<2x80x64xi32, #tpu.memory_space<vmem>>, vector<16xi32>,
        %add3A_425 = arith.constant 3 : i32
        %add3A_426 = arith.addi %mul3A_166, %add3A_425 : i32
        %get3A_427 = arith.constant 1 : i32
        %get3A_428 = arith.index_cast %get3A_427 : i32 to index
        %get3A_429 = arith.index_cast %add3A_426 : i32 to index
        %get3A_430 = arith.constant 0 : index
        %get3A_431 = tpu.vector_load %arg9[%get3A_428, %get3A_429, %get3A_430] {strides = array<i32>} : memref<2x80x64xi32, #tpu.memory_space<vmem>>, vector<16xi32>,
        %bitcast3A_432 = vector.bitcast %get3A_424 : vector<16xi32> to vector<32xbf16>
        %bitcast3A_433 = vector.bitcast %get3A_431 : vector<16xi32> to vector<32xbf16>
        %mul3A_434 = arith.mulf %bitcast3A_432, %bitcast3A_433 : vector<32xbf16>
        %unpack3A_435 = tpu.unpack_subelements %mul3A_434, 0 {pack_format = #tpu.pack_format<interleaved>} : vector<32xbf16> -> vector<16xf32>
        %unpack3A_436 = tpu.unpack_subelements %mul3A_434, 1 {pack_format = #tpu.pack_format<interleaved>} : vector<32xbf16> -> vector<16xf32>
        %add3A_437 = arith.addf %unpack3A_435, %unpack3A_436 : vector<16xf32>
        %add3A_438 = arith.constant 3 : i32
        %add3A_439 = arith.addi %mul3A_166, %add3A_438 : i32
        %get3A_440 = arith.constant 1 : i32
        %get3A_441 = arith.index_cast %get3A_440 : i32 to index
        %get3A_442 = arith.index_cast %add3A_439 : i32 to index
        %get3A_443 = arith.constant 16 : index
        %get3A_444 = tpu.vector_load %arg8[%get3A_441, %get3A_442, %get3A_443] {strides = array<i32>} : memref<2x80x64xi32, #tpu.memory_space<vmem>>, vector<16xi32>,
        %add3A_445 = arith.constant 3 : i32
        %add3A_446 = arith.addi %mul3A_166, %add3A_445 : i32
        %get3A_447 = arith.constant 1 : i32
        %get3A_448 = arith.index_cast %get3A_447 : i32 to index
        %get3A_449 = arith.index_cast %add3A_446 : i32 to index
        %get3A_450 = arith.constant 16 : index
        %get3A_451 = tpu.vector_load %arg9[%get3A_448, %get3A_449, %get3A_450] {strides = array<i32>} : memref<2x80x64xi32, #tpu.memory_space<vmem>>, vector<16xi32>,
        %bitcast3A_452 = vector.bitcast %get3A_444 : vector<16xi32> to vector<32xbf16>
        %bitcast3A_453 = vector.bitcast %get3A_451 : vector<16xi32> to vector<32xbf16>
        %mul3A_454 = arith.mulf %bitcast3A_452, %bitcast3A_453 : vector<32xbf16>
        %unpack3A_455 = tpu.unpack_subelements %mul3A_454, 0 {pack_format = #tpu.pack_format<interleaved>} : vector<32xbf16> -> vector<16xf32>
        %unpack3A_456 = tpu.unpack_subelements %mul3A_454, 1 {pack_format = #tpu.pack_format<interleaved>} : vector<32xbf16> -> vector<16xf32>
        %add3A_457 = arith.addf %unpack3A_455, %unpack3A_456 : vector<16xf32>
        %add3A_458 = arith.constant 3 : i32
        %add3A_459 = arith.addi %mul3A_166, %add3A_458 : i32
        %get3A_460 = arith.constant 1 : i32
        %get3A_461 = arith.index_cast %get3A_460 : i32 to index
        %get3A_462 = arith.index_cast %add3A_459 : i32 to index
        %get3A_463 = arith.constant 32 : index
        %get3A_464 = tpu.vector_load %arg8[%get3A_461, %get3A_462, %get3A_463] {strides = array<i32>} : memref<2x80x64xi32, #tpu.memory_space<vmem>>, vector<16xi32>,
        %add3A_465 = arith.constant 3 : i32
        %add3A_466 = arith.addi %mul3A_166, %add3A_465 : i32
        %get3A_467 = arith.constant 1 : i32
        %get3A_468 = arith.index_cast %get3A_467 : i32 to index
        %get3A_469 = arith.index_cast %add3A_466 : i32 to index
        %get3A_470 = arith.constant 32 : index
        %get3A_471 = tpu.vector_load %arg9[%get3A_468, %get3A_469, %get3A_470] {strides = array<i32>} : memref<2x80x64xi32, #tpu.memory_space<vmem>>, vector<16xi32>,
        %bitcast3A_472 = vector.bitcast %get3A_464 : vector<16xi32> to vector<32xbf16>
        %bitcast3A_473 = vector.bitcast %get3A_471 : vector<16xi32> to vector<32xbf16>
        %mul3A_474 = arith.mulf %bitcast3A_472, %bitcast3A_473 : vector<32xbf16>
        %unpack3A_475 = tpu.unpack_subelements %mul3A_474, 0 {pack_format = #tpu.pack_format<interleaved>} : vector<32xbf16> -> vector<16xf32>
        %unpack3A_476 = tpu.unpack_subelements %mul3A_474, 1 {pack_format = #tpu.pack_format<interleaved>} : vector<32xbf16> -> vector<16xf32>
        %add3A_477 = arith.addf %unpack3A_475, %unpack3A_476 : vector<16xf32>
        %add3A_478 = arith.constant 3 : i32
        %add3A_479 = arith.addi %mul3A_166, %add3A_478 : i32
        %get3A_480 = arith.constant 1 : i32
        %get3A_481 = arith.index_cast %get3A_480 : i32 to index
        %get3A_482 = arith.index_cast %add3A_479 : i32 to index
        %get3A_483 = arith.constant 48 : index
        %get3A_484 = tpu.vector_load %arg8[%get3A_481, %get3A_482, %get3A_483] {strides = array<i32>} : memref<2x80x64xi32, #tpu.memory_space<vmem>>, vector<16xi32>,
        %add3A_485 = arith.constant 3 : i32
        %add3A_486 = arith.addi %mul3A_166, %add3A_485 : i32
        %get3A_487 = arith.constant 1 : i32
        %get3A_488 = arith.index_cast %get3A_487 : i32 to index
        %get3A_489 = arith.index_cast %add3A_486 : i32 to index
        %get3A_490 = arith.constant 48 : index
        %get3A_491 = tpu.vector_load %arg9[%get3A_488, %get3A_489, %get3A_490] {strides = array<i32>} : memref<2x80x64xi32, #tpu.memory_space<vmem>>, vector<16xi32>,
        %bitcast3A_492 = vector.bitcast %get3A_484 : vector<16xi32> to vector<32xbf16>
        %bitcast3A_493 = vector.bitcast %get3A_491 : vector<16xi32> to vector<32xbf16>
        %mul3A_494 = arith.mulf %bitcast3A_492, %bitcast3A_493 : vector<32xbf16>
        %unpack3A_495 = tpu.unpack_subelements %mul3A_494, 0 {pack_format = #tpu.pack_format<interleaved>} : vector<32xbf16> -> vector<16xf32>
        %unpack3A_496 = tpu.unpack_subelements %mul3A_494, 1 {pack_format = #tpu.pack_format<interleaved>} : vector<32xbf16> -> vector<16xf32>
        %add3A_497 = arith.addf %unpack3A_495, %unpack3A_496 : vector<16xf32>
        %add3A_498 = arith.addf %add3A_437, %add3A_457 : vector<16xf32>
        %add3A_499 = arith.addf %add3A_477, %add3A_497 : vector<16xf32>
        %add3A_500 = arith.addf %add3A_498, %add3A_499 : vector<16xf32>
        %swap3A_501 = arith.constant 48 : index
        %swap3A_502 = tpu.vector_load %arg10[%swap3A_501] {strides = array<i32>} : memref<256xf32, #tpu.memory_space<vmem>>, vector<16xf32>,
        tpu.vector_store %arg10[%swap3A_501], %add3A_500 {strides = array<i32>} : memref<256xf32, #tpu.memory_space<vmem>>, vector<16xf32>,
        %add3A_503 = arith.constant 4 : i32
        %add3A_504 = arith.addi %mul3A_166, %add3A_503 : i32
        %get3A_505 = arith.constant 1 : i32
        %get3A_506 = arith.index_cast %get3A_505 : i32 to index
        %get3A_507 = arith.index_cast %add3A_504 : i32 to index
        %get3A_508 = arith.constant 0 : index
        %get3A_509 = tpu.vector_load %arg8[%get3A_506, %get3A_507, %get3A_508] {strides = array<i32>} : memref<2x80x64xi32, #tpu.memory_space<vmem>>, vector<16xi32>,
        %add3A_510 = arith.constant 4 : i32
        %add3A_511 = arith.addi %mul3A_166, %add3A_510 : i32
        %get3A_512 = arith.constant 1 : i32
        %get3A_513 = arith.index_cast %get3A_512 : i32 to index
        %get3A_514 = arith.index_cast %add3A_511 : i32 to index
        %get3A_515 = arith.constant 0 : index
        %get3A_516 = tpu.vector_load %arg9[%get3A_513, %get3A_514, %get3A_515] {strides = array<i32>} : memref<2x80x64xi32, #tpu.memory_space<vmem>>, vector<16xi32>,
        %bitcast3A_517 = vector.bitcast %get3A_509 : vector<16xi32> to vector<32xbf16>
        %bitcast3A_518 = vector.bitcast %get3A_516 : vector<16xi32> to vector<32xbf16>
        %mul3A_519 = arith.mulf %bitcast3A_517, %bitcast3A_518 : vector<32xbf16>
        %unpack3A_520 = tpu.unpack_subelements %mul3A_519, 0 {pack_format = #tpu.pack_format<interleaved>} : vector<32xbf16> -> vector<16xf32>
        %unpack3A_521 = tpu.unpack_subelements %mul3A_519, 1 {pack_format = #tpu.pack_format<interleaved>} : vector<32xbf16> -> vector<16xf32>
        %add3A_522 = arith.addf %unpack3A_520, %unpack3A_521 : vector<16xf32>
        %add3A_523 = arith.constant 4 : i32
        %add3A_524 = arith.addi %mul3A_166, %add3A_523 : i32
        %get3A_525 = arith.constant 1 : i32
        %get3A_526 = arith.index_cast %get3A_525 : i32 to index
        %get3A_527 = arith.index_cast %add3A_524 : i32 to index
        %get3A_528 = arith.constant 16 : index
        %get3A_529 = tpu.vector_load %arg8[%get3A_526, %get3A_527, %get3A_528] {strides = array<i32>} : memref<2x80x64xi32, #tpu.memory_space<vmem>>, vector<16xi32>,
        %add3A_530 = arith.constant 4 : i32
        %add3A_531 = arith.addi %mul3A_166, %add3A_530 : i32
        %get3A_532 = arith.constant 1 : i32
        %get3A_533 = arith.index_cast %get3A_532 : i32 to index
        %get3A_534 = arith.index_cast %add3A_531 : i32 to index
        %get3A_535 = arith.constant 16 : index
        %get3A_536 = tpu.vector_load %arg9[%get3A_533, %get3A_534, %get3A_535] {strides = array<i32>} : memref<2x80x64xi32, #tpu.memory_space<vmem>>, vector<16xi32>,
        %bitcast3A_537 = vector.bitcast %get3A_529 : vector<16xi32> to vector<32xbf16>
        %bitcast3A_538 = vector.bitcast %get3A_536 : vector<16xi32> to vector<32xbf16>
        %mul3A_539 = arith.mulf %bitcast3A_537, %bitcast3A_538 : vector<32xbf16>
        %unpack3A_540 = tpu.unpack_subelements %mul3A_539, 0 {pack_format = #tpu.pack_format<interleaved>} : vector<32xbf16> -> vector<16xf32>
        %unpack3A_541 = tpu.unpack_subelements %mul3A_539, 1 {pack_format = #tpu.pack_format<interleaved>} : vector<32xbf16> -> vector<16xf32>
        %add3A_542 = arith.addf %unpack3A_540, %unpack3A_541 : vector<16xf32>
        %add3A_543 = arith.constant 4 : i32
        %add3A_544 = arith.addi %mul3A_166, %add3A_543 : i32
        %get3A_545 = arith.constant 1 : i32
        %get3A_546 = arith.index_cast %get3A_545 : i32 to index
        %get3A_547 = arith.index_cast %add3A_544 : i32 to index
        %get3A_548 = arith.constant 32 : index
        %get3A_549 = tpu.vector_load %arg8[%get3A_546, %get3A_547, %get3A_548] {strides = array<i32>} : memref<2x80x64xi32, #tpu.memory_space<vmem>>, vector<16xi32>,
        %add3A_550 = arith.constant 4 : i32
        %add3A_551 = arith.addi %mul3A_166, %add3A_550 : i32
        %get3A_552 = arith.constant 1 : i32
        %get3A_553 = arith.index_cast %get3A_552 : i32 to index
        %get3A_554 = arith.index_cast %add3A_551 : i32 to index
        %get3A_555 = arith.constant 32 : index
        %get3A_556 = tpu.vector_load %arg9[%get3A_553, %get3A_554, %get3A_555] {strides = array<i32>} : memref<2x80x64xi32, #tpu.memory_space<vmem>>, vector<16xi32>,
        %bitcast3A_557 = vector.bitcast %get3A_549 : vector<16xi32> to vector<32xbf16>
        %bitcast3A_558 = vector.bitcast %get3A_556 : vector<16xi32> to vector<32xbf16>
        %mul3A_559 = arith.mulf %bitcast3A_557, %bitcast3A_558 : vector<32xbf16>
        %unpack3A_560 = tpu.unpack_subelements %mul3A_559, 0 {pack_format = #tpu.pack_format<interleaved>} : vector<32xbf16> -> vector<16xf32>
        %unpack3A_561 = tpu.unpack_subelements %mul3A_559, 1 {pack_format = #tpu.pack_format<interleaved>} : vector<32xbf16> -> vector<16xf32>
        %add3A_562 = arith.addf %unpack3A_560, %unpack3A_561 : vector<16xf32>
        %add3A_563 = arith.constant 4 : i32
        %add3A_564 = arith.addi %mul3A_166, %add3A_563 : i32
        %get3A_565 = arith.constant 1 : i32
        %get3A_566 = arith.index_cast %get3A_565 : i32 to index
        %get3A_567 = arith.index_cast %add3A_564 : i32 to index
        %get3A_568 = arith.constant 48 : index
        %get3A_569 = tpu.vector_load %arg8[%get3A_566, %get3A_567, %get3A_568] {strides = array<i32>} : memref<2x80x64xi32, #tpu.memory_space<vmem>>, vector<16xi32>,
        %add3A_570 = arith.constant 4 : i32
        %add3A_571 = arith.addi %mul3A_166, %add3A_570 : i32
        %get3A_572 = arith.constant 1 : i32
        %get3A_573 = arith.index_cast %get3A_572 : i32 to index
        %get3A_574 = arith.index_cast %add3A_571 : i32 to index
        %get3A_575 = arith.constant 48 : index
        %get3A_576 = tpu.vector_load %arg9[%get3A_573, %get3A_574, %get3A_575] {strides = array<i32>} : memref<2x80x64xi32, #tpu.memory_space<vmem>>, vector<16xi32>,
        %bitcast3A_577 = vector.bitcast %get3A_569 : vector<16xi32> to vector<32xbf16>
        %bitcast3A_578 = vector.bitcast %get3A_576 : vector<16xi32> to vector<32xbf16>
        %mul3A_579 = arith.mulf %bitcast3A_577, %bitcast3A_578 : vector<32xbf16>
        %unpack3A_580 = tpu.unpack_subelements %mul3A_579, 0 {pack_format = #tpu.pack_format<interleaved>} : vector<32xbf16> -> vector<16xf32>
        %unpack3A_581 = tpu.unpack_subelements %mul3A_579, 1 {pack_format = #tpu.pack_format<interleaved>} : vector<32xbf16> -> vector<16xf32>
        %add3A_582 = arith.addf %unpack3A_580, %unpack3A_581 : vector<16xf32>
        %add3A_583 = arith.addf %add3A_522, %add3A_542 : vector<16xf32>
        %add3A_584 = arith.addf %add3A_562, %add3A_582 : vector<16xf32>
        %add3A_585 = arith.addf %add3A_583, %add3A_584 : vector<16xf32>
        %swap3A_586 = arith.constant 64 : index
        %swap3A_587 = tpu.vector_load %arg10[%swap3A_586] {strides = array<i32>} : memref<256xf32, #tpu.memory_space<vmem>>, vector<16xf32>,
        tpu.vector_store %arg10[%swap3A_586], %add3A_585 {strides = array<i32>} : memref<256xf32, #tpu.memory_space<vmem>>, vector<16xf32>,
        %add3A_588 = arith.constant 5 : i32
        %add3A_589 = arith.addi %mul3A_166, %add3A_588 : i32
        %get3A_590 = arith.constant 1 : i32
        %get3A_591 = arith.index_cast %get3A_590 : i32 to index
        %get3A_592 = arith.index_cast %add3A_589 : i32 to index
        %get3A_593 = arith.constant 0 : index
        %get3A_594 = tpu.vector_load %arg8[%get3A_591, %get3A_592, %get3A_593] {strides = array<i32>} : memref<2x80x64xi32, #tpu.memory_space<vmem>>, vector<16xi32>,
        %add3A_595 = arith.constant 5 : i32
        %add3A_596 = arith.addi %mul3A_166, %add3A_595 : i32
        %get3A_597 = arith.constant 1 : i32
        %get3A_598 = arith.index_cast %get3A_597 : i32 to index
        %get3A_599 = arith.index_cast %add3A_596 : i32 to index
        %get3A_600 = arith.constant 0 : index
        %get3A_601 = tpu.vector_load %arg9[%get3A_598, %get3A_599, %get3A_600] {strides = array<i32>} : memref<2x80x64xi32, #tpu.memory_space<vmem>>, vector<16xi32>,
        %bitcast3A_602 = vector.bitcast %get3A_594 : vector<16xi32> to vector<32xbf16>
        %bitcast3A_603 = vector.bitcast %get3A_601 : vector<16xi32> to vector<32xbf16>
        %mul3A_604 = arith.mulf %bitcast3A_602, %bitcast3A_603 : vector<32xbf16>
        %unpack3A_605 = tpu.unpack_subelements %mul3A_604, 0 {pack_format = #tpu.pack_format<interleaved>} : vector<32xbf16> -> vector<16xf32>
        %unpack3A_606 = tpu.unpack_subelements %mul3A_604, 1 {pack_format = #tpu.pack_format<interleaved>} : vector<32xbf16> -> vector<16xf32>
        %add3A_607 = arith.addf %unpack3A_605, %unpack3A_606 : vector<16xf32>
        %add3A_608 = arith.constant 5 : i32
        %add3A_609 = arith.addi %mul3A_166, %add3A_608 : i32
        %get3A_610 = arith.constant 1 : i32
        %get3A_611 = arith.index_cast %get3A_610 : i32 to index
        %get3A_612 = arith.index_cast %add3A_609 : i32 to index
        %get3A_613 = arith.constant 16 : index
        %get3A_614 = tpu.vector_load %arg8[%get3A_611, %get3A_612, %get3A_613] {strides = array<i32>} : memref<2x80x64xi32, #tpu.memory_space<vmem>>, vector<16xi32>,
        %add3A_615 = arith.constant 5 : i32
        %add3A_616 = arith.addi %mul3A_166, %add3A_615 : i32
        %get3A_617 = arith.constant 1 : i32
        %get3A_618 = arith.index_cast %get3A_617 : i32 to index
        %get3A_619 = arith.index_cast %add3A_616 : i32 to index
        %get3A_620 = arith.constant 16 : index
        %get3A_621 = tpu.vector_load %arg9[%get3A_618, %get3A_619, %get3A_620] {strides = array<i32>} : memref<2x80x64xi32, #tpu.memory_space<vmem>>, vector<16xi32>,
        %bitcast3A_622 = vector.bitcast %get3A_614 : vector<16xi32> to vector<32xbf16>
        %bitcast3A_623 = vector.bitcast %get3A_621 : vector<16xi32> to vector<32xbf16>
        %mul3A_624 = arith.mulf %bitcast3A_622, %bitcast3A_623 : vector<32xbf16>
        %unpack3A_625 = tpu.unpack_subelements %mul3A_624, 0 {pack_format = #tpu.pack_format<interleaved>} : vector<32xbf16> -> vector<16xf32>
        %unpack3A_626 = tpu.unpack_subelements %mul3A_624, 1 {pack_format = #tpu.pack_format<interleaved>} : vector<32xbf16> -> vector<16xf32>
        %add3A_627 = arith.addf %unpack3A_625, %unpack3A_626 : vector<16xf32>
        %add3A_628 = arith.constant 5 : i32
        %add3A_629 = arith.addi %mul3A_166, %add3A_628 : i32
        %get3A_630 = arith.constant 1 : i32
        %get3A_631 = arith.index_cast %get3A_630 : i32 to index
        %get3A_632 = arith.index_cast %add3A_629 : i32 to index
        %get3A_633 = arith.constant 32 : index
        %get3A_634 = tpu.vector_load %arg8[%get3A_631, %get3A_632, %get3A_633] {strides = array<i32>} : memref<2x80x64xi32, #tpu.memory_space<vmem>>, vector<16xi32>,
        %add3A_635 = arith.constant 5 : i32
        %add3A_636 = arith.addi %mul3A_166, %add3A_635 : i32
        %get3A_637 = arith.constant 1 : i32
        %get3A_638 = arith.index_cast %get3A_637 : i32 to index
        %get3A_639 = arith.index_cast %add3A_636 : i32 to index
        %get3A_640 = arith.constant 32 : index
        %get3A_641 = tpu.vector_load %arg9[%get3A_638, %get3A_639, %get3A_640] {strides = array<i32>} : memref<2x80x64xi32, #tpu.memory_space<vmem>>, vector<16xi32>,
        %bitcast3A_642 = vector.bitcast %get3A_634 : vector<16xi32> to vector<32xbf16>
        %bitcast3A_643 = vector.bitcast %get3A_641 : vector<16xi32> to vector<32xbf16>
        %mul3A_644 = arith.mulf %bitcast3A_642, %bitcast3A_643 : vector<32xbf16>
        %unpack3A_645 = tpu.unpack_subelements %mul3A_644, 0 {pack_format = #tpu.pack_format<interleaved>} : vector<32xbf16> -> vector<16xf32>
        %unpack3A_646 = tpu.unpack_subelements %mul3A_644, 1 {pack_format = #tpu.pack_format<interleaved>} : vector<32xbf16> -> vector<16xf32>
        %add3A_647 = arith.addf %unpack3A_645, %unpack3A_646 : vector<16xf32>
        %add3A_648 = arith.constant 5 : i32
        %add3A_649 = arith.addi %mul3A_166, %add3A_648 : i32
        %get3A_650 = arith.constant 1 : i32
        %get3A_651 = arith.index_cast %get3A_650 : i32 to index
        %get3A_652 = arith.index_cast %add3A_649 : i32 to index
        %get3A_653 = arith.constant 48 : index
        %get3A_654 = tpu.vector_load %arg8[%get3A_651, %get3A_652, %get3A_653] {strides = array<i32>} : memref<2x80x64xi32, #tpu.memory_space<vmem>>, vector<16xi32>,
        %add3A_655 = arith.constant 5 : i32
        %add3A_656 = arith.addi %mul3A_166, %add3A_655 : i32
        %get3A_657 = arith.constant 1 : i32
        %get3A_658 = arith.index_cast %get3A_657 : i32 to index
        %get3A_659 = arith.index_cast %add3A_656 : i32 to index
        %get3A_660 = arith.constant 48 : index
        %get3A_661 = tpu.vector_load %arg9[%get3A_658, %get3A_659, %get3A_660] {strides = array<i32>} : memref<2x80x64xi32, #tpu.memory_space<vmem>>, vector<16xi32>,
        %bitcast3A_662 = vector.bitcast %get3A_654 : vector<16xi32> to vector<32xbf16>
        %bitcast3A_663 = vector.bitcast %get3A_661 : vector<16xi32> to vector<32xbf16>
        %mul3A_664 = arith.mulf %bitcast3A_662, %bitcast3A_663 : vector<32xbf16>
        %unpack3A_665 = tpu.unpack_subelements %mul3A_664, 0 {pack_format = #tpu.pack_format<interleaved>} : vector<32xbf16> -> vector<16xf32>
        %unpack3A_666 = tpu.unpack_subelements %mul3A_664, 1 {pack_format = #tpu.pack_format<interleaved>} : vector<32xbf16> -> vector<16xf32>
        %add3A_667 = arith.addf %unpack3A_665, %unpack3A_666 : vector<16xf32>
        %add3A_668 = arith.addf %add3A_607, %add3A_627 : vector<16xf32>
        %add3A_669 = arith.addf %add3A_647, %add3A_667 : vector<16xf32>
        %add3A_670 = arith.addf %add3A_668, %add3A_669 : vector<16xf32>
        %swap3A_671 = arith.constant 80 : index
        %swap3A_672 = tpu.vector_load %arg10[%swap3A_671] {strides = array<i32>} : memref<256xf32, #tpu.memory_space<vmem>>, vector<16xf32>,
        tpu.vector_store %arg10[%swap3A_671], %add3A_670 {strides = array<i32>} : memref<256xf32, #tpu.memory_space<vmem>>, vector<16xf32>,
        %add3A_673 = arith.constant 6 : i32
        %add3A_674 = arith.addi %mul3A_166, %add3A_673 : i32
        %get3A_675 = arith.constant 1 : i32
        %get3A_676 = arith.index_cast %get3A_675 : i32 to index
        %get3A_677 = arith.index_cast %add3A_674 : i32 to index
        %get3A_678 = arith.constant 0 : index
        %get3A_679 = tpu.vector_load %arg8[%get3A_676, %get3A_677, %get3A_678] {strides = array<i32>} : memref<2x80x64xi32, #tpu.memory_space<vmem>>, vector<16xi32>,
        %add3A_680 = arith.constant 6 : i32
        %add3A_681 = arith.addi %mul3A_166, %add3A_680 : i32
        %get3A_682 = arith.constant 1 : i32
        %get3A_683 = arith.index_cast %get3A_682 : i32 to index
        %get3A_684 = arith.index_cast %add3A_681 : i32 to index
        %get3A_685 = arith.constant 0 : index
        %get3A_686 = tpu.vector_load %arg9[%get3A_683, %get3A_684, %get3A_685] {strides = array<i32>} : memref<2x80x64xi32, #tpu.memory_space<vmem>>, vector<16xi32>,
        %bitcast3A_687 = vector.bitcast %get3A_679 : vector<16xi32> to vector<32xbf16>
        %bitcast3A_688 = vector.bitcast %get3A_686 : vector<16xi32> to vector<32xbf16>
        %mul3A_689 = arith.mulf %bitcast3A_687, %bitcast3A_688 : vector<32xbf16>
        %unpack3A_690 = tpu.unpack_subelements %mul3A_689, 0 {pack_format = #tpu.pack_format<interleaved>} : vector<32xbf16> -> vector<16xf32>
        %unpack3A_691 = tpu.unpack_subelements %mul3A_689, 1 {pack_format = #tpu.pack_format<interleaved>} : vector<32xbf16> -> vector<16xf32>
        %add3A_692 = arith.addf %unpack3A_690, %unpack3A_691 : vector<16xf32>
        %add3A_693 = arith.constant 6 : i32
        %add3A_694 = arith.addi %mul3A_166, %add3A_693 : i32
        %get3A_695 = arith.constant 1 : i32
        %get3A_696 = arith.index_cast %get3A_695 : i32 to index
        %get3A_697 = arith.index_cast %add3A_694 : i32 to index
        %get3A_698 = arith.constant 16 : index
        %get3A_699 = tpu.vector_load %arg8[%get3A_696, %get3A_697, %get3A_698] {strides = array<i32>} : memref<2x80x64xi32, #tpu.memory_space<vmem>>, vector<16xi32>,
        %add3A_700 = arith.constant 6 : i32
        %add3A_701 = arith.addi %mul3A_166, %add3A_700 : i32
        %get3A_702 = arith.constant 1 : i32
        %get3A_703 = arith.index_cast %get3A_702 : i32 to index
        %get3A_704 = arith.index_cast %add3A_701 : i32 to index
        %get3A_705 = arith.constant 16 : index
        %get3A_706 = tpu.vector_load %arg9[%get3A_703, %get3A_704, %get3A_705] {strides = array<i32>} : memref<2x80x64xi32, #tpu.memory_space<vmem>>, vector<16xi32>,
        %bitcast3A_707 = vector.bitcast %get3A_699 : vector<16xi32> to vector<32xbf16>
        %bitcast3A_708 = vector.bitcast %get3A_706 : vector<16xi32> to vector<32xbf16>
        %mul3A_709 = arith.mulf %bitcast3A_707, %bitcast3A_708 : vector<32xbf16>
        %unpack3A_710 = tpu.unpack_subelements %mul3A_709, 0 {pack_format = #tpu.pack_format<interleaved>} : vector<32xbf16> -> vector<16xf32>
        %unpack3A_711 = tpu.unpack_subelements %mul3A_709, 1 {pack_format = #tpu.pack_format<interleaved>} : vector<32xbf16> -> vector<16xf32>
        %add3A_712 = arith.addf %unpack3A_710, %unpack3A_711 : vector<16xf32>
        %add3A_713 = arith.constant 6 : i32
        %add3A_714 = arith.addi %mul3A_166, %add3A_713 : i32
        %get3A_715 = arith.constant 1 : i32
        %get3A_716 = arith.index_cast %get3A_715 : i32 to index
        %get3A_717 = arith.index_cast %add3A_714 : i32 to index
        %get3A_718 = arith.constant 32 : index
        %get3A_719 = tpu.vector_load %arg8[%get3A_716, %get3A_717, %get3A_718] {strides = array<i32>} : memref<2x80x64xi32, #tpu.memory_space<vmem>>, vector<16xi32>,
        %add3A_720 = arith.constant 6 : i32
        %add3A_721 = arith.addi %mul3A_166, %add3A_720 : i32
        %get3A_722 = arith.constant 1 : i32
        %get3A_723 = arith.index_cast %get3A_722 : i32 to index
        %get3A_724 = arith.index_cast %add3A_721 : i32 to index
        %get3A_725 = arith.constant 32 : index
        %get3A_726 = tpu.vector_load %arg9[%get3A_723, %get3A_724, %get3A_725] {strides = array<i32>} : memref<2x80x64xi32, #tpu.memory_space<vmem>>, vector<16xi32>,
        %bitcast3A_727 = vector.bitcast %get3A_719 : vector<16xi32> to vector<32xbf16>
        %bitcast3A_728 = vector.bitcast %get3A_726 : vector<16xi32> to vector<32xbf16>
        %mul3A_729 = arith.mulf %bitcast3A_727, %bitcast3A_728 : vector<32xbf16>
        %unpack3A_730 = tpu.unpack_subelements %mul3A_729, 0 {pack_format = #tpu.pack_format<interleaved>} : vector<32xbf16> -> vector<16xf32>
        %unpack3A_731 = tpu.unpack_subelements %mul3A_729, 1 {pack_format = #tpu.pack_format<interleaved>} : vector<32xbf16> -> vector<16xf32>
        %add3A_732 = arith.addf %unpack3A_730, %unpack3A_731 : vector<16xf32>
        %add3A_733 = arith.constant 6 : i32
        %add3A_734 = arith.addi %mul3A_166, %add3A_733 : i32
        %get3A_735 = arith.constant 1 : i32
        %get3A_736 = arith.index_cast %get3A_735 : i32 to index
        %get3A_737 = arith.index_cast %add3A_734 : i32 to index
        %get3A_738 = arith.constant 48 : index
        %get3A_739 = tpu.vector_load %arg8[%get3A_736, %get3A_737, %get3A_738] {strides = array<i32>} : memref<2x80x64xi32, #tpu.memory_space<vmem>>, vector<16xi32>,
        %add3A_740 = arith.constant 6 : i32
        %add3A_741 = arith.addi %mul3A_166, %add3A_740 : i32
        %get3A_742 = arith.constant 1 : i32
        %get3A_743 = arith.index_cast %get3A_742 : i32 to index
        %get3A_744 = arith.index_cast %add3A_741 : i32 to index
        %get3A_745 = arith.constant 48 : index
        %get3A_746 = tpu.vector_load %arg9[%get3A_743, %get3A_744, %get3A_745] {strides = array<i32>} : memref<2x80x64xi32, #tpu.memory_space<vmem>>, vector<16xi32>,
        %bitcast3A_747 = vector.bitcast %get3A_739 : vector<16xi32> to vector<32xbf16>
        %bitcast3A_748 = vector.bitcast %get3A_746 : vector<16xi32> to vector<32xbf16>
        %mul3A_749 = arith.mulf %bitcast3A_747, %bitcast3A_748 : vector<32xbf16>
        %unpack3A_750 = tpu.unpack_subelements %mul3A_749, 0 {pack_format = #tpu.pack_format<interleaved>} : vector<32xbf16> -> vector<16xf32>
        %unpack3A_751 = tpu.unpack_subelements %mul3A_749, 1 {pack_format = #tpu.pack_format<interleaved>} : vector<32xbf16> -> vector<16xf32>
        %add3A_752 = arith.addf %unpack3A_750, %unpack3A_751 : vector<16xf32>
        %add3A_753 = arith.addf %add3A_692, %add3A_712 : vector<16xf32>
        %add3A_754 = arith.addf %add3A_732, %add3A_752 : vector<16xf32>
        %add3A_755 = arith.addf %add3A_753, %add3A_754 : vector<16xf32>
        %swap3A_756 = arith.constant 96 : index
        %swap3A_757 = tpu.vector_load %arg10[%swap3A_756] {strides = array<i32>} : memref<256xf32, #tpu.memory_space<vmem>>, vector<16xf32>,
        tpu.vector_store %arg10[%swap3A_756], %add3A_755 {strides = array<i32>} : memref<256xf32, #tpu.memory_space<vmem>>, vector<16xf32>,
        %add3A_758 = arith.constant 7 : i32
        %add3A_759 = arith.addi %mul3A_166, %add3A_758 : i32
        %get3A_760 = arith.constant 1 : i32
        %get3A_761 = arith.index_cast %get3A_760 : i32 to index
        %get3A_762 = arith.index_cast %add3A_759 : i32 to index
        %get3A_763 = arith.constant 0 : index
        %get3A_764 = tpu.vector_load %arg8[%get3A_761, %get3A_762, %get3A_763] {strides = array<i32>} : memref<2x80x64xi32, #tpu.memory_space<vmem>>, vector<16xi32>,
        %add3A_765 = arith.constant 7 : i32
        %add3A_766 = arith.addi %mul3A_166, %add3A_765 : i32
        %get3A_767 = arith.constant 1 : i32
        %get3A_768 = arith.index_cast %get3A_767 : i32 to index
        %get3A_769 = arith.index_cast %add3A_766 : i32 to index
        %get3A_770 = arith.constant 0 : index
        %get3A_771 = tpu.vector_load %arg9[%get3A_768, %get3A_769, %get3A_770] {strides = array<i32>} : memref<2x80x64xi32, #tpu.memory_space<vmem>>, vector<16xi32>,
        %bitcast3A_772 = vector.bitcast %get3A_764 : vector<16xi32> to vector<32xbf16>
        %bitcast3A_773 = vector.bitcast %get3A_771 : vector<16xi32> to vector<32xbf16>
        %mul3A_774 = arith.mulf %bitcast3A_772, %bitcast3A_773 : vector<32xbf16>
        %unpack3A_775 = tpu.unpack_subelements %mul3A_774, 0 {pack_format = #tpu.pack_format<interleaved>} : vector<32xbf16> -> vector<16xf32>
        %unpack3A_776 = tpu.unpack_subelements %mul3A_774, 1 {pack_format = #tpu.pack_format<interleaved>} : vector<32xbf16> -> vector<16xf32>
        %add3A_777 = arith.addf %unpack3A_775, %unpack3A_776 : vector<16xf32>
        %add3A_778 = arith.constant 7 : i32
        %add3A_779 = arith.addi %mul3A_166, %add3A_778 : i32
        %get3A_780 = arith.constant 1 : i32
        %get3A_781 = arith.index_cast %get3A_780 : i32 to index
        %get3A_782 = arith.index_cast %add3A_779 : i32 to index
        %get3A_783 = arith.constant 16 : index
        %get3A_784 = tpu.vector_load %arg8[%get3A_781, %get3A_782, %get3A_783] {strides = array<i32>} : memref<2x80x64xi32, #tpu.memory_space<vmem>>, vector<16xi32>,
        %add3A_785 = arith.constant 7 : i32
        %add3A_786 = arith.addi %mul3A_166, %add3A_785 : i32
        %get3A_787 = arith.constant 1 : i32
        %get3A_788 = arith.index_cast %get3A_787 : i32 to index
        %get3A_789 = arith.index_cast %add3A_786 : i32 to index
        %get3A_790 = arith.constant 16 : index
        %get3A_791 = tpu.vector_load %arg9[%get3A_788, %get3A_789, %get3A_790] {strides = array<i32>} : memref<2x80x64xi32, #tpu.memory_space<vmem>>, vector<16xi32>,
        %bitcast3A_792 = vector.bitcast %get3A_784 : vector<16xi32> to vector<32xbf16>
        %bitcast3A_793 = vector.bitcast %get3A_791 : vector<16xi32> to vector<32xbf16>
        %mul3A_794 = arith.mulf %bitcast3A_792, %bitcast3A_793 : vector<32xbf16>
        %unpack3A_795 = tpu.unpack_subelements %mul3A_794, 0 {pack_format = #tpu.pack_format<interleaved>} : vector<32xbf16> -> vector<16xf32>
        %unpack3A_796 = tpu.unpack_subelements %mul3A_794, 1 {pack_format = #tpu.pack_format<interleaved>} : vector<32xbf16> -> vector<16xf32>
        %add3A_797 = arith.addf %unpack3A_795, %unpack3A_796 : vector<16xf32>
        %add3A_798 = arith.constant 7 : i32
        %add3A_799 = arith.addi %mul3A_166, %add3A_798 : i32
        %get3A_800 = arith.constant 1 : i32
        %get3A_801 = arith.index_cast %get3A_800 : i32 to index
        %get3A_802 = arith.index_cast %add3A_799 : i32 to index
        %get3A_803 = arith.constant 32 : index
        %get3A_804 = tpu.vector_load %arg8[%get3A_801, %get3A_802, %get3A_803] {strides = array<i32>} : memref<2x80x64xi32, #tpu.memory_space<vmem>>, vector<16xi32>,
        %add3A_805 = arith.constant 7 : i32
        %add3A_806 = arith.addi %mul3A_166, %add3A_805 : i32
        %get3A_807 = arith.constant 1 : i32
        %get3A_808 = arith.index_cast %get3A_807 : i32 to index
        %get3A_809 = arith.index_cast %add3A_806 : i32 to index
        %get3A_810 = arith.constant 32 : index
        %get3A_811 = tpu.vector_load %arg9[%get3A_808, %get3A_809, %get3A_810] {strides = array<i32>} : memref<2x80x64xi32, #tpu.memory_space<vmem>>, vector<16xi32>,
        %bitcast3A_812 = vector.bitcast %get3A_804 : vector<16xi32> to vector<32xbf16>
        %bitcast3A_813 = vector.bitcast %get3A_811 : vector<16xi32> to vector<32xbf16>
        %mul3A_814 = arith.mulf %bitcast3A_812, %bitcast3A_813 : vector<32xbf16>
        %unpack3A_815 = tpu.unpack_subelements %mul3A_814, 0 {pack_format = #tpu.pack_format<interleaved>} : vector<32xbf16> -> vector<16xf32>
        %unpack3A_816 = tpu.unpack_subelements %mul3A_814, 1 {pack_format = #tpu.pack_format<interleaved>} : vector<32xbf16> -> vector<16xf32>
        %add3A_817 = arith.addf %unpack3A_815, %unpack3A_816 : vector<16xf32>
        %add3A_818 = arith.constant 7 : i32
        %add3A_819 = arith.addi %mul3A_166, %add3A_818 : i32
        %get3A_820 = arith.constant 1 : i32
        %get3A_821 = arith.index_cast %get3A_820 : i32 to index
        %get3A_822 = arith.index_cast %add3A_819 : i32 to index
        %get3A_823 = arith.constant 48 : index
        %get3A_824 = tpu.vector_load %arg8[%get3A_821, %get3A_822, %get3A_823] {strides = array<i32>} : memref<2x80x64xi32, #tpu.memory_space<vmem>>, vector<16xi32>,
        %add3A_825 = arith.constant 7 : i32
        %add3A_826 = arith.addi %mul3A_166, %add3A_825 : i32
        %get3A_827 = arith.constant 1 : i32
        %get3A_828 = arith.index_cast %get3A_827 : i32 to index
        %get3A_829 = arith.index_cast %add3A_826 : i32 to index
        %get3A_830 = arith.constant 48 : index
        %get3A_831 = tpu.vector_load %arg9[%get3A_828, %get3A_829, %get3A_830] {strides = array<i32>} : memref<2x80x64xi32, #tpu.memory_space<vmem>>, vector<16xi32>,
        %bitcast3A_832 = vector.bitcast %get3A_824 : vector<16xi32> to vector<32xbf16>
        %bitcast3A_833 = vector.bitcast %get3A_831 : vector<16xi32> to vector<32xbf16>
        %mul3A_834 = arith.mulf %bitcast3A_832, %bitcast3A_833 : vector<32xbf16>
        %unpack3A_835 = tpu.unpack_subelements %mul3A_834, 0 {pack_format = #tpu.pack_format<interleaved>} : vector<32xbf16> -> vector<16xf32>
        %unpack3A_836 = tpu.unpack_subelements %mul3A_834, 1 {pack_format = #tpu.pack_format<interleaved>} : vector<32xbf16> -> vector<16xf32>
        %add3A_837 = arith.addf %unpack3A_835, %unpack3A_836 : vector<16xf32>
        %add3A_838 = arith.addf %add3A_777, %add3A_797 : vector<16xf32>
        %add3A_839 = arith.addf %add3A_817, %add3A_837 : vector<16xf32>
        %add3A_840 = arith.addf %add3A_838, %add3A_839 : vector<16xf32>
        %swap3A_841 = arith.constant 112 : index
        %swap3A_842 = tpu.vector_load %arg10[%swap3A_841] {strides = array<i32>} : memref<256xf32, #tpu.memory_space<vmem>>, vector<16xf32>,
        tpu.vector_store %arg10[%swap3A_841], %add3A_840 {strides = array<i32>} : memref<256xf32, #tpu.memory_space<vmem>>, vector<16xf32>,
        %add3A_843 = arith.constant 8 : i32
        %add3A_844 = arith.addi %mul3A_166, %add3A_843 : i32
        %get3A_845 = arith.constant 1 : i32
        %get3A_846 = arith.index_cast %get3A_845 : i32 to index
        %get3A_847 = arith.index_cast %add3A_844 : i32 to index
        %get3A_848 = arith.constant 0 : index
        %get3A_849 = tpu.vector_load %arg8[%get3A_846, %get3A_847, %get3A_848] {strides = array<i32>} : memref<2x80x64xi32, #tpu.memory_space<vmem>>, vector<16xi32>,
        %add3A_850 = arith.constant 8 : i32
        %add3A_851 = arith.addi %mul3A_166, %add3A_850 : i32
        %get3A_852 = arith.constant 1 : i32
        %get3A_853 = arith.index_cast %get3A_852 : i32 to index
        %get3A_854 = arith.index_cast %add3A_851 : i32 to index
        %get3A_855 = arith.constant 0 : index
        %get3A_856 = tpu.vector_load %arg9[%get3A_853, %get3A_854, %get3A_855] {strides = array<i32>} : memref<2x80x64xi32, #tpu.memory_space<vmem>>, vector<16xi32>,
        %bitcast3A_857 = vector.bitcast %get3A_849 : vector<16xi32> to vector<32xbf16>
        %bitcast3A_858 = vector.bitcast %get3A_856 : vector<16xi32> to vector<32xbf16>
        %mul3A_859 = arith.mulf %bitcast3A_857, %bitcast3A_858 : vector<32xbf16>
        %unpack3A_860 = tpu.unpack_subelements %mul3A_859, 0 {pack_format = #tpu.pack_format<interleaved>} : vector<32xbf16> -> vector<16xf32>
        %unpack3A_861 = tpu.unpack_subelements %mul3A_859, 1 {pack_format = #tpu.pack_format<interleaved>} : vector<32xbf16> -> vector<16xf32>
        %add3A_862 = arith.addf %unpack3A_860, %unpack3A_861 : vector<16xf32>
        %add3A_863 = arith.constant 8 : i32
        %add3A_864 = arith.addi %mul3A_166, %add3A_863 : i32
        %get3A_865 = arith.constant 1 : i32
        %get3A_866 = arith.index_cast %get3A_865 : i32 to index
        %get3A_867 = arith.index_cast %add3A_864 : i32 to index
        %get3A_868 = arith.constant 16 : index
        %get3A_869 = tpu.vector_load %arg8[%get3A_866, %get3A_867, %get3A_868] {strides = array<i32>} : memref<2x80x64xi32, #tpu.memory_space<vmem>>, vector<16xi32>,
        %add3A_870 = arith.constant 8 : i32
        %add3A_871 = arith.addi %mul3A_166, %add3A_870 : i32
        %get3A_872 = arith.constant 1 : i32
        %get3A_873 = arith.index_cast %get3A_872 : i32 to index
        %get3A_874 = arith.index_cast %add3A_871 : i32 to index
        %get3A_875 = arith.constant 16 : index
        %get3A_876 = tpu.vector_load %arg9[%get3A_873, %get3A_874, %get3A_875] {strides = array<i32>} : memref<2x80x64xi32, #tpu.memory_space<vmem>>, vector<16xi32>,
        %bitcast3A_877 = vector.bitcast %get3A_869 : vector<16xi32> to vector<32xbf16>
        %bitcast3A_878 = vector.bitcast %get3A_876 : vector<16xi32> to vector<32xbf16>
        %mul3A_879 = arith.mulf %bitcast3A_877, %bitcast3A_878 : vector<32xbf16>
        %unpack3A_880 = tpu.unpack_subelements %mul3A_879, 0 {pack_format = #tpu.pack_format<interleaved>} : vector<32xbf16> -> vector<16xf32>
        %unpack3A_881 = tpu.unpack_subelements %mul3A_879, 1 {pack_format = #tpu.pack_format<interleaved>} : vector<32xbf16> -> vector<16xf32>
        %add3A_882 = arith.addf %unpack3A_880, %unpack3A_881 : vector<16xf32>
        %add3A_883 = arith.constant 8 : i32
        %add3A_884 = arith.addi %mul3A_166, %add3A_883 : i32
        %get3A_885 = arith.constant 1 : i32
        %get3A_886 = arith.index_cast %get3A_885 : i32 to index
        %get3A_887 = arith.index_cast %add3A_884 : i32 to index
        %get3A_888 = arith.constant 32 : index
        %get3A_889 = tpu.vector_load %arg8[%get3A_886, %get3A_887, %get3A_888] {strides = array<i32>} : memref<2x80x64xi32, #tpu.memory_space<vmem>>, vector<16xi32>,
        %add3A_890 = arith.constant 8 : i32
        %add3A_891 = arith.addi %mul3A_166, %add3A_890 : i32
        %get3A_892 = arith.constant 1 : i32
        %get3A_893 = arith.index_cast %get3A_892 : i32 to index
        %get3A_894 = arith.index_cast %add3A_891 : i32 to index
        %get3A_895 = arith.constant 32 : index
        %get3A_896 = tpu.vector_load %arg9[%get3A_893, %get3A_894, %get3A_895] {strides = array<i32>} : memref<2x80x64xi32, #tpu.memory_space<vmem>>, vector<16xi32>,
        %bitcast3A_897 = vector.bitcast %get3A_889 : vector<16xi32> to vector<32xbf16>
        %bitcast3A_898 = vector.bitcast %get3A_896 : vector<16xi32> to vector<32xbf16>
        %mul3A_899 = arith.mulf %bitcast3A_897, %bitcast3A_898 : vector<32xbf16>
        %unpack3A_900 = tpu.unpack_subelements %mul3A_899, 0 {pack_format = #tpu.pack_format<interleaved>} : vector<32xbf16> -> vector<16xf32>
        %unpack3A_901 = tpu.unpack_subelements %mul3A_899, 1 {pack_format = #tpu.pack_format<interleaved>} : vector<32xbf16> -> vector<16xf32>
        %add3A_902 = arith.addf %unpack3A_900, %unpack3A_901 : vector<16xf32>
        %add3A_903 = arith.constant 8 : i32
        %add3A_904 = arith.addi %mul3A_166, %add3A_903 : i32
        %get3A_905 = arith.constant 1 : i32
        %get3A_906 = arith.index_cast %get3A_905 : i32 to index
        %get3A_907 = arith.index_cast %add3A_904 : i32 to index
        %get3A_908 = arith.constant 48 : index
        %get3A_909 = tpu.vector_load %arg8[%get3A_906, %get3A_907, %get3A_908] {strides = array<i32>} : memref<2x80x64xi32, #tpu.memory_space<vmem>>, vector<16xi32>,
        %add3A_910 = arith.constant 8 : i32
        %add3A_911 = arith.addi %mul3A_166, %add3A_910 : i32
        %get3A_912 = arith.constant 1 : i32
        %get3A_913 = arith.index_cast %get3A_912 : i32 to index
        %get3A_914 = arith.index_cast %add3A_911 : i32 to index
        %get3A_915 = arith.constant 48 : index
        %get3A_916 = tpu.vector_load %arg9[%get3A_913, %get3A_914, %get3A_915] {strides = array<i32>} : memref<2x80x64xi32, #tpu.memory_space<vmem>>, vector<16xi32>,
        %bitcast3A_917 = vector.bitcast %get3A_909 : vector<16xi32> to vector<32xbf16>
        %bitcast3A_918 = vector.bitcast %get3A_916 : vector<16xi32> to vector<32xbf16>
        %mul3A_919 = arith.mulf %bitcast3A_917, %bitcast3A_918 : vector<32xbf16>
        %unpack3A_920 = tpu.unpack_subelements %mul3A_919, 0 {pack_format = #tpu.pack_format<interleaved>} : vector<32xbf16> -> vector<16xf32>
        %unpack3A_921 = tpu.unpack_subelements %mul3A_919, 1 {pack_format = #tpu.pack_format<interleaved>} : vector<32xbf16> -> vector<16xf32>
        %add3A_922 = arith.addf %unpack3A_920, %unpack3A_921 : vector<16xf32>
        %add3A_923 = arith.addf %add3A_862, %add3A_882 : vector<16xf32>
        %add3A_924 = arith.addf %add3A_902, %add3A_922 : vector<16xf32>
        %add3A_925 = arith.addf %add3A_923, %add3A_924 : vector<16xf32>
        %swap3A_926 = arith.constant 128 : index
        %swap3A_927 = tpu.vector_load %arg10[%swap3A_926] {strides = array<i32>} : memref<256xf32, #tpu.memory_space<vmem>>, vector<16xf32>,
        tpu.vector_store %arg10[%swap3A_926], %add3A_925 {strides = array<i32>} : memref<256xf32, #tpu.memory_space<vmem>>, vector<16xf32>,
        %add3A_928 = arith.constant 9 : i32
        %add3A_929 = arith.addi %mul3A_166, %add3A_928 : i32
        %get3A_930 = arith.constant 1 : i32
        %get3A_931 = arith.index_cast %get3A_930 : i32 to index
        %get3A_932 = arith.index_cast %add3A_929 : i32 to index
        %get3A_933 = arith.constant 0 : index
        %get3A_934 = tpu.vector_load %arg8[%get3A_931, %get3A_932, %get3A_933] {strides = array<i32>} : memref<2x80x64xi32, #tpu.memory_space<vmem>>, vector<16xi32>,
        %add3A_935 = arith.constant 9 : i32
        %add3A_936 = arith.addi %mul3A_166, %add3A_935 : i32
        %get3A_937 = arith.constant 1 : i32
        %get3A_938 = arith.index_cast %get3A_937 : i32 to index
        %get3A_939 = arith.index_cast %add3A_936 : i32 to index
        %get3A_940 = arith.constant 0 : index
        %get3A_941 = tpu.vector_load %arg9[%get3A_938, %get3A_939, %get3A_940] {strides = array<i32>} : memref<2x80x64xi32, #tpu.memory_space<vmem>>, vector<16xi32>,
        %bitcast3A_942 = vector.bitcast %get3A_934 : vector<16xi32> to vector<32xbf16>
        %bitcast3A_943 = vector.bitcast %get3A_941 : vector<16xi32> to vector<32xbf16>
        %mul3A_944 = arith.mulf %bitcast3A_942, %bitcast3A_943 : vector<32xbf16>
        %unpack3A_945 = tpu.unpack_subelements %mul3A_944, 0 {pack_format = #tpu.pack_format<interleaved>} : vector<32xbf16> -> vector<16xf32>
        %unpack3A_946 = tpu.unpack_subelements %mul3A_944, 1 {pack_format = #tpu.pack_format<interleaved>} : vector<32xbf16> -> vector<16xf32>
        %add3A_947 = arith.addf %unpack3A_945, %unpack3A_946 : vector<16xf32>
        %add3A_948 = arith.constant 9 : i32
        %add3A_949 = arith.addi %mul3A_166, %add3A_948 : i32
        %get3A_950 = arith.constant 1 : i32
        %get3A_951 = arith.index_cast %get3A_950 : i32 to index
        %get3A_952 = arith.index_cast %add3A_949 : i32 to index
        %get3A_953 = arith.constant 16 : index
        %get3A_954 = tpu.vector_load %arg8[%get3A_951, %get3A_952, %get3A_953] {strides = array<i32>} : memref<2x80x64xi32, #tpu.memory_space<vmem>>, vector<16xi32>,
        %add3A_955 = arith.constant 9 : i32
        %add3A_956 = arith.addi %mul3A_166, %add3A_955 : i32
        %get3A_957 = arith.constant 1 : i32
        %get3A_958 = arith.index_cast %get3A_957 : i32 to index
        %get3A_959 = arith.index_cast %add3A_956 : i32 to index
        %get3A_960 = arith.constant 16 : index
        %get3A_961 = tpu.vector_load %arg9[%get3A_958, %get3A_959, %get3A_960] {strides = array<i32>} : memref<2x80x64xi32, #tpu.memory_space<vmem>>, vector<16xi32>,
        %bitcast3A_962 = vector.bitcast %get3A_954 : vector<16xi32> to vector<32xbf16>
        %bitcast3A_963 = vector.bitcast %get3A_961 : vector<16xi32> to vector<32xbf16>
        %mul3A_964 = arith.mulf %bitcast3A_962, %bitcast3A_963 : vector<32xbf16>
        %unpack3A_965 = tpu.unpack_subelements %mul3A_964, 0 {pack_format = #tpu.pack_format<interleaved>} : vector<32xbf16> -> vector<16xf32>
        %unpack3A_966 = tpu.unpack_subelements %mul3A_964, 1 {pack_format = #tpu.pack_format<interleaved>} : vector<32xbf16> -> vector<16xf32>
        %add3A_967 = arith.addf %unpack3A_965, %unpack3A_966 : vector<16xf32>
        %add3A_968 = arith.constant 9 : i32
        %add3A_969 = arith.addi %mul3A_166, %add3A_968 : i32
        %get3A_970 = arith.constant 1 : i32
        %get3A_971 = arith.index_cast %get3A_970 : i32 to index
        %get3A_972 = arith.index_cast %add3A_969 : i32 to index
        %get3A_973 = arith.constant 32 : index
        %get3A_974 = tpu.vector_load %arg8[%get3A_971, %get3A_972, %get3A_973] {strides = array<i32>} : memref<2x80x64xi32, #tpu.memory_space<vmem>>, vector<16xi32>,
        %add3A_975 = arith.constant 9 : i32
        %add3A_976 = arith.addi %mul3A_166, %add3A_975 : i32
        %get3A_977 = arith.constant 1 : i32
        %get3A_978 = arith.index_cast %get3A_977 : i32 to index
        %get3A_979 = arith.index_cast %add3A_976 : i32 to index
        %get3A_980 = arith.constant 32 : index
        %get3A_981 = tpu.vector_load %arg9[%get3A_978, %get3A_979, %get3A_980] {strides = array<i32>} : memref<2x80x64xi32, #tpu.memory_space<vmem>>, vector<16xi32>,
        %bitcast3A_982 = vector.bitcast %get3A_974 : vector<16xi32> to vector<32xbf16>
        %bitcast3A_983 = vector.bitcast %get3A_981 : vector<16xi32> to vector<32xbf16>
        %mul3A_984 = arith.mulf %bitcast3A_982, %bitcast3A_983 : vector<32xbf16>
        %unpack3A_985 = tpu.unpack_subelements %mul3A_984, 0 {pack_format = #tpu.pack_format<interleaved>} : vector<32xbf16> -> vector<16xf32>
        %unpack3A_986 = tpu.unpack_subelements %mul3A_984, 1 {pack_format = #tpu.pack_format<interleaved>} : vector<32xbf16> -> vector<16xf32>
        %add3A_987 = arith.addf %unpack3A_985, %unpack3A_986 : vector<16xf32>
        %add3A_988 = arith.constant 9 : i32
        %add3A_989 = arith.addi %mul3A_166, %add3A_988 : i32
        %get3A_990 = arith.constant 1 : i32
        %get3A_991 = arith.index_cast %get3A_990 : i32 to index
        %get3A_992 = arith.index_cast %add3A_989 : i32 to index
        %get3A_993 = arith.constant 48 : index
        %get3A_994 = tpu.vector_load %arg8[%get3A_991, %get3A_992, %get3A_993] {strides = array<i32>} : memref<2x80x64xi32, #tpu.memory_space<vmem>>, vector<16xi32>,
        %add3A_995 = arith.constant 9 : i32
        %add3A_996 = arith.addi %mul3A_166, %add3A_995 : i32
        %get3A_997 = arith.constant 1 : i32
        %get3A_998 = arith.index_cast %get3A_997 : i32 to index
        %get3A_999 = arith.index_cast %add3A_996 : i32 to index
        %get3A_1000 = arith.constant 48 : index
        %get3A_1001 = tpu.vector_load %arg9[%get3A_998, %get3A_999, %get3A_1000] {strides = array<i32>} : memref<2x80x64xi32, #tpu.memory_space<vmem>>, vector<16xi32>,
        %bitcast3A_1002 = vector.bitcast %get3A_994 : vector<16xi32> to vector<32xbf16>
        %bitcast3A_1003 = vector.bitcast %get3A_1001 : vector<16xi32> to vector<32xbf16>
        %mul3A_1004 = arith.mulf %bitcast3A_1002, %bitcast3A_1003 : vector<32xbf16>
        %unpack3A_1005 = tpu.unpack_subelements %mul3A_1004, 0 {pack_format = #tpu.pack_format<interleaved>} : vector<32xbf16> -> vector<16xf32>
        %unpack3A_1006 = tpu.unpack_subelements %mul3A_1004, 1 {pack_format = #tpu.pack_format<interleaved>} : vector<32xbf16> -> vector<16xf32>
        %add3A_1007 = arith.addf %unpack3A_1005, %unpack3A_1006 : vector<16xf32>
        %add3A_1008 = arith.addf %add3A_947, %add3A_967 : vector<16xf32>
        %add3A_1009 = arith.addf %add3A_987, %add3A_1007 : vector<16xf32>
        %add3A_1010 = arith.addf %add3A_1008, %add3A_1009 : vector<16xf32>
        %swap3A_1011 = arith.constant 144 : index
        %swap3A_1012 = tpu.vector_load %arg10[%swap3A_1011] {strides = array<i32>} : memref<256xf32, #tpu.memory_space<vmem>>, vector<16xf32>,
        tpu.vector_store %arg10[%swap3A_1011], %add3A_1010 {strides = array<i32>} : memref<256xf32, #tpu.memory_space<vmem>>, vector<16xf32>,
        %add3A_1013 = arith.constant 10 : i32
        %add3A_1014 = arith.addi %mul3A_166, %add3A_1013 : i32
        %get3A_1015 = arith.constant 1 : i32
        %get3A_1016 = arith.index_cast %get3A_1015 : i32 to index
        %get3A_1017 = arith.index_cast %add3A_1014 : i32 to index
        %get3A_1018 = arith.constant 0 : index
        %get3A_1019 = tpu.vector_load %arg8[%get3A_1016, %get3A_1017, %get3A_1018] {strides = array<i32>} : memref<2x80x64xi32, #tpu.memory_space<vmem>>, vector<16xi32>,
        %add3A_1020 = arith.constant 10 : i32
        %add3A_1021 = arith.addi %mul3A_166, %add3A_1020 : i32
        %get3A_1022 = arith.constant 1 : i32
        %get3A_1023 = arith.index_cast %get3A_1022 : i32 to index
        %get3A_1024 = arith.index_cast %add3A_1021 : i32 to index
        %get3A_1025 = arith.constant 0 : index
        %get3A_1026 = tpu.vector_load %arg9[%get3A_1023, %get3A_1024, %get3A_1025] {strides = array<i32>} : memref<2x80x64xi32, #tpu.memory_space<vmem>>, vector<16xi32>,
        %bitcast3A_1027 = vector.bitcast %get3A_1019 : vector<16xi32> to vector<32xbf16>
        %bitcast3A_1028 = vector.bitcast %get3A_1026 : vector<16xi32> to vector<32xbf16>
        %mul3A_1029 = arith.mulf %bitcast3A_1027, %bitcast3A_1028 : vector<32xbf16>
        %unpack3A_1030 = tpu.unpack_subelements %mul3A_1029, 0 {pack_format = #tpu.pack_format<interleaved>} : vector<32xbf16> -> vector<16xf32>
        %unpack3A_1031 = tpu.unpack_subelements %mul3A_1029, 1 {pack_format = #tpu.pack_format<interleaved>} : vector<32xbf16> -> vector<16xf32>
        %add3A_1032 = arith.addf %unpack3A_1030, %unpack3A_1031 : vector<16xf32>
        %add3A_1033 = arith.constant 10 : i32
        %add3A_1034 = arith.addi %mul3A_166, %add3A_1033 : i32
        %get3A_1035 = arith.constant 1 : i32
        %get3A_1036 = arith.index_cast %get3A_1035 : i32 to index
        %get3A_1037 = arith.index_cast %add3A_1034 : i32 to index
        %get3A_1038 = arith.constant 16 : index
        %get3A_1039 = tpu.vector_load %arg8[%get3A_1036, %get3A_1037, %get3A_1038] {strides = array<i32>} : memref<2x80x64xi32, #tpu.memory_space<vmem>>, vector<16xi32>,
        %add3A_1040 = arith.constant 10 : i32
        %add3A_1041 = arith.addi %mul3A_166, %add3A_1040 : i32
        %get3A_1042 = arith.constant 1 : i32
        %get3A_1043 = arith.index_cast %get3A_1042 : i32 to index
        %get3A_1044 = arith.index_cast %add3A_1041 : i32 to index
        %get3A_1045 = arith.constant 16 : index
        %get3A_1046 = tpu.vector_load %arg9[%get3A_1043, %get3A_1044, %get3A_1045] {strides = array<i32>} : memref<2x80x64xi32, #tpu.memory_space<vmem>>, vector<16xi32>,
        %bitcast3A_1047 = vector.bitcast %get3A_1039 : vector<16xi32> to vector<32xbf16>
        %bitcast3A_1048 = vector.bitcast %get3A_1046 : vector<16xi32> to vector<32xbf16>
        %mul3A_1049 = arith.mulf %bitcast3A_1047, %bitcast3A_1048 : vector<32xbf16>
        %unpack3A_1050 = tpu.unpack_subelements %mul3A_1049, 0 {pack_format = #tpu.pack_format<interleaved>} : vector<32xbf16> -> vector<16xf32>
        %unpack3A_1051 = tpu.unpack_subelements %mul3A_1049, 1 {pack_format = #tpu.pack_format<interleaved>} : vector<32xbf16> -> vector<16xf32>
        %add3A_1052 = arith.addf %unpack3A_1050, %unpack3A_1051 : vector<16xf32>
        %add3A_1053 = arith.constant 10 : i32
        %add3A_1054 = arith.addi %mul3A_166, %add3A_1053 : i32
        %get3A_1055 = arith.constant 1 : i32
        %get3A_1056 = arith.index_cast %get3A_1055 : i32 to index
        %get3A_1057 = arith.index_cast %add3A_1054 : i32 to index
        %get3A_1058 = arith.constant 32 : index
        %get3A_1059 = tpu.vector_load %arg8[%get3A_1056, %get3A_1057, %get3A_1058] {strides = array<i32>} : memref<2x80x64xi32, #tpu.memory_space<vmem>>, vector<16xi32>,
        %add3A_1060 = arith.constant 10 : i32
        %add3A_1061 = arith.addi %mul3A_166, %add3A_1060 : i32
        %get3A_1062 = arith.constant 1 : i32
        %get3A_1063 = arith.index_cast %get3A_1062 : i32 to index
        %get3A_1064 = arith.index_cast %add3A_1061 : i32 to index
        %get3A_1065 = arith.constant 32 : index
        %get3A_1066 = tpu.vector_load %arg9[%get3A_1063, %get3A_1064, %get3A_1065] {strides = array<i32>} : memref<2x80x64xi32, #tpu.memory_space<vmem>>, vector<16xi32>,
        %bitcast3A_1067 = vector.bitcast %get3A_1059 : vector<16xi32> to vector<32xbf16>
        %bitcast3A_1068 = vector.bitcast %get3A_1066 : vector<16xi32> to vector<32xbf16>
        %mul3A_1069 = arith.mulf %bitcast3A_1067, %bitcast3A_1068 : vector<32xbf16>
        %unpack3A_1070 = tpu.unpack_subelements %mul3A_1069, 0 {pack_format = #tpu.pack_format<interleaved>} : vector<32xbf16> -> vector<16xf32>
        %unpack3A_1071 = tpu.unpack_subelements %mul3A_1069, 1 {pack_format = #tpu.pack_format<interleaved>} : vector<32xbf16> -> vector<16xf32>
        %add3A_1072 = arith.addf %unpack3A_1070, %unpack3A_1071 : vector<16xf32>
        %add3A_1073 = arith.constant 10 : i32
        %add3A_1074 = arith.addi %mul3A_166, %add3A_1073 : i32
        %get3A_1075 = arith.constant 1 : i32
        %get3A_1076 = arith.index_cast %get3A_1075 : i32 to index
        %get3A_1077 = arith.index_cast %add3A_1074 : i32 to index
        %get3A_1078 = arith.constant 48 : index
        %get3A_1079 = tpu.vector_load %arg8[%get3A_1076, %get3A_1077, %get3A_1078] {strides = array<i32>} : memref<2x80x64xi32, #tpu.memory_space<vmem>>, vector<16xi32>,
        %add3A_1080 = arith.constant 10 : i32
        %add3A_1081 = arith.addi %mul3A_166, %add3A_1080 : i32
        %get3A_1082 = arith.constant 1 : i32
        %get3A_1083 = arith.index_cast %get3A_1082 : i32 to index
        %get3A_1084 = arith.index_cast %add3A_1081 : i32 to index
        %get3A_1085 = arith.constant 48 : index
        %get3A_1086 = tpu.vector_load %arg9[%get3A_1083, %get3A_1084, %get3A_1085] {strides = array<i32>} : memref<2x80x64xi32, #tpu.memory_space<vmem>>, vector<16xi32>,
        %bitcast3A_1087 = vector.bitcast %get3A_1079 : vector<16xi32> to vector<32xbf16>
        %bitcast3A_1088 = vector.bitcast %get3A_1086 : vector<16xi32> to vector<32xbf16>
        %mul3A_1089 = arith.mulf %bitcast3A_1087, %bitcast3A_1088 : vector<32xbf16>
        %unpack3A_1090 = tpu.unpack_subelements %mul3A_1089, 0 {pack_format = #tpu.pack_format<interleaved>} : vector<32xbf16> -> vector<16xf32>
        %unpack3A_1091 = tpu.unpack_subelements %mul3A_1089, 1 {pack_format = #tpu.pack_format<interleaved>} : vector<32xbf16> -> vector<16xf32>
        %add3A_1092 = arith.addf %unpack3A_1090, %unpack3A_1091 : vector<16xf32>
        %add3A_1093 = arith.addf %add3A_1032, %add3A_1052 : vector<16xf32>
        %add3A_1094 = arith.addf %add3A_1072, %add3A_1092 : vector<16xf32>
        %add3A_1095 = arith.addf %add3A_1093, %add3A_1094 : vector<16xf32>
        %swap3A_1096 = arith.constant 160 : index
        %swap3A_1097 = tpu.vector_load %arg10[%swap3A_1096] {strides = array<i32>} : memref<256xf32, #tpu.memory_space<vmem>>, vector<16xf32>,
        tpu.vector_store %arg10[%swap3A_1096], %add3A_1095 {strides = array<i32>} : memref<256xf32, #tpu.memory_space<vmem>>, vector<16xf32>,
        %add3A_1098 = arith.constant 11 : i32
        %add3A_1099 = arith.addi %mul3A_166, %add3A_1098 : i32
        %get3A_1100 = arith.constant 1 : i32
        %get3A_1101 = arith.index_cast %get3A_1100 : i32 to index
        %get3A_1102 = arith.index_cast %add3A_1099 : i32 to index
        %get3A_1103 = arith.constant 0 : index
        %get3A_1104 = tpu.vector_load %arg8[%get3A_1101, %get3A_1102, %get3A_1103] {strides = array<i32>} : memref<2x80x64xi32, #tpu.memory_space<vmem>>, vector<16xi32>,
        %add3A_1105 = arith.constant 11 : i32
        %add3A_1106 = arith.addi %mul3A_166, %add3A_1105 : i32
        %get3A_1107 = arith.constant 1 : i32
        %get3A_1108 = arith.index_cast %get3A_1107 : i32 to index
        %get3A_1109 = arith.index_cast %add3A_1106 : i32 to index
        %get3A_1110 = arith.constant 0 : index
        %get3A_1111 = tpu.vector_load %arg9[%get3A_1108, %get3A_1109, %get3A_1110] {strides = array<i32>} : memref<2x80x64xi32, #tpu.memory_space<vmem>>, vector<16xi32>,
        %bitcast3A_1112 = vector.bitcast %get3A_1104 : vector<16xi32> to vector<32xbf16>
        %bitcast3A_1113 = vector.bitcast %get3A_1111 : vector<16xi32> to vector<32xbf16>
        %mul3A_1114 = arith.mulf %bitcast3A_1112, %bitcast3A_1113 : vector<32xbf16>
        %unpack3A_1115 = tpu.unpack_subelements %mul3A_1114, 0 {pack_format = #tpu.pack_format<interleaved>} : vector<32xbf16> -> vector<16xf32>
        %unpack3A_1116 = tpu.unpack_subelements %mul3A_1114, 1 {pack_format = #tpu.pack_format<interleaved>} : vector<32xbf16> -> vector<16xf32>
        %add3A_1117 = arith.addf %unpack3A_1115, %unpack3A_1116 : vector<16xf32>
        %add3A_1118 = arith.constant 11 : i32
        %add3A_1119 = arith.addi %mul3A_166, %add3A_1118 : i32
        %get3A_1120 = arith.constant 1 : i32
        %get3A_1121 = arith.index_cast %get3A_1120 : i32 to index
        %get3A_1122 = arith.index_cast %add3A_1119 : i32 to index
        %get3A_1123 = arith.constant 16 : index
        %get3A_1124 = tpu.vector_load %arg8[%get3A_1121, %get3A_1122, %get3A_1123] {strides = array<i32>} : memref<2x80x64xi32, #tpu.memory_space<vmem>>, vector<16xi32>,
        %add3A_1125 = arith.constant 11 : i32
        %add3A_1126 = arith.addi %mul3A_166, %add3A_1125 : i32
        %get3A_1127 = arith.constant 1 : i32
        %get3A_1128 = arith.index_cast %get3A_1127 : i32 to index
        %get3A_1129 = arith.index_cast %add3A_1126 : i32 to index
        %get3A_1130 = arith.constant 16 : index
        %get3A_1131 = tpu.vector_load %arg9[%get3A_1128, %get3A_1129, %get3A_1130] {strides = array<i32>} : memref<2x80x64xi32, #tpu.memory_space<vmem>>, vector<16xi32>,
        %bitcast3A_1132 = vector.bitcast %get3A_1124 : vector<16xi32> to vector<32xbf16>
        %bitcast3A_1133 = vector.bitcast %get3A_1131 : vector<16xi32> to vector<32xbf16>
        %mul3A_1134 = arith.mulf %bitcast3A_1132, %bitcast3A_1133 : vector<32xbf16>
        %unpack3A_1135 = tpu.unpack_subelements %mul3A_1134, 0 {pack_format = #tpu.pack_format<interleaved>} : vector<32xbf16> -> vector<16xf32>
        %unpack3A_1136 = tpu.unpack_subelements %mul3A_1134, 1 {pack_format = #tpu.pack_format<interleaved>} : vector<32xbf16> -> vector<16xf32>
        %add3A_1137 = arith.addf %unpack3A_1135, %unpack3A_1136 : vector<16xf32>
        %add3A_1138 = arith.constant 11 : i32
        %add3A_1139 = arith.addi %mul3A_166, %add3A_1138 : i32
        %get3A_1140 = arith.constant 1 : i32
        %get3A_1141 = arith.index_cast %get3A_1140 : i32 to index
        %get3A_1142 = arith.index_cast %add3A_1139 : i32 to index
        %get3A_1143 = arith.constant 32 : index
        %get3A_1144 = tpu.vector_load %arg8[%get3A_1141, %get3A_1142, %get3A_1143] {strides = array<i32>} : memref<2x80x64xi32, #tpu.memory_space<vmem>>, vector<16xi32>,
        %add3A_1145 = arith.constant 11 : i32
        %add3A_1146 = arith.addi %mul3A_166, %add3A_1145 : i32
        %get3A_1147 = arith.constant 1 : i32
        %get3A_1148 = arith.index_cast %get3A_1147 : i32 to index
        %get3A_1149 = arith.index_cast %add3A_1146 : i32 to index
        %get3A_1150 = arith.constant 32 : index
        %get3A_1151 = tpu.vector_load %arg9[%get3A_1148, %get3A_1149, %get3A_1150] {strides = array<i32>} : memref<2x80x64xi32, #tpu.memory_space<vmem>>, vector<16xi32>,
        %bitcast3A_1152 = vector.bitcast %get3A_1144 : vector<16xi32> to vector<32xbf16>
        %bitcast3A_1153 = vector.bitcast %get3A_1151 : vector<16xi32> to vector<32xbf16>
        %mul3A_1154 = arith.mulf %bitcast3A_1152, %bitcast3A_1153 : vector<32xbf16>
        %unpack3A_1155 = tpu.unpack_subelements %mul3A_1154, 0 {pack_format = #tpu.pack_format<interleaved>} : vector<32xbf16> -> vector<16xf32>
        %unpack3A_1156 = tpu.unpack_subelements %mul3A_1154, 1 {pack_format = #tpu.pack_format<interleaved>} : vector<32xbf16> -> vector<16xf32>
        %add3A_1157 = arith.addf %unpack3A_1155, %unpack3A_1156 : vector<16xf32>
        %add3A_1158 = arith.constant 11 : i32
        %add3A_1159 = arith.addi %mul3A_166, %add3A_1158 : i32
        %get3A_1160 = arith.constant 1 : i32
        %get3A_1161 = arith.index_cast %get3A_1160 : i32 to index
        %get3A_1162 = arith.index_cast %add3A_1159 : i32 to index
        %get3A_1163 = arith.constant 48 : index
        %get3A_1164 = tpu.vector_load %arg8[%get3A_1161, %get3A_1162, %get3A_1163] {strides = array<i32>} : memref<2x80x64xi32, #tpu.memory_space<vmem>>, vector<16xi32>,
        %add3A_1165 = arith.constant 11 : i32
        %add3A_1166 = arith.addi %mul3A_166, %add3A_1165 : i32
        %get3A_1167 = arith.constant 1 : i32
        %get3A_1168 = arith.index_cast %get3A_1167 : i32 to index
        %get3A_1169 = arith.index_cast %add3A_1166 : i32 to index
        %get3A_1170 = arith.constant 48 : index
        %get3A_1171 = tpu.vector_load %arg9[%get3A_1168, %get3A_1169, %get3A_1170] {strides = array<i32>} : memref<2x80x64xi32, #tpu.memory_space<vmem>>, vector<16xi32>,
        %bitcast3A_1172 = vector.bitcast %get3A_1164 : vector<16xi32> to vector<32xbf16>
        %bitcast3A_1173 = vector.bitcast %get3A_1171 : vector<16xi32> to vector<32xbf16>
        %mul3A_1174 = arith.mulf %bitcast3A_1172, %bitcast3A_1173 : vector<32xbf16>
        %unpack3A_1175 = tpu.unpack_subelements %mul3A_1174, 0 {pack_format = #tpu.pack_format<interleaved>} : vector<32xbf16> -> vector<16xf32>
        %unpack3A_1176 = tpu.unpack_subelements %mul3A_1174, 1 {pack_format = #tpu.pack_format<interleaved>} : vector<32xbf16> -> vector<16xf32>
        %add3A_1177 = arith.addf %unpack3A_1175, %unpack3A_1176 : vector<16xf32>
        %add3A_1178 = arith.addf %add3A_1117, %add3A_1137 : vector<16xf32>
        %add3A_1179 = arith.addf %add3A_1157, %add3A_1177 : vector<16xf32>
        %add3A_1180 = arith.addf %add3A_1178, %add3A_1179 : vector<16xf32>
        %swap3A_1181 = arith.constant 176 : index
        %swap3A_1182 = tpu.vector_load %arg10[%swap3A_1181] {strides = array<i32>} : memref<256xf32, #tpu.memory_space<vmem>>, vector<16xf32>,
        tpu.vector_store %arg10[%swap3A_1181], %add3A_1180 {strides = array<i32>} : memref<256xf32, #tpu.memory_space<vmem>>, vector<16xf32>,
        %add3A_1183 = arith.constant 12 : i32
        %add3A_1184 = arith.addi %mul3A_166, %add3A_1183 : i32
        %get3A_1185 = arith.constant 1 : i32
        %get3A_1186 = arith.index_cast %get3A_1185 : i32 to index
        %get3A_1187 = arith.index_cast %add3A_1184 : i32 to index
        %get3A_1188 = arith.constant 0 : index
        %get3A_1189 = tpu.vector_load %arg8[%get3A_1186, %get3A_1187, %get3A_1188] {strides = array<i32>} : memref<2x80x64xi32, #tpu.memory_space<vmem>>, vector<16xi32>,
        %add3A_1190 = arith.constant 12 : i32
        %add3A_1191 = arith.addi %mul3A_166, %add3A_1190 : i32
        %get3A_1192 = arith.constant 1 : i32
        %get3A_1193 = arith.index_cast %get3A_1192 : i32 to index
        %get3A_1194 = arith.index_cast %add3A_1191 : i32 to index
        %get3A_1195 = arith.constant 0 : index
        %get3A_1196 = tpu.vector_load %arg9[%get3A_1193, %get3A_1194, %get3A_1195] {strides = array<i32>} : memref<2x80x64xi32, #tpu.memory_space<vmem>>, vector<16xi32>,
        %bitcast3A_1197 = vector.bitcast %get3A_1189 : vector<16xi32> to vector<32xbf16>
        %bitcast3A_1198 = vector.bitcast %get3A_1196 : vector<16xi32> to vector<32xbf16>
        %mul3A_1199 = arith.mulf %bitcast3A_1197, %bitcast3A_1198 : vector<32xbf16>
        %unpack3A_1200 = tpu.unpack_subelements %mul3A_1199, 0 {pack_format = #tpu.pack_format<interleaved>} : vector<32xbf16> -> vector<16xf32>
        %unpack3A_1201 = tpu.unpack_subelements %mul3A_1199, 1 {pack_format = #tpu.pack_format<interleaved>} : vector<32xbf16> -> vector<16xf32>
        %add3A_1202 = arith.addf %unpack3A_1200, %unpack3A_1201 : vector<16xf32>
        %add3A_1203 = arith.constant 12 : i32
        %add3A_1204 = arith.addi %mul3A_166, %add3A_1203 : i32
        %get3A_1205 = arith.constant 1 : i32
        %get3A_1206 = arith.index_cast %get3A_1205 : i32 to index
        %get3A_1207 = arith.index_cast %add3A_1204 : i32 to index
        %get3A_1208 = arith.constant 16 : index
        %get3A_1209 = tpu.vector_load %arg8[%get3A_1206, %get3A_1207, %get3A_1208] {strides = array<i32>} : memref<2x80x64xi32, #tpu.memory_space<vmem>>, vector<16xi32>,
        %add3A_1210 = arith.constant 12 : i32
        %add3A_1211 = arith.addi %mul3A_166, %add3A_1210 : i32
        %get3A_1212 = arith.constant 1 : i32
        %get3A_1213 = arith.index_cast %get3A_1212 : i32 to index
        %get3A_1214 = arith.index_cast %add3A_1211 : i32 to index
        %get3A_1215 = arith.constant 16 : index
        %get3A_1216 = tpu.vector_load %arg9[%get3A_1213, %get3A_1214, %get3A_1215] {strides = array<i32>} : memref<2x80x64xi32, #tpu.memory_space<vmem>>, vector<16xi32>,
        %bitcast3A_1217 = vector.bitcast %get3A_1209 : vector<16xi32> to vector<32xbf16>
        %bitcast3A_1218 = vector.bitcast %get3A_1216 : vector<16xi32> to vector<32xbf16>
        %mul3A_1219 = arith.mulf %bitcast3A_1217, %bitcast3A_1218 : vector<32xbf16>
        %unpack3A_1220 = tpu.unpack_subelements %mul3A_1219, 0 {pack_format = #tpu.pack_format<interleaved>} : vector<32xbf16> -> vector<16xf32>
        %unpack3A_1221 = tpu.unpack_subelements %mul3A_1219, 1 {pack_format = #tpu.pack_format<interleaved>} : vector<32xbf16> -> vector<16xf32>
        %add3A_1222 = arith.addf %unpack3A_1220, %unpack3A_1221 : vector<16xf32>
        %add3A_1223 = arith.constant 12 : i32
        %add3A_1224 = arith.addi %mul3A_166, %add3A_1223 : i32
        %get3A_1225 = arith.constant 1 : i32
        %get3A_1226 = arith.index_cast %get3A_1225 : i32 to index
        %get3A_1227 = arith.index_cast %add3A_1224 : i32 to index
        %get3A_1228 = arith.constant 32 : index
        %get3A_1229 = tpu.vector_load %arg8[%get3A_1226, %get3A_1227, %get3A_1228] {strides = array<i32>} : memref<2x80x64xi32, #tpu.memory_space<vmem>>, vector<16xi32>,
        %add3A_1230 = arith.constant 12 : i32
        %add3A_1231 = arith.addi %mul3A_166, %add3A_1230 : i32
        %get3A_1232 = arith.constant 1 : i32
        %get3A_1233 = arith.index_cast %get3A_1232 : i32 to index
        %get3A_1234 = arith.index_cast %add3A_1231 : i32 to index
        %get3A_1235 = arith.constant 32 : index
        %get3A_1236 = tpu.vector_load %arg9[%get3A_1233, %get3A_1234, %get3A_1235] {strides = array<i32>} : memref<2x80x64xi32, #tpu.memory_space<vmem>>, vector<16xi32>,
        %bitcast3A_1237 = vector.bitcast %get3A_1229 : vector<16xi32> to vector<32xbf16>
        %bitcast3A_1238 = vector.bitcast %get3A_1236 : vector<16xi32> to vector<32xbf16>
        %mul3A_1239 = arith.mulf %bitcast3A_1237, %bitcast3A_1238 : vector<32xbf16>
        %unpack3A_1240 = tpu.unpack_subelements %mul3A_1239, 0 {pack_format = #tpu.pack_format<interleaved>} : vector<32xbf16> -> vector<16xf32>
        %unpack3A_1241 = tpu.unpack_subelements %mul3A_1239, 1 {pack_format = #tpu.pack_format<interleaved>} : vector<32xbf16> -> vector<16xf32>
        %add3A_1242 = arith.addf %unpack3A_1240, %unpack3A_1241 : vector<16xf32>
        %add3A_1243 = arith.constant 12 : i32
        %add3A_1244 = arith.addi %mul3A_166, %add3A_1243 : i32
        %get3A_1245 = arith.constant 1 : i32
        %get3A_1246 = arith.index_cast %get3A_1245 : i32 to index
        %get3A_1247 = arith.index_cast %add3A_1244 : i32 to index
        %get3A_1248 = arith.constant 48 : index
        %get3A_1249 = tpu.vector_load %arg8[%get3A_1246, %get3A_1247, %get3A_1248] {strides = array<i32>} : memref<2x80x64xi32, #tpu.memory_space<vmem>>, vector<16xi32>,
        %add3A_1250 = arith.constant 12 : i32
        %add3A_1251 = arith.addi %mul3A_166, %add3A_1250 : i32
        %get3A_1252 = arith.constant 1 : i32
        %get3A_1253 = arith.index_cast %get3A_1252 : i32 to index
        %get3A_1254 = arith.index_cast %add3A_1251 : i32 to index
        %get3A_1255 = arith.constant 48 : index
        %get3A_1256 = tpu.vector_load %arg9[%get3A_1253, %get3A_1254, %get3A_1255] {strides = array<i32>} : memref<2x80x64xi32, #tpu.memory_space<vmem>>, vector<16xi32>,
        %bitcast3A_1257 = vector.bitcast %get3A_1249 : vector<16xi32> to vector<32xbf16>
        %bitcast3A_1258 = vector.bitcast %get3A_1256 : vector<16xi32> to vector<32xbf16>
        %mul3A_1259 = arith.mulf %bitcast3A_1257, %bitcast3A_1258 : vector<32xbf16>
        %unpack3A_1260 = tpu.unpack_subelements %mul3A_1259, 0 {pack_format = #tpu.pack_format<interleaved>} : vector<32xbf16> -> vector<16xf32>
        %unpack3A_1261 = tpu.unpack_subelements %mul3A_1259, 1 {pack_format = #tpu.pack_format<interleaved>} : vector<32xbf16> -> vector<16xf32>
        %add3A_1262 = arith.addf %unpack3A_1260, %unpack3A_1261 : vector<16xf32>
        %add3A_1263 = arith.addf %add3A_1202, %add3A_1222 : vector<16xf32>
        %add3A_1264 = arith.addf %add3A_1242, %add3A_1262 : vector<16xf32>
        %add3A_1265 = arith.addf %add3A_1263, %add3A_1264 : vector<16xf32>
        %swap3A_1266 = arith.constant 192 : index
        %swap3A_1267 = tpu.vector_load %arg10[%swap3A_1266] {strides = array<i32>} : memref<256xf32, #tpu.memory_space<vmem>>, vector<16xf32>,
        tpu.vector_store %arg10[%swap3A_1266], %add3A_1265 {strides = array<i32>} : memref<256xf32, #tpu.memory_space<vmem>>, vector<16xf32>,
        %add3A_1268 = arith.constant 13 : i32
        %add3A_1269 = arith.addi %mul3A_166, %add3A_1268 : i32
        %get3A_1270 = arith.constant 1 : i32
        %get3A_1271 = arith.index_cast %get3A_1270 : i32 to index
        %get3A_1272 = arith.index_cast %add3A_1269 : i32 to index
        %get3A_1273 = arith.constant 0 : index
        %get3A_1274 = tpu.vector_load %arg8[%get3A_1271, %get3A_1272, %get3A_1273] {strides = array<i32>} : memref<2x80x64xi32, #tpu.memory_space<vmem>>, vector<16xi32>,
        %add3A_1275 = arith.constant 13 : i32
        %add3A_1276 = arith.addi %mul3A_166, %add3A_1275 : i32
        %get3A_1277 = arith.constant 1 : i32
        %get3A_1278 = arith.index_cast %get3A_1277 : i32 to index
        %get3A_1279 = arith.index_cast %add3A_1276 : i32 to index
        %get3A_1280 = arith.constant 0 : index
        %get3A_1281 = tpu.vector_load %arg9[%get3A_1278, %get3A_1279, %get3A_1280] {strides = array<i32>} : memref<2x80x64xi32, #tpu.memory_space<vmem>>, vector<16xi32>,
        %bitcast3A_1282 = vector.bitcast %get3A_1274 : vector<16xi32> to vector<32xbf16>
        %bitcast3A_1283 = vector.bitcast %get3A_1281 : vector<16xi32> to vector<32xbf16>
        %mul3A_1284 = arith.mulf %bitcast3A_1282, %bitcast3A_1283 : vector<32xbf16>
        %unpack3A_1285 = tpu.unpack_subelements %mul3A_1284, 0 {pack_format = #tpu.pack_format<interleaved>} : vector<32xbf16> -> vector<16xf32>
        %unpack3A_1286 = tpu.unpack_subelements %mul3A_1284, 1 {pack_format = #tpu.pack_format<interleaved>} : vector<32xbf16> -> vector<16xf32>
        %add3A_1287 = arith.addf %unpack3A_1285, %unpack3A_1286 : vector<16xf32>
        %add3A_1288 = arith.constant 13 : i32
        %add3A_1289 = arith.addi %mul3A_166, %add3A_1288 : i32
        %get3A_1290 = arith.constant 1 : i32
        %get3A_1291 = arith.index_cast %get3A_1290 : i32 to index
        %get3A_1292 = arith.index_cast %add3A_1289 : i32 to index
        %get3A_1293 = arith.constant 16 : index
        %get3A_1294 = tpu.vector_load %arg8[%get3A_1291, %get3A_1292, %get3A_1293] {strides = array<i32>} : memref<2x80x64xi32, #tpu.memory_space<vmem>>, vector<16xi32>,
        %add3A_1295 = arith.constant 13 : i32
        %add3A_1296 = arith.addi %mul3A_166, %add3A_1295 : i32
        %get3A_1297 = arith.constant 1 : i32
        %get3A_1298 = arith.index_cast %get3A_1297 : i32 to index
        %get3A_1299 = arith.index_cast %add3A_1296 : i32 to index
        %get3A_1300 = arith.constant 16 : index
        %get3A_1301 = tpu.vector_load %arg9[%get3A_1298, %get3A_1299, %get3A_1300] {strides = array<i32>} : memref<2x80x64xi32, #tpu.memory_space<vmem>>, vector<16xi32>,
        %bitcast3A_1302 = vector.bitcast %get3A_1294 : vector<16xi32> to vector<32xbf16>
        %bitcast3A_1303 = vector.bitcast %get3A_1301 : vector<16xi32> to vector<32xbf16>
        %mul3A_1304 = arith.mulf %bitcast3A_1302, %bitcast3A_1303 : vector<32xbf16>
        %unpack3A_1305 = tpu.unpack_subelements %mul3A_1304, 0 {pack_format = #tpu.pack_format<interleaved>} : vector<32xbf16> -> vector<16xf32>
        %unpack3A_1306 = tpu.unpack_subelements %mul3A_1304, 1 {pack_format = #tpu.pack_format<interleaved>} : vector<32xbf16> -> vector<16xf32>
        %add3A_1307 = arith.addf %unpack3A_1305, %unpack3A_1306 : vector<16xf32>
        %add3A_1308 = arith.constant 13 : i32
        %add3A_1309 = arith.addi %mul3A_166, %add3A_1308 : i32
        %get3A_1310 = arith.constant 1 : i32
        %get3A_1311 = arith.index_cast %get3A_1310 : i32 to index
        %get3A_1312 = arith.index_cast %add3A_1309 : i32 to index
        %get3A_1313 = arith.constant 32 : index
        %get3A_1314 = tpu.vector_load %arg8[%get3A_1311, %get3A_1312, %get3A_1313] {strides = array<i32>} : memref<2x80x64xi32, #tpu.memory_space<vmem>>, vector<16xi32>,
        %add3A_1315 = arith.constant 13 : i32
        %add3A_1316 = arith.addi %mul3A_166, %add3A_1315 : i32
        %get3A_1317 = arith.constant 1 : i32
        %get3A_1318 = arith.index_cast %get3A_1317 : i32 to index
        %get3A_1319 = arith.index_cast %add3A_1316 : i32 to index
        %get3A_1320 = arith.constant 32 : index
        %get3A_1321 = tpu.vector_load %arg9[%get3A_1318, %get3A_1319, %get3A_1320] {strides = array<i32>} : memref<2x80x64xi32, #tpu.memory_space<vmem>>, vector<16xi32>,
        %bitcast3A_1322 = vector.bitcast %get3A_1314 : vector<16xi32> to vector<32xbf16>
        %bitcast3A_1323 = vector.bitcast %get3A_1321 : vector<16xi32> to vector<32xbf16>
        %mul3A_1324 = arith.mulf %bitcast3A_1322, %bitcast3A_1323 : vector<32xbf16>
        %unpack3A_1325 = tpu.unpack_subelements %mul3A_1324, 0 {pack_format = #tpu.pack_format<interleaved>} : vector<32xbf16> -> vector<16xf32>
        %unpack3A_1326 = tpu.unpack_subelements %mul3A_1324, 1 {pack_format = #tpu.pack_format<interleaved>} : vector<32xbf16> -> vector<16xf32>
        %add3A_1327 = arith.addf %unpack3A_1325, %unpack3A_1326 : vector<16xf32>
        %add3A_1328 = arith.constant 13 : i32
        %add3A_1329 = arith.addi %mul3A_166, %add3A_1328 : i32
        %get3A_1330 = arith.constant 1 : i32
        %get3A_1331 = arith.index_cast %get3A_1330 : i32 to index
        %get3A_1332 = arith.index_cast %add3A_1329 : i32 to index
        %get3A_1333 = arith.constant 48 : index
        %get3A_1334 = tpu.vector_load %arg8[%get3A_1331, %get3A_1332, %get3A_1333] {strides = array<i32>} : memref<2x80x64xi32, #tpu.memory_space<vmem>>, vector<16xi32>,
        %add3A_1335 = arith.constant 13 : i32
        %add3A_1336 = arith.addi %mul3A_166, %add3A_1335 : i32
        %get3A_1337 = arith.constant 1 : i32
        %get3A_1338 = arith.index_cast %get3A_1337 : i32 to index
        %get3A_1339 = arith.index_cast %add3A_1336 : i32 to index
        %get3A_1340 = arith.constant 48 : index
        %get3A_1341 = tpu.vector_load %arg9[%get3A_1338, %get3A_1339, %get3A_1340] {strides = array<i32>} : memref<2x80x64xi32, #tpu.memory_space<vmem>>, vector<16xi32>,
        %bitcast3A_1342 = vector.bitcast %get3A_1334 : vector<16xi32> to vector<32xbf16>
        %bitcast3A_1343 = vector.bitcast %get3A_1341 : vector<16xi32> to vector<32xbf16>
        %mul3A_1344 = arith.mulf %bitcast3A_1342, %bitcast3A_1343 : vector<32xbf16>
        %unpack3A_1345 = tpu.unpack_subelements %mul3A_1344, 0 {pack_format = #tpu.pack_format<interleaved>} : vector<32xbf16> -> vector<16xf32>
        %unpack3A_1346 = tpu.unpack_subelements %mul3A_1344, 1 {pack_format = #tpu.pack_format<interleaved>} : vector<32xbf16> -> vector<16xf32>
        %add3A_1347 = arith.addf %unpack3A_1345, %unpack3A_1346 : vector<16xf32>
        %add3A_1348 = arith.addf %add3A_1287, %add3A_1307 : vector<16xf32>
        %add3A_1349 = arith.addf %add3A_1327, %add3A_1347 : vector<16xf32>
        %add3A_1350 = arith.addf %add3A_1348, %add3A_1349 : vector<16xf32>
        %swap3A_1351 = arith.constant 208 : index
        %swap3A_1352 = tpu.vector_load %arg10[%swap3A_1351] {strides = array<i32>} : memref<256xf32, #tpu.memory_space<vmem>>, vector<16xf32>,
        tpu.vector_store %arg10[%swap3A_1351], %add3A_1350 {strides = array<i32>} : memref<256xf32, #tpu.memory_space<vmem>>, vector<16xf32>,
        %add3A_1353 = arith.constant 14 : i32
        %add3A_1354 = arith.addi %mul3A_166, %add3A_1353 : i32
        %get3A_1355 = arith.constant 1 : i32
        %get3A_1356 = arith.index_cast %get3A_1355 : i32 to index
        %get3A_1357 = arith.index_cast %add3A_1354 : i32 to index
        %get3A_1358 = arith.constant 0 : index
        %get3A_1359 = tpu.vector_load %arg8[%get3A_1356, %get3A_1357, %get3A_1358] {strides = array<i32>} : memref<2x80x64xi32, #tpu.memory_space<vmem>>, vector<16xi32>,
        %add3A_1360 = arith.constant 14 : i32
        %add3A_1361 = arith.addi %mul3A_166, %add3A_1360 : i32
        %get3A_1362 = arith.constant 1 : i32
        %get3A_1363 = arith.index_cast %get3A_1362 : i32 to index
        %get3A_1364 = arith.index_cast %add3A_1361 : i32 to index
        %get3A_1365 = arith.constant 0 : index
        %get3A_1366 = tpu.vector_load %arg9[%get3A_1363, %get3A_1364, %get3A_1365] {strides = array<i32>} : memref<2x80x64xi32, #tpu.memory_space<vmem>>, vector<16xi32>,
        %bitcast3A_1367 = vector.bitcast %get3A_1359 : vector<16xi32> to vector<32xbf16>
        %bitcast3A_1368 = vector.bitcast %get3A_1366 : vector<16xi32> to vector<32xbf16>
        %mul3A_1369 = arith.mulf %bitcast3A_1367, %bitcast3A_1368 : vector<32xbf16>
        %unpack3A_1370 = tpu.unpack_subelements %mul3A_1369, 0 {pack_format = #tpu.pack_format<interleaved>} : vector<32xbf16> -> vector<16xf32>
        %unpack3A_1371 = tpu.unpack_subelements %mul3A_1369, 1 {pack_format = #tpu.pack_format<interleaved>} : vector<32xbf16> -> vector<16xf32>
        %add3A_1372 = arith.addf %unpack3A_1370, %unpack3A_1371 : vector<16xf32>
        %add3A_1373 = arith.constant 14 : i32
        %add3A_1374 = arith.addi %mul3A_166, %add3A_1373 : i32
        %get3A_1375 = arith.constant 1 : i32
        %get3A_1376 = arith.index_cast %get3A_1375 : i32 to index
        %get3A_1377 = arith.index_cast %add3A_1374 : i32 to index
        %get3A_1378 = arith.constant 16 : index
        %get3A_1379 = tpu.vector_load %arg8[%get3A_1376, %get3A_1377, %get3A_1378] {strides = array<i32>} : memref<2x80x64xi32, #tpu.memory_space<vmem>>, vector<16xi32>,
        %add3A_1380 = arith.constant 14 : i32
        %add3A_1381 = arith.addi %mul3A_166, %add3A_1380 : i32
        %get3A_1382 = arith.constant 1 : i32
        %get3A_1383 = arith.index_cast %get3A_1382 : i32 to index
        %get3A_1384 = arith.index_cast %add3A_1381 : i32 to index
        %get3A_1385 = arith.constant 16 : index
        %get3A_1386 = tpu.vector_load %arg9[%get3A_1383, %get3A_1384, %get3A_1385] {strides = array<i32>} : memref<2x80x64xi32, #tpu.memory_space<vmem>>, vector<16xi32>,
        %bitcast3A_1387 = vector.bitcast %get3A_1379 : vector<16xi32> to vector<32xbf16>
        %bitcast3A_1388 = vector.bitcast %get3A_1386 : vector<16xi32> to vector<32xbf16>
        %mul3A_1389 = arith.mulf %bitcast3A_1387, %bitcast3A_1388 : vector<32xbf16>
        %unpack3A_1390 = tpu.unpack_subelements %mul3A_1389, 0 {pack_format = #tpu.pack_format<interleaved>} : vector<32xbf16> -> vector<16xf32>
        %unpack3A_1391 = tpu.unpack_subelements %mul3A_1389, 1 {pack_format = #tpu.pack_format<interleaved>} : vector<32xbf16> -> vector<16xf32>
        %add3A_1392 = arith.addf %unpack3A_1390, %unpack3A_1391 : vector<16xf32>
        %add3A_1393 = arith.constant 14 : i32
        %add3A_1394 = arith.addi %mul3A_166, %add3A_1393 : i32
        %get3A_1395 = arith.constant 1 : i32
        %get3A_1396 = arith.index_cast %get3A_1395 : i32 to index
        %get3A_1397 = arith.index_cast %add3A_1394 : i32 to index
        %get3A_1398 = arith.constant 32 : index
        %get3A_1399 = tpu.vector_load %arg8[%get3A_1396, %get3A_1397, %get3A_1398] {strides = array<i32>} : memref<2x80x64xi32, #tpu.memory_space<vmem>>, vector<16xi32>,
        %add3A_1400 = arith.constant 14 : i32
        %add3A_1401 = arith.addi %mul3A_166, %add3A_1400 : i32
        %get3A_1402 = arith.constant 1 : i32
        %get3A_1403 = arith.index_cast %get3A_1402 : i32 to index
        %get3A_1404 = arith.index_cast %add3A_1401 : i32 to index
        %get3A_1405 = arith.constant 32 : index
        %get3A_1406 = tpu.vector_load %arg9[%get3A_1403, %get3A_1404, %get3A_1405] {strides = array<i32>} : memref<2x80x64xi32, #tpu.memory_space<vmem>>, vector<16xi32>,
        %bitcast3A_1407 = vector.bitcast %get3A_1399 : vector<16xi32> to vector<32xbf16>
        %bitcast3A_1408 = vector.bitcast %get3A_1406 : vector<16xi32> to vector<32xbf16>
        %mul3A_1409 = arith.mulf %bitcast3A_1407, %bitcast3A_1408 : vector<32xbf16>
        %unpack3A_1410 = tpu.unpack_subelements %mul3A_1409, 0 {pack_format = #tpu.pack_format<interleaved>} : vector<32xbf16> -> vector<16xf32>
        %unpack3A_1411 = tpu.unpack_subelements %mul3A_1409, 1 {pack_format = #tpu.pack_format<interleaved>} : vector<32xbf16> -> vector<16xf32>
        %add3A_1412 = arith.addf %unpack3A_1410, %unpack3A_1411 : vector<16xf32>
        %add3A_1413 = arith.constant 14 : i32
        %add3A_1414 = arith.addi %mul3A_166, %add3A_1413 : i32
        %get3A_1415 = arith.constant 1 : i32
        %get3A_1416 = arith.index_cast %get3A_1415 : i32 to index
        %get3A_1417 = arith.index_cast %add3A_1414 : i32 to index
        %get3A_1418 = arith.constant 48 : index
        %get3A_1419 = tpu.vector_load %arg8[%get3A_1416, %get3A_1417, %get3A_1418] {strides = array<i32>} : memref<2x80x64xi32, #tpu.memory_space<vmem>>, vector<16xi32>,
        %add3A_1420 = arith.constant 14 : i32
        %add3A_1421 = arith.addi %mul3A_166, %add3A_1420 : i32
        %get3A_1422 = arith.constant 1 : i32
        %get3A_1423 = arith.index_cast %get3A_1422 : i32 to index
        %get3A_1424 = arith.index_cast %add3A_1421 : i32 to index
        %get3A_1425 = arith.constant 48 : index
        %get3A_1426 = tpu.vector_load %arg9[%get3A_1423, %get3A_1424, %get3A_1425] {strides = array<i32>} : memref<2x80x64xi32, #tpu.memory_space<vmem>>, vector<16xi32>,
        %bitcast3A_1427 = vector.bitcast %get3A_1419 : vector<16xi32> to vector<32xbf16>
        %bitcast3A_1428 = vector.bitcast %get3A_1426 : vector<16xi32> to vector<32xbf16>
        %mul3A_1429 = arith.mulf %bitcast3A_1427, %bitcast3A_1428 : vector<32xbf16>
        %unpack3A_1430 = tpu.unpack_subelements %mul3A_1429, 0 {pack_format = #tpu.pack_format<interleaved>} : vector<32xbf16> -> vector<16xf32>
        %unpack3A_1431 = tpu.unpack_subelements %mul3A_1429, 1 {pack_format = #tpu.pack_format<interleaved>} : vector<32xbf16> -> vector<16xf32>
        %add3A_1432 = arith.addf %unpack3A_1430, %unpack3A_1431 : vector<16xf32>
        %add3A_1433 = arith.addf %add3A_1372, %add3A_1392 : vector<16xf32>
        %add3A_1434 = arith.addf %add3A_1412, %add3A_1432 : vector<16xf32>
        %add3A_1435 = arith.addf %add3A_1433, %add3A_1434 : vector<16xf32>
        %swap3A_1436 = arith.constant 224 : index
        %swap3A_1437 = tpu.vector_load %arg10[%swap3A_1436] {strides = array<i32>} : memref<256xf32, #tpu.memory_space<vmem>>, vector<16xf32>,
        tpu.vector_store %arg10[%swap3A_1436], %add3A_1435 {strides = array<i32>} : memref<256xf32, #tpu.memory_space<vmem>>, vector<16xf32>,
        %add3A_1438 = arith.constant 15 : i32
        %add3A_1439 = arith.addi %mul3A_166, %add3A_1438 : i32
        %get3A_1440 = arith.constant 1 : i32
        %get3A_1441 = arith.index_cast %get3A_1440 : i32 to index
        %get3A_1442 = arith.index_cast %add3A_1439 : i32 to index
        %get3A_1443 = arith.constant 0 : index
        %get3A_1444 = tpu.vector_load %arg8[%get3A_1441, %get3A_1442, %get3A_1443] {strides = array<i32>} : memref<2x80x64xi32, #tpu.memory_space<vmem>>, vector<16xi32>,
        %add3A_1445 = arith.constant 15 : i32
        %add3A_1446 = arith.addi %mul3A_166, %add3A_1445 : i32
        %get3A_1447 = arith.constant 1 : i32
        %get3A_1448 = arith.index_cast %get3A_1447 : i32 to index
        %get3A_1449 = arith.index_cast %add3A_1446 : i32 to index
        %get3A_1450 = arith.constant 0 : index
        %get3A_1451 = tpu.vector_load %arg9[%get3A_1448, %get3A_1449, %get3A_1450] {strides = array<i32>} : memref<2x80x64xi32, #tpu.memory_space<vmem>>, vector<16xi32>,
        %bitcast3A_1452 = vector.bitcast %get3A_1444 : vector<16xi32> to vector<32xbf16>
        %bitcast3A_1453 = vector.bitcast %get3A_1451 : vector<16xi32> to vector<32xbf16>
        %mul3A_1454 = arith.mulf %bitcast3A_1452, %bitcast3A_1453 : vector<32xbf16>
        %unpack3A_1455 = tpu.unpack_subelements %mul3A_1454, 0 {pack_format = #tpu.pack_format<interleaved>} : vector<32xbf16> -> vector<16xf32>
        %unpack3A_1456 = tpu.unpack_subelements %mul3A_1454, 1 {pack_format = #tpu.pack_format<interleaved>} : vector<32xbf16> -> vector<16xf32>
        %add3A_1457 = arith.addf %unpack3A_1455, %unpack3A_1456 : vector<16xf32>
        %add3A_1458 = arith.constant 15 : i32
        %add3A_1459 = arith.addi %mul3A_166, %add3A_1458 : i32
        %get3A_1460 = arith.constant 1 : i32
        %get3A_1461 = arith.index_cast %get3A_1460 : i32 to index
        %get3A_1462 = arith.index_cast %add3A_1459 : i32 to index
        %get3A_1463 = arith.constant 16 : index
        %get3A_1464 = tpu.vector_load %arg8[%get3A_1461, %get3A_1462, %get3A_1463] {strides = array<i32>} : memref<2x80x64xi32, #tpu.memory_space<vmem>>, vector<16xi32>,
        %add3A_1465 = arith.constant 15 : i32
        %add3A_1466 = arith.addi %mul3A_166, %add3A_1465 : i32
        %get3A_1467 = arith.constant 1 : i32
        %get3A_1468 = arith.index_cast %get3A_1467 : i32 to index
        %get3A_1469 = arith.index_cast %add3A_1466 : i32 to index
        %get3A_1470 = arith.constant 16 : index
        %get3A_1471 = tpu.vector_load %arg9[%get3A_1468, %get3A_1469, %get3A_1470] {strides = array<i32>} : memref<2x80x64xi32, #tpu.memory_space<vmem>>, vector<16xi32>,
        %bitcast3A_1472 = vector.bitcast %get3A_1464 : vector<16xi32> to vector<32xbf16>
        %bitcast3A_1473 = vector.bitcast %get3A_1471 : vector<16xi32> to vector<32xbf16>
        %mul3A_1474 = arith.mulf %bitcast3A_1472, %bitcast3A_1473 : vector<32xbf16>
        %unpack3A_1475 = tpu.unpack_subelements %mul3A_1474, 0 {pack_format = #tpu.pack_format<interleaved>} : vector<32xbf16> -> vector<16xf32>
        %unpack3A_1476 = tpu.unpack_subelements %mul3A_1474, 1 {pack_format = #tpu.pack_format<interleaved>} : vector<32xbf16> -> vector<16xf32>
        %add3A_1477 = arith.addf %unpack3A_1475, %unpack3A_1476 : vector<16xf32>
        %add3A_1478 = arith.constant 15 : i32
        %add3A_1479 = arith.addi %mul3A_166, %add3A_1478 : i32
        %get3A_1480 = arith.constant 1 : i32
        %get3A_1481 = arith.index_cast %get3A_1480 : i32 to index
        %get3A_1482 = arith.index_cast %add3A_1479 : i32 to index
        %get3A_1483 = arith.constant 32 : index
        %get3A_1484 = tpu.vector_load %arg8[%get3A_1481, %get3A_1482, %get3A_1483] {strides = array<i32>} : memref<2x80x64xi32, #tpu.memory_space<vmem>>, vector<16xi32>,
        %add3A_1485 = arith.constant 15 : i32
        %add3A_1486 = arith.addi %mul3A_166, %add3A_1485 : i32
        %get3A_1487 = arith.constant 1 : i32
        %get3A_1488 = arith.index_cast %get3A_1487 : i32 to index
        %get3A_1489 = arith.index_cast %add3A_1486 : i32 to index
        %get3A_1490 = arith.constant 32 : index
        %get3A_1491 = tpu.vector_load %arg9[%get3A_1488, %get3A_1489, %get3A_1490] {strides = array<i32>} : memref<2x80x64xi32, #tpu.memory_space<vmem>>, vector<16xi32>,
        %bitcast3A_1492 = vector.bitcast %get3A_1484 : vector<16xi32> to vector<32xbf16>
        %bitcast3A_1493 = vector.bitcast %get3A_1491 : vector<16xi32> to vector<32xbf16>
        %mul3A_1494 = arith.mulf %bitcast3A_1492, %bitcast3A_1493 : vector<32xbf16>
        %unpack3A_1495 = tpu.unpack_subelements %mul3A_1494, 0 {pack_format = #tpu.pack_format<interleaved>} : vector<32xbf16> -> vector<16xf32>
        %unpack3A_1496 = tpu.unpack_subelements %mul3A_1494, 1 {pack_format = #tpu.pack_format<interleaved>} : vector<32xbf16> -> vector<16xf32>
        %add3A_1497 = arith.addf %unpack3A_1495, %unpack3A_1496 : vector<16xf32>
        %add3A_1498 = arith.constant 15 : i32
        %add3A_1499 = arith.addi %mul3A_166, %add3A_1498 : i32
        %get3A_1500 = arith.constant 1 : i32
        %get3A_1501 = arith.index_cast %get3A_1500 : i32 to index
        %get3A_1502 = arith.index_cast %add3A_1499 : i32 to index
        %get3A_1503 = arith.constant 48 : index
        %get3A_1504 = tpu.vector_load %arg8[%get3A_1501, %get3A_1502, %get3A_1503] {strides = array<i32>} : memref<2x80x64xi32, #tpu.memory_space<vmem>>, vector<16xi32>,
        %add3A_1505 = arith.constant 15 : i32
        %add3A_1506 = arith.addi %mul3A_166, %add3A_1505 : i32
        %get3A_1507 = arith.constant 1 : i32
        %get3A_1508 = arith.index_cast %get3A_1507 : i32 to index
        %get3A_1509 = arith.index_cast %add3A_1506 : i32 to index
        %get3A_1510 = arith.constant 48 : index
        %get3A_1511 = tpu.vector_load %arg9[%get3A_1508, %get3A_1509, %get3A_1510] {strides = array<i32>} : memref<2x80x64xi32, #tpu.memory_space<vmem>>, vector<16xi32>,
        %bitcast3A_1512 = vector.bitcast %get3A_1504 : vector<16xi32> to vector<32xbf16>
        %bitcast3A_1513 = vector.bitcast %get3A_1511 : vector<16xi32> to vector<32xbf16>
        %mul3A_1514 = arith.mulf %bitcast3A_1512, %bitcast3A_1513 : vector<32xbf16>
        %unpack3A_1515 = tpu.unpack_subelements %mul3A_1514, 0 {pack_format = #tpu.pack_format<interleaved>} : vector<32xbf16> -> vector<16xf32>
        %unpack3A_1516 = tpu.unpack_subelements %mul3A_1514, 1 {pack_format = #tpu.pack_format<interleaved>} : vector<32xbf16> -> vector<16xf32>
        %add3A_1517 = arith.addf %unpack3A_1515, %unpack3A_1516 : vector<16xf32>
        %add3A_1518 = arith.addf %add3A_1457, %add3A_1477 : vector<16xf32>
        %add3A_1519 = arith.addf %add3A_1497, %add3A_1517 : vector<16xf32>
        %add3A_1520 = arith.addf %add3A_1518, %add3A_1519 : vector<16xf32>
        %swap3A_1521 = arith.constant 240 : index
        %swap3A_1522 = tpu.vector_load %arg10[%swap3A_1521] {strides = array<i32>} : memref<256xf32, #tpu.memory_space<vmem>>, vector<16xf32>,
        tpu.vector_store %arg10[%swap3A_1521], %add3A_1520 {strides = array<i32>} : memref<256xf32, #tpu.memory_space<vmem>>, vector<16xf32>,
        %broadcast_in_dim3A = arith.constant 0.000000e+00 : f32
        %broadcast_in_dim3A_1523 = vector.broadcast %broadcast_in_dim3A : f32 to vector<16xf32>
        %add3A_1524 = arith.constant 0 : i32
        %add3A_1525 = vector.broadcast %add3A_1524 : i32 to vector<16xi32>
        %add3A_1526 = arith.addi %mul3A_5, %add3A_1525 : vector<16xi32>
        %gather3A = tpu.vector_load_idx %arg10[%add3A_1526] : memref<256xf32, #tpu.memory_space<vmem>>[vector<16xi32>], vector<16xf32>,
        %add3A_1527 = arith.addf %broadcast_in_dim3A_1523, %gather3A : vector<16xf32>
        %add3A_1528 = arith.constant 1 : i32
        %add3A_1529 = vector.broadcast %add3A_1528 : i32 to vector<16xi32>
        %add3A_1530 = arith.addi %mul3A_5, %add3A_1529 : vector<16xi32>
        %gather3A_1531 = tpu.vector_load_idx %arg10[%add3A_1530] : memref<256xf32, #tpu.memory_space<vmem>>[vector<16xi32>], vector<16xf32>,
        %add3A_1532 = arith.addf %add3A_1527, %gather3A_1531 : vector<16xf32>
        %add3A_1533 = arith.constant 2 : i32
        %add3A_1534 = vector.broadcast %add3A_1533 : i32 to vector<16xi32>
        %add3A_1535 = arith.addi %mul3A_5, %add3A_1534 : vector<16xi32>
        %gather3A_1536 = tpu.vector_load_idx %arg10[%add3A_1535] : memref<256xf32, #tpu.memory_space<vmem>>[vector<16xi32>], vector<16xf32>,
        %add3A_1537 = arith.addf %add3A_1532, %gather3A_1536 : vector<16xf32>
        %add3A_1538 = arith.constant 3 : i32
        %add3A_1539 = vector.broadcast %add3A_1538 : i32 to vector<16xi32>
        %add3A_1540 = arith.addi %mul3A_5, %add3A_1539 : vector<16xi32>
        %gather3A_1541 = tpu.vector_load_idx %arg10[%add3A_1540] : memref<256xf32, #tpu.memory_space<vmem>>[vector<16xi32>], vector<16xf32>,
        %add3A_1542 = arith.addf %add3A_1537, %gather3A_1541 : vector<16xf32>
        %add3A_1543 = arith.constant 4 : i32
        %add3A_1544 = vector.broadcast %add3A_1543 : i32 to vector<16xi32>
        %add3A_1545 = arith.addi %mul3A_5, %add3A_1544 : vector<16xi32>
        %gather3A_1546 = tpu.vector_load_idx %arg10[%add3A_1545] : memref<256xf32, #tpu.memory_space<vmem>>[vector<16xi32>], vector<16xf32>,
        %add3A_1547 = arith.addf %add3A_1542, %gather3A_1546 : vector<16xf32>
        %add3A_1548 = arith.constant 5 : i32
        %add3A_1549 = vector.broadcast %add3A_1548 : i32 to vector<16xi32>
        %add3A_1550 = arith.addi %mul3A_5, %add3A_1549 : vector<16xi32>
        %gather3A_1551 = tpu.vector_load_idx %arg10[%add3A_1550] : memref<256xf32, #tpu.memory_space<vmem>>[vector<16xi32>], vector<16xf32>,
        %add3A_1552 = arith.addf %add3A_1547, %gather3A_1551 : vector<16xf32>
        %add3A_1553 = arith.constant 6 : i32
        %add3A_1554 = vector.broadcast %add3A_1553 : i32 to vector<16xi32>
        %add3A_1555 = arith.addi %mul3A_5, %add3A_1554 : vector<16xi32>
        %gather3A_1556 = tpu.vector_load_idx %arg10[%add3A_1555] : memref<256xf32, #tpu.memory_space<vmem>>[vector<16xi32>], vector<16xf32>,
        %add3A_1557 = arith.addf %add3A_1552, %gather3A_1556 : vector<16xf32>
        %add3A_1558 = arith.constant 7 : i32
        %add3A_1559 = vector.broadcast %add3A_1558 : i32 to vector<16xi32>
        %add3A_1560 = arith.addi %mul3A_5, %add3A_1559 : vector<16xi32>
        %gather3A_1561 = tpu.vector_load_idx %arg10[%add3A_1560] : memref<256xf32, #tpu.memory_space<vmem>>[vector<16xi32>], vector<16xf32>,
        %add3A_1562 = arith.addf %add3A_1557, %gather3A_1561 : vector<16xf32>
        %add3A_1563 = arith.constant 8 : i32
        %add3A_1564 = vector.broadcast %add3A_1563 : i32 to vector<16xi32>
        %add3A_1565 = arith.addi %mul3A_5, %add3A_1564 : vector<16xi32>
        %gather3A_1566 = tpu.vector_load_idx %arg10[%add3A_1565] : memref<256xf32, #tpu.memory_space<vmem>>[vector<16xi32>], vector<16xf32>,
        %add3A_1567 = arith.addf %add3A_1562, %gather3A_1566 : vector<16xf32>
        %add3A_1568 = arith.constant 9 : i32
        %add3A_1569 = vector.broadcast %add3A_1568 : i32 to vector<16xi32>
        %add3A_1570 = arith.addi %mul3A_5, %add3A_1569 : vector<16xi32>
        %gather3A_1571 = tpu.vector_load_idx %arg10[%add3A_1570] : memref<256xf32, #tpu.memory_space<vmem>>[vector<16xi32>], vector<16xf32>,
        %add3A_1572 = arith.addf %add3A_1567, %gather3A_1571 : vector<16xf32>
        %add3A_1573 = arith.constant 10 : i32
        %add3A_1574 = vector.broadcast %add3A_1573 : i32 to vector<16xi32>
        %add3A_1575 = arith.addi %mul3A_5, %add3A_1574 : vector<16xi32>
        %gather3A_1576 = tpu.vector_load_idx %arg10[%add3A_1575] : memref<256xf32, #tpu.memory_space<vmem>>[vector<16xi32>], vector<16xf32>,
        %add3A_1577 = arith.addf %add3A_1572, %gather3A_1576 : vector<16xf32>
        %add3A_1578 = arith.constant 11 : i32
        %add3A_1579 = vector.broadcast %add3A_1578 : i32 to vector<16xi32>
        %add3A_1580 = arith.addi %mul3A_5, %add3A_1579 : vector<16xi32>
        %gather3A_1581 = tpu.vector_load_idx %arg10[%add3A_1580] : memref<256xf32, #tpu.memory_space<vmem>>[vector<16xi32>], vector<16xf32>,
        %add3A_1582 = arith.addf %add3A_1577, %gather3A_1581 : vector<16xf32>
        %add3A_1583 = arith.constant 12 : i32
        %add3A_1584 = vector.broadcast %add3A_1583 : i32 to vector<16xi32>
        %add3A_1585 = arith.addi %mul3A_5, %add3A_1584 : vector<16xi32>
        %gather3A_1586 = tpu.vector_load_idx %arg10[%add3A_1585] : memref<256xf32, #tpu.memory_space<vmem>>[vector<16xi32>], vector<16xf32>,
        %add3A_1587 = arith.addf %add3A_1582, %gather3A_1586 : vector<16xf32>
        %add3A_1588 = arith.constant 13 : i32
        %add3A_1589 = vector.broadcast %add3A_1588 : i32 to vector<16xi32>
        %add3A_1590 = arith.addi %mul3A_5, %add3A_1589 : vector<16xi32>
        %gather3A_1591 = tpu.vector_load_idx %arg10[%add3A_1590] : memref<256xf32, #tpu.memory_space<vmem>>[vector<16xi32>], vector<16xf32>,
        %add3A_1592 = arith.addf %add3A_1587, %gather3A_1591 : vector<16xf32>
        %add3A_1593 = arith.constant 14 : i32
        %add3A_1594 = vector.broadcast %add3A_1593 : i32 to vector<16xi32>
        %add3A_1595 = arith.addi %mul3A_5, %add3A_1594 : vector<16xi32>
        %gather3A_1596 = tpu.vector_load_idx %arg10[%add3A_1595] : memref<256xf32, #tpu.memory_space<vmem>>[vector<16xi32>], vector<16xf32>,
        %add3A_1597 = arith.addf %add3A_1592, %gather3A_1596 : vector<16xf32>
        %add3A_1598 = arith.constant 15 : i32
        %add3A_1599 = vector.broadcast %add3A_1598 : i32 to vector<16xi32>
        %add3A_1600 = arith.addi %mul3A_5, %add3A_1599 : vector<16xi32>
        %gather3A_1601 = tpu.vector_load_idx %arg10[%add3A_1600] : memref<256xf32, #tpu.memory_space<vmem>>[vector<16xi32>], vector<16xf32>,
        %add3A_1602 = arith.addf %add3A_1597, %gather3A_1601 : vector<16xf32>
        %mul3A_1603 = arith.constant 80 : i32
        %mul3A_1604 = arith.muli %add3A_113, %mul3A_1603 : i32
        %add3A_1605 = arith.addi %mul3A_1604, %mul3A_166 : i32
        %swap3A_1606 = arith.index_cast %add3A_1605 : i32 to index
        %swap3A_1607 = tpu.vector_load %arg11[%swap3A_1606] {strides = array<i32>} : memref<10000xf32, #tpu.memory_space<vmem>>, vector<16xf32>,
        tpu.vector_store %arg11[%swap3A_1606], %add3A_1602 {strides = array<i32>} : memref<10000xf32, #tpu.memory_space<vmem>>, vector<16xf32>,
      }
      %scan3A_163 = arith.constant 5 : i32
    }
    %scan3A_29 = arith.constant 62 : i32
    %dma_wait3A = arith.constant 0 : i32
    %dma_wait3A_30 = arith.constant 0 : i32
    %dma_wait3A_31 = arith.constant 0 : i32
    %dma_wait3A_32 = tpu.memref_slice %arg8[%dma_wait3A, %dma_wait3A_30, %dma_wait3A_31] : memref<2x80x64xi32, #tpu.memory_space<vmem>> -> memref<1x80x64xi32, #tpu.memory_space<vmem>>
    %dma_wait3A_33 = tpu.memref_squeeze %dma_wait3A_32 : memref<1x80x64xi32, #tpu.memory_space<vmem>> -> memref<80x64xi32, #tpu.memory_space<vmem>>
    %dma_wait3A_34 = arith.constant 0 : i32
    %dma_wait3A_35 = tpu.memref_slice %arg6[%dma_wait3A_34] : memref<10000xi32, #tpu.memory_space<vmem>> -> memref<80xi32, #tpu.memory_space<vmem>>
    %dma_wait3A_36 = arith.constant 0 : i32
    %dma_wait3A_37 = arith.constant 0 : i32
    %dma_wait3A_38 = tpu.memref_slice %arg2[%dma_wait3A_36, %dma_wait3A_37] : memref<10000x64xi32, #tpu.memory_space<hbm>> -> memref<10000x64xi32, #tpu.memory_space<hbm>>
    tpu.wait_indirect_dma semaphore(%arg12 : memref<!tpu.dma_semaphore, #tpu.memory_space<semaphore_mem>>) src(%dma_wait3A_38 : memref<10000x64xi32, #tpu.memory_space<hbm>>) dst(%dma_wait3A_33 : memref<80x64xi32, #tpu.memory_space<vmem>>)
    %dma_wait3A_39 = arith.constant 0 : i32
    %dma_wait3A_40 = arith.constant 0 : i32
    %dma_wait3A_41 = arith.constant 0 : i32
    %dma_wait3A_42 = tpu.memref_slice %arg9[%dma_wait3A_39, %dma_wait3A_40, %dma_wait3A_41] : memref<2x80x64xi32, #tpu.memory_space<vmem>> -> memref<1x80x64xi32, #tpu.memory_space<vmem>>
    %dma_wait3A_43 = tpu.memref_squeeze %dma_wait3A_42 : memref<1x80x64xi32, #tpu.memory_space<vmem>> -> memref<80x64xi32, #tpu.memory_space<vmem>>
    %dma_wait3A_44 = arith.constant 0 : i32
    %dma_wait3A_45 = tpu.memref_slice %arg7[%dma_wait3A_44] : memref<10000xi32, #tpu.memory_space<vmem>> -> memref<80xi32, #tpu.memory_space<vmem>>
    %dma_wait3A_46 = arith.constant 0 : i32
    %dma_wait3A_47 = arith.constant 0 : i32
    %dma_wait3A_48 = tpu.memref_slice %arg2[%dma_wait3A_46, %dma_wait3A_47] : memref<10000x64xi32, #tpu.memory_space<hbm>> -> memref<10000x64xi32, #tpu.memory_space<hbm>>
    tpu.wait_indirect_dma semaphore(%arg14 : memref<!tpu.dma_semaphore, #tpu.memory_space<semaphore_mem>>) src(%dma_wait3A_48 : memref<10000x64xi32, #tpu.memory_space<hbm>>) dst(%dma_wait3A_43 : memref<80x64xi32, #tpu.memory_space<vmem>>)
    %scan3A_49 = arith.constant 0 : i32
    %scan3A_50 = arith.constant 0 : i32
    %scan3A_51 = arith.constant 5 : i32
    %scan3A_52 = arith.addi %scan3A_50, %scan3A_51 : i32
    %scan3A_53 = arith.constant 1 : i32
    scf.for %scan3A_55 = %scan3A_50 to %scan3A_52 step %scan3A_53  : i32 {
      %mul3A_56 = arith.constant 16 : i32
      %mul3A_57 = arith.muli %scan3A_55, %mul3A_56 : i32
      %add3A_58 = arith.constant 0 : i32
      %add3A_59 = arith.addi %mul3A_57, %add3A_58 : i32
      %get3A = arith.constant 0 : i32
      %get3A_60 = arith.index_cast %get3A : i32 to index
      %get3A_61 = arith.index_cast %add3A_59 : i32 to index
      %get3A_62 = arith.constant 0 : index
      %get3A_63 = tpu.vector_load %arg8[%get3A_60, %get3A_61, %get3A_62] {strides = array<i32>} : memref<2x80x64xi32, #tpu.memory_space<vmem>>, vector<16xi32>,
      %add3A_64 = arith.constant 0 : i32
      %add3A_65 = arith.addi %mul3A_57, %add3A_64 : i32
      %get3A_66 = arith.constant 0 : i32
      %get3A_67 = arith.index_cast %get3A_66 : i32 to index
      %get3A_68 = arith.index_cast %add3A_65 : i32 to index
      %get3A_69 = arith.constant 0 : index
      %get3A_70 = tpu.vector_load %arg9[%get3A_67, %get3A_68, %get3A_69] {strides = array<i32>} : memref<2x80x64xi32, #tpu.memory_space<vmem>>, vector<16xi32>,
      %bitcast3A = vector.bitcast %get3A_63 : vector<16xi32> to vector<32xbf16>
      %bitcast3A_71 = vector.bitcast %get3A_70 : vector<16xi32> to vector<32xbf16>
      %mul3A_72 = arith.mulf %bitcast3A, %bitcast3A_71 : vector<32xbf16>
      %unpack3A = tpu.unpack_subelements %mul3A_72, 0 {pack_format = #tpu.pack_format<interleaved>} : vector<32xbf16> -> vector<16xf32>
      %unpack3A_73 = tpu.unpack_subelements %mul3A_72, 1 {pack_format = #tpu.pack_format<interleaved>} : vector<32xbf16> -> vector<16xf32>
      %add3A_74 = arith.addf %unpack3A, %unpack3A_73 : vector<16xf32>
      %add3A_75 = arith.constant 0 : i32
      %add3A_76 = arith.addi %mul3A_57, %add3A_75 : i32
      %get3A_77 = arith.constant 0 : i32
      %get3A_78 = arith.index_cast %get3A_77 : i32 to index
      %get3A_79 = arith.index_cast %add3A_76 : i32 to index
      %get3A_80 = arith.constant 16 : index
      %get3A_81 = tpu.vector_load %arg8[%get3A_78, %get3A_79, %get3A_80] {strides = array<i32>} : memref<2x80x64xi32, #tpu.memory_space<vmem>>, vector<16xi32>,
      %add3A_82 = arith.constant 0 : i32
      %add3A_83 = arith.addi %mul3A_57, %add3A_82 : i32
      %get3A_84 = arith.constant 0 : i32
      %get3A_85 = arith.index_cast %get3A_84 : i32 to index
      %get3A_86 = arith.index_cast %add3A_83 : i32 to index
      %get3A_87 = arith.constant 16 : index
      %get3A_88 = tpu.vector_load %arg9[%get3A_85, %get3A_86, %get3A_87] {strides = array<i32>} : memref<2x80x64xi32, #tpu.memory_space<vmem>>, vector<16xi32>,
      %bitcast3A_89 = vector.bitcast %get3A_81 : vector<16xi32> to vector<32xbf16>
      %bitcast3A_90 = vector.bitcast %get3A_88 : vector<16xi32> to vector<32xbf16>
      %mul3A_91 = arith.mulf %bitcast3A_89, %bitcast3A_90 : vector<32xbf16>
      %unpack3A_92 = tpu.unpack_subelements %mul3A_91, 0 {pack_format = #tpu.pack_format<interleaved>} : vector<32xbf16> -> vector<16xf32>
      %unpack3A_93 = tpu.unpack_subelements %mul3A_91, 1 {pack_format = #tpu.pack_format<interleaved>} : vector<32xbf16> -> vector<16xf32>
      %add3A_94 = arith.addf %unpack3A_92, %unpack3A_93 : vector<16xf32>
      %add3A_95 = arith.constant 0 : i32
      %add3A_96 = arith.addi %mul3A_57, %add3A_95 : i32
      %get3A_97 = arith.constant 0 : i32
      %get3A_98 = arith.index_cast %get3A_97 : i32 to index
      %get3A_99 = arith.index_cast %add3A_96 : i32 to index
      %get3A_100 = arith.constant 32 : index
      %get3A_101 = tpu.vector_load %arg8[%get3A_98, %get3A_99, %get3A_100] {strides = array<i32>} : memref<2x80x64xi32, #tpu.memory_space<vmem>>, vector<16xi32>,
      %add3A_102 = arith.constant 0 : i32
      %add3A_103 = arith.addi %mul3A_57, %add3A_102 : i32
      %get3A_104 = arith.constant 0 : i32
      %get3A_105 = arith.index_cast %get3A_104 : i32 to index
      %get3A_106 = arith.index_cast %add3A_103 : i32 to index
      %get3A_107 = arith.constant 32 : index
      %get3A_108 = tpu.vector_load %arg9[%get3A_105, %get3A_106, %get3A_107] {strides = array<i32>} : memref<2x80x64xi32, #tpu.memory_space<vmem>>, vector<16xi32>,
      %bitcast3A_109 = vector.bitcast %get3A_101 : vector<16xi32> to vector<32xbf16>
      %bitcast3A_110 = vector.bitcast %get3A_108 : vector<16xi32> to vector<32xbf16>
      %mul3A_111 = arith.mulf %bitcast3A_109, %bitcast3A_110 : vector<32xbf16>
      %unpack3A_112 = tpu.unpack_subelements %mul3A_111, 0 {pack_format = #tpu.pack_format<interleaved>} : vector<32xbf16> -> vector<16xf32>
      %unpack3A_113 = tpu.unpack_subelements %mul3A_111, 1 {pack_format = #tpu.pack_format<interleaved>} : vector<32xbf16> -> vector<16xf32>
      %add3A_114 = arith.addf %unpack3A_112, %unpack3A_113 : vector<16xf32>
      %add3A_115 = arith.constant 0 : i32
      %add3A_116 = arith.addi %mul3A_57, %add3A_115 : i32
      %get3A_117 = arith.constant 0 : i32
      %get3A_118 = arith.index_cast %get3A_117 : i32 to index
      %get3A_119 = arith.index_cast %add3A_116 : i32 to index
      %get3A_120 = arith.constant 48 : index
      %get3A_121 = tpu.vector_load %arg8[%get3A_118, %get3A_119, %get3A_120] {strides = array<i32>} : memref<2x80x64xi32, #tpu.memory_space<vmem>>, vector<16xi32>,
      %add3A_122 = arith.constant 0 : i32
      %add3A_123 = arith.addi %mul3A_57, %add3A_122 : i32
      %get3A_124 = arith.constant 0 : i32
      %get3A_125 = arith.index_cast %get3A_124 : i32 to index
      %get3A_126 = arith.index_cast %add3A_123 : i32 to index
      %get3A_127 = arith.constant 48 : index
      %get3A_128 = tpu.vector_load %arg9[%get3A_125, %get3A_126, %get3A_127] {strides = array<i32>} : memref<2x80x64xi32, #tpu.memory_space<vmem>>, vector<16xi32>,
      %bitcast3A_129 = vector.bitcast %get3A_121 : vector<16xi32> to vector<32xbf16>
      %bitcast3A_130 = vector.bitcast %get3A_128 : vector<16xi32> to vector<32xbf16>
      %mul3A_131 = arith.mulf %bitcast3A_129, %bitcast3A_130 : vector<32xbf16>
      %unpack3A_132 = tpu.unpack_subelements %mul3A_131, 0 {pack_format = #tpu.pack_format<interleaved>} : vector<32xbf16> -> vector<16xf32>
      %unpack3A_133 = tpu.unpack_subelements %mul3A_131, 1 {pack_format = #tpu.pack_format<interleaved>} : vector<32xbf16> -> vector<16xf32>
      %add3A_134 = arith.addf %unpack3A_132, %unpack3A_133 : vector<16xf32>
      %add3A_135 = arith.addf %add3A_74, %add3A_94 : vector<16xf32>
      %add3A_136 = arith.addf %add3A_114, %add3A_134 : vector<16xf32>
      %add3A_137 = arith.addf %add3A_135, %add3A_136 : vector<16xf32>
      %swap3A = arith.constant 0 : index
      %swap3A_138 = tpu.vector_load %arg10[%swap3A] {strides = array<i32>} : memref<256xf32, #tpu.memory_space<vmem>>, vector<16xf32>,
      tpu.vector_store %arg10[%swap3A], %add3A_137 {strides = array<i32>} : memref<256xf32, #tpu.memory_space<vmem>>, vector<16xf32>,
      %add3A_139 = arith.constant 1 : i32
      %add3A_140 = arith.addi %mul3A_57, %add3A_139 : i32
      %get3A_141 = arith.constant 0 : i32
      %get3A_142 = arith.index_cast %get3A_141 : i32 to index
      %get3A_143 = arith.index_cast %add3A_140 : i32 to index
      %get3A_144 = arith.constant 0 : index
      %get3A_145 = tpu.vector_load %arg8[%get3A_142, %get3A_143, %get3A_144] {strides = array<i32>} : memref<2x80x64xi32, #tpu.memory_space<vmem>>, vector<16xi32>,
      %add3A_146 = arith.constant 1 : i32
      %add3A_147 = arith.addi %mul3A_57, %add3A_146 : i32
      %get3A_148 = arith.constant 0 : i32
      %get3A_149 = arith.index_cast %get3A_148 : i32 to index
      %get3A_150 = arith.index_cast %add3A_147 : i32 to index
      %get3A_151 = arith.constant 0 : index
      %get3A_152 = tpu.vector_load %arg9[%get3A_149, %get3A_150, %get3A_151] {strides = array<i32>} : memref<2x80x64xi32, #tpu.memory_space<vmem>>, vector<16xi32>,
      %bitcast3A_153 = vector.bitcast %get3A_145 : vector<16xi32> to vector<32xbf16>
      %bitcast3A_154 = vector.bitcast %get3A_152 : vector<16xi32> to vector<32xbf16>
      %mul3A_155 = arith.mulf %bitcast3A_153, %bitcast3A_154 : vector<32xbf16>
      %unpack3A_156 = tpu.unpack_subelements %mul3A_155, 0 {pack_format = #tpu.pack_format<interleaved>} : vector<32xbf16> -> vector<16xf32>
      %unpack3A_157 = tpu.unpack_subelements %mul3A_155, 1 {pack_format = #tpu.pack_format<interleaved>} : vector<32xbf16> -> vector<16xf32>
      %add3A_158 = arith.addf %unpack3A_156, %unpack3A_157 : vector<16xf32>
      %add3A_159 = arith.constant 1 : i32
      %add3A_160 = arith.addi %mul3A_57, %add3A_159 : i32
      %get3A_161 = arith.constant 0 : i32
      %get3A_162 = arith.index_cast %get3A_161 : i32 to index
      %get3A_163 = arith.index_cast %add3A_160 : i32 to index
      %get3A_164 = arith.constant 16 : index
      %get3A_165 = tpu.vector_load %arg8[%get3A_162, %get3A_163, %get3A_164] {strides = array<i32>} : memref<2x80x64xi32, #tpu.memory_space<vmem>>, vector<16xi32>,
      %add3A_166 = arith.constant 1 : i32
      %add3A_167 = arith.addi %mul3A_57, %add3A_166 : i32
      %get3A_168 = arith.constant 0 : i32
      %get3A_169 = arith.index_cast %get3A_168 : i32 to index
      %get3A_170 = arith.index_cast %add3A_167 : i32 to index
      %get3A_171 = arith.constant 16 : index
      %get3A_172 = tpu.vector_load %arg9[%get3A_169, %get3A_170, %get3A_171] {strides = array<i32>} : memref<2x80x64xi32, #tpu.memory_space<vmem>>, vector<16xi32>,
      %bitcast3A_173 = vector.bitcast %get3A_165 : vector<16xi32> to vector<32xbf16>
      %bitcast3A_174 = vector.bitcast %get3A_172 : vector<16xi32> to vector<32xbf16>
      %mul3A_175 = arith.mulf %bitcast3A_173, %bitcast3A_174 : vector<32xbf16>
      %unpack3A_176 = tpu.unpack_subelements %mul3A_175, 0 {pack_format = #tpu.pack_format<interleaved>} : vector<32xbf16> -> vector<16xf32>
      %unpack3A_177 = tpu.unpack_subelements %mul3A_175, 1 {pack_format = #tpu.pack_format<interleaved>} : vector<32xbf16> -> vector<16xf32>
      %add3A_178 = arith.addf %unpack3A_176, %unpack3A_177 : vector<16xf32>
      %add3A_179 = arith.constant 1 : i32
      %add3A_180 = arith.addi %mul3A_57, %add3A_179 : i32
      %get3A_181 = arith.constant 0 : i32
      %get3A_182 = arith.index_cast %get3A_181 : i32 to index
      %get3A_183 = arith.index_cast %add3A_180 : i32 to index
      %get3A_184 = arith.constant 32 : index
      %get3A_185 = tpu.vector_load %arg8[%get3A_182, %get3A_183, %get3A_184] {strides = array<i32>} : memref<2x80x64xi32, #tpu.memory_space<vmem>>, vector<16xi32>,
      %add3A_186 = arith.constant 1 : i32
      %add3A_187 = arith.addi %mul3A_57, %add3A_186 : i32
      %get3A_188 = arith.constant 0 : i32
      %get3A_189 = arith.index_cast %get3A_188 : i32 to index
      %get3A_190 = arith.index_cast %add3A_187 : i32 to index
      %get3A_191 = arith.constant 32 : index
      %get3A_192 = tpu.vector_load %arg9[%get3A_189, %get3A_190, %get3A_191] {strides = array<i32>} : memref<2x80x64xi32, #tpu.memory_space<vmem>>, vector<16xi32>,
      %bitcast3A_193 = vector.bitcast %get3A_185 : vector<16xi32> to vector<32xbf16>
      %bitcast3A_194 = vector.bitcast %get3A_192 : vector<16xi32> to vector<32xbf16>
      %mul3A_195 = arith.mulf %bitcast3A_193, %bitcast3A_194 : vector<32xbf16>
      %unpack3A_196 = tpu.unpack_subelements %mul3A_195, 0 {pack_format = #tpu.pack_format<interleaved>} : vector<32xbf16> -> vector<16xf32>
      %unpack3A_197 = tpu.unpack_subelements %mul3A_195, 1 {pack_format = #tpu.pack_format<interleaved>} : vector<32xbf16> -> vector<16xf32>
      %add3A_198 = arith.addf %unpack3A_196, %unpack3A_197 : vector<16xf32>
      %add3A_199 = arith.constant 1 : i32
      %add3A_200 = arith.addi %mul3A_57, %add3A_199 : i32
      %get3A_201 = arith.constant 0 : i32
      %get3A_202 = arith.index_cast %get3A_201 : i32 to index
      %get3A_203 = arith.index_cast %add3A_200 : i32 to index
      %get3A_204 = arith.constant 48 : index
      %get3A_205 = tpu.vector_load %arg8[%get3A_202, %get3A_203, %get3A_204] {strides = array<i32>} : memref<2x80x64xi32, #tpu.memory_space<vmem>>, vector<16xi32>,
      %add3A_206 = arith.constant 1 : i32
      %add3A_207 = arith.addi %mul3A_57, %add3A_206 : i32
      %get3A_208 = arith.constant 0 : i32
      %get3A_209 = arith.index_cast %get3A_208 : i32 to index
      %get3A_210 = arith.index_cast %add3A_207 : i32 to index
      %get3A_211 = arith.constant 48 : index
      %get3A_212 = tpu.vector_load %arg9[%get3A_209, %get3A_210, %get3A_211] {strides = array<i32>} : memref<2x80x64xi32, #tpu.memory_space<vmem>>, vector<16xi32>,
      %bitcast3A_213 = vector.bitcast %get3A_205 : vector<16xi32> to vector<32xbf16>
      %bitcast3A_214 = vector.bitcast %get3A_212 : vector<16xi32> to vector<32xbf16>
      %mul3A_215 = arith.mulf %bitcast3A_213, %bitcast3A_214 : vector<32xbf16>
      %unpack3A_216 = tpu.unpack_subelements %mul3A_215, 0 {pack_format = #tpu.pack_format<interleaved>} : vector<32xbf16> -> vector<16xf32>
      %unpack3A_217 = tpu.unpack_subelements %mul3A_215, 1 {pack_format = #tpu.pack_format<interleaved>} : vector<32xbf16> -> vector<16xf32>
      %add3A_218 = arith.addf %unpack3A_216, %unpack3A_217 : vector<16xf32>
      %add3A_219 = arith.addf %add3A_158, %add3A_178 : vector<16xf32>
      %add3A_220 = arith.addf %add3A_198, %add3A_218 : vector<16xf32>
      %add3A_221 = arith.addf %add3A_219, %add3A_220 : vector<16xf32>
      %swap3A_222 = arith.constant 16 : index
      %swap3A_223 = tpu.vector_load %arg10[%swap3A_222] {strides = array<i32>} : memref<256xf32, #tpu.memory_space<vmem>>, vector<16xf32>,
      tpu.vector_store %arg10[%swap3A_222], %add3A_221 {strides = array<i32>} : memref<256xf32, #tpu.memory_space<vmem>>, vector<16xf32>,
      %add3A_224 = arith.constant 2 : i32
      %add3A_225 = arith.addi %mul3A_57, %add3A_224 : i32
      %get3A_226 = arith.constant 0 : i32
      %get3A_227 = arith.index_cast %get3A_226 : i32 to index
      %get3A_228 = arith.index_cast %add3A_225 : i32 to index
      %get3A_229 = arith.constant 0 : index
      %get3A_230 = tpu.vector_load %arg8[%get3A_227, %get3A_228, %get3A_229] {strides = array<i32>} : memref<2x80x64xi32, #tpu.memory_space<vmem>>, vector<16xi32>,
      %add3A_231 = arith.constant 2 : i32
      %add3A_232 = arith.addi %mul3A_57, %add3A_231 : i32
      %get3A_233 = arith.constant 0 : i32
      %get3A_234 = arith.index_cast %get3A_233 : i32 to index
      %get3A_235 = arith.index_cast %add3A_232 : i32 to index
      %get3A_236 = arith.constant 0 : index
      %get3A_237 = tpu.vector_load %arg9[%get3A_234, %get3A_235, %get3A_236] {strides = array<i32>} : memref<2x80x64xi32, #tpu.memory_space<vmem>>, vector<16xi32>,
      %bitcast3A_238 = vector.bitcast %get3A_230 : vector<16xi32> to vector<32xbf16>
      %bitcast3A_239 = vector.bitcast %get3A_237 : vector<16xi32> to vector<32xbf16>
      %mul3A_240 = arith.mulf %bitcast3A_238, %bitcast3A_239 : vector<32xbf16>
      %unpack3A_241 = tpu.unpack_subelements %mul3A_240, 0 {pack_format = #tpu.pack_format<interleaved>} : vector<32xbf16> -> vector<16xf32>
      %unpack3A_242 = tpu.unpack_subelements %mul3A_240, 1 {pack_format = #tpu.pack_format<interleaved>} : vector<32xbf16> -> vector<16xf32>
      %add3A_243 = arith.addf %unpack3A_241, %unpack3A_242 : vector<16xf32>
      %add3A_244 = arith.constant 2 : i32
      %add3A_245 = arith.addi %mul3A_57, %add3A_244 : i32
      %get3A_246 = arith.constant 0 : i32
      %get3A_247 = arith.index_cast %get3A_246 : i32 to index
      %get3A_248 = arith.index_cast %add3A_245 : i32 to index
      %get3A_249 = arith.constant 16 : index
      %get3A_250 = tpu.vector_load %arg8[%get3A_247, %get3A_248, %get3A_249] {strides = array<i32>} : memref<2x80x64xi32, #tpu.memory_space<vmem>>, vector<16xi32>,
      %add3A_251 = arith.constant 2 : i32
      %add3A_252 = arith.addi %mul3A_57, %add3A_251 : i32
      %get3A_253 = arith.constant 0 : i32
      %get3A_254 = arith.index_cast %get3A_253 : i32 to index
      %get3A_255 = arith.index_cast %add3A_252 : i32 to index
      %get3A_256 = arith.constant 16 : index
      %get3A_257 = tpu.vector_load %arg9[%get3A_254, %get3A_255, %get3A_256] {strides = array<i32>} : memref<2x80x64xi32, #tpu.memory_space<vmem>>, vector<16xi32>,
      %bitcast3A_258 = vector.bitcast %get3A_250 : vector<16xi32> to vector<32xbf16>
      %bitcast3A_259 = vector.bitcast %get3A_257 : vector<16xi32> to vector<32xbf16>
      %mul3A_260 = arith.mulf %bitcast3A_258, %bitcast3A_259 : vector<32xbf16>
      %unpack3A_261 = tpu.unpack_subelements %mul3A_260, 0 {pack_format = #tpu.pack_format<interleaved>} : vector<32xbf16> -> vector<16xf32>
      %unpack3A_262 = tpu.unpack_subelements %mul3A_260, 1 {pack_format = #tpu.pack_format<interleaved>} : vector<32xbf16> -> vector<16xf32>
      %add3A_263 = arith.addf %unpack3A_261, %unpack3A_262 : vector<16xf32>
      %add3A_264 = arith.constant 2 : i32
      %add3A_265 = arith.addi %mul3A_57, %add3A_264 : i32
      %get3A_266 = arith.constant 0 : i32
      %get3A_267 = arith.index_cast %get3A_266 : i32 to index
      %get3A_268 = arith.index_cast %add3A_265 : i32 to index
      %get3A_269 = arith.constant 32 : index
      %get3A_270 = tpu.vector_load %arg8[%get3A_267, %get3A_268, %get3A_269] {strides = array<i32>} : memref<2x80x64xi32, #tpu.memory_space<vmem>>, vector<16xi32>,
      %add3A_271 = arith.constant 2 : i32
      %add3A_272 = arith.addi %mul3A_57, %add3A_271 : i32
      %get3A_273 = arith.constant 0 : i32
      %get3A_274 = arith.index_cast %get3A_273 : i32 to index
      %get3A_275 = arith.index_cast %add3A_272 : i32 to index
      %get3A_276 = arith.constant 32 : index
      %get3A_277 = tpu.vector_load %arg9[%get3A_274, %get3A_275, %get3A_276] {strides = array<i32>} : memref<2x80x64xi32, #tpu.memory_space<vmem>>, vector<16xi32>,
      %bitcast3A_278 = vector.bitcast %get3A_270 : vector<16xi32> to vector<32xbf16>
      %bitcast3A_279 = vector.bitcast %get3A_277 : vector<16xi32> to vector<32xbf16>
      %mul3A_280 = arith.mulf %bitcast3A_278, %bitcast3A_279 : vector<32xbf16>
      %unpack3A_281 = tpu.unpack_subelements %mul3A_280, 0 {pack_format = #tpu.pack_format<interleaved>} : vector<32xbf16> -> vector<16xf32>
      %unpack3A_282 = tpu.unpack_subelements %mul3A_280, 1 {pack_format = #tpu.pack_format<interleaved>} : vector<32xbf16> -> vector<16xf32>
      %add3A_283 = arith.addf %unpack3A_281, %unpack3A_282 : vector<16xf32>
      %add3A_284 = arith.constant 2 : i32
      %add3A_285 = arith.addi %mul3A_57, %add3A_284 : i32
      %get3A_286 = arith.constant 0 : i32
      %get3A_287 = arith.index_cast %get3A_286 : i32 to index
      %get3A_288 = arith.index_cast %add3A_285 : i32 to index
      %get3A_289 = arith.constant 48 : index
      %get3A_290 = tpu.vector_load %arg8[%get3A_287, %get3A_288, %get3A_289] {strides = array<i32>} : memref<2x80x64xi32, #tpu.memory_space<vmem>>, vector<16xi32>,
      %add3A_291 = arith.constant 2 : i32
      %add3A_292 = arith.addi %mul3A_57, %add3A_291 : i32
      %get3A_293 = arith.constant 0 : i32
      %get3A_294 = arith.index_cast %get3A_293 : i32 to index
      %get3A_295 = arith.index_cast %add3A_292 : i32 to index
      %get3A_296 = arith.constant 48 : index
      %get3A_297 = tpu.vector_load %arg9[%get3A_294, %get3A_295, %get3A_296] {strides = array<i32>} : memref<2x80x64xi32, #tpu.memory_space<vmem>>, vector<16xi32>,
      %bitcast3A_298 = vector.bitcast %get3A_290 : vector<16xi32> to vector<32xbf16>
      %bitcast3A_299 = vector.bitcast %get3A_297 : vector<16xi32> to vector<32xbf16>
      %mul3A_300 = arith.mulf %bitcast3A_298, %bitcast3A_299 : vector<32xbf16>
      %unpack3A_301 = tpu.unpack_subelements %mul3A_300, 0 {pack_format = #tpu.pack_format<interleaved>} : vector<32xbf16> -> vector<16xf32>
      %unpack3A_302 = tpu.unpack_subelements %mul3A_300, 1 {pack_format = #tpu.pack_format<interleaved>} : vector<32xbf16> -> vector<16xf32>
      %add3A_303 = arith.addf %unpack3A_301, %unpack3A_302 : vector<16xf32>
      %add3A_304 = arith.addf %add3A_243, %add3A_263 : vector<16xf32>
      %add3A_305 = arith.addf %add3A_283, %add3A_303 : vector<16xf32>
      %add3A_306 = arith.addf %add3A_304, %add3A_305 : vector<16xf32>
      %swap3A_307 = arith.constant 32 : index
      %swap3A_308 = tpu.vector_load %arg10[%swap3A_307] {strides = array<i32>} : memref<256xf32, #tpu.memory_space<vmem>>, vector<16xf32>,
      tpu.vector_store %arg10[%swap3A_307], %add3A_306 {strides = array<i32>} : memref<256xf32, #tpu.memory_space<vmem>>, vector<16xf32>,
      %add3A_309 = arith.constant 3 : i32
      %add3A_310 = arith.addi %mul3A_57, %add3A_309 : i32
      %get3A_311 = arith.constant 0 : i32
      %get3A_312 = arith.index_cast %get3A_311 : i32 to index
      %get3A_313 = arith.index_cast %add3A_310 : i32 to index
      %get3A_314 = arith.constant 0 : index
      %get3A_315 = tpu.vector_load %arg8[%get3A_312, %get3A_313, %get3A_314] {strides = array<i32>} : memref<2x80x64xi32, #tpu.memory_space<vmem>>, vector<16xi32>,
      %add3A_316 = arith.constant 3 : i32
      %add3A_317 = arith.addi %mul3A_57, %add3A_316 : i32
      %get3A_318 = arith.constant 0 : i32
      %get3A_319 = arith.index_cast %get3A_318 : i32 to index
      %get3A_320 = arith.index_cast %add3A_317 : i32 to index
      %get3A_321 = arith.constant 0 : index
      %get3A_322 = tpu.vector_load %arg9[%get3A_319, %get3A_320, %get3A_321] {strides = array<i32>} : memref<2x80x64xi32, #tpu.memory_space<vmem>>, vector<16xi32>,
      %bitcast3A_323 = vector.bitcast %get3A_315 : vector<16xi32> to vector<32xbf16>
      %bitcast3A_324 = vector.bitcast %get3A_322 : vector<16xi32> to vector<32xbf16>
      %mul3A_325 = arith.mulf %bitcast3A_323, %bitcast3A_324 : vector<32xbf16>
      %unpack3A_326 = tpu.unpack_subelements %mul3A_325, 0 {pack_format = #tpu.pack_format<interleaved>} : vector<32xbf16> -> vector<16xf32>
      %unpack3A_327 = tpu.unpack_subelements %mul3A_325, 1 {pack_format = #tpu.pack_format<interleaved>} : vector<32xbf16> -> vector<16xf32>
      %add3A_328 = arith.addf %unpack3A_326, %unpack3A_327 : vector<16xf32>
      %add3A_329 = arith.constant 3 : i32
      %add3A_330 = arith.addi %mul3A_57, %add3A_329 : i32
      %get3A_331 = arith.constant 0 : i32
      %get3A_332 = arith.index_cast %get3A_331 : i32 to index
      %get3A_333 = arith.index_cast %add3A_330 : i32 to index
      %get3A_334 = arith.constant 16 : index
      %get3A_335 = tpu.vector_load %arg8[%get3A_332, %get3A_333, %get3A_334] {strides = array<i32>} : memref<2x80x64xi32, #tpu.memory_space<vmem>>, vector<16xi32>,
      %add3A_336 = arith.constant 3 : i32
      %add3A_337 = arith.addi %mul3A_57, %add3A_336 : i32
      %get3A_338 = arith.constant 0 : i32
      %get3A_339 = arith.index_cast %get3A_338 : i32 to index
      %get3A_340 = arith.index_cast %add3A_337 : i32 to index
      %get3A_341 = arith.constant 16 : index
      %get3A_342 = tpu.vector_load %arg9[%get3A_339, %get3A_340, %get3A_341] {strides = array<i32>} : memref<2x80x64xi32, #tpu.memory_space<vmem>>, vector<16xi32>,
      %bitcast3A_343 = vector.bitcast %get3A_335 : vector<16xi32> to vector<32xbf16>
      %bitcast3A_344 = vector.bitcast %get3A_342 : vector<16xi32> to vector<32xbf16>
      %mul3A_345 = arith.mulf %bitcast3A_343, %bitcast3A_344 : vector<32xbf16>
      %unpack3A_346 = tpu.unpack_subelements %mul3A_345, 0 {pack_format = #tpu.pack_format<interleaved>} : vector<32xbf16> -> vector<16xf32>
      %unpack3A_347 = tpu.unpack_subelements %mul3A_345, 1 {pack_format = #tpu.pack_format<interleaved>} : vector<32xbf16> -> vector<16xf32>
      %add3A_348 = arith.addf %unpack3A_346, %unpack3A_347 : vector<16xf32>
      %add3A_349 = arith.constant 3 : i32
      %add3A_350 = arith.addi %mul3A_57, %add3A_349 : i32
      %get3A_351 = arith.constant 0 : i32
      %get3A_352 = arith.index_cast %get3A_351 : i32 to index
      %get3A_353 = arith.index_cast %add3A_350 : i32 to index
      %get3A_354 = arith.constant 32 : index
      %get3A_355 = tpu.vector_load %arg8[%get3A_352, %get3A_353, %get3A_354] {strides = array<i32>} : memref<2x80x64xi32, #tpu.memory_space<vmem>>, vector<16xi32>,
      %add3A_356 = arith.constant 3 : i32
      %add3A_357 = arith.addi %mul3A_57, %add3A_356 : i32
      %get3A_358 = arith.constant 0 : i32
      %get3A_359 = arith.index_cast %get3A_358 : i32 to index
      %get3A_360 = arith.index_cast %add3A_357 : i32 to index
      %get3A_361 = arith.constant 32 : index
      %get3A_362 = tpu.vector_load %arg9[%get3A_359, %get3A_360, %get3A_361] {strides = array<i32>} : memref<2x80x64xi32, #tpu.memory_space<vmem>>, vector<16xi32>,
      %bitcast3A_363 = vector.bitcast %get3A_355 : vector<16xi32> to vector<32xbf16>
      %bitcast3A_364 = vector.bitcast %get3A_362 : vector<16xi32> to vector<32xbf16>
      %mul3A_365 = arith.mulf %bitcast3A_363, %bitcast3A_364 : vector<32xbf16>
      %unpack3A_366 = tpu.unpack_subelements %mul3A_365, 0 {pack_format = #tpu.pack_format<interleaved>} : vector<32xbf16> -> vector<16xf32>
      %unpack3A_367 = tpu.unpack_subelements %mul3A_365, 1 {pack_format = #tpu.pack_format<interleaved>} : vector<32xbf16> -> vector<16xf32>
      %add3A_368 = arith.addf %unpack3A_366, %unpack3A_367 : vector<16xf32>
      %add3A_369 = arith.constant 3 : i32
      %add3A_370 = arith.addi %mul3A_57, %add3A_369 : i32
      %get3A_371 = arith.constant 0 : i32
      %get3A_372 = arith.index_cast %get3A_371 : i32 to index
      %get3A_373 = arith.index_cast %add3A_370 : i32 to index
      %get3A_374 = arith.constant 48 : index
      %get3A_375 = tpu.vector_load %arg8[%get3A_372, %get3A_373, %get3A_374] {strides = array<i32>} : memref<2x80x64xi32, #tpu.memory_space<vmem>>, vector<16xi32>,
      %add3A_376 = arith.constant 3 : i32
      %add3A_377 = arith.addi %mul3A_57, %add3A_376 : i32
      %get3A_378 = arith.constant 0 : i32
      %get3A_379 = arith.index_cast %get3A_378 : i32 to index
      %get3A_380 = arith.index_cast %add3A_377 : i32 to index
      %get3A_381 = arith.constant 48 : index
      %get3A_382 = tpu.vector_load %arg9[%get3A_379, %get3A_380, %get3A_381] {strides = array<i32>} : memref<2x80x64xi32, #tpu.memory_space<vmem>>, vector<16xi32>,
      %bitcast3A_383 = vector.bitcast %get3A_375 : vector<16xi32> to vector<32xbf16>
      %bitcast3A_384 = vector.bitcast %get3A_382 : vector<16xi32> to vector<32xbf16>
      %mul3A_385 = arith.mulf %bitcast3A_383, %bitcast3A_384 : vector<32xbf16>
      %unpack3A_386 = tpu.unpack_subelements %mul3A_385, 0 {pack_format = #tpu.pack_format<interleaved>} : vector<32xbf16> -> vector<16xf32>
      %unpack3A_387 = tpu.unpack_subelements %mul3A_385, 1 {pack_format = #tpu.pack_format<interleaved>} : vector<32xbf16> -> vector<16xf32>
      %add3A_388 = arith.addf %unpack3A_386, %unpack3A_387 : vector<16xf32>
      %add3A_389 = arith.addf %add3A_328, %add3A_348 : vector<16xf32>
      %add3A_390 = arith.addf %add3A_368, %add3A_388 : vector<16xf32>
      %add3A_391 = arith.addf %add3A_389, %add3A_390 : vector<16xf32>
      %swap3A_392 = arith.constant 48 : index
      %swap3A_393 = tpu.vector_load %arg10[%swap3A_392] {strides = array<i32>} : memref<256xf32, #tpu.memory_space<vmem>>, vector<16xf32>,
      tpu.vector_store %arg10[%swap3A_392], %add3A_391 {strides = array<i32>} : memref<256xf32, #tpu.memory_space<vmem>>, vector<16xf32>,
      %add3A_394 = arith.constant 4 : i32
      %add3A_395 = arith.addi %mul3A_57, %add3A_394 : i32
      %get3A_396 = arith.constant 0 : i32
      %get3A_397 = arith.index_cast %get3A_396 : i32 to index
      %get3A_398 = arith.index_cast %add3A_395 : i32 to index
      %get3A_399 = arith.constant 0 : index
      %get3A_400 = tpu.vector_load %arg8[%get3A_397, %get3A_398, %get3A_399] {strides = array<i32>} : memref<2x80x64xi32, #tpu.memory_space<vmem>>, vector<16xi32>,
      %add3A_401 = arith.constant 4 : i32
      %add3A_402 = arith.addi %mul3A_57, %add3A_401 : i32
      %get3A_403 = arith.constant 0 : i32
      %get3A_404 = arith.index_cast %get3A_403 : i32 to index
      %get3A_405 = arith.index_cast %add3A_402 : i32 to index
      %get3A_406 = arith.constant 0 : index
      %get3A_407 = tpu.vector_load %arg9[%get3A_404, %get3A_405, %get3A_406] {strides = array<i32>} : memref<2x80x64xi32, #tpu.memory_space<vmem>>, vector<16xi32>,
      %bitcast3A_408 = vector.bitcast %get3A_400 : vector<16xi32> to vector<32xbf16>
      %bitcast3A_409 = vector.bitcast %get3A_407 : vector<16xi32> to vector<32xbf16>
      %mul3A_410 = arith.mulf %bitcast3A_408, %bitcast3A_409 : vector<32xbf16>
      %unpack3A_411 = tpu.unpack_subelements %mul3A_410, 0 {pack_format = #tpu.pack_format<interleaved>} : vector<32xbf16> -> vector<16xf32>
      %unpack3A_412 = tpu.unpack_subelements %mul3A_410, 1 {pack_format = #tpu.pack_format<interleaved>} : vector<32xbf16> -> vector<16xf32>
      %add3A_413 = arith.addf %unpack3A_411, %unpack3A_412 : vector<16xf32>
      %add3A_414 = arith.constant 4 : i32
      %add3A_415 = arith.addi %mul3A_57, %add3A_414 : i32
      %get3A_416 = arith.constant 0 : i32
      %get3A_417 = arith.index_cast %get3A_416 : i32 to index
      %get3A_418 = arith.index_cast %add3A_415 : i32 to index
      %get3A_419 = arith.constant 16 : index
      %get3A_420 = tpu.vector_load %arg8[%get3A_417, %get3A_418, %get3A_419] {strides = array<i32>} : memref<2x80x64xi32, #tpu.memory_space<vmem>>, vector<16xi32>,
      %add3A_421 = arith.constant 4 : i32
      %add3A_422 = arith.addi %mul3A_57, %add3A_421 : i32
      %get3A_423 = arith.constant 0 : i32
      %get3A_424 = arith.index_cast %get3A_423 : i32 to index
      %get3A_425 = arith.index_cast %add3A_422 : i32 to index
      %get3A_426 = arith.constant 16 : index
      %get3A_427 = tpu.vector_load %arg9[%get3A_424, %get3A_425, %get3A_426] {strides = array<i32>} : memref<2x80x64xi32, #tpu.memory_space<vmem>>, vector<16xi32>,
      %bitcast3A_428 = vector.bitcast %get3A_420 : vector<16xi32> to vector<32xbf16>
      %bitcast3A_429 = vector.bitcast %get3A_427 : vector<16xi32> to vector<32xbf16>
      %mul3A_430 = arith.mulf %bitcast3A_428, %bitcast3A_429 : vector<32xbf16>
      %unpack3A_431 = tpu.unpack_subelements %mul3A_430, 0 {pack_format = #tpu.pack_format<interleaved>} : vector<32xbf16> -> vector<16xf32>
      %unpack3A_432 = tpu.unpack_subelements %mul3A_430, 1 {pack_format = #tpu.pack_format<interleaved>} : vector<32xbf16> -> vector<16xf32>
      %add3A_433 = arith.addf %unpack3A_431, %unpack3A_432 : vector<16xf32>
      %add3A_434 = arith.constant 4 : i32
      %add3A_435 = arith.addi %mul3A_57, %add3A_434 : i32
      %get3A_436 = arith.constant 0 : i32
      %get3A_437 = arith.index_cast %get3A_436 : i32 to index
      %get3A_438 = arith.index_cast %add3A_435 : i32 to index
      %get3A_439 = arith.constant 32 : index
      %get3A_440 = tpu.vector_load %arg8[%get3A_437, %get3A_438, %get3A_439] {strides = array<i32>} : memref<2x80x64xi32, #tpu.memory_space<vmem>>, vector<16xi32>,
      %add3A_441 = arith.constant 4 : i32
      %add3A_442 = arith.addi %mul3A_57, %add3A_441 : i32
      %get3A_443 = arith.constant 0 : i32
      %get3A_444 = arith.index_cast %get3A_443 : i32 to index
      %get3A_445 = arith.index_cast %add3A_442 : i32 to index
      %get3A_446 = arith.constant 32 : index
      %get3A_447 = tpu.vector_load %arg9[%get3A_444, %get3A_445, %get3A_446] {strides = array<i32>} : memref<2x80x64xi32, #tpu.memory_space<vmem>>, vector<16xi32>,
      %bitcast3A_448 = vector.bitcast %get3A_440 : vector<16xi32> to vector<32xbf16>
      %bitcast3A_449 = vector.bitcast %get3A_447 : vector<16xi32> to vector<32xbf16>
      %mul3A_450 = arith.mulf %bitcast3A_448, %bitcast3A_449 : vector<32xbf16>
      %unpack3A_451 = tpu.unpack_subelements %mul3A_450, 0 {pack_format = #tpu.pack_format<interleaved>} : vector<32xbf16> -> vector<16xf32>
      %unpack3A_452 = tpu.unpack_subelements %mul3A_450, 1 {pack_format = #tpu.pack_format<interleaved>} : vector<32xbf16> -> vector<16xf32>
      %add3A_453 = arith.addf %unpack3A_451, %unpack3A_452 : vector<16xf32>
      %add3A_454 = arith.constant 4 : i32
      %add3A_455 = arith.addi %mul3A_57, %add3A_454 : i32
      %get3A_456 = arith.constant 0 : i32
      %get3A_457 = arith.index_cast %get3A_456 : i32 to index
      %get3A_458 = arith.index_cast %add3A_455 : i32 to index
      %get3A_459 = arith.constant 48 : index
      %get3A_460 = tpu.vector_load %arg8[%get3A_457, %get3A_458, %get3A_459] {strides = array<i32>} : memref<2x80x64xi32, #tpu.memory_space<vmem>>, vector<16xi32>,
      %add3A_461 = arith.constant 4 : i32
      %add3A_462 = arith.addi %mul3A_57, %add3A_461 : i32
      %get3A_463 = arith.constant 0 : i32
      %get3A_464 = arith.index_cast %get3A_463 : i32 to index
      %get3A_465 = arith.index_cast %add3A_462 : i32 to index
      %get3A_466 = arith.constant 48 : index
      %get3A_467 = tpu.vector_load %arg9[%get3A_464, %get3A_465, %get3A_466] {strides = array<i32>} : memref<2x80x64xi32, #tpu.memory_space<vmem>>, vector<16xi32>,
      %bitcast3A_468 = vector.bitcast %get3A_460 : vector<16xi32> to vector<32xbf16>
      %bitcast3A_469 = vector.bitcast %get3A_467 : vector<16xi32> to vector<32xbf16>
      %mul3A_470 = arith.mulf %bitcast3A_468, %bitcast3A_469 : vector<32xbf16>
      %unpack3A_471 = tpu.unpack_subelements %mul3A_470, 0 {pack_format = #tpu.pack_format<interleaved>} : vector<32xbf16> -> vector<16xf32>
      %unpack3A_472 = tpu.unpack_subelements %mul3A_470, 1 {pack_format = #tpu.pack_format<interleaved>} : vector<32xbf16> -> vector<16xf32>
      %add3A_473 = arith.addf %unpack3A_471, %unpack3A_472 : vector<16xf32>
      %add3A_474 = arith.addf %add3A_413, %add3A_433 : vector<16xf32>
      %add3A_475 = arith.addf %add3A_453, %add3A_473 : vector<16xf32>
      %add3A_476 = arith.addf %add3A_474, %add3A_475 : vector<16xf32>
      %swap3A_477 = arith.constant 64 : index
      %swap3A_478 = tpu.vector_load %arg10[%swap3A_477] {strides = array<i32>} : memref<256xf32, #tpu.memory_space<vmem>>, vector<16xf32>,
      tpu.vector_store %arg10[%swap3A_477], %add3A_476 {strides = array<i32>} : memref<256xf32, #tpu.memory_space<vmem>>, vector<16xf32>,
      %add3A_479 = arith.constant 5 : i32
      %add3A_480 = arith.addi %mul3A_57, %add3A_479 : i32
      %get3A_481 = arith.constant 0 : i32
      %get3A_482 = arith.index_cast %get3A_481 : i32 to index
      %get3A_483 = arith.index_cast %add3A_480 : i32 to index
      %get3A_484 = arith.constant 0 : index
      %get3A_485 = tpu.vector_load %arg8[%get3A_482, %get3A_483, %get3A_484] {strides = array<i32>} : memref<2x80x64xi32, #tpu.memory_space<vmem>>, vector<16xi32>,
      %add3A_486 = arith.constant 5 : i32
      %add3A_487 = arith.addi %mul3A_57, %add3A_486 : i32
      %get3A_488 = arith.constant 0 : i32
      %get3A_489 = arith.index_cast %get3A_488 : i32 to index
      %get3A_490 = arith.index_cast %add3A_487 : i32 to index
      %get3A_491 = arith.constant 0 : index
      %get3A_492 = tpu.vector_load %arg9[%get3A_489, %get3A_490, %get3A_491] {strides = array<i32>} : memref<2x80x64xi32, #tpu.memory_space<vmem>>, vector<16xi32>,
      %bitcast3A_493 = vector.bitcast %get3A_485 : vector<16xi32> to vector<32xbf16>
      %bitcast3A_494 = vector.bitcast %get3A_492 : vector<16xi32> to vector<32xbf16>
      %mul3A_495 = arith.mulf %bitcast3A_493, %bitcast3A_494 : vector<32xbf16>
      %unpack3A_496 = tpu.unpack_subelements %mul3A_495, 0 {pack_format = #tpu.pack_format<interleaved>} : vector<32xbf16> -> vector<16xf32>
      %unpack3A_497 = tpu.unpack_subelements %mul3A_495, 1 {pack_format = #tpu.pack_format<interleaved>} : vector<32xbf16> -> vector<16xf32>
      %add3A_498 = arith.addf %unpack3A_496, %unpack3A_497 : vector<16xf32>
      %add3A_499 = arith.constant 5 : i32
      %add3A_500 = arith.addi %mul3A_57, %add3A_499 : i32
      %get3A_501 = arith.constant 0 : i32
      %get3A_502 = arith.index_cast %get3A_501 : i32 to index
      %get3A_503 = arith.index_cast %add3A_500 : i32 to index
      %get3A_504 = arith.constant 16 : index
      %get3A_505 = tpu.vector_load %arg8[%get3A_502, %get3A_503, %get3A_504] {strides = array<i32>} : memref<2x80x64xi32, #tpu.memory_space<vmem>>, vector<16xi32>,
      %add3A_506 = arith.constant 5 : i32
      %add3A_507 = arith.addi %mul3A_57, %add3A_506 : i32
      %get3A_508 = arith.constant 0 : i32
      %get3A_509 = arith.index_cast %get3A_508 : i32 to index
      %get3A_510 = arith.index_cast %add3A_507 : i32 to index
      %get3A_511 = arith.constant 16 : index
      %get3A_512 = tpu.vector_load %arg9[%get3A_509, %get3A_510, %get3A_511] {strides = array<i32>} : memref<2x80x64xi32, #tpu.memory_space<vmem>>, vector<16xi32>,
      %bitcast3A_513 = vector.bitcast %get3A_505 : vector<16xi32> to vector<32xbf16>
      %bitcast3A_514 = vector.bitcast %get3A_512 : vector<16xi32> to vector<32xbf16>
      %mul3A_515 = arith.mulf %bitcast3A_513, %bitcast3A_514 : vector<32xbf16>
      %unpack3A_516 = tpu.unpack_subelements %mul3A_515, 0 {pack_format = #tpu.pack_format<interleaved>} : vector<32xbf16> -> vector<16xf32>
      %unpack3A_517 = tpu.unpack_subelements %mul3A_515, 1 {pack_format = #tpu.pack_format<interleaved>} : vector<32xbf16> -> vector<16xf32>
      %add3A_518 = arith.addf %unpack3A_516, %unpack3A_517 : vector<16xf32>
      %add3A_519 = arith.constant 5 : i32
      %add3A_520 = arith.addi %mul3A_57, %add3A_519 : i32
      %get3A_521 = arith.constant 0 : i32
      %get3A_522 = arith.index_cast %get3A_521 : i32 to index
      %get3A_523 = arith.index_cast %add3A_520 : i32 to index
      %get3A_524 = arith.constant 32 : index
      %get3A_525 = tpu.vector_load %arg8[%get3A_522, %get3A_523, %get3A_524] {strides = array<i32>} : memref<2x80x64xi32, #tpu.memory_space<vmem>>, vector<16xi32>,
      %add3A_526 = arith.constant 5 : i32
      %add3A_527 = arith.addi %mul3A_57, %add3A_526 : i32
      %get3A_528 = arith.constant 0 : i32
      %get3A_529 = arith.index_cast %get3A_528 : i32 to index
      %get3A_530 = arith.index_cast %add3A_527 : i32 to index
      %get3A_531 = arith.constant 32 : index
      %get3A_532 = tpu.vector_load %arg9[%get3A_529, %get3A_530, %get3A_531] {strides = array<i32>} : memref<2x80x64xi32, #tpu.memory_space<vmem>>, vector<16xi32>,
      %bitcast3A_533 = vector.bitcast %get3A_525 : vector<16xi32> to vector<32xbf16>
      %bitcast3A_534 = vector.bitcast %get3A_532 : vector<16xi32> to vector<32xbf16>
      %mul3A_535 = arith.mulf %bitcast3A_533, %bitcast3A_534 : vector<32xbf16>
      %unpack3A_536 = tpu.unpack_subelements %mul3A_535, 0 {pack_format = #tpu.pack_format<interleaved>} : vector<32xbf16> -> vector<16xf32>
      %unpack3A_537 = tpu.unpack_subelements %mul3A_535, 1 {pack_format = #tpu.pack_format<interleaved>} : vector<32xbf16> -> vector<16xf32>
      %add3A_538 = arith.addf %unpack3A_536, %unpack3A_537 : vector<16xf32>
      %add3A_539 = arith.constant 5 : i32
      %add3A_540 = arith.addi %mul3A_57, %add3A_539 : i32
      %get3A_541 = arith.constant 0 : i32
      %get3A_542 = arith.index_cast %get3A_541 : i32 to index
      %get3A_543 = arith.index_cast %add3A_540 : i32 to index
      %get3A_544 = arith.constant 48 : index
      %get3A_545 = tpu.vector_load %arg8[%get3A_542, %get3A_543, %get3A_544] {strides = array<i32>} : memref<2x80x64xi32, #tpu.memory_space<vmem>>, vector<16xi32>,
      %add3A_546 = arith.constant 5 : i32
      %add3A_547 = arith.addi %mul3A_57, %add3A_546 : i32
      %get3A_548 = arith.constant 0 : i32
      %get3A_549 = arith.index_cast %get3A_548 : i32 to index
      %get3A_550 = arith.index_cast %add3A_547 : i32 to index
      %get3A_551 = arith.constant 48 : index
      %get3A_552 = tpu.vector_load %arg9[%get3A_549, %get3A_550, %get3A_551] {strides = array<i32>} : memref<2x80x64xi32, #tpu.memory_space<vmem>>, vector<16xi32>,
      %bitcast3A_553 = vector.bitcast %get3A_545 : vector<16xi32> to vector<32xbf16>
      %bitcast3A_554 = vector.bitcast %get3A_552 : vector<16xi32> to vector<32xbf16>
      %mul3A_555 = arith.mulf %bitcast3A_553, %bitcast3A_554 : vector<32xbf16>
      %unpack3A_556 = tpu.unpack_subelements %mul3A_555, 0 {pack_format = #tpu.pack_format<interleaved>} : vector<32xbf16> -> vector<16xf32>
      %unpack3A_557 = tpu.unpack_subelements %mul3A_555, 1 {pack_format = #tpu.pack_format<interleaved>} : vector<32xbf16> -> vector<16xf32>
      %add3A_558 = arith.addf %unpack3A_556, %unpack3A_557 : vector<16xf32>
      %add3A_559 = arith.addf %add3A_498, %add3A_518 : vector<16xf32>
      %add3A_560 = arith.addf %add3A_538, %add3A_558 : vector<16xf32>
      %add3A_561 = arith.addf %add3A_559, %add3A_560 : vector<16xf32>
      %swap3A_562 = arith.constant 80 : index
      %swap3A_563 = tpu.vector_load %arg10[%swap3A_562] {strides = array<i32>} : memref<256xf32, #tpu.memory_space<vmem>>, vector<16xf32>,
      tpu.vector_store %arg10[%swap3A_562], %add3A_561 {strides = array<i32>} : memref<256xf32, #tpu.memory_space<vmem>>, vector<16xf32>,
      %add3A_564 = arith.constant 6 : i32
      %add3A_565 = arith.addi %mul3A_57, %add3A_564 : i32
      %get3A_566 = arith.constant 0 : i32
      %get3A_567 = arith.index_cast %get3A_566 : i32 to index
      %get3A_568 = arith.index_cast %add3A_565 : i32 to index
      %get3A_569 = arith.constant 0 : index
      %get3A_570 = tpu.vector_load %arg8[%get3A_567, %get3A_568, %get3A_569] {strides = array<i32>} : memref<2x80x64xi32, #tpu.memory_space<vmem>>, vector<16xi32>,
      %add3A_571 = arith.constant 6 : i32
      %add3A_572 = arith.addi %mul3A_57, %add3A_571 : i32
      %get3A_573 = arith.constant 0 : i32
      %get3A_574 = arith.index_cast %get3A_573 : i32 to index
      %get3A_575 = arith.index_cast %add3A_572 : i32 to index
      %get3A_576 = arith.constant 0 : index
      %get3A_577 = tpu.vector_load %arg9[%get3A_574, %get3A_575, %get3A_576] {strides = array<i32>} : memref<2x80x64xi32, #tpu.memory_space<vmem>>, vector<16xi32>,
      %bitcast3A_578 = vector.bitcast %get3A_570 : vector<16xi32> to vector<32xbf16>
      %bitcast3A_579 = vector.bitcast %get3A_577 : vector<16xi32> to vector<32xbf16>
      %mul3A_580 = arith.mulf %bitcast3A_578, %bitcast3A_579 : vector<32xbf16>
      %unpack3A_581 = tpu.unpack_subelements %mul3A_580, 0 {pack_format = #tpu.pack_format<interleaved>} : vector<32xbf16> -> vector<16xf32>
      %unpack3A_582 = tpu.unpack_subelements %mul3A_580, 1 {pack_format = #tpu.pack_format<interleaved>} : vector<32xbf16> -> vector<16xf32>
      %add3A_583 = arith.addf %unpack3A_581, %unpack3A_582 : vector<16xf32>
      %add3A_584 = arith.constant 6 : i32
      %add3A_585 = arith.addi %mul3A_57, %add3A_584 : i32
      %get3A_586 = arith.constant 0 : i32
      %get3A_587 = arith.index_cast %get3A_586 : i32 to index
      %get3A_588 = arith.index_cast %add3A_585 : i32 to index
      %get3A_589 = arith.constant 16 : index
      %get3A_590 = tpu.vector_load %arg8[%get3A_587, %get3A_588, %get3A_589] {strides = array<i32>} : memref<2x80x64xi32, #tpu.memory_space<vmem>>, vector<16xi32>,
      %add3A_591 = arith.constant 6 : i32
      %add3A_592 = arith.addi %mul3A_57, %add3A_591 : i32
      %get3A_593 = arith.constant 0 : i32
      %get3A_594 = arith.index_cast %get3A_593 : i32 to index
      %get3A_595 = arith.index_cast %add3A_592 : i32 to index
      %get3A_596 = arith.constant 16 : index
      %get3A_597 = tpu.vector_load %arg9[%get3A_594, %get3A_595, %get3A_596] {strides = array<i32>} : memref<2x80x64xi32, #tpu.memory_space<vmem>>, vector<16xi32>,
      %bitcast3A_598 = vector.bitcast %get3A_590 : vector<16xi32> to vector<32xbf16>
      %bitcast3A_599 = vector.bitcast %get3A_597 : vector<16xi32> to vector<32xbf16>
      %mul3A_600 = arith.mulf %bitcast3A_598, %bitcast3A_599 : vector<32xbf16>
      %unpack3A_601 = tpu.unpack_subelements %mul3A_600, 0 {pack_format = #tpu.pack_format<interleaved>} : vector<32xbf16> -> vector<16xf32>
      %unpack3A_602 = tpu.unpack_subelements %mul3A_600, 1 {pack_format = #tpu.pack_format<interleaved>} : vector<32xbf16> -> vector<16xf32>
      %add3A_603 = arith.addf %unpack3A_601, %unpack3A_602 : vector<16xf32>
      %add3A_604 = arith.constant 6 : i32
      %add3A_605 = arith.addi %mul3A_57, %add3A_604 : i32
      %get3A_606 = arith.constant 0 : i32
      %get3A_607 = arith.index_cast %get3A_606 : i32 to index
      %get3A_608 = arith.index_cast %add3A_605 : i32 to index
      %get3A_609 = arith.constant 32 : index
      %get3A_610 = tpu.vector_load %arg8[%get3A_607, %get3A_608, %get3A_609] {strides = array<i32>} : memref<2x80x64xi32, #tpu.memory_space<vmem>>, vector<16xi32>,
      %add3A_611 = arith.constant 6 : i32
      %add3A_612 = arith.addi %mul3A_57, %add3A_611 : i32
      %get3A_613 = arith.constant 0 : i32
      %get3A_614 = arith.index_cast %get3A_613 : i32 to index
      %get3A_615 = arith.index_cast %add3A_612 : i32 to index
      %get3A_616 = arith.constant 32 : index
      %get3A_617 = tpu.vector_load %arg9[%get3A_614, %get3A_615, %get3A_616] {strides = array<i32>} : memref<2x80x64xi32, #tpu.memory_space<vmem>>, vector<16xi32>,
      %bitcast3A_618 = vector.bitcast %get3A_610 : vector<16xi32> to vector<32xbf16>
      %bitcast3A_619 = vector.bitcast %get3A_617 : vector<16xi32> to vector<32xbf16>
      %mul3A_620 = arith.mulf %bitcast3A_618, %bitcast3A_619 : vector<32xbf16>
      %unpack3A_621 = tpu.unpack_subelements %mul3A_620, 0 {pack_format = #tpu.pack_format<interleaved>} : vector<32xbf16> -> vector<16xf32>
      %unpack3A_622 = tpu.unpack_subelements %mul3A_620, 1 {pack_format = #tpu.pack_format<interleaved>} : vector<32xbf16> -> vector<16xf32>
      %add3A_623 = arith.addf %unpack3A_621, %unpack3A_622 : vector<16xf32>
      %add3A_624 = arith.constant 6 : i32
      %add3A_625 = arith.addi %mul3A_57, %add3A_624 : i32
      %get3A_626 = arith.constant 0 : i32
      %get3A_627 = arith.index_cast %get3A_626 : i32 to index
      %get3A_628 = arith.index_cast %add3A_625 : i32 to index
      %get3A_629 = arith.constant 48 : index
      %get3A_630 = tpu.vector_load %arg8[%get3A_627, %get3A_628, %get3A_629] {strides = array<i32>} : memref<2x80x64xi32, #tpu.memory_space<vmem>>, vector<16xi32>,
      %add3A_631 = arith.constant 6 : i32
      %add3A_632 = arith.addi %mul3A_57, %add3A_631 : i32
      %get3A_633 = arith.constant 0 : i32
      %get3A_634 = arith.index_cast %get3A_633 : i32 to index
      %get3A_635 = arith.index_cast %add3A_632 : i32 to index
      %get3A_636 = arith.constant 48 : index
      %get3A_637 = tpu.vector_load %arg9[%get3A_634, %get3A_635, %get3A_636] {strides = array<i32>} : memref<2x80x64xi32, #tpu.memory_space<vmem>>, vector<16xi32>,
      %bitcast3A_638 = vector.bitcast %get3A_630 : vector<16xi32> to vector<32xbf16>
      %bitcast3A_639 = vector.bitcast %get3A_637 : vector<16xi32> to vector<32xbf16>
      %mul3A_640 = arith.mulf %bitcast3A_638, %bitcast3A_639 : vector<32xbf16>
      %unpack3A_641 = tpu.unpack_subelements %mul3A_640, 0 {pack_format = #tpu.pack_format<interleaved>} : vector<32xbf16> -> vector<16xf32>
      %unpack3A_642 = tpu.unpack_subelements %mul3A_640, 1 {pack_format = #tpu.pack_format<interleaved>} : vector<32xbf16> -> vector<16xf32>
      %add3A_643 = arith.addf %unpack3A_641, %unpack3A_642 : vector<16xf32>
      %add3A_644 = arith.addf %add3A_583, %add3A_603 : vector<16xf32>
      %add3A_645 = arith.addf %add3A_623, %add3A_643 : vector<16xf32>
      %add3A_646 = arith.addf %add3A_644, %add3A_645 : vector<16xf32>
      %swap3A_647 = arith.constant 96 : index
      %swap3A_648 = tpu.vector_load %arg10[%swap3A_647] {strides = array<i32>} : memref<256xf32, #tpu.memory_space<vmem>>, vector<16xf32>,
      tpu.vector_store %arg10[%swap3A_647], %add3A_646 {strides = array<i32>} : memref<256xf32, #tpu.memory_space<vmem>>, vector<16xf32>,
      %add3A_649 = arith.constant 7 : i32
      %add3A_650 = arith.addi %mul3A_57, %add3A_649 : i32
      %get3A_651 = arith.constant 0 : i32
      %get3A_652 = arith.index_cast %get3A_651 : i32 to index
      %get3A_653 = arith.index_cast %add3A_650 : i32 to index
      %get3A_654 = arith.constant 0 : index
      %get3A_655 = tpu.vector_load %arg8[%get3A_652, %get3A_653, %get3A_654] {strides = array<i32>} : memref<2x80x64xi32, #tpu.memory_space<vmem>>, vector<16xi32>,
      %add3A_656 = arith.constant 7 : i32
      %add3A_657 = arith.addi %mul3A_57, %add3A_656 : i32
      %get3A_658 = arith.constant 0 : i32
      %get3A_659 = arith.index_cast %get3A_658 : i32 to index
      %get3A_660 = arith.index_cast %add3A_657 : i32 to index
      %get3A_661 = arith.constant 0 : index
      %get3A_662 = tpu.vector_load %arg9[%get3A_659, %get3A_660, %get3A_661] {strides = array<i32>} : memref<2x80x64xi32, #tpu.memory_space<vmem>>, vector<16xi32>,
      %bitcast3A_663 = vector.bitcast %get3A_655 : vector<16xi32> to vector<32xbf16>
      %bitcast3A_664 = vector.bitcast %get3A_662 : vector<16xi32> to vector<32xbf16>
      %mul3A_665 = arith.mulf %bitcast3A_663, %bitcast3A_664 : vector<32xbf16>
      %unpack3A_666 = tpu.unpack_subelements %mul3A_665, 0 {pack_format = #tpu.pack_format<interleaved>} : vector<32xbf16> -> vector<16xf32>
      %unpack3A_667 = tpu.unpack_subelements %mul3A_665, 1 {pack_format = #tpu.pack_format<interleaved>} : vector<32xbf16> -> vector<16xf32>
      %add3A_668 = arith.addf %unpack3A_666, %unpack3A_667 : vector<16xf32>
      %add3A_669 = arith.constant 7 : i32
      %add3A_670 = arith.addi %mul3A_57, %add3A_669 : i32
      %get3A_671 = arith.constant 0 : i32
      %get3A_672 = arith.index_cast %get3A_671 : i32 to index
      %get3A_673 = arith.index_cast %add3A_670 : i32 to index
      %get3A_674 = arith.constant 16 : index
      %get3A_675 = tpu.vector_load %arg8[%get3A_672, %get3A_673, %get3A_674] {strides = array<i32>} : memref<2x80x64xi32, #tpu.memory_space<vmem>>, vector<16xi32>,
      %add3A_676 = arith.constant 7 : i32
      %add3A_677 = arith.addi %mul3A_57, %add3A_676 : i32
      %get3A_678 = arith.constant 0 : i32
      %get3A_679 = arith.index_cast %get3A_678 : i32 to index
      %get3A_680 = arith.index_cast %add3A_677 : i32 to index
      %get3A_681 = arith.constant 16 : index
      %get3A_682 = tpu.vector_load %arg9[%get3A_679, %get3A_680, %get3A_681] {strides = array<i32>} : memref<2x80x64xi32, #tpu.memory_space<vmem>>, vector<16xi32>,
      %bitcast3A_683 = vector.bitcast %get3A_675 : vector<16xi32> to vector<32xbf16>
      %bitcast3A_684 = vector.bitcast %get3A_682 : vector<16xi32> to vector<32xbf16>
      %mul3A_685 = arith.mulf %bitcast3A_683, %bitcast3A_684 : vector<32xbf16>
      %unpack3A_686 = tpu.unpack_subelements %mul3A_685, 0 {pack_format = #tpu.pack_format<interleaved>} : vector<32xbf16> -> vector<16xf32>
      %unpack3A_687 = tpu.unpack_subelements %mul3A_685, 1 {pack_format = #tpu.pack_format<interleaved>} : vector<32xbf16> -> vector<16xf32>
      %add3A_688 = arith.addf %unpack3A_686, %unpack3A_687 : vector<16xf32>
      %add3A_689 = arith.constant 7 : i32
      %add3A_690 = arith.addi %mul3A_57, %add3A_689 : i32
      %get3A_691 = arith.constant 0 : i32
      %get3A_692 = arith.index_cast %get3A_691 : i32 to index
      %get3A_693 = arith.index_cast %add3A_690 : i32 to index
      %get3A_694 = arith.constant 32 : index
      %get3A_695 = tpu.vector_load %arg8[%get3A_692, %get3A_693, %get3A_694] {strides = array<i32>} : memref<2x80x64xi32, #tpu.memory_space<vmem>>, vector<16xi32>,
      %add3A_696 = arith.constant 7 : i32
      %add3A_697 = arith.addi %mul3A_57, %add3A_696 : i32
      %get3A_698 = arith.constant 0 : i32
      %get3A_699 = arith.index_cast %get3A_698 : i32 to index
      %get3A_700 = arith.index_cast %add3A_697 : i32 to index
      %get3A_701 = arith.constant 32 : index
      %get3A_702 = tpu.vector_load %arg9[%get3A_699, %get3A_700, %get3A_701] {strides = array<i32>} : memref<2x80x64xi32, #tpu.memory_space<vmem>>, vector<16xi32>,
      %bitcast3A_703 = vector.bitcast %get3A_695 : vector<16xi32> to vector<32xbf16>
      %bitcast3A_704 = vector.bitcast %get3A_702 : vector<16xi32> to vector<32xbf16>
      %mul3A_705 = arith.mulf %bitcast3A_703, %bitcast3A_704 : vector<32xbf16>
      %unpack3A_706 = tpu.unpack_subelements %mul3A_705, 0 {pack_format = #tpu.pack_format<interleaved>} : vector<32xbf16> -> vector<16xf32>
      %unpack3A_707 = tpu.unpack_subelements %mul3A_705, 1 {pack_format = #tpu.pack_format<interleaved>} : vector<32xbf16> -> vector<16xf32>
      %add3A_708 = arith.addf %unpack3A_706, %unpack3A_707 : vector<16xf32>
      %add3A_709 = arith.constant 7 : i32
      %add3A_710 = arith.addi %mul3A_57, %add3A_709 : i32
      %get3A_711 = arith.constant 0 : i32
      %get3A_712 = arith.index_cast %get3A_711 : i32 to index
      %get3A_713 = arith.index_cast %add3A_710 : i32 to index
      %get3A_714 = arith.constant 48 : index
      %get3A_715 = tpu.vector_load %arg8[%get3A_712, %get3A_713, %get3A_714] {strides = array<i32>} : memref<2x80x64xi32, #tpu.memory_space<vmem>>, vector<16xi32>,
      %add3A_716 = arith.constant 7 : i32
      %add3A_717 = arith.addi %mul3A_57, %add3A_716 : i32
      %get3A_718 = arith.constant 0 : i32
      %get3A_719 = arith.index_cast %get3A_718 : i32 to index
      %get3A_720 = arith.index_cast %add3A_717 : i32 to index
      %get3A_721 = arith.constant 48 : index
      %get3A_722 = tpu.vector_load %arg9[%get3A_719, %get3A_720, %get3A_721] {strides = array<i32>} : memref<2x80x64xi32, #tpu.memory_space<vmem>>, vector<16xi32>,
      %bitcast3A_723 = vector.bitcast %get3A_715 : vector<16xi32> to vector<32xbf16>
      %bitcast3A_724 = vector.bitcast %get3A_722 : vector<16xi32> to vector<32xbf16>
      %mul3A_725 = arith.mulf %bitcast3A_723, %bitcast3A_724 : vector<32xbf16>
      %unpack3A_726 = tpu.unpack_subelements %mul3A_725, 0 {pack_format = #tpu.pack_format<interleaved>} : vector<32xbf16> -> vector<16xf32>
      %unpack3A_727 = tpu.unpack_subelements %mul3A_725, 1 {pack_format = #tpu.pack_format<interleaved>} : vector<32xbf16> -> vector<16xf32>
      %add3A_728 = arith.addf %unpack3A_726, %unpack3A_727 : vector<16xf32>
      %add3A_729 = arith.addf %add3A_668, %add3A_688 : vector<16xf32>
      %add3A_730 = arith.addf %add3A_708, %add3A_728 : vector<16xf32>
      %add3A_731 = arith.addf %add3A_729, %add3A_730 : vector<16xf32>
      %swap3A_732 = arith.constant 112 : index
      %swap3A_733 = tpu.vector_load %arg10[%swap3A_732] {strides = array<i32>} : memref<256xf32, #tpu.memory_space<vmem>>, vector<16xf32>,
      tpu.vector_store %arg10[%swap3A_732], %add3A_731 {strides = array<i32>} : memref<256xf32, #tpu.memory_space<vmem>>, vector<16xf32>,
      %add3A_734 = arith.constant 8 : i32
      %add3A_735 = arith.addi %mul3A_57, %add3A_734 : i32
      %get3A_736 = arith.constant 0 : i32
      %get3A_737 = arith.index_cast %get3A_736 : i32 to index
      %get3A_738 = arith.index_cast %add3A_735 : i32 to index
      %get3A_739 = arith.constant 0 : index
      %get3A_740 = tpu.vector_load %arg8[%get3A_737, %get3A_738, %get3A_739] {strides = array<i32>} : memref<2x80x64xi32, #tpu.memory_space<vmem>>, vector<16xi32>,
      %add3A_741 = arith.constant 8 : i32
      %add3A_742 = arith.addi %mul3A_57, %add3A_741 : i32
      %get3A_743 = arith.constant 0 : i32
      %get3A_744 = arith.index_cast %get3A_743 : i32 to index
      %get3A_745 = arith.index_cast %add3A_742 : i32 to index
      %get3A_746 = arith.constant 0 : index
      %get3A_747 = tpu.vector_load %arg9[%get3A_744, %get3A_745, %get3A_746] {strides = array<i32>} : memref<2x80x64xi32, #tpu.memory_space<vmem>>, vector<16xi32>,
      %bitcast3A_748 = vector.bitcast %get3A_740 : vector<16xi32> to vector<32xbf16>
      %bitcast3A_749 = vector.bitcast %get3A_747 : vector<16xi32> to vector<32xbf16>
      %mul3A_750 = arith.mulf %bitcast3A_748, %bitcast3A_749 : vector<32xbf16>
      %unpack3A_751 = tpu.unpack_subelements %mul3A_750, 0 {pack_format = #tpu.pack_format<interleaved>} : vector<32xbf16> -> vector<16xf32>
      %unpack3A_752 = tpu.unpack_subelements %mul3A_750, 1 {pack_format = #tpu.pack_format<interleaved>} : vector<32xbf16> -> vector<16xf32>
      %add3A_753 = arith.addf %unpack3A_751, %unpack3A_752 : vector<16xf32>
      %add3A_754 = arith.constant 8 : i32
      %add3A_755 = arith.addi %mul3A_57, %add3A_754 : i32
      %get3A_756 = arith.constant 0 : i32
      %get3A_757 = arith.index_cast %get3A_756 : i32 to index
      %get3A_758 = arith.index_cast %add3A_755 : i32 to index
      %get3A_759 = arith.constant 16 : index
      %get3A_760 = tpu.vector_load %arg8[%get3A_757, %get3A_758, %get3A_759] {strides = array<i32>} : memref<2x80x64xi32, #tpu.memory_space<vmem>>, vector<16xi32>,
      %add3A_761 = arith.constant 8 : i32
      %add3A_762 = arith.addi %mul3A_57, %add3A_761 : i32
      %get3A_763 = arith.constant 0 : i32
      %get3A_764 = arith.index_cast %get3A_763 : i32 to index
      %get3A_765 = arith.index_cast %add3A_762 : i32 to index
      %get3A_766 = arith.constant 16 : index
      %get3A_767 = tpu.vector_load %arg9[%get3A_764, %get3A_765, %get3A_766] {strides = array<i32>} : memref<2x80x64xi32, #tpu.memory_space<vmem>>, vector<16xi32>,
      %bitcast3A_768 = vector.bitcast %get3A_760 : vector<16xi32> to vector<32xbf16>
      %bitcast3A_769 = vector.bitcast %get3A_767 : vector<16xi32> to vector<32xbf16>
      %mul3A_770 = arith.mulf %bitcast3A_768, %bitcast3A_769 : vector<32xbf16>
      %unpack3A_771 = tpu.unpack_subelements %mul3A_770, 0 {pack_format = #tpu.pack_format<interleaved>} : vector<32xbf16> -> vector<16xf32>
      %unpack3A_772 = tpu.unpack_subelements %mul3A_770, 1 {pack_format = #tpu.pack_format<interleaved>} : vector<32xbf16> -> vector<16xf32>
      %add3A_773 = arith.addf %unpack3A_771, %unpack3A_772 : vector<16xf32>
      %add3A_774 = arith.constant 8 : i32
      %add3A_775 = arith.addi %mul3A_57, %add3A_774 : i32
      %get3A_776 = arith.constant 0 : i32
      %get3A_777 = arith.index_cast %get3A_776 : i32 to index
      %get3A_778 = arith.index_cast %add3A_775 : i32 to index
      %get3A_779 = arith.constant 32 : index
      %get3A_780 = tpu.vector_load %arg8[%get3A_777, %get3A_778, %get3A_779] {strides = array<i32>} : memref<2x80x64xi32, #tpu.memory_space<vmem>>, vector<16xi32>,
      %add3A_781 = arith.constant 8 : i32
      %add3A_782 = arith.addi %mul3A_57, %add3A_781 : i32
      %get3A_783 = arith.constant 0 : i32
      %get3A_784 = arith.index_cast %get3A_783 : i32 to index
      %get3A_785 = arith.index_cast %add3A_782 : i32 to index
      %get3A_786 = arith.constant 32 : index
      %get3A_787 = tpu.vector_load %arg9[%get3A_784, %get3A_785, %get3A_786] {strides = array<i32>} : memref<2x80x64xi32, #tpu.memory_space<vmem>>, vector<16xi32>,
      %bitcast3A_788 = vector.bitcast %get3A_780 : vector<16xi32> to vector<32xbf16>
      %bitcast3A_789 = vector.bitcast %get3A_787 : vector<16xi32> to vector<32xbf16>
      %mul3A_790 = arith.mulf %bitcast3A_788, %bitcast3A_789 : vector<32xbf16>
      %unpack3A_791 = tpu.unpack_subelements %mul3A_790, 0 {pack_format = #tpu.pack_format<interleaved>} : vector<32xbf16> -> vector<16xf32>
      %unpack3A_792 = tpu.unpack_subelements %mul3A_790, 1 {pack_format = #tpu.pack_format<interleaved>} : vector<32xbf16> -> vector<16xf32>
      %add3A_793 = arith.addf %unpack3A_791, %unpack3A_792 : vector<16xf32>
      %add3A_794 = arith.constant 8 : i32
      %add3A_795 = arith.addi %mul3A_57, %add3A_794 : i32
      %get3A_796 = arith.constant 0 : i32
      %get3A_797 = arith.index_cast %get3A_796 : i32 to index
      %get3A_798 = arith.index_cast %add3A_795 : i32 to index
      %get3A_799 = arith.constant 48 : index
      %get3A_800 = tpu.vector_load %arg8[%get3A_797, %get3A_798, %get3A_799] {strides = array<i32>} : memref<2x80x64xi32, #tpu.memory_space<vmem>>, vector<16xi32>,
      %add3A_801 = arith.constant 8 : i32
      %add3A_802 = arith.addi %mul3A_57, %add3A_801 : i32
      %get3A_803 = arith.constant 0 : i32
      %get3A_804 = arith.index_cast %get3A_803 : i32 to index
      %get3A_805 = arith.index_cast %add3A_802 : i32 to index
      %get3A_806 = arith.constant 48 : index
      %get3A_807 = tpu.vector_load %arg9[%get3A_804, %get3A_805, %get3A_806] {strides = array<i32>} : memref<2x80x64xi32, #tpu.memory_space<vmem>>, vector<16xi32>,
      %bitcast3A_808 = vector.bitcast %get3A_800 : vector<16xi32> to vector<32xbf16>
      %bitcast3A_809 = vector.bitcast %get3A_807 : vector<16xi32> to vector<32xbf16>
      %mul3A_810 = arith.mulf %bitcast3A_808, %bitcast3A_809 : vector<32xbf16>
      %unpack3A_811 = tpu.unpack_subelements %mul3A_810, 0 {pack_format = #tpu.pack_format<interleaved>} : vector<32xbf16> -> vector<16xf32>
      %unpack3A_812 = tpu.unpack_subelements %mul3A_810, 1 {pack_format = #tpu.pack_format<interleaved>} : vector<32xbf16> -> vector<16xf32>
      %add3A_813 = arith.addf %unpack3A_811, %unpack3A_812 : vector<16xf32>
      %add3A_814 = arith.addf %add3A_753, %add3A_773 : vector<16xf32>
      %add3A_815 = arith.addf %add3A_793, %add3A_813 : vector<16xf32>
      %add3A_816 = arith.addf %add3A_814, %add3A_815 : vector<16xf32>
      %swap3A_817 = arith.constant 128 : index
      %swap3A_818 = tpu.vector_load %arg10[%swap3A_817] {strides = array<i32>} : memref<256xf32, #tpu.memory_space<vmem>>, vector<16xf32>,
      tpu.vector_store %arg10[%swap3A_817], %add3A_816 {strides = array<i32>} : memref<256xf32, #tpu.memory_space<vmem>>, vector<16xf32>,
      %add3A_819 = arith.constant 9 : i32
      %add3A_820 = arith.addi %mul3A_57, %add3A_819 : i32
      %get3A_821 = arith.constant 0 : i32
      %get3A_822 = arith.index_cast %get3A_821 : i32 to index
      %get3A_823 = arith.index_cast %add3A_820 : i32 to index
      %get3A_824 = arith.constant 0 : index
      %get3A_825 = tpu.vector_load %arg8[%get3A_822, %get3A_823, %get3A_824] {strides = array<i32>} : memref<2x80x64xi32, #tpu.memory_space<vmem>>, vector<16xi32>,
      %add3A_826 = arith.constant 9 : i32
      %add3A_827 = arith.addi %mul3A_57, %add3A_826 : i32
      %get3A_828 = arith.constant 0 : i32
      %get3A_829 = arith.index_cast %get3A_828 : i32 to index
      %get3A_830 = arith.index_cast %add3A_827 : i32 to index
      %get3A_831 = arith.constant 0 : index
      %get3A_832 = tpu.vector_load %arg9[%get3A_829, %get3A_830, %get3A_831] {strides = array<i32>} : memref<2x80x64xi32, #tpu.memory_space<vmem>>, vector<16xi32>,
      %bitcast3A_833 = vector.bitcast %get3A_825 : vector<16xi32> to vector<32xbf16>
      %bitcast3A_834 = vector.bitcast %get3A_832 : vector<16xi32> to vector<32xbf16>
      %mul3A_835 = arith.mulf %bitcast3A_833, %bitcast3A_834 : vector<32xbf16>
      %unpack3A_836 = tpu.unpack_subelements %mul3A_835, 0 {pack_format = #tpu.pack_format<interleaved>} : vector<32xbf16> -> vector<16xf32>
      %unpack3A_837 = tpu.unpack_subelements %mul3A_835, 1 {pack_format = #tpu.pack_format<interleaved>} : vector<32xbf16> -> vector<16xf32>
      %add3A_838 = arith.addf %unpack3A_836, %unpack3A_837 : vector<16xf32>
      %add3A_839 = arith.constant 9 : i32
      %add3A_840 = arith.addi %mul3A_57, %add3A_839 : i32
      %get3A_841 = arith.constant 0 : i32
      %get3A_842 = arith.index_cast %get3A_841 : i32 to index
      %get3A_843 = arith.index_cast %add3A_840 : i32 to index
      %get3A_844 = arith.constant 16 : index
      %get3A_845 = tpu.vector_load %arg8[%get3A_842, %get3A_843, %get3A_844] {strides = array<i32>} : memref<2x80x64xi32, #tpu.memory_space<vmem>>, vector<16xi32>,
      %add3A_846 = arith.constant 9 : i32
      %add3A_847 = arith.addi %mul3A_57, %add3A_846 : i32
      %get3A_848 = arith.constant 0 : i32
      %get3A_849 = arith.index_cast %get3A_848 : i32 to index
      %get3A_850 = arith.index_cast %add3A_847 : i32 to index
      %get3A_851 = arith.constant 16 : index
      %get3A_852 = tpu.vector_load %arg9[%get3A_849, %get3A_850, %get3A_851] {strides = array<i32>} : memref<2x80x64xi32, #tpu.memory_space<vmem>>, vector<16xi32>,
      %bitcast3A_853 = vector.bitcast %get3A_845 : vector<16xi32> to vector<32xbf16>
      %bitcast3A_854 = vector.bitcast %get3A_852 : vector<16xi32> to vector<32xbf16>
      %mul3A_855 = arith.mulf %bitcast3A_853, %bitcast3A_854 : vector<32xbf16>
      %unpack3A_856 = tpu.unpack_subelements %mul3A_855, 0 {pack_format = #tpu.pack_format<interleaved>} : vector<32xbf16> -> vector<16xf32>
      %unpack3A_857 = tpu.unpack_subelements %mul3A_855, 1 {pack_format = #tpu.pack_format<interleaved>} : vector<32xbf16> -> vector<16xf32>
      %add3A_858 = arith.addf %unpack3A_856, %unpack3A_857 : vector<16xf32>
      %add3A_859 = arith.constant 9 : i32
      %add3A_860 = arith.addi %mul3A_57, %add3A_859 : i32
      %get3A_861 = arith.constant 0 : i32
      %get3A_862 = arith.index_cast %get3A_861 : i32 to index
      %get3A_863 = arith.index_cast %add3A_860 : i32 to index
      %get3A_864 = arith.constant 32 : index
      %get3A_865 = tpu.vector_load %arg8[%get3A_862, %get3A_863, %get3A_864] {strides = array<i32>} : memref<2x80x64xi32, #tpu.memory_space<vmem>>, vector<16xi32>,
      %add3A_866 = arith.constant 9 : i32
      %add3A_867 = arith.addi %mul3A_57, %add3A_866 : i32
      %get3A_868 = arith.constant 0 : i32
      %get3A_869 = arith.index_cast %get3A_868 : i32 to index
      %get3A_870 = arith.index_cast %add3A_867 : i32 to index
      %get3A_871 = arith.constant 32 : index
      %get3A_872 = tpu.vector_load %arg9[%get3A_869, %get3A_870, %get3A_871] {strides = array<i32>} : memref<2x80x64xi32, #tpu.memory_space<vmem>>, vector<16xi32>,
      %bitcast3A_873 = vector.bitcast %get3A_865 : vector<16xi32> to vector<32xbf16>
      %bitcast3A_874 = vector.bitcast %get3A_872 : vector<16xi32> to vector<32xbf16>
      %mul3A_875 = arith.mulf %bitcast3A_873, %bitcast3A_874 : vector<32xbf16>
      %unpack3A_876 = tpu.unpack_subelements %mul3A_875, 0 {pack_format = #tpu.pack_format<interleaved>} : vector<32xbf16> -> vector<16xf32>
      %unpack3A_877 = tpu.unpack_subelements %mul3A_875, 1 {pack_format = #tpu.pack_format<interleaved>} : vector<32xbf16> -> vector<16xf32>
      %add3A_878 = arith.addf %unpack3A_876, %unpack3A_877 : vector<16xf32>
      %add3A_879 = arith.constant 9 : i32
      %add3A_880 = arith.addi %mul3A_57, %add3A_879 : i32
      %get3A_881 = arith.constant 0 : i32
      %get3A_882 = arith.index_cast %get3A_881 : i32 to index
      %get3A_883 = arith.index_cast %add3A_880 : i32 to index
      %get3A_884 = arith.constant 48 : index
      %get3A_885 = tpu.vector_load %arg8[%get3A_882, %get3A_883, %get3A_884] {strides = array<i32>} : memref<2x80x64xi32, #tpu.memory_space<vmem>>, vector<16xi32>,
      %add3A_886 = arith.constant 9 : i32
      %add3A_887 = arith.addi %mul3A_57, %add3A_886 : i32
      %get3A_888 = arith.constant 0 : i32
      %get3A_889 = arith.index_cast %get3A_888 : i32 to index
      %get3A_890 = arith.index_cast %add3A_887 : i32 to index
      %get3A_891 = arith.constant 48 : index
      %get3A_892 = tpu.vector_load %arg9[%get3A_889, %get3A_890, %get3A_891] {strides = array<i32>} : memref<2x80x64xi32, #tpu.memory_space<vmem>>, vector<16xi32>,
      %bitcast3A_893 = vector.bitcast %get3A_885 : vector<16xi32> to vector<32xbf16>
      %bitcast3A_894 = vector.bitcast %get3A_892 : vector<16xi32> to vector<32xbf16>
      %mul3A_895 = arith.mulf %bitcast3A_893, %bitcast3A_894 : vector<32xbf16>
      %unpack3A_896 = tpu.unpack_subelements %mul3A_895, 0 {pack_format = #tpu.pack_format<interleaved>} : vector<32xbf16> -> vector<16xf32>
      %unpack3A_897 = tpu.unpack_subelements %mul3A_895, 1 {pack_format = #tpu.pack_format<interleaved>} : vector<32xbf16> -> vector<16xf32>
      %add3A_898 = arith.addf %unpack3A_896, %unpack3A_897 : vector<16xf32>
      %add3A_899 = arith.addf %add3A_838, %add3A_858 : vector<16xf32>
      %add3A_900 = arith.addf %add3A_878, %add3A_898 : vector<16xf32>
      %add3A_901 = arith.addf %add3A_899, %add3A_900 : vector<16xf32>
      %swap3A_902 = arith.constant 144 : index
      %swap3A_903 = tpu.vector_load %arg10[%swap3A_902] {strides = array<i32>} : memref<256xf32, #tpu.memory_space<vmem>>, vector<16xf32>,
      tpu.vector_store %arg10[%swap3A_902], %add3A_901 {strides = array<i32>} : memref<256xf32, #tpu.memory_space<vmem>>, vector<16xf32>,
      %add3A_904 = arith.constant 10 : i32
      %add3A_905 = arith.addi %mul3A_57, %add3A_904 : i32
      %get3A_906 = arith.constant 0 : i32
      %get3A_907 = arith.index_cast %get3A_906 : i32 to index
      %get3A_908 = arith.index_cast %add3A_905 : i32 to index
      %get3A_909 = arith.constant 0 : index
      %get3A_910 = tpu.vector_load %arg8[%get3A_907, %get3A_908, %get3A_909] {strides = array<i32>} : memref<2x80x64xi32, #tpu.memory_space<vmem>>, vector<16xi32>,
      %add3A_911 = arith.constant 10 : i32
      %add3A_912 = arith.addi %mul3A_57, %add3A_911 : i32
      %get3A_913 = arith.constant 0 : i32
      %get3A_914 = arith.index_cast %get3A_913 : i32 to index
      %get3A_915 = arith.index_cast %add3A_912 : i32 to index
      %get3A_916 = arith.constant 0 : index
      %get3A_917 = tpu.vector_load %arg9[%get3A_914, %get3A_915, %get3A_916] {strides = array<i32>} : memref<2x80x64xi32, #tpu.memory_space<vmem>>, vector<16xi32>,
      %bitcast3A_918 = vector.bitcast %get3A_910 : vector<16xi32> to vector<32xbf16>
      %bitcast3A_919 = vector.bitcast %get3A_917 : vector<16xi32> to vector<32xbf16>
      %mul3A_920 = arith.mulf %bitcast3A_918, %bitcast3A_919 : vector<32xbf16>
      %unpack3A_921 = tpu.unpack_subelements %mul3A_920, 0 {pack_format = #tpu.pack_format<interleaved>} : vector<32xbf16> -> vector<16xf32>
      %unpack3A_922 = tpu.unpack_subelements %mul3A_920, 1 {pack_format = #tpu.pack_format<interleaved>} : vector<32xbf16> -> vector<16xf32>
      %add3A_923 = arith.addf %unpack3A_921, %unpack3A_922 : vector<16xf32>
      %add3A_924 = arith.constant 10 : i32
      %add3A_925 = arith.addi %mul3A_57, %add3A_924 : i32
      %get3A_926 = arith.constant 0 : i32
      %get3A_927 = arith.index_cast %get3A_926 : i32 to index
      %get3A_928 = arith.index_cast %add3A_925 : i32 to index
      %get3A_929 = arith.constant 16 : index
      %get3A_930 = tpu.vector_load %arg8[%get3A_927, %get3A_928, %get3A_929] {strides = array<i32>} : memref<2x80x64xi32, #tpu.memory_space<vmem>>, vector<16xi32>,
      %add3A_931 = arith.constant 10 : i32
      %add3A_932 = arith.addi %mul3A_57, %add3A_931 : i32
      %get3A_933 = arith.constant 0 : i32
      %get3A_934 = arith.index_cast %get3A_933 : i32 to index
      %get3A_935 = arith.index_cast %add3A_932 : i32 to index
      %get3A_936 = arith.constant 16 : index
      %get3A_937 = tpu.vector_load %arg9[%get3A_934, %get3A_935, %get3A_936] {strides = array<i32>} : memref<2x80x64xi32, #tpu.memory_space<vmem>>, vector<16xi32>,
      %bitcast3A_938 = vector.bitcast %get3A_930 : vector<16xi32> to vector<32xbf16>
      %bitcast3A_939 = vector.bitcast %get3A_937 : vector<16xi32> to vector<32xbf16>
      %mul3A_940 = arith.mulf %bitcast3A_938, %bitcast3A_939 : vector<32xbf16>
      %unpack3A_941 = tpu.unpack_subelements %mul3A_940, 0 {pack_format = #tpu.pack_format<interleaved>} : vector<32xbf16> -> vector<16xf32>
      %unpack3A_942 = tpu.unpack_subelements %mul3A_940, 1 {pack_format = #tpu.pack_format<interleaved>} : vector<32xbf16> -> vector<16xf32>
      %add3A_943 = arith.addf %unpack3A_941, %unpack3A_942 : vector<16xf32>
      %add3A_944 = arith.constant 10 : i32
      %add3A_945 = arith.addi %mul3A_57, %add3A_944 : i32
      %get3A_946 = arith.constant 0 : i32
      %get3A_947 = arith.index_cast %get3A_946 : i32 to index
      %get3A_948 = arith.index_cast %add3A_945 : i32 to index
      %get3A_949 = arith.constant 32 : index
      %get3A_950 = tpu.vector_load %arg8[%get3A_947, %get3A_948, %get3A_949] {strides = array<i32>} : memref<2x80x64xi32, #tpu.memory_space<vmem>>, vector<16xi32>,
      %add3A_951 = arith.constant 10 : i32
      %add3A_952 = arith.addi %mul3A_57, %add3A_951 : i32
      %get3A_953 = arith.constant 0 : i32
      %get3A_954 = arith.index_cast %get3A_953 : i32 to index
      %get3A_955 = arith.index_cast %add3A_952 : i32 to index
      %get3A_956 = arith.constant 32 : index
      %get3A_957 = tpu.vector_load %arg9[%get3A_954, %get3A_955, %get3A_956] {strides = array<i32>} : memref<2x80x64xi32, #tpu.memory_space<vmem>>, vector<16xi32>,
      %bitcast3A_958 = vector.bitcast %get3A_950 : vector<16xi32> to vector<32xbf16>
      %bitcast3A_959 = vector.bitcast %get3A_957 : vector<16xi32> to vector<32xbf16>
      %mul3A_960 = arith.mulf %bitcast3A_958, %bitcast3A_959 : vector<32xbf16>
      %unpack3A_961 = tpu.unpack_subelements %mul3A_960, 0 {pack_format = #tpu.pack_format<interleaved>} : vector<32xbf16> -> vector<16xf32>
      %unpack3A_962 = tpu.unpack_subelements %mul3A_960, 1 {pack_format = #tpu.pack_format<interleaved>} : vector<32xbf16> -> vector<16xf32>
      %add3A_963 = arith.addf %unpack3A_961, %unpack3A_962 : vector<16xf32>
      %add3A_964 = arith.constant 10 : i32
      %add3A_965 = arith.addi %mul3A_57, %add3A_964 : i32
      %get3A_966 = arith.constant 0 : i32
      %get3A_967 = arith.index_cast %get3A_966 : i32 to index
      %get3A_968 = arith.index_cast %add3A_965 : i32 to index
      %get3A_969 = arith.constant 48 : index
      %get3A_970 = tpu.vector_load %arg8[%get3A_967, %get3A_968, %get3A_969] {strides = array<i32>} : memref<2x80x64xi32, #tpu.memory_space<vmem>>, vector<16xi32>,
      %add3A_971 = arith.constant 10 : i32
      %add3A_972 = arith.addi %mul3A_57, %add3A_971 : i32
      %get3A_973 = arith.constant 0 : i32
      %get3A_974 = arith.index_cast %get3A_973 : i32 to index
      %get3A_975 = arith.index_cast %add3A_972 : i32 to index
      %get3A_976 = arith.constant 48 : index
      %get3A_977 = tpu.vector_load %arg9[%get3A_974, %get3A_975, %get3A_976] {strides = array<i32>} : memref<2x80x64xi32, #tpu.memory_space<vmem>>, vector<16xi32>,
      %bitcast3A_978 = vector.bitcast %get3A_970 : vector<16xi32> to vector<32xbf16>
      %bitcast3A_979 = vector.bitcast %get3A_977 : vector<16xi32> to vector<32xbf16>
      %mul3A_980 = arith.mulf %bitcast3A_978, %bitcast3A_979 : vector<32xbf16>
      %unpack3A_981 = tpu.unpack_subelements %mul3A_980, 0 {pack_format = #tpu.pack_format<interleaved>} : vector<32xbf16> -> vector<16xf32>
      %unpack3A_982 = tpu.unpack_subelements %mul3A_980, 1 {pack_format = #tpu.pack_format<interleaved>} : vector<32xbf16> -> vector<16xf32>
      %add3A_983 = arith.addf %unpack3A_981, %unpack3A_982 : vector<16xf32>
      %add3A_984 = arith.addf %add3A_923, %add3A_943 : vector<16xf32>
      %add3A_985 = arith.addf %add3A_963, %add3A_983 : vector<16xf32>
      %add3A_986 = arith.addf %add3A_984, %add3A_985 : vector<16xf32>
      %swap3A_987 = arith.constant 160 : index
      %swap3A_988 = tpu.vector_load %arg10[%swap3A_987] {strides = array<i32>} : memref<256xf32, #tpu.memory_space<vmem>>, vector<16xf32>,
      tpu.vector_store %arg10[%swap3A_987], %add3A_986 {strides = array<i32>} : memref<256xf32, #tpu.memory_space<vmem>>, vector<16xf32>,
      %add3A_989 = arith.constant 11 : i32
      %add3A_990 = arith.addi %mul3A_57, %add3A_989 : i32
      %get3A_991 = arith.constant 0 : i32
      %get3A_992 = arith.index_cast %get3A_991 : i32 to index
      %get3A_993 = arith.index_cast %add3A_990 : i32 to index
      %get3A_994 = arith.constant 0 : index
      %get3A_995 = tpu.vector_load %arg8[%get3A_992, %get3A_993, %get3A_994] {strides = array<i32>} : memref<2x80x64xi32, #tpu.memory_space<vmem>>, vector<16xi32>,
      %add3A_996 = arith.constant 11 : i32
      %add3A_997 = arith.addi %mul3A_57, %add3A_996 : i32
      %get3A_998 = arith.constant 0 : i32
      %get3A_999 = arith.index_cast %get3A_998 : i32 to index
      %get3A_1000 = arith.index_cast %add3A_997 : i32 to index
      %get3A_1001 = arith.constant 0 : index
      %get3A_1002 = tpu.vector_load %arg9[%get3A_999, %get3A_1000, %get3A_1001] {strides = array<i32>} : memref<2x80x64xi32, #tpu.memory_space<vmem>>, vector<16xi32>,
      %bitcast3A_1003 = vector.bitcast %get3A_995 : vector<16xi32> to vector<32xbf16>
      %bitcast3A_1004 = vector.bitcast %get3A_1002 : vector<16xi32> to vector<32xbf16>
      %mul3A_1005 = arith.mulf %bitcast3A_1003, %bitcast3A_1004 : vector<32xbf16>
      %unpack3A_1006 = tpu.unpack_subelements %mul3A_1005, 0 {pack_format = #tpu.pack_format<interleaved>} : vector<32xbf16> -> vector<16xf32>
      %unpack3A_1007 = tpu.unpack_subelements %mul3A_1005, 1 {pack_format = #tpu.pack_format<interleaved>} : vector<32xbf16> -> vector<16xf32>
      %add3A_1008 = arith.addf %unpack3A_1006, %unpack3A_1007 : vector<16xf32>
      %add3A_1009 = arith.constant 11 : i32
      %add3A_1010 = arith.addi %mul3A_57, %add3A_1009 : i32
      %get3A_1011 = arith.constant 0 : i32
      %get3A_1012 = arith.index_cast %get3A_1011 : i32 to index
      %get3A_1013 = arith.index_cast %add3A_1010 : i32 to index
      %get3A_1014 = arith.constant 16 : index
      %get3A_1015 = tpu.vector_load %arg8[%get3A_1012, %get3A_1013, %get3A_1014] {strides = array<i32>} : memref<2x80x64xi32, #tpu.memory_space<vmem>>, vector<16xi32>,
      %add3A_1016 = arith.constant 11 : i32
      %add3A_1017 = arith.addi %mul3A_57, %add3A_1016 : i32
      %get3A_1018 = arith.constant 0 : i32
      %get3A_1019 = arith.index_cast %get3A_1018 : i32 to index
      %get3A_1020 = arith.index_cast %add3A_1017 : i32 to index
      %get3A_1021 = arith.constant 16 : index
      %get3A_1022 = tpu.vector_load %arg9[%get3A_1019, %get3A_1020, %get3A_1021] {strides = array<i32>} : memref<2x80x64xi32, #tpu.memory_space<vmem>>, vector<16xi32>,
      %bitcast3A_1023 = vector.bitcast %get3A_1015 : vector<16xi32> to vector<32xbf16>
      %bitcast3A_1024 = vector.bitcast %get3A_1022 : vector<16xi32> to vector<32xbf16>
      %mul3A_1025 = arith.mulf %bitcast3A_1023, %bitcast3A_1024 : vector<32xbf16>
      %unpack3A_1026 = tpu.unpack_subelements %mul3A_1025, 0 {pack_format = #tpu.pack_format<interleaved>} : vector<32xbf16> -> vector<16xf32>
      %unpack3A_1027 = tpu.unpack_subelements %mul3A_1025, 1 {pack_format = #tpu.pack_format<interleaved>} : vector<32xbf16> -> vector<16xf32>
      %add3A_1028 = arith.addf %unpack3A_1026, %unpack3A_1027 : vector<16xf32>
      %add3A_1029 = arith.constant 11 : i32
      %add3A_1030 = arith.addi %mul3A_57, %add3A_1029 : i32
      %get3A_1031 = arith.constant 0 : i32
      %get3A_1032 = arith.index_cast %get3A_1031 : i32 to index
      %get3A_1033 = arith.index_cast %add3A_1030 : i32 to index
      %get3A_1034 = arith.constant 32 : index
      %get3A_1035 = tpu.vector_load %arg8[%get3A_1032, %get3A_1033, %get3A_1034] {strides = array<i32>} : memref<2x80x64xi32, #tpu.memory_space<vmem>>, vector<16xi32>,
      %add3A_1036 = arith.constant 11 : i32
      %add3A_1037 = arith.addi %mul3A_57, %add3A_1036 : i32
      %get3A_1038 = arith.constant 0 : i32
      %get3A_1039 = arith.index_cast %get3A_1038 : i32 to index
      %get3A_1040 = arith.index_cast %add3A_1037 : i32 to index
      %get3A_1041 = arith.constant 32 : index
      %get3A_1042 = tpu.vector_load %arg9[%get3A_1039, %get3A_1040, %get3A_1041] {strides = array<i32>} : memref<2x80x64xi32, #tpu.memory_space<vmem>>, vector<16xi32>,
      %bitcast3A_1043 = vector.bitcast %get3A_1035 : vector<16xi32> to vector<32xbf16>
      %bitcast3A_1044 = vector.bitcast %get3A_1042 : vector<16xi32> to vector<32xbf16>
      %mul3A_1045 = arith.mulf %bitcast3A_1043, %bitcast3A_1044 : vector<32xbf16>
      %unpack3A_1046 = tpu.unpack_subelements %mul3A_1045, 0 {pack_format = #tpu.pack_format<interleaved>} : vector<32xbf16> -> vector<16xf32>
      %unpack3A_1047 = tpu.unpack_subelements %mul3A_1045, 1 {pack_format = #tpu.pack_format<interleaved>} : vector<32xbf16> -> vector<16xf32>
      %add3A_1048 = arith.addf %unpack3A_1046, %unpack3A_1047 : vector<16xf32>
      %add3A_1049 = arith.constant 11 : i32
      %add3A_1050 = arith.addi %mul3A_57, %add3A_1049 : i32
      %get3A_1051 = arith.constant 0 : i32
      %get3A_1052 = arith.index_cast %get3A_1051 : i32 to index
      %get3A_1053 = arith.index_cast %add3A_1050 : i32 to index
      %get3A_1054 = arith.constant 48 : index
      %get3A_1055 = tpu.vector_load %arg8[%get3A_1052, %get3A_1053, %get3A_1054] {strides = array<i32>} : memref<2x80x64xi32, #tpu.memory_space<vmem>>, vector<16xi32>,
      %add3A_1056 = arith.constant 11 : i32
      %add3A_1057 = arith.addi %mul3A_57, %add3A_1056 : i32
      %get3A_1058 = arith.constant 0 : i32
      %get3A_1059 = arith.index_cast %get3A_1058 : i32 to index
      %get3A_1060 = arith.index_cast %add3A_1057 : i32 to index
      %get3A_1061 = arith.constant 48 : index
      %get3A_1062 = tpu.vector_load %arg9[%get3A_1059, %get3A_1060, %get3A_1061] {strides = array<i32>} : memref<2x80x64xi32, #tpu.memory_space<vmem>>, vector<16xi32>,
      %bitcast3A_1063 = vector.bitcast %get3A_1055 : vector<16xi32> to vector<32xbf16>
      %bitcast3A_1064 = vector.bitcast %get3A_1062 : vector<16xi32> to vector<32xbf16>
      %mul3A_1065 = arith.mulf %bitcast3A_1063, %bitcast3A_1064 : vector<32xbf16>
      %unpack3A_1066 = tpu.unpack_subelements %mul3A_1065, 0 {pack_format = #tpu.pack_format<interleaved>} : vector<32xbf16> -> vector<16xf32>
      %unpack3A_1067 = tpu.unpack_subelements %mul3A_1065, 1 {pack_format = #tpu.pack_format<interleaved>} : vector<32xbf16> -> vector<16xf32>
      %add3A_1068 = arith.addf %unpack3A_1066, %unpack3A_1067 : vector<16xf32>
      %add3A_1069 = arith.addf %add3A_1008, %add3A_1028 : vector<16xf32>
      %add3A_1070 = arith.addf %add3A_1048, %add3A_1068 : vector<16xf32>
      %add3A_1071 = arith.addf %add3A_1069, %add3A_1070 : vector<16xf32>
      %swap3A_1072 = arith.constant 176 : index
      %swap3A_1073 = tpu.vector_load %arg10[%swap3A_1072] {strides = array<i32>} : memref<256xf32, #tpu.memory_space<vmem>>, vector<16xf32>,
      tpu.vector_store %arg10[%swap3A_1072], %add3A_1071 {strides = array<i32>} : memref<256xf32, #tpu.memory_space<vmem>>, vector<16xf32>,
      %add3A_1074 = arith.constant 12 : i32
      %add3A_1075 = arith.addi %mul3A_57, %add3A_1074 : i32
      %get3A_1076 = arith.constant 0 : i32
      %get3A_1077 = arith.index_cast %get3A_1076 : i32 to index
      %get3A_1078 = arith.index_cast %add3A_1075 : i32 to index
      %get3A_1079 = arith.constant 0 : index
      %get3A_1080 = tpu.vector_load %arg8[%get3A_1077, %get3A_1078, %get3A_1079] {strides = array<i32>} : memref<2x80x64xi32, #tpu.memory_space<vmem>>, vector<16xi32>,
      %add3A_1081 = arith.constant 12 : i32
      %add3A_1082 = arith.addi %mul3A_57, %add3A_1081 : i32
      %get3A_1083 = arith.constant 0 : i32
      %get3A_1084 = arith.index_cast %get3A_1083 : i32 to index
      %get3A_1085 = arith.index_cast %add3A_1082 : i32 to index
      %get3A_1086 = arith.constant 0 : index
      %get3A_1087 = tpu.vector_load %arg9[%get3A_1084, %get3A_1085, %get3A_1086] {strides = array<i32>} : memref<2x80x64xi32, #tpu.memory_space<vmem>>, vector<16xi32>,
      %bitcast3A_1088 = vector.bitcast %get3A_1080 : vector<16xi32> to vector<32xbf16>
      %bitcast3A_1089 = vector.bitcast %get3A_1087 : vector<16xi32> to vector<32xbf16>
      %mul3A_1090 = arith.mulf %bitcast3A_1088, %bitcast3A_1089 : vector<32xbf16>
      %unpack3A_1091 = tpu.unpack_subelements %mul3A_1090, 0 {pack_format = #tpu.pack_format<interleaved>} : vector<32xbf16> -> vector<16xf32>
      %unpack3A_1092 = tpu.unpack_subelements %mul3A_1090, 1 {pack_format = #tpu.pack_format<interleaved>} : vector<32xbf16> -> vector<16xf32>
      %add3A_1093 = arith.addf %unpack3A_1091, %unpack3A_1092 : vector<16xf32>
      %add3A_1094 = arith.constant 12 : i32
      %add3A_1095 = arith.addi %mul3A_57, %add3A_1094 : i32
      %get3A_1096 = arith.constant 0 : i32
      %get3A_1097 = arith.index_cast %get3A_1096 : i32 to index
      %get3A_1098 = arith.index_cast %add3A_1095 : i32 to index
      %get3A_1099 = arith.constant 16 : index
      %get3A_1100 = tpu.vector_load %arg8[%get3A_1097, %get3A_1098, %get3A_1099] {strides = array<i32>} : memref<2x80x64xi32, #tpu.memory_space<vmem>>, vector<16xi32>,
      %add3A_1101 = arith.constant 12 : i32
      %add3A_1102 = arith.addi %mul3A_57, %add3A_1101 : i32
      %get3A_1103 = arith.constant 0 : i32
      %get3A_1104 = arith.index_cast %get3A_1103 : i32 to index
      %get3A_1105 = arith.index_cast %add3A_1102 : i32 to index
      %get3A_1106 = arith.constant 16 : index
      %get3A_1107 = tpu.vector_load %arg9[%get3A_1104, %get3A_1105, %get3A_1106] {strides = array<i32>} : memref<2x80x64xi32, #tpu.memory_space<vmem>>, vector<16xi32>,
      %bitcast3A_1108 = vector.bitcast %get3A_1100 : vector<16xi32> to vector<32xbf16>
      %bitcast3A_1109 = vector.bitcast %get3A_1107 : vector<16xi32> to vector<32xbf16>
      %mul3A_1110 = arith.mulf %bitcast3A_1108, %bitcast3A_1109 : vector<32xbf16>
      %unpack3A_1111 = tpu.unpack_subelements %mul3A_1110, 0 {pack_format = #tpu.pack_format<interleaved>} : vector<32xbf16> -> vector<16xf32>
      %unpack3A_1112 = tpu.unpack_subelements %mul3A_1110, 1 {pack_format = #tpu.pack_format<interleaved>} : vector<32xbf16> -> vector<16xf32>
      %add3A_1113 = arith.addf %unpack3A_1111, %unpack3A_1112 : vector<16xf32>
      %add3A_1114 = arith.constant 12 : i32
      %add3A_1115 = arith.addi %mul3A_57, %add3A_1114 : i32
      %get3A_1116 = arith.constant 0 : i32
      %get3A_1117 = arith.index_cast %get3A_1116 : i32 to index
      %get3A_1118 = arith.index_cast %add3A_1115 : i32 to index
      %get3A_1119 = arith.constant 32 : index
      %get3A_1120 = tpu.vector_load %arg8[%get3A_1117, %get3A_1118, %get3A_1119] {strides = array<i32>} : memref<2x80x64xi32, #tpu.memory_space<vmem>>, vector<16xi32>,
      %add3A_1121 = arith.constant 12 : i32
      %add3A_1122 = arith.addi %mul3A_57, %add3A_1121 : i32
      %get3A_1123 = arith.constant 0 : i32
      %get3A_1124 = arith.index_cast %get3A_1123 : i32 to index
      %get3A_1125 = arith.index_cast %add3A_1122 : i32 to index
      %get3A_1126 = arith.constant 32 : index
      %get3A_1127 = tpu.vector_load %arg9[%get3A_1124, %get3A_1125, %get3A_1126] {strides = array<i32>} : memref<2x80x64xi32, #tpu.memory_space<vmem>>, vector<16xi32>,
      %bitcast3A_1128 = vector.bitcast %get3A_1120 : vector<16xi32> to vector<32xbf16>
      %bitcast3A_1129 = vector.bitcast %get3A_1127 : vector<16xi32> to vector<32xbf16>
      %mul3A_1130 = arith.mulf %bitcast3A_1128, %bitcast3A_1129 : vector<32xbf16>
      %unpack3A_1131 = tpu.unpack_subelements %mul3A_1130, 0 {pack_format = #tpu.pack_format<interleaved>} : vector<32xbf16> -> vector<16xf32>
      %unpack3A_1132 = tpu.unpack_subelements %mul3A_1130, 1 {pack_format = #tpu.pack_format<interleaved>} : vector<32xbf16> -> vector<16xf32>
      %add3A_1133 = arith.addf %unpack3A_1131, %unpack3A_1132 : vector<16xf32>
      %add3A_1134 = arith.constant 12 : i32
      %add3A_1135 = arith.addi %mul3A_57, %add3A_1134 : i32
      %get3A_1136 = arith.constant 0 : i32
      %get3A_1137 = arith.index_cast %get3A_1136 : i32 to index
      %get3A_1138 = arith.index_cast %add3A_1135 : i32 to index
      %get3A_1139 = arith.constant 48 : index
      %get3A_1140 = tpu.vector_load %arg8[%get3A_1137, %get3A_1138, %get3A_1139] {strides = array<i32>} : memref<2x80x64xi32, #tpu.memory_space<vmem>>, vector<16xi32>,
      %add3A_1141 = arith.constant 12 : i32
      %add3A_1142 = arith.addi %mul3A_57, %add3A_1141 : i32
      %get3A_1143 = arith.constant 0 : i32
      %get3A_1144 = arith.index_cast %get3A_1143 : i32 to index
      %get3A_1145 = arith.index_cast %add3A_1142 : i32 to index
      %get3A_1146 = arith.constant 48 : index
      %get3A_1147 = tpu.vector_load %arg9[%get3A_1144, %get3A_1145, %get3A_1146] {strides = array<i32>} : memref<2x80x64xi32, #tpu.memory_space<vmem>>, vector<16xi32>,
      %bitcast3A_1148 = vector.bitcast %get3A_1140 : vector<16xi32> to vector<32xbf16>
      %bitcast3A_1149 = vector.bitcast %get3A_1147 : vector<16xi32> to vector<32xbf16>
      %mul3A_1150 = arith.mulf %bitcast3A_1148, %bitcast3A_1149 : vector<32xbf16>
      %unpack3A_1151 = tpu.unpack_subelements %mul3A_1150, 0 {pack_format = #tpu.pack_format<interleaved>} : vector<32xbf16> -> vector<16xf32>
      %unpack3A_1152 = tpu.unpack_subelements %mul3A_1150, 1 {pack_format = #tpu.pack_format<interleaved>} : vector<32xbf16> -> vector<16xf32>
      %add3A_1153 = arith.addf %unpack3A_1151, %unpack3A_1152 : vector<16xf32>
      %add3A_1154 = arith.addf %add3A_1093, %add3A_1113 : vector<16xf32>
      %add3A_1155 = arith.addf %add3A_1133, %add3A_1153 : vector<16xf32>
      %add3A_1156 = arith.addf %add3A_1154, %add3A_1155 : vector<16xf32>
      %swap3A_1157 = arith.constant 192 : index
      %swap3A_1158 = tpu.vector_load %arg10[%swap3A_1157] {strides = array<i32>} : memref<256xf32, #tpu.memory_space<vmem>>, vector<16xf32>,
      tpu.vector_store %arg10[%swap3A_1157], %add3A_1156 {strides = array<i32>} : memref<256xf32, #tpu.memory_space<vmem>>, vector<16xf32>,
      %add3A_1159 = arith.constant 13 : i32
      %add3A_1160 = arith.addi %mul3A_57, %add3A_1159 : i32
      %get3A_1161 = arith.constant 0 : i32
      %get3A_1162 = arith.index_cast %get3A_1161 : i32 to index
      %get3A_1163 = arith.index_cast %add3A_1160 : i32 to index
      %get3A_1164 = arith.constant 0 : index
      %get3A_1165 = tpu.vector_load %arg8[%get3A_1162, %get3A_1163, %get3A_1164] {strides = array<i32>} : memref<2x80x64xi32, #tpu.memory_space<vmem>>, vector<16xi32>,
      %add3A_1166 = arith.constant 13 : i32
      %add3A_1167 = arith.addi %mul3A_57, %add3A_1166 : i32
      %get3A_1168 = arith.constant 0 : i32
      %get3A_1169 = arith.index_cast %get3A_1168 : i32 to index
      %get3A_1170 = arith.index_cast %add3A_1167 : i32 to index
      %get3A_1171 = arith.constant 0 : index
      %get3A_1172 = tpu.vector_load %arg9[%get3A_1169, %get3A_1170, %get3A_1171] {strides = array<i32>} : memref<2x80x64xi32, #tpu.memory_space<vmem>>, vector<16xi32>,
      %bitcast3A_1173 = vector.bitcast %get3A_1165 : vector<16xi32> to vector<32xbf16>
      %bitcast3A_1174 = vector.bitcast %get3A_1172 : vector<16xi32> to vector<32xbf16>
      %mul3A_1175 = arith.mulf %bitcast3A_1173, %bitcast3A_1174 : vector<32xbf16>
      %unpack3A_1176 = tpu.unpack_subelements %mul3A_1175, 0 {pack_format = #tpu.pack_format<interleaved>} : vector<32xbf16> -> vector<16xf32>
      %unpack3A_1177 = tpu.unpack_subelements %mul3A_1175, 1 {pack_format = #tpu.pack_format<interleaved>} : vector<32xbf16> -> vector<16xf32>
      %add3A_1178 = arith.addf %unpack3A_1176, %unpack3A_1177 : vector<16xf32>
      %add3A_1179 = arith.constant 13 : i32
      %add3A_1180 = arith.addi %mul3A_57, %add3A_1179 : i32
      %get3A_1181 = arith.constant 0 : i32
      %get3A_1182 = arith.index_cast %get3A_1181 : i32 to index
      %get3A_1183 = arith.index_cast %add3A_1180 : i32 to index
      %get3A_1184 = arith.constant 16 : index
      %get3A_1185 = tpu.vector_load %arg8[%get3A_1182, %get3A_1183, %get3A_1184] {strides = array<i32>} : memref<2x80x64xi32, #tpu.memory_space<vmem>>, vector<16xi32>,
      %add3A_1186 = arith.constant 13 : i32
      %add3A_1187 = arith.addi %mul3A_57, %add3A_1186 : i32
      %get3A_1188 = arith.constant 0 : i32
      %get3A_1189 = arith.index_cast %get3A_1188 : i32 to index
      %get3A_1190 = arith.index_cast %add3A_1187 : i32 to index
      %get3A_1191 = arith.constant 16 : index
      %get3A_1192 = tpu.vector_load %arg9[%get3A_1189, %get3A_1190, %get3A_1191] {strides = array<i32>} : memref<2x80x64xi32, #tpu.memory_space<vmem>>, vector<16xi32>,
      %bitcast3A_1193 = vector.bitcast %get3A_1185 : vector<16xi32> to vector<32xbf16>
      %bitcast3A_1194 = vector.bitcast %get3A_1192 : vector<16xi32> to vector<32xbf16>
      %mul3A_1195 = arith.mulf %bitcast3A_1193, %bitcast3A_1194 : vector<32xbf16>
      %unpack3A_1196 = tpu.unpack_subelements %mul3A_1195, 0 {pack_format = #tpu.pack_format<interleaved>} : vector<32xbf16> -> vector<16xf32>
      %unpack3A_1197 = tpu.unpack_subelements %mul3A_1195, 1 {pack_format = #tpu.pack_format<interleaved>} : vector<32xbf16> -> vector<16xf32>
      %add3A_1198 = arith.addf %unpack3A_1196, %unpack3A_1197 : vector<16xf32>
      %add3A_1199 = arith.constant 13 : i32
      %add3A_1200 = arith.addi %mul3A_57, %add3A_1199 : i32
      %get3A_1201 = arith.constant 0 : i32
      %get3A_1202 = arith.index_cast %get3A_1201 : i32 to index
      %get3A_1203 = arith.index_cast %add3A_1200 : i32 to index
      %get3A_1204 = arith.constant 32 : index
      %get3A_1205 = tpu.vector_load %arg8[%get3A_1202, %get3A_1203, %get3A_1204] {strides = array<i32>} : memref<2x80x64xi32, #tpu.memory_space<vmem>>, vector<16xi32>,
      %add3A_1206 = arith.constant 13 : i32
      %add3A_1207 = arith.addi %mul3A_57, %add3A_1206 : i32
      %get3A_1208 = arith.constant 0 : i32
      %get3A_1209 = arith.index_cast %get3A_1208 : i32 to index
      %get3A_1210 = arith.index_cast %add3A_1207 : i32 to index
      %get3A_1211 = arith.constant 32 : index
      %get3A_1212 = tpu.vector_load %arg9[%get3A_1209, %get3A_1210, %get3A_1211] {strides = array<i32>} : memref<2x80x64xi32, #tpu.memory_space<vmem>>, vector<16xi32>,
      %bitcast3A_1213 = vector.bitcast %get3A_1205 : vector<16xi32> to vector<32xbf16>
      %bitcast3A_1214 = vector.bitcast %get3A_1212 : vector<16xi32> to vector<32xbf16>
      %mul3A_1215 = arith.mulf %bitcast3A_1213, %bitcast3A_1214 : vector<32xbf16>
      %unpack3A_1216 = tpu.unpack_subelements %mul3A_1215, 0 {pack_format = #tpu.pack_format<interleaved>} : vector<32xbf16> -> vector<16xf32>
      %unpack3A_1217 = tpu.unpack_subelements %mul3A_1215, 1 {pack_format = #tpu.pack_format<interleaved>} : vector<32xbf16> -> vector<16xf32>
      %add3A_1218 = arith.addf %unpack3A_1216, %unpack3A_1217 : vector<16xf32>
      %add3A_1219 = arith.constant 13 : i32
      %add3A_1220 = arith.addi %mul3A_57, %add3A_1219 : i32
      %get3A_1221 = arith.constant 0 : i32
      %get3A_1222 = arith.index_cast %get3A_1221 : i32 to index
      %get3A_1223 = arith.index_cast %add3A_1220 : i32 to index
      %get3A_1224 = arith.constant 48 : index
      %get3A_1225 = tpu.vector_load %arg8[%get3A_1222, %get3A_1223, %get3A_1224] {strides = array<i32>} : memref<2x80x64xi32, #tpu.memory_space<vmem>>, vector<16xi32>,
      %add3A_1226 = arith.constant 13 : i32
      %add3A_1227 = arith.addi %mul3A_57, %add3A_1226 : i32
      %get3A_1228 = arith.constant 0 : i32
      %get3A_1229 = arith.index_cast %get3A_1228 : i32 to index
      %get3A_1230 = arith.index_cast %add3A_1227 : i32 to index
      %get3A_1231 = arith.constant 48 : index
      %get3A_1232 = tpu.vector_load %arg9[%get3A_1229, %get3A_1230, %get3A_1231] {strides = array<i32>} : memref<2x80x64xi32, #tpu.memory_space<vmem>>, vector<16xi32>,
      %bitcast3A_1233 = vector.bitcast %get3A_1225 : vector<16xi32> to vector<32xbf16>
      %bitcast3A_1234 = vector.bitcast %get3A_1232 : vector<16xi32> to vector<32xbf16>
      %mul3A_1235 = arith.mulf %bitcast3A_1233, %bitcast3A_1234 : vector<32xbf16>
      %unpack3A_1236 = tpu.unpack_subelements %mul3A_1235, 0 {pack_format = #tpu.pack_format<interleaved>} : vector<32xbf16> -> vector<16xf32>
      %unpack3A_1237 = tpu.unpack_subelements %mul3A_1235, 1 {pack_format = #tpu.pack_format<interleaved>} : vector<32xbf16> -> vector<16xf32>
      %add3A_1238 = arith.addf %unpack3A_1236, %unpack3A_1237 : vector<16xf32>
      %add3A_1239 = arith.addf %add3A_1178, %add3A_1198 : vector<16xf32>
      %add3A_1240 = arith.addf %add3A_1218, %add3A_1238 : vector<16xf32>
      %add3A_1241 = arith.addf %add3A_1239, %add3A_1240 : vector<16xf32>
      %swap3A_1242 = arith.constant 208 : index
      %swap3A_1243 = tpu.vector_load %arg10[%swap3A_1242] {strides = array<i32>} : memref<256xf32, #tpu.memory_space<vmem>>, vector<16xf32>,
      tpu.vector_store %arg10[%swap3A_1242], %add3A_1241 {strides = array<i32>} : memref<256xf32, #tpu.memory_space<vmem>>, vector<16xf32>,
      %add3A_1244 = arith.constant 14 : i32
      %add3A_1245 = arith.addi %mul3A_57, %add3A_1244 : i32
      %get3A_1246 = arith.constant 0 : i32
      %get3A_1247 = arith.index_cast %get3A_1246 : i32 to index
      %get3A_1248 = arith.index_cast %add3A_1245 : i32 to index
      %get3A_1249 = arith.constant 0 : index
      %get3A_1250 = tpu.vector_load %arg8[%get3A_1247, %get3A_1248, %get3A_1249] {strides = array<i32>} : memref<2x80x64xi32, #tpu.memory_space<vmem>>, vector<16xi32>,
      %add3A_1251 = arith.constant 14 : i32
      %add3A_1252 = arith.addi %mul3A_57, %add3A_1251 : i32
      %get3A_1253 = arith.constant 0 : i32
      %get3A_1254 = arith.index_cast %get3A_1253 : i32 to index
      %get3A_1255 = arith.index_cast %add3A_1252 : i32 to index
      %get3A_1256 = arith.constant 0 : index
      %get3A_1257 = tpu.vector_load %arg9[%get3A_1254, %get3A_1255, %get3A_1256] {strides = array<i32>} : memref<2x80x64xi32, #tpu.memory_space<vmem>>, vector<16xi32>,
      %bitcast3A_1258 = vector.bitcast %get3A_1250 : vector<16xi32> to vector<32xbf16>
      %bitcast3A_1259 = vector.bitcast %get3A_1257 : vector<16xi32> to vector<32xbf16>
      %mul3A_1260 = arith.mulf %bitcast3A_1258, %bitcast3A_1259 : vector<32xbf16>
      %unpack3A_1261 = tpu.unpack_subelements %mul3A_1260, 0 {pack_format = #tpu.pack_format<interleaved>} : vector<32xbf16> -> vector<16xf32>
      %unpack3A_1262 = tpu.unpack_subelements %mul3A_1260, 1 {pack_format = #tpu.pack_format<interleaved>} : vector<32xbf16> -> vector<16xf32>
      %add3A_1263 = arith.addf %unpack3A_1261, %unpack3A_1262 : vector<16xf32>
      %add3A_1264 = arith.constant 14 : i32
      %add3A_1265 = arith.addi %mul3A_57, %add3A_1264 : i32
      %get3A_1266 = arith.constant 0 : i32
      %get3A_1267 = arith.index_cast %get3A_1266 : i32 to index
      %get3A_1268 = arith.index_cast %add3A_1265 : i32 to index
      %get3A_1269 = arith.constant 16 : index
      %get3A_1270 = tpu.vector_load %arg8[%get3A_1267, %get3A_1268, %get3A_1269] {strides = array<i32>} : memref<2x80x64xi32, #tpu.memory_space<vmem>>, vector<16xi32>,
      %add3A_1271 = arith.constant 14 : i32
      %add3A_1272 = arith.addi %mul3A_57, %add3A_1271 : i32
      %get3A_1273 = arith.constant 0 : i32
      %get3A_1274 = arith.index_cast %get3A_1273 : i32 to index
      %get3A_1275 = arith.index_cast %add3A_1272 : i32 to index
      %get3A_1276 = arith.constant 16 : index
      %get3A_1277 = tpu.vector_load %arg9[%get3A_1274, %get3A_1275, %get3A_1276] {strides = array<i32>} : memref<2x80x64xi32, #tpu.memory_space<vmem>>, vector<16xi32>,
      %bitcast3A_1278 = vector.bitcast %get3A_1270 : vector<16xi32> to vector<32xbf16>
      %bitcast3A_1279 = vector.bitcast %get3A_1277 : vector<16xi32> to vector<32xbf16>
      %mul3A_1280 = arith.mulf %bitcast3A_1278, %bitcast3A_1279 : vector<32xbf16>
      %unpack3A_1281 = tpu.unpack_subelements %mul3A_1280, 0 {pack_format = #tpu.pack_format<interleaved>} : vector<32xbf16> -> vector<16xf32>
      %unpack3A_1282 = tpu.unpack_subelements %mul3A_1280, 1 {pack_format = #tpu.pack_format<interleaved>} : vector<32xbf16> -> vector<16xf32>
      %add3A_1283 = arith.addf %unpack3A_1281, %unpack3A_1282 : vector<16xf32>
      %add3A_1284 = arith.constant 14 : i32
      %add3A_1285 = arith.addi %mul3A_57, %add3A_1284 : i32
      %get3A_1286 = arith.constant 0 : i32
      %get3A_1287 = arith.index_cast %get3A_1286 : i32 to index
      %get3A_1288 = arith.index_cast %add3A_1285 : i32 to index
      %get3A_1289 = arith.constant 32 : index
      %get3A_1290 = tpu.vector_load %arg8[%get3A_1287, %get3A_1288, %get3A_1289] {strides = array<i32>} : memref<2x80x64xi32, #tpu.memory_space<vmem>>, vector<16xi32>,
      %add3A_1291 = arith.constant 14 : i32
      %add3A_1292 = arith.addi %mul3A_57, %add3A_1291 : i32
      %get3A_1293 = arith.constant 0 : i32
      %get3A_1294 = arith.index_cast %get3A_1293 : i32 to index
      %get3A_1295 = arith.index_cast %add3A_1292 : i32 to index
      %get3A_1296 = arith.constant 32 : index
      %get3A_1297 = tpu.vector_load %arg9[%get3A_1294, %get3A_1295, %get3A_1296] {strides = array<i32>} : memref<2x80x64xi32, #tpu.memory_space<vmem>>, vector<16xi32>,
      %bitcast3A_1298 = vector.bitcast %get3A_1290 : vector<16xi32> to vector<32xbf16>
      %bitcast3A_1299 = vector.bitcast %get3A_1297 : vector<16xi32> to vector<32xbf16>
      %mul3A_1300 = arith.mulf %bitcast3A_1298, %bitcast3A_1299 : vector<32xbf16>
      %unpack3A_1301 = tpu.unpack_subelements %mul3A_1300, 0 {pack_format = #tpu.pack_format<interleaved>} : vector<32xbf16> -> vector<16xf32>
      %unpack3A_1302 = tpu.unpack_subelements %mul3A_1300, 1 {pack_format = #tpu.pack_format<interleaved>} : vector<32xbf16> -> vector<16xf32>
      %add3A_1303 = arith.addf %unpack3A_1301, %unpack3A_1302 : vector<16xf32>
      %add3A_1304 = arith.constant 14 : i32
      %add3A_1305 = arith.addi %mul3A_57, %add3A_1304 : i32
      %get3A_1306 = arith.constant 0 : i32
      %get3A_1307 = arith.index_cast %get3A_1306 : i32 to index
      %get3A_1308 = arith.index_cast %add3A_1305 : i32 to index
      %get3A_1309 = arith.constant 48 : index
      %get3A_1310 = tpu.vector_load %arg8[%get3A_1307, %get3A_1308, %get3A_1309] {strides = array<i32>} : memref<2x80x64xi32, #tpu.memory_space<vmem>>, vector<16xi32>,
      %add3A_1311 = arith.constant 14 : i32
      %add3A_1312 = arith.addi %mul3A_57, %add3A_1311 : i32
      %get3A_1313 = arith.constant 0 : i32
      %get3A_1314 = arith.index_cast %get3A_1313 : i32 to index
      %get3A_1315 = arith.index_cast %add3A_1312 : i32 to index
      %get3A_1316 = arith.constant 48 : index
      %get3A_1317 = tpu.vector_load %arg9[%get3A_1314, %get3A_1315, %get3A_1316] {strides = array<i32>} : memref<2x80x64xi32, #tpu.memory_space<vmem>>, vector<16xi32>,
      %bitcast3A_1318 = vector.bitcast %get3A_1310 : vector<16xi32> to vector<32xbf16>
      %bitcast3A_1319 = vector.bitcast %get3A_1317 : vector<16xi32> to vector<32xbf16>
      %mul3A_1320 = arith.mulf %bitcast3A_1318, %bitcast3A_1319 : vector<32xbf16>
      %unpack3A_1321 = tpu.unpack_subelements %mul3A_1320, 0 {pack_format = #tpu.pack_format<interleaved>} : vector<32xbf16> -> vector<16xf32>
      %unpack3A_1322 = tpu.unpack_subelements %mul3A_1320, 1 {pack_format = #tpu.pack_format<interleaved>} : vector<32xbf16> -> vector<16xf32>
      %add3A_1323 = arith.addf %unpack3A_1321, %unpack3A_1322 : vector<16xf32>
      %add3A_1324 = arith.addf %add3A_1263, %add3A_1283 : vector<16xf32>
      %add3A_1325 = arith.addf %add3A_1303, %add3A_1323 : vector<16xf32>
      %add3A_1326 = arith.addf %add3A_1324, %add3A_1325 : vector<16xf32>
      %swap3A_1327 = arith.constant 224 : index
      %swap3A_1328 = tpu.vector_load %arg10[%swap3A_1327] {strides = array<i32>} : memref<256xf32, #tpu.memory_space<vmem>>, vector<16xf32>,
      tpu.vector_store %arg10[%swap3A_1327], %add3A_1326 {strides = array<i32>} : memref<256xf32, #tpu.memory_space<vmem>>, vector<16xf32>,
      %add3A_1329 = arith.constant 15 : i32
      %add3A_1330 = arith.addi %mul3A_57, %add3A_1329 : i32
      %get3A_1331 = arith.constant 0 : i32
      %get3A_1332 = arith.index_cast %get3A_1331 : i32 to index
      %get3A_1333 = arith.index_cast %add3A_1330 : i32 to index
      %get3A_1334 = arith.constant 0 : index
      %get3A_1335 = tpu.vector_load %arg8[%get3A_1332, %get3A_1333, %get3A_1334] {strides = array<i32>} : memref<2x80x64xi32, #tpu.memory_space<vmem>>, vector<16xi32>,
      %add3A_1336 = arith.constant 15 : i32
      %add3A_1337 = arith.addi %mul3A_57, %add3A_1336 : i32
      %get3A_1338 = arith.constant 0 : i32
      %get3A_1339 = arith.index_cast %get3A_1338 : i32 to index
      %get3A_1340 = arith.index_cast %add3A_1337 : i32 to index
      %get3A_1341 = arith.constant 0 : index
      %get3A_1342 = tpu.vector_load %arg9[%get3A_1339, %get3A_1340, %get3A_1341] {strides = array<i32>} : memref<2x80x64xi32, #tpu.memory_space<vmem>>, vector<16xi32>,
      %bitcast3A_1343 = vector.bitcast %get3A_1335 : vector<16xi32> to vector<32xbf16>
      %bitcast3A_1344 = vector.bitcast %get3A_1342 : vector<16xi32> to vector<32xbf16>
      %mul3A_1345 = arith.mulf %bitcast3A_1343, %bitcast3A_1344 : vector<32xbf16>
      %unpack3A_1346 = tpu.unpack_subelements %mul3A_1345, 0 {pack_format = #tpu.pack_format<interleaved>} : vector<32xbf16> -> vector<16xf32>
      %unpack3A_1347 = tpu.unpack_subelements %mul3A_1345, 1 {pack_format = #tpu.pack_format<interleaved>} : vector<32xbf16> -> vector<16xf32>
      %add3A_1348 = arith.addf %unpack3A_1346, %unpack3A_1347 : vector<16xf32>
      %add3A_1349 = arith.constant 15 : i32
      %add3A_1350 = arith.addi %mul3A_57, %add3A_1349 : i32
      %get3A_1351 = arith.constant 0 : i32
      %get3A_1352 = arith.index_cast %get3A_1351 : i32 to index
      %get3A_1353 = arith.index_cast %add3A_1350 : i32 to index
      %get3A_1354 = arith.constant 16 : index
      %get3A_1355 = tpu.vector_load %arg8[%get3A_1352, %get3A_1353, %get3A_1354] {strides = array<i32>} : memref<2x80x64xi32, #tpu.memory_space<vmem>>, vector<16xi32>,
      %add3A_1356 = arith.constant 15 : i32
      %add3A_1357 = arith.addi %mul3A_57, %add3A_1356 : i32
      %get3A_1358 = arith.constant 0 : i32
      %get3A_1359 = arith.index_cast %get3A_1358 : i32 to index
      %get3A_1360 = arith.index_cast %add3A_1357 : i32 to index
      %get3A_1361 = arith.constant 16 : index
      %get3A_1362 = tpu.vector_load %arg9[%get3A_1359, %get3A_1360, %get3A_1361] {strides = array<i32>} : memref<2x80x64xi32, #tpu.memory_space<vmem>>, vector<16xi32>,
      %bitcast3A_1363 = vector.bitcast %get3A_1355 : vector<16xi32> to vector<32xbf16>
      %bitcast3A_1364 = vector.bitcast %get3A_1362 : vector<16xi32> to vector<32xbf16>
      %mul3A_1365 = arith.mulf %bitcast3A_1363, %bitcast3A_1364 : vector<32xbf16>
      %unpack3A_1366 = tpu.unpack_subelements %mul3A_1365, 0 {pack_format = #tpu.pack_format<interleaved>} : vector<32xbf16> -> vector<16xf32>
      %unpack3A_1367 = tpu.unpack_subelements %mul3A_1365, 1 {pack_format = #tpu.pack_format<interleaved>} : vector<32xbf16> -> vector<16xf32>
      %add3A_1368 = arith.addf %unpack3A_1366, %unpack3A_1367 : vector<16xf32>
      %add3A_1369 = arith.constant 15 : i32
      %add3A_1370 = arith.addi %mul3A_57, %add3A_1369 : i32
      %get3A_1371 = arith.constant 0 : i32
      %get3A_1372 = arith.index_cast %get3A_1371 : i32 to index
      %get3A_1373 = arith.index_cast %add3A_1370 : i32 to index
      %get3A_1374 = arith.constant 32 : index
      %get3A_1375 = tpu.vector_load %arg8[%get3A_1372, %get3A_1373, %get3A_1374] {strides = array<i32>} : memref<2x80x64xi32, #tpu.memory_space<vmem>>, vector<16xi32>,
      %add3A_1376 = arith.constant 15 : i32
      %add3A_1377 = arith.addi %mul3A_57, %add3A_1376 : i32
      %get3A_1378 = arith.constant 0 : i32
      %get3A_1379 = arith.index_cast %get3A_1378 : i32 to index
      %get3A_1380 = arith.index_cast %add3A_1377 : i32 to index
      %get3A_1381 = arith.constant 32 : index
      %get3A_1382 = tpu.vector_load %arg9[%get3A_1379, %get3A_1380, %get3A_1381] {strides = array<i32>} : memref<2x80x64xi32, #tpu.memory_space<vmem>>, vector<16xi32>,
      %bitcast3A_1383 = vector.bitcast %get3A_1375 : vector<16xi32> to vector<32xbf16>
      %bitcast3A_1384 = vector.bitcast %get3A_1382 : vector<16xi32> to vector<32xbf16>
      %mul3A_1385 = arith.mulf %bitcast3A_1383, %bitcast3A_1384 : vector<32xbf16>
      %unpack3A_1386 = tpu.unpack_subelements %mul3A_1385, 0 {pack_format = #tpu.pack_format<interleaved>} : vector<32xbf16> -> vector<16xf32>
      %unpack3A_1387 = tpu.unpack_subelements %mul3A_1385, 1 {pack_format = #tpu.pack_format<interleaved>} : vector<32xbf16> -> vector<16xf32>
      %add3A_1388 = arith.addf %unpack3A_1386, %unpack3A_1387 : vector<16xf32>
      %add3A_1389 = arith.constant 15 : i32
      %add3A_1390 = arith.addi %mul3A_57, %add3A_1389 : i32
      %get3A_1391 = arith.constant 0 : i32
      %get3A_1392 = arith.index_cast %get3A_1391 : i32 to index
      %get3A_1393 = arith.index_cast %add3A_1390 : i32 to index
      %get3A_1394 = arith.constant 48 : index
      %get3A_1395 = tpu.vector_load %arg8[%get3A_1392, %get3A_1393, %get3A_1394] {strides = array<i32>} : memref<2x80x64xi32, #tpu.memory_space<vmem>>, vector<16xi32>,
      %add3A_1396 = arith.constant 15 : i32
      %add3A_1397 = arith.addi %mul3A_57, %add3A_1396 : i32
      %get3A_1398 = arith.constant 0 : i32
      %get3A_1399 = arith.index_cast %get3A_1398 : i32 to index
      %get3A_1400 = arith.index_cast %add3A_1397 : i32 to index
      %get3A_1401 = arith.constant 48 : index
      %get3A_1402 = tpu.vector_load %arg9[%get3A_1399, %get3A_1400, %get3A_1401] {strides = array<i32>} : memref<2x80x64xi32, #tpu.memory_space<vmem>>, vector<16xi32>,
      %bitcast3A_1403 = vector.bitcast %get3A_1395 : vector<16xi32> to vector<32xbf16>
      %bitcast3A_1404 = vector.bitcast %get3A_1402 : vector<16xi32> to vector<32xbf16>
      %mul3A_1405 = arith.mulf %bitcast3A_1403, %bitcast3A_1404 : vector<32xbf16>
      %unpack3A_1406 = tpu.unpack_subelements %mul3A_1405, 0 {pack_format = #tpu.pack_format<interleaved>} : vector<32xbf16> -> vector<16xf32>
      %unpack3A_1407 = tpu.unpack_subelements %mul3A_1405, 1 {pack_format = #tpu.pack_format<interleaved>} : vector<32xbf16> -> vector<16xf32>
      %add3A_1408 = arith.addf %unpack3A_1406, %unpack3A_1407 : vector<16xf32>
      %add3A_1409 = arith.addf %add3A_1348, %add3A_1368 : vector<16xf32>
      %add3A_1410 = arith.addf %add3A_1388, %add3A_1408 : vector<16xf32>
      %add3A_1411 = arith.addf %add3A_1409, %add3A_1410 : vector<16xf32>
      %swap3A_1412 = arith.constant 240 : index
      %swap3A_1413 = tpu.vector_load %arg10[%swap3A_1412] {strides = array<i32>} : memref<256xf32, #tpu.memory_space<vmem>>, vector<16xf32>,
      tpu.vector_store %arg10[%swap3A_1412], %add3A_1411 {strides = array<i32>} : memref<256xf32, #tpu.memory_space<vmem>>, vector<16xf32>,
      %broadcast_in_dim3A = arith.constant 0.000000e+00 : f32
      %broadcast_in_dim3A_1414 = vector.broadcast %broadcast_in_dim3A : f32 to vector<16xf32>
      %add3A_1415 = arith.constant 0 : i32
      %add3A_1416 = vector.broadcast %add3A_1415 : i32 to vector<16xi32>
      %add3A_1417 = arith.addi %mul3A_5, %add3A_1416 : vector<16xi32>
      %gather3A = tpu.vector_load_idx %arg10[%add3A_1417] : memref<256xf32, #tpu.memory_space<vmem>>[vector<16xi32>], vector<16xf32>,
      %add3A_1418 = arith.addf %broadcast_in_dim3A_1414, %gather3A : vector<16xf32>
      %add3A_1419 = arith.constant 1 : i32
      %add3A_1420 = vector.broadcast %add3A_1419 : i32 to vector<16xi32>
      %add3A_1421 = arith.addi %mul3A_5, %add3A_1420 : vector<16xi32>
      %gather3A_1422 = tpu.vector_load_idx %arg10[%add3A_1421] : memref<256xf32, #tpu.memory_space<vmem>>[vector<16xi32>], vector<16xf32>,
      %add3A_1423 = arith.addf %add3A_1418, %gather3A_1422 : vector<16xf32>
      %add3A_1424 = arith.constant 2 : i32
      %add3A_1425 = vector.broadcast %add3A_1424 : i32 to vector<16xi32>
      %add3A_1426 = arith.addi %mul3A_5, %add3A_1425 : vector<16xi32>
      %gather3A_1427 = tpu.vector_load_idx %arg10[%add3A_1426] : memref<256xf32, #tpu.memory_space<vmem>>[vector<16xi32>], vector<16xf32>,
      %add3A_1428 = arith.addf %add3A_1423, %gather3A_1427 : vector<16xf32>
      %add3A_1429 = arith.constant 3 : i32
      %add3A_1430 = vector.broadcast %add3A_1429 : i32 to vector<16xi32>
      %add3A_1431 = arith.addi %mul3A_5, %add3A_1430 : vector<16xi32>
      %gather3A_1432 = tpu.vector_load_idx %arg10[%add3A_1431] : memref<256xf32, #tpu.memory_space<vmem>>[vector<16xi32>], vector<16xf32>,
      %add3A_1433 = arith.addf %add3A_1428, %gather3A_1432 : vector<16xf32>
      %add3A_1434 = arith.constant 4 : i32
      %add3A_1435 = vector.broadcast %add3A_1434 : i32 to vector<16xi32>
      %add3A_1436 = arith.addi %mul3A_5, %add3A_1435 : vector<16xi32>
      %gather3A_1437 = tpu.vector_load_idx %arg10[%add3A_1436] : memref<256xf32, #tpu.memory_space<vmem>>[vector<16xi32>], vector<16xf32>,
      %add3A_1438 = arith.addf %add3A_1433, %gather3A_1437 : vector<16xf32>
      %add3A_1439 = arith.constant 5 : i32
      %add3A_1440 = vector.broadcast %add3A_1439 : i32 to vector<16xi32>
      %add3A_1441 = arith.addi %mul3A_5, %add3A_1440 : vector<16xi32>
      %gather3A_1442 = tpu.vector_load_idx %arg10[%add3A_1441] : memref<256xf32, #tpu.memory_space<vmem>>[vector<16xi32>], vector<16xf32>,
      %add3A_1443 = arith.addf %add3A_1438, %gather3A_1442 : vector<16xf32>
      %add3A_1444 = arith.constant 6 : i32
      %add3A_1445 = vector.broadcast %add3A_1444 : i32 to vector<16xi32>
      %add3A_1446 = arith.addi %mul3A_5, %add3A_1445 : vector<16xi32>
      %gather3A_1447 = tpu.vector_load_idx %arg10[%add3A_1446] : memref<256xf32, #tpu.memory_space<vmem>>[vector<16xi32>], vector<16xf32>,
      %add3A_1448 = arith.addf %add3A_1443, %gather3A_1447 : vector<16xf32>
      %add3A_1449 = arith.constant 7 : i32
      %add3A_1450 = vector.broadcast %add3A_1449 : i32 to vector<16xi32>
      %add3A_1451 = arith.addi %mul3A_5, %add3A_1450 : vector<16xi32>
      %gather3A_1452 = tpu.vector_load_idx %arg10[%add3A_1451] : memref<256xf32, #tpu.memory_space<vmem>>[vector<16xi32>], vector<16xf32>,
      %add3A_1453 = arith.addf %add3A_1448, %gather3A_1452 : vector<16xf32>
      %add3A_1454 = arith.constant 8 : i32
      %add3A_1455 = vector.broadcast %add3A_1454 : i32 to vector<16xi32>
      %add3A_1456 = arith.addi %mul3A_5, %add3A_1455 : vector<16xi32>
      %gather3A_1457 = tpu.vector_load_idx %arg10[%add3A_1456] : memref<256xf32, #tpu.memory_space<vmem>>[vector<16xi32>], vector<16xf32>,
      %add3A_1458 = arith.addf %add3A_1453, %gather3A_1457 : vector<16xf32>
      %add3A_1459 = arith.constant 9 : i32
      %add3A_1460 = vector.broadcast %add3A_1459 : i32 to vector<16xi32>
      %add3A_1461 = arith.addi %mul3A_5, %add3A_1460 : vector<16xi32>
      %gather3A_1462 = tpu.vector_load_idx %arg10[%add3A_1461] : memref<256xf32, #tpu.memory_space<vmem>>[vector<16xi32>], vector<16xf32>,
      %add3A_1463 = arith.addf %add3A_1458, %gather3A_1462 : vector<16xf32>
      %add3A_1464 = arith.constant 10 : i32
      %add3A_1465 = vector.broadcast %add3A_1464 : i32 to vector<16xi32>
      %add3A_1466 = arith.addi %mul3A_5, %add3A_1465 : vector<16xi32>
      %gather3A_1467 = tpu.vector_load_idx %arg10[%add3A_1466] : memref<256xf32, #tpu.memory_space<vmem>>[vector<16xi32>], vector<16xf32>,
      %add3A_1468 = arith.addf %add3A_1463, %gather3A_1467 : vector<16xf32>
      %add3A_1469 = arith.constant 11 : i32
      %add3A_1470 = vector.broadcast %add3A_1469 : i32 to vector<16xi32>
      %add3A_1471 = arith.addi %mul3A_5, %add3A_1470 : vector<16xi32>
      %gather3A_1472 = tpu.vector_load_idx %arg10[%add3A_1471] : memref<256xf32, #tpu.memory_space<vmem>>[vector<16xi32>], vector<16xf32>,
      %add3A_1473 = arith.addf %add3A_1468, %gather3A_1472 : vector<16xf32>
      %add3A_1474 = arith.constant 12 : i32
      %add3A_1475 = vector.broadcast %add3A_1474 : i32 to vector<16xi32>
      %add3A_1476 = arith.addi %mul3A_5, %add3A_1475 : vector<16xi32>
      %gather3A_1477 = tpu.vector_load_idx %arg10[%add3A_1476] : memref<256xf32, #tpu.memory_space<vmem>>[vector<16xi32>], vector<16xf32>,
      %add3A_1478 = arith.addf %add3A_1473, %gather3A_1477 : vector<16xf32>
      %add3A_1479 = arith.constant 13 : i32
      %add3A_1480 = vector.broadcast %add3A_1479 : i32 to vector<16xi32>
      %add3A_1481 = arith.addi %mul3A_5, %add3A_1480 : vector<16xi32>
      %gather3A_1482 = tpu.vector_load_idx %arg10[%add3A_1481] : memref<256xf32, #tpu.memory_space<vmem>>[vector<16xi32>], vector<16xf32>,
      %add3A_1483 = arith.addf %add3A_1478, %gather3A_1482 : vector<16xf32>
      %add3A_1484 = arith.constant 14 : i32
      %add3A_1485 = vector.broadcast %add3A_1484 : i32 to vector<16xi32>
      %add3A_1486 = arith.addi %mul3A_5, %add3A_1485 : vector<16xi32>
      %gather3A_1487 = tpu.vector_load_idx %arg10[%add3A_1486] : memref<256xf32, #tpu.memory_space<vmem>>[vector<16xi32>], vector<16xf32>,
      %add3A_1488 = arith.addf %add3A_1483, %gather3A_1487 : vector<16xf32>
      %add3A_1489 = arith.constant 15 : i32
      %add3A_1490 = vector.broadcast %add3A_1489 : i32 to vector<16xi32>
      %add3A_1491 = arith.addi %mul3A_5, %add3A_1490 : vector<16xi32>
      %gather3A_1492 = tpu.vector_load_idx %arg10[%add3A_1491] : memref<256xf32, #tpu.memory_space<vmem>>[vector<16xi32>], vector<16xf32>,
      %add3A_1493 = arith.addf %add3A_1488, %gather3A_1492 : vector<16xf32>
      %add3A_1494 = arith.constant 9920 : i32
      %add3A_1495 = arith.addi %add3A_1494, %mul3A_57 : i32
      %swap3A_1496 = arith.index_cast %add3A_1495 : i32 to index
      %swap3A_1497 = tpu.vector_load %arg11[%swap3A_1496] {strides = array<i32>} : memref<10000xf32, #tpu.memory_space<vmem>>, vector<16xf32>,
      tpu.vector_store %arg11[%swap3A_1496], %add3A_1493 {strides = array<i32>} : memref<10000xf32, #tpu.memory_space<vmem>>, vector<16xf32>,
    }
    %scan3A_54 = arith.constant 5 : i32
    "tpu.region"() ({
      %run_scoped3A = tpu.sem_alloc : memref<!tpu.dma_semaphore, #tpu.memory_space<semaphore_mem>>
      %dma_start3A_55 = tpu.memref_slice %arg5[%mul3A_2] : memref<320000xf32, #tpu.memory_space<hbm>> -> memref<10000xf32, #tpu.memory_space<hbm>>
      %dma_start3A_56 = tpu.memref_slice %arg5[%mul3A_2] : memref<320000xf32, #tpu.memory_space<hbm>> -> memref<10000xf32, #tpu.memory_space<hbm>>
      tpu.enqueue_dma source(%arg11 : memref<10000xf32, #tpu.memory_space<vmem>>) target(%dma_start3A_56 : memref<10000xf32, #tpu.memory_space<hbm>>) target_semaphore(%run_scoped3A : memref<!tpu.dma_semaphore, #tpu.memory_space<semaphore_mem>>)
      %dma_wait3A_57 = tpu.memref_slice %arg5[%mul3A_2] : memref<320000xf32, #tpu.memory_space<hbm>> -> memref<10000xf32, #tpu.memory_space<hbm>>
      %dma_wait3A_58 = tpu.memref_slice %arg5[%mul3A_2] : memref<320000xf32, #tpu.memory_space<hbm>> -> memref<10000xf32, #tpu.memory_space<hbm>>
      tpu.wait_dma2 semaphore(%run_scoped3A : memref<!tpu.dma_semaphore, #tpu.memory_space<semaphore_mem>>) src(%arg11 : memref<10000xf32, #tpu.memory_space<vmem>>) dst(%dma_wait3A_58 : memref<10000xf32, #tpu.memory_space<hbm>>)
      tpu.yield
    }) : () -> ()
    return
  }
}

</mosaic_0001>

<sc_bundles>
// kernel: kernel.3.cloned.1.call-start
scs
__scs_entry_jumppad:
0x0: {  	(pc) =	sbr.rel $0x88, $3  }
0x1: {  	(tag) =	ssettag $0x0;
	lr =	simm.s32 $0x1  }
0x2: {  	[smem:$0x3F9E] =	sst lr;
	_ =	strace $0xD0000000  }
0x3: {  	_ = 	snop  }
0x4: {  	_ = 	snop  }
0x5: {  	_ = 	snop  }
0x6: {  	_ = 	snop  }
0x7: {  	_ = 	snop  }
__scs_overlays_trampoline_lowered:
0x8: {  	[smem:$0x3FAD] =	sst s0  }
0x9: {  	[smem:$0x3FAE] =	sst s1  }
0xa: {  	[smem:$0x3FAF] =	sst s2  }
0xb: {  	[smem:$0x3FB0] =	sst s3  }
0xc: {  	[smem:$0x3FB1] =	sst s4  }
0xd: {  	[smem:$0x3FB2] =	sst s5  }
0xe: {  	[smem:$0x3FB3] =	sst s6  }
0xf: {  	[smem:$0x3FB4] =	sst s7  }
0x10: {  	[smem:$0x3FB5] =	sst s8  }
0x11: {  	[smem:$0x3FB6] =	sst s9;
	s0 =	simm.s32 @!p0 $0x0  }
0x12: {  	s1 =	sld [smem:$0x3F9C];
	s0 =	simm.s32 @p0 $0x1  }
0x13: {  	[smem:$0x3FB7] =	sst s0;
	s0 =	simm.s32 @!p1 $0x0  }
0x14: {  	s2 =	sld [smem:$0x3F9B];
	s0 =	simm.s32 @p1 $0x1  }
0x15: {  	[smem:$0x3FB8] =	sst s0;
	s0 =	simm.s32 @!p2 $0x0  }
0x16: {  	s3 =	sld [smem:$0x3FDB];
	s0 =	simm.s32 @p2 $0x1  }
0x17: {  	s4 =	simm.s32 $0x1BF5;
	[smem:$0x3FBA] =	sst s0  }
0x18: {  	s0 =	sld [smem:$0x3F9D];
	_ =	swait.ge [sflag:s4], $0x0  }
0x19: {  	s7 =	sld [smem:$0x3F9E]  }
0x1a: {  	s8 =	sadd.s32 $0xFFFFE003, lr  }
0x1b: {  	s9 =	sadd.s32 $0xFFFFFEF7, lr;
	s5 =	simm.s32 $0xFFFFFFFF;
	p2 =	slt.u32 s8, $0xFFFFF086  }
0x1c: {  	p1 =	slt.u32 s9, $0xF7A;
	s5 =	simm.s32 @!p2 $0x0  }
0x1d: {  	s5 =	simm.s32 @p1 $0x1;
	p0 =	seq.s32 s7, s2  }
0x1e: {  	s7 =	smul.u32 @!p0 $0xF7A, s2;
	p2 =	seq.s32 @!p0 s5, $0x0  }
0x1f: {  	s9 =	smul.u32 $0xF7A, s1;
	s8 =	simm.s32 @!p0 $0x1BF5;
	p2 =	por !p2, p0  }
0x20: {  	[sflag:s8] =	ssyncset.s32 @!p0 $0xFFFFF086;
	s6 =	sadd.s32 @!p0 s3, s7;
	s7 =	simm.s32 @!p0 $0x108  }
0x21: {  	s3 =	sadd.s32 s3, s9;
	s6 =	sadd.s32 @!p0 $0x88, s6;
	s7 =	simm.s32 @p2 $0x1082  }
0x22: {  	[simem:s7], [sflag:s8] =	dma.local @!p0 [hbm:s6], $0xF7A  }
0x23: {  	s9 =	sor.u32 $0xD0000000, s2;
	s6 =	simm.s32 $0x108;
	_ =	swait.ge @!p0 [sflag:s8], $0x0  }
0x24: {  	s3 =	sadd.s32 $0x88, s3;
	s6 =	simm.s32 @!p1 $0x1082;
	[sflag:s4] =	ssyncset.s32 $0xFFFFF086  }
0x25: {  	[simem:s6], [sflag:s4] =	dma.local [hbm:s3], $0xF7A  }
0x26: {  	[smem:$0x3F9E] =	sst s1;
	(tag) =	ssettag s2;
	_ =	strace s9  }
0x27: {  	s1 =	sld [smem:$0x3FAE]  }
0x28: {  	s2 =	sld [smem:$0x3FAF]  }
0x29: {  	s4 =	sld [smem:$0x3FB1]  }
0x2a: {  	p0 =	seq.s32 s5, $0x0;
	s5 =	sld [smem:$0x3FB2]  }
0x2b: {  	s6 =	sld [smem:$0x3FB3]  }
0x2c: {  	s7 =	sld [smem:$0x3FB4]  }
0x2d: {  	s3 =	simm.s32 $0x108;
	s8 =	sld [smem:$0x3FB5]  }
0x2e: {  	s3 =	simm.s32 @!p0 $0x1082;
	s9 =	sld [smem:$0x3FB6]  }
0x2f: {  	lr =	sadd.s32 s0, s3;
	s0 =	sld [smem:$0x3FAD]  }
0x30: {  	s3 =	sld [smem:$0x3FB0]  }
0x31: {  	[smem:$0x3FB9] =	sst s10  }
0x32: {  	s10 =	sld [smem:$0x3FB7];
	_ =	sdelay $0x3  }
0x33: {  	p0 =	seq.s32 s10, $0x1;
	s10 =	sld [smem:$0x3FB9];
	_ =	sdelay $0x3  }
0x34: {  	[smem:$0x3FB9] =	sst s10  }
0x35: {  	s10 =	sld [smem:$0x3FB8];
	_ =	sdelay $0x3  }
0x36: {  	p1 =	seq.s32 s10, $0x1;
	s10 =	sld [smem:$0x3FB9];
	_ =	sdelay $0x3  }
0x37: {  	[smem:$0x3FB9] =	sst s10  }
0x38: {  	s10 =	sld [smem:$0x3FBA]  }
0x39: {  	_ = 	snop;
	(pc) =	sbr.ind lr, $3  }
0x3a: {  	_ = 	snop  }
0x3b: {  	_ = 	snop  }
0x3c: {  	p2 =	seq.s32 s10, $0x1;
	s10 =	sld [smem:$0x3FB9]  }
0x3d: {  	_ =	shalt  }
0x3e: {  	_ =	shalt  }
0x3f: {  	_ =	shalt  }
0x40: {  	_ =	shalt  }
0x41: {  	_ =	shalt  }
0x42: {  	_ =	shalt  }
0x43: {  	_ =	shalt  }
0x44: {  	_ =	shalt  }
0x45: {  	_ =	shalt  }
0x46: {  	_ =	shalt  }
0x47: {  	_ =	shalt  }
0x48: {  	_ =	shalt  }
0x49: {  	_ =	shalt  }
0x4a: {  	_ =	shalt  }
0x4b: {  	_ =	shalt  }
0x4c: {  	_ =	shalt  }
0x4d: {  	_ =	shalt  }
0x4e: {  	_ =	shalt  }
0x4f: {  	_ =	shalt  }
0x50: {  	_ =	shalt  }
0x51: {  	_ =	shalt  }
0x52: {  	_ =	shalt  }
0x53: {  	_ =	shalt  }
0x54: {  	_ =	shalt  }
0x55: {  	_ =	shalt  }
0x56: {  	_ =	shalt  }
0x57: {  	_ =	shalt  }
0x58: {  	_ =	shalt  }
0x59: {  	_ =	shalt  }
0x5a: {  	_ =	shalt  }
0x5b: {  	_ =	shalt  }
0x5c: {  	_ =	shalt  }
0x5d: {  	_ =	shalt  }
0x5e: {  	_ =	shalt  }
0x5f: {  	_ =	shalt  }
0x60: {  	_ =	shalt  }
0x61: {  	_ =	shalt  }
0x62: {  	_ =	shalt  }
0x63: {  	_ =	shalt  }
0x64: {  	_ =	shalt  }
0x65: {  	_ =	shalt  }
0x66: {  	_ =	shalt  }
0x67: {  	_ =	shalt  }
0x68: {  	_ =	shalt  }
0x69: {  	_ =	shalt  }
0x6a: {  	_ =	shalt  }
0x6b: {  	_ =	shalt  }
0x6c: {  	_ =	shalt  }
0x6d: {  	_ =	shalt  }
0x6e: {  	_ =	shalt  }
0x6f: {  	_ =	shalt  }
0x70: {  	_ =	shalt  }
0x71: {  	_ =	shalt  }
0x72: {  	_ =	shalt  }
0x73: {  	_ =	shalt  }
0x74: {  	_ =	shalt  }
0x75: {  	_ =	shalt  }
0x76: {  	_ =	shalt  }
0x77: {  	_ =	shalt  }
0x78: {  	_ =	shalt  }
0x79: {  	_ =	shalt  }
0x7a: {  	_ =	shalt  }
0x7b: {  	_ =	shalt  }
0x7c: {  	_ =	shalt  }
0x7d: {  	_ =	shalt  }
0x7e: {  	_ =	shalt  }
0x7f: {  	_ =	shalt  }
0x80: {  	_ =	shalt  }
0x81: {  	_ =	shalt  }
0x82: {  	_ =	shalt  }
0x83: {  	_ =	shalt  }
0x84: {  	_ =	shalt  }
0x85: {  	_ =	shalt  }
0x86: {  	_ =	shalt  }
0x87: {  	_ =	shalt  }
.Lfunc_end0:
.L_simem_size_0:
called_computation_lowered:
.L_overlay_start_0:
0x88: {  	s2 =	sld [smem:$0x3FD9]  }
0x89: {  	s3 =	sld [smem:$0x3FFE];
	_ =	sdelay $0x1  }
0x8a: {  	s1 =	srdreg.scid  }
0x8b: {  	s0 =	sand.u32 $0x1, s1  }
0x8c: {  	s17 =	sshll.u32 s0, $0xA;
	s2 =	sadd.s32 s3, s2  }
0x8d: {  	s2 =	sadd.s32 s2, s17  }
0x8e: {  	[smem:$0x3FC5] =	sst s2  }
0x8f: {  	_ = 	snop  }
0x90: {  	s2 =	sld [smem:$0x3FC8]  }
0x91: {  	s18 =	sld [smem:$0x3FC7]  }
0x92: {  	s4 =	sld [smem:$0x3FD0];
	(tm) =	ssettm $0x1  }
0x93: {  	s5 =	sld [smem:$0x3FFB];
	_ =	sdelay $0x3  }
0x94: {  	_ =	strace s5  }
0x95: {  	s5 =	sld [smem:$0x3FFC];
	_ =	sdelay $0x3  }
0x96: {  	_ =	strace s5  }
0x97: {  	s5 =	sld [smem:$0x3FFD];
	_ =	sdelay $0x3  }
0x98: {  	_ =	strace s5  }
0x99: {  	_ =	strace $0x8FFFFFFF  }
0x9a: {  	s19 =	sld [smem:$0x3FDB];
	_ =	sdelay $0x1  }
0x9b: {  	s6 =	simm.s32 $_scs_section_size  }
0x9c: {  	s7 =	simm.s32 $_size__tile_overlayer_lowered;
	s8 =	simm.s32 $_tile_overlayer_lowered  }
0x9d: {  	s22 =	simm.s32 $0x1BFF;
	s21 =	sshll.u32 s8, $0x1;
	s5 =	sadd.s32 s6, s19  }
0x9e: {  	s9 =	simm.s32 $0x0;
	s20 =	sshll.u32 s7, $0x1;
	s7 =	sadd.s32 s21, s5  }
0x9f: {  	[timem:s9], [sflag:s22] =	dma.local [hbm:s7], s20  }
0xa0: {  	_ =	swait.ge [sflag:s22], s20  }
0xa1: {  	s6 =	ssub.s32 $0x0, s20;
	[sflag:s22] =	ssyncset.done $0x0  }
0xa2: {  	[sflag:s22] =	ssyncadd.s32 s6;
	_ =	sdelay $0x1  }
0xa3: {  	s23 =	simm.s32 $0x1B8B  }
0xa4: {  	_ =	swait.ge [sflag:s23], $0x1  }
0xa5: {  	[sflag:s23] =	ssyncset.done $0x0  }
0xa6: {  	s25 =	simm.s32 $0x1B8E;
	s24 =	sld [smem:$0x3FFE];
	[sflag:s23] =	ssyncadd.s32 $0xFFFFFFFF  }
0xa7: {  	s26 =	simm.s32 $execute0_lowered;
	[smem:$0x3FD2] =	sst s25  }
0xa8: {  	s7 =	sshll.u32 s26, $0x1;
	_ =	strace $0x80000046;
	[dreg:$0x1] =	wrdreg $0xFFFFFFFF  }
0xa9: {  	s28 =	simm.s32 $_size_execute0_lowered;
	s5 =	sadd.s32 s5, s7;
	[dreg:$0x0] =	wrdreg $0x0  }
0xaa: {  	s7 =	sshll.u32 s28, $0x1;
	[dreg:$0x2] =	wrdreg s5  }
0xab: {  	[dreg:$0x3] =	wrdreg s7  }
0xac: {  	[dreg:$0x4] =	wrdreg $0xC0  }
0xad: {  	_ =	task [dreg:s9], $0x5FFFF  }
0xae: {  	[dreg:$0x1] =	wrdreg $0xFFFFFFFF  }
0xaf: {  	[dreg:$0x0] =	wrdreg $0x60  }
0xb0: {  	[dreg:$0x2] =	wrdreg s24  }
0xb1: {  	[dreg:$0x3] =	wrdreg s2  }
0xb2: {  	[dreg:$0x4] =	wrdreg s18  }
0xb3: {  	[dreg:$0x5] =	wrdreg s4  }
0xb4: {  	[dreg:$0x6] =	wrdreg $0x9  }
0xb5: {  	_ =	task.clear_ibuf [dreg:s9], $0x7FFFF;
	_ =	strace $0x90000046  }
0xb6: {  	s29 =	simm.s32 $0x9;
	_ =	strace $0x80000048  }
0xb7: {  	_ =	swait.ge [sflag:s29], $0x1  }
0xb8: {  	[sflag:s29] =	ssyncadd.s32 $0xFFFFFFFF  }
0xb9: {  	_ =	strace $0x90000048  }
0xba: {  	_ =	sfence  }
0xbb: {  	s30 =	sld [smem:$0x0];
	_ =	sdelay $0x2  }
0xbc: {  	s31 =	sshll.u32 s1, $0xD;
	s1 =	sshrl.u32 s1, $0x2  }
0xbd: {  	s3 =	sand.u32 $0x4000, s31;
	s1 =	sadd.s32 s1, s30  }
0xbe: {  	s0 =	sor.u32 s3, s0;
	s1 =	sshll.u32 s1, $0x11  }
0xbf: {  	s0 =	sor.u32 s1, s0  }
0xc0: {  	s0 =	sadd.s32 $0x8F2B, s0  }
0xc1: {  	[sflag:s0] =	ssyncadd.remote.s32 $0x1  }
0xc2: {  	_ =	sfence.sel $0xFFFF  }
0xc3: {  	[dreg:$0x0] =	wrdreg $0xFFFFFFFF;
	(pc) =	sbr.abs _section_cstart, $3  }
0xc4: {  	[dreg:$0x1] =	wrdreg $0xFFFFFFFF  }
0xc5: {  	_ =	task.clear_ibuf [dreg:s9], $0x2FFFF;
	_ =	strace $0x9FFFFFFF  }
0xc6: {  	(tm) =	ssettm $0x7FFFFFFF  }
0xc7: {  	_ =	shalt  }
tec
execute0_lowered:
.L_overlay_start_1:
0x0: {  	(tag) =	ssettag $0x1  }
0x1: {  	s1 =	rddreg [dreg:$0x0]  }
0x2: {  	s4 =	rddreg [dreg:$0x1]  }
0x3: {  	s5 =	rddreg [dreg:$0x2]  }
0x4: {  	s6 =	rddreg [dreg:$0x3];
	s3 =	srdreg.scid  }
0x5: {  	s2 =	stileid.u32;
	s0 =	rddreg [dreg:$0x4];
	s10 =	simm.s32 $0x50  }
0x6: {  	s11 =	simm.s32 $0x4E20;
	s12 =	simm.s32 $0x7620;
	s13 =	simm.s32 $0x6220  }
0x7: {  	v0 =	vlaneseq.u32;
	s14 =	simm.s32 $0x8A20;
	s15 =	simm.s32 $0x1;
	s16 =	simm.s32 $0x3  }
0x8: {  	s17 =	simm.s32 $0x9E20;
	s18 =	simm.s32 $0x2;
	s19 =	simm.s32 $0x4;
	v0 =	vmul.u32 $0x10, v0  }
0x9: {  	s20 =	simm.s32 $0x9F20;
	s7 =	sand.u32 $0x1, s3;
	s8 =	sshll.u32 s2, $0x1  }
0xa: {  	s3 =	simm.s32 $0x0;
	s9 =	ssub.s32 $0x2, s7;
	s7 =	sor.u32 s7, s8;
	v1 =	vor.u32 $0x1, v0;
	v2 =	vor.u32 $0x2, v0;
	v3 =	vor.u32 $0x3, v0  }
0xb: {  	[smem:$0x7FF] =	sst s3;
	s31 =	sshrl.u32 s9, $0x1;
	s7 =	smul.u32 $0x4E2, s7;
	v4 =	vor.u32 $0x4, v0;
	v5 =	vor.u32 $0x5, v0;
	v6 =	vor.u32 $0x6, v0  }
0xc: {  	s21 =	simm.s32 $0x0;
	_ =	strace $0x80000047;
	v7 =	vor.u32 $0x7, v0;
	v8 =	vor.u32 $0x8, v0;
	v9 =	vor.u32 $0x9, v0;
	s8 =	ssub.s32 s9, s31  }
0xd: {  	v10 =	vor.u32 $0xA, v0;
	v11 =	vor.u32 $0xB, v0;
	v12 =	vor.u32 $0xC, v0;
	s9 =	simm.s32 $0x2710;
	s4 =	sadd.s32 s4, s7;
	s5 =	sadd.s32 s5, s7  }
0xe: {  	v13 =	vor.u32 $0xD, v0;
	v14 =	vor.u32 $0xE, v0;
	v15 =	vor.u32 $0xF, v0;
	s6 =	sadd.s32 s6, s7;
	s7 =	smax.u32 s8, $0x1;
	s8 =	simm.s32 $0x5  }
.LBB2_1:
0xf: {  	[tilespmem:s3], [sflag:$0x5] =	stream.linear.gather [hbm4b:s4+s3], $0x2710, $0x38;
	[tilespmem:$0xC630] =	vst v63  }
0x10: {  	_ =	swait.ge [sflag:s8], $0x2710  }
0x11: {  	[sflag:s8] =	ssyncset.done $0x0  }
0x12: {  	[sflag:s8] =	ssyncadd.s32 $0xFFFFD8F0  }
0x13: {  	[tilespmem:s9], [sflag:$0x5] =	stream.linear.gather [hbm4b:s5+s3], $0x2710, $0x38;
	[tilespmem:$0xC630] =	vst v63  }
0x14: {  	_ =	swait.ge [sflag:s8], $0x2710  }
0x15: {  	[sflag:s8] =	ssyncset.done $0x0  }
0x16: {  	[sflag:s8] =	ssyncadd.s32 $0xFFFFD8F0  }
0x17: {  	[tilespmem:s11], [sflag:$0x1] =	stream.indirect.gather [hbm4b:s1+s10], $0x40, s3, s10, $0xb8;
	[tilespmem:$0xC630] =	vst v63  }
0x18: {  	s22 =	simm.s32 $0x9F70;
	s23 =	simm.s32 $0x9F20;
	s24 =	simm.s32 $0x0  }
0x19: {  	[tilespmem:s12], [sflag:$0x3] =	stream.indirect.gather [hbm4b:s1+s10], $0x40, s9, s10, $0xb8;
	[tilespmem:$0xC630] =	vst v63  }
.LBB2_2:
0x1a: {  	s25 =	smul.u32 $0xA0, s24;
	_ =	sdelay $0x1  }
0x1b: {  	s26 =	sadd.s32 $0x50, s25  }
0x1c: {  	[tilespmem:s13], [sflag:$0x2] =	stream.indirect.gather [hbm4b:s1+s10], $0x40, s26, s10, $0xb8;
	[tilespmem:$0xC630] =	vst v63  }
0x1d: {  	s31 =	sadd.s32 $0x2760, s25  }
0x1e: {  	[tilespmem:s14], [sflag:$0x4] =	stream.indirect.gather [hbm4b:s1+s10], $0x40, s31, s10, $0xb8;
	[tilespmem:$0xC630] =	vst v63  }
0x1f: {  	_ =	swait.ge [sflag:s15], $0x1400  }
0x20: {  	[sflag:s15] =	ssyncset.done $0x0  }
0x21: {  	[sflag:s15] =	ssyncadd.s32 $0xFFFFEC00  }
0x22: {  	_ =	swait.ge [sflag:s16], $0x1400  }
0x23: {  	[sflag:s16] =	ssyncset.done $0x0  }
0x24: {  	s28 =	smov.u32 s23;
	s26 =	simm.s32 $0xFC0;
	[sflag:s16] =	ssyncadd.s32 $0xFFFFEC00  }
.LBB2_3:
0x25: {  	s29 =	sshra.s32 s26, $0x2  }
0x26: {  	v16 =	vld [tilespmem:s29+$0x4A30]  }
0x27: {  	v17 =	vld [tilespmem:s29+$0x7230]  }
0x28: {  	v18 =	vld [tilespmem:s29+$0x4A40]  }
0x29: {  	v19 =	vld [tilespmem:s29+$0x7240]  }
0x2a: {  	v20 =	vld [tilespmem:s29+$0x4A50]  }
0x2b: {  	v21 =	vld [tilespmem:s29+$0x7250]  }
0x2c: {  	v22 =	vld [tilespmem:s29+$0x4A60]  }
0x2d: {  	v23 =	vld [tilespmem:s29+$0x7260];
	_ =	sdelay $0x2  }
0x2e: {  	v16 =	vmul.bf16 v17, v16  }
0x2f: {  	v17 =	vmul.bf16 v19, v18  }
0x30: {  	v53 =	vmul.bf16 v21, v20;
	v55 =	vmul.bf16 v23, v22;
	v52 =	vunpack.i.u.bf16.f32 v16  }
0x31: {  	v16 =	vunpack.i.l.bf16.f32 v16;
	v54 =	vunpack.i.u.bf16.f32 v17;
	v17 =	vunpack.i.l.bf16.f32 v17  }
0x32: {  	v56 =	vunpack.i.u.bf16.f32 v53;
	v19 =	vunpack.i.l.bf16.f32 v53;
	v57 =	vunpack.i.u.bf16.f32 v55  }
0x33: {  	v21 =	vunpack.i.l.bf16.f32 v55;
	v16 =	vadd.f32 v16, v52;
	v17 =	vadd.f32 v17, v54  }
0x34: {  	v18 =	vadd.f32 v19, v56;
	v58 =	vadd.f32 v21, v57;
	_ =	sdelay $0x1  }
0x35: {  	v16 =	vadd.f32 v17, v16;
	v17 =	vadd.f32 v58, v18;
	_ =	sdelay $0x1  }
0x36: {  	v16 =	vadd.f32 v17, v16;
	_ =	sdelay $0x1  }
0x37: {  	[tilespmem:$0x9E20] =	vst v16  }
0x38: {  	v16 =	vld [tilespmem:s29+$0x4A70]  }
0x39: {  	v17 =	vld [tilespmem:s29+$0x7270]  }
0x3a: {  	v59 =	vld [tilespmem:s29+$0x4A80]  }
0x3b: {  	v60 =	vld [tilespmem:s29+$0x7280]  }
0x3c: {  	v61 =	vld [tilespmem:s29+$0x4A90]  }
0x3d: {  	v62 =	vld [tilespmem:s29+$0x7290]  }
0x3e: {  	v63 =	vld [tilespmem:s29+$0x4AA0]  }
0x3f: {  	v24 =	vld [tilespmem:s29+$0x72A0];
	_ =	sdelay $0x2  }
0x40: {  	v16 =	vmul.bf16 v17, v16  }
0x41: {  	v17 =	vmul.bf16 v60, v59  }
0x42: {  	v26 =	vmul.bf16 v62, v61;
	v28 =	vmul.bf16 v24, v63;
	v25 =	vunpack.i.u.bf16.f32 v16  }
0x43: {  	v16 =	vunpack.i.l.bf16.f32 v16;
	v27 =	vunpack.i.u.bf16.f32 v17;
	v17 =	vunpack.i.l.bf16.f32 v17  }
0x44: {  	v29 =	vunpack.i.u.bf16.f32 v26;
	v19 =	vunpack.i.l.bf16.f32 v26;
	v30 =	vunpack.i.u.bf16.f32 v28  }
0x45: {  	v21 =	vunpack.i.l.bf16.f32 v28;
	v16 =	vadd.f32 v16, v25;
	v17 =	vadd.f32 v17, v27  }
0x46: {  	v18 =	vadd.f32 v19, v29;
	v31 =	vadd.f32 v21, v30;
	_ =	sdelay $0x1  }
0x47: {  	v16 =	vadd.f32 v17, v16;
	v17 =	vadd.f32 v31, v18;
	_ =	sdelay $0x1  }
0x48: {  	v16 =	vadd.f32 v17, v16;
	_ =	sdelay $0x1  }
0x49: {  	[tilespmem:$0x9E30] =	vst v16  }
0x4a: {  	v16 =	vld [tilespmem:s29+$0x4AB0]  }
0x4b: {  	v17 =	vld [tilespmem:s29+$0x72B0]  }
0x4c: {  	v32 =	vld [tilespmem:s29+$0x4AC0]  }
0x4d: {  	v33 =	vld [tilespmem:s29+$0x72C0]  }
0x4e: {  	v34 =	vld [tilespmem:s29+$0x4AD0]  }
0x4f: {  	v35 =	vld [tilespmem:s29+$0x72D0]  }
0x50: {  	v36 =	vld [tilespmem:s29+$0x4AE0]  }
0x51: {  	v37 =	vld [tilespmem:s29+$0x72E0];
	_ =	sdelay $0x2  }
0x52: {  	v16 =	vmul.bf16 v17, v16  }
0x53: {  	v17 =	vmul.bf16 v33, v32  }
0x54: {  	v39 =	vmul.bf16 v35, v34;
	v41 =	vmul.bf16 v37, v36;
	v38 =	vunpack.i.u.bf16.f32 v16  }
0x55: {  	v16 =	vunpack.i.l.bf16.f32 v16;
	v40 =	vunpack.i.u.bf16.f32 v17;
	v17 =	vunpack.i.l.bf16.f32 v17  }
0x56: {  	v42 =	vunpack.i.u.bf16.f32 v39;
	v19 =	vunpack.i.l.bf16.f32 v39;
	v43 =	vunpack.i.u.bf16.f32 v41  }
0x57: {  	v21 =	vunpack.i.l.bf16.f32 v41;
	v16 =	vadd.f32 v16, v38;
	v17 =	vadd.f32 v17, v40  }
0x58: {  	v18 =	vadd.f32 v19, v42;
	v44 =	vadd.f32 v21, v43;
	_ =	sdelay $0x1  }
0x59: {  	v16 =	vadd.f32 v17, v16;
	v17 =	vadd.f32 v44, v18;
	_ =	sdelay $0x1  }
0x5a: {  	v16 =	vadd.f32 v17, v16;
	_ =	sdelay $0x1  }
0x5b: {  	[tilespmem:$0x9E40] =	vst v16  }
0x5c: {  	v16 =	vld [tilespmem:s29+$0x4AF0]  }
0x5d: {  	v17 =	vld [tilespmem:s29+$0x72F0]  }
0x5e: {  	v45 =	vld [tilespmem:s29+$0x4B00]  }
0x5f: {  	v46 =	vld [tilespmem:s29+$0x7300]  }
0x60: {  	v47 =	vld [tilespmem:s29+$0x4B10]  }
0x61: {  	v48 =	vld [tilespmem:s29+$0x7310]  }
0x62: {  	v49 =	vld [tilespmem:s29+$0x4B20]  }
0x63: {  	v50 =	vld [tilespmem:s29+$0x7320];
	_ =	sdelay $0x2  }
0x64: {  	v16 =	vmul.bf16 v17, v16  }
0x65: {  	v17 =	vmul.bf16 v46, v45  }
0x66: {  	v52 =	vmul.bf16 v48, v47;
	v54 =	vmul.bf16 v50, v49;
	v51 =	vunpack.i.u.bf16.f32 v16  }
0x67: {  	v16 =	vunpack.i.l.bf16.f32 v16;
	v53 =	vunpack.i.u.bf16.f32 v17;
	v17 =	vunpack.i.l.bf16.f32 v17  }
0x68: {  	v55 =	vunpack.i.u.bf16.f32 v52;
	v19 =	vunpack.i.l.bf16.f32 v52;
	v56 =	vunpack.i.u.bf16.f32 v54  }
0x69: {  	v21 =	vunpack.i.l.bf16.f32 v54;
	v16 =	vadd.f32 v16, v51;
	v17 =	vadd.f32 v17, v53  }
0x6a: {  	v18 =	vadd.f32 v19, v55;
	v57 =	vadd.f32 v21, v56;
	_ =	sdelay $0x1  }
0x6b: {  	v16 =	vadd.f32 v17, v16;
	v17 =	vadd.f32 v57, v18;
	_ =	sdelay $0x1  }
0x6c: {  	v16 =	vadd.f32 v17, v16;
	_ =	sdelay $0x1  }
0x6d: {  	[tilespmem:$0x9E50] =	vst v16  }
0x6e: {  	v16 =	vld [tilespmem:s29+$0x4B30]  }
0x6f: {  	v17 =	vld [tilespmem:s29+$0x7330]  }
0x70: {  	v58 =	vld [tilespmem:s29+$0x4B40]  }
0x71: {  	v59 =	vld [tilespmem:s29+$0x7340]  }
0x72: {  	v60 =	vld [tilespmem:s29+$0x4B50]  }
0x73: {  	v61 =	vld [tilespmem:s29+$0x7350]  }
0x74: {  	v62 =	vld [tilespmem:s29+$0x4B60]  }
0x75: {  	v63 =	vld [tilespmem:s29+$0x7360];
	_ =	sdelay $0x2  }
0x76: {  	v16 =	vmul.bf16 v17, v16  }
0x77: {  	v17 =	vmul.bf16 v59, v58  }
0x78: {  	v25 =	vmul.bf16 v61, v60;
	v27 =	vmul.bf16 v63, v62;
	v24 =	vunpack.i.u.bf16.f32 v16  }
0x79: {  	v16 =	vunpack.i.l.bf16.f32 v16;
	v26 =	vunpack.i.u.bf16.f32 v17;
	v17 =	vunpack.i.l.bf16.f32 v17  }
0x7a: {  	v28 =	vunpack.i.u.bf16.f32 v25;
	v19 =	vunpack.i.l.bf16.f32 v25;
	v29 =	vunpack.i.u.bf16.f32 v27  }
0x7b: {  	v21 =	vunpack.i.l.bf16.f32 v27;
	v16 =	vadd.f32 v16, v24;
	v17 =	vadd.f32 v17, v26  }
0x7c: {  	v18 =	vadd.f32 v19, v28;
	v30 =	vadd.f32 v21, v29;
	_ =	sdelay $0x1  }
0x7d: {  	v16 =	vadd.f32 v17, v16;
	v17 =	vadd.f32 v30, v18;
	_ =	sdelay $0x1  }
0x7e: {  	v16 =	vadd.f32 v17, v16;
	_ =	sdelay $0x1  }
0x7f: {  	[tilespmem:$0x9E60] =	vst v16  }
0x80: {  	v16 =	vld [tilespmem:s29+$0x4B70]  }
0x81: {  	v17 =	vld [tilespmem:s29+$0x7370]  }
0x82: {  	v31 =	vld [tilespmem:s29+$0x4B80]  }
0x83: {  	v32 =	vld [tilespmem:s29+$0x7380]  }
0x84: {  	v33 =	vld [tilespmem:s29+$0x4B90]  }
0x85: {  	v34 =	vld [tilespmem:s29+$0x7390]  }
0x86: {  	v35 =	vld [tilespmem:s29+$0x4BA0]  }
0x87: {  	v36 =	vld [tilespmem:s29+$0x73A0];
	_ =	sdelay $0x2  }
0x88: {  	v16 =	vmul.bf16 v17, v16  }
0x89: {  	v17 =	vmul.bf16 v32, v31  }
0x8a: {  	v38 =	vmul.bf16 v34, v33;
	v40 =	vmul.bf16 v36, v35;
	v37 =	vunpack.i.u.bf16.f32 v16  }
0x8b: {  	v16 =	vunpack.i.l.bf16.f32 v16;
	v39 =	vunpack.i.u.bf16.f32 v17;
	v17 =	vunpack.i.l.bf16.f32 v17  }
0x8c: {  	v41 =	vunpack.i.u.bf16.f32 v38;
	v19 =	vunpack.i.l.bf16.f32 v38;
	v42 =	vunpack.i.u.bf16.f32 v40  }
0x8d: {  	v21 =	vunpack.i.l.bf16.f32 v40;
	v16 =	vadd.f32 v16, v37;
	v17 =	vadd.f32 v17, v39  }
0x8e: {  	v18 =	vadd.f32 v19, v41;
	v43 =	vadd.f32 v21, v42;
	_ =	sdelay $0x1  }
0x8f: {  	v16 =	vadd.f32 v17, v16;
	v17 =	vadd.f32 v43, v18;
	_ =	sdelay $0x1  }
0x90: {  	v16 =	vadd.f32 v17, v16;
	_ =	sdelay $0x1  }
0x91: {  	[tilespmem:$0x9E70] =	vst v16  }
0x92: {  	v16 =	vld [tilespmem:s29+$0x4BB0]  }
0x93: {  	v17 =	vld [tilespmem:s29+$0x73B0]  }
0x94: {  	v44 =	vld [tilespmem:s29+$0x4BC0]  }
0x95: {  	v45 =	vld [tilespmem:s29+$0x73C0]  }
0x96: {  	v46 =	vld [tilespmem:s29+$0x4BD0]  }
0x97: {  	v47 =	vld [tilespmem:s29+$0x73D0]  }
0x98: {  	v48 =	vld [tilespmem:s29+$0x4BE0]  }
0x99: {  	v49 =	vld [tilespmem:s29+$0x73E0];
	_ =	sdelay $0x2  }
0x9a: {  	v16 =	vmul.bf16 v17, v16  }
0x9b: {  	v17 =	vmul.bf16 v45, v44  }
0x9c: {  	v51 =	vmul.bf16 v47, v46;
	v53 =	vmul.bf16 v49, v48;
	v50 =	vunpack.i.u.bf16.f32 v16  }
0x9d: {  	v16 =	vunpack.i.l.bf16.f32 v16;
	v52 =	vunpack.i.u.bf16.f32 v17;
	v17 =	vunpack.i.l.bf16.f32 v17  }
0x9e: {  	v54 =	vunpack.i.u.bf16.f32 v51;
	v19 =	vunpack.i.l.bf16.f32 v51;
	v55 =	vunpack.i.u.bf16.f32 v53  }
0x9f: {  	v21 =	vunpack.i.l.bf16.f32 v53;
	v16 =	vadd.f32 v16, v50;
	v17 =	vadd.f32 v17, v52  }
0xa0: {  	v18 =	vadd.f32 v19, v54;
	v56 =	vadd.f32 v21, v55;
	_ =	sdelay $0x1  }
0xa1: {  	v16 =	vadd.f32 v17, v16;
	v17 =	vadd.f32 v56, v18;
	_ =	sdelay $0x1  }
0xa2: {  	v16 =	vadd.f32 v17, v16;
	_ =	sdelay $0x1  }
0xa3: {  	[tilespmem:$0x9E80] =	vst v16  }
0xa4: {  	v16 =	vld [tilespmem:s29+$0x4BF0]  }
0xa5: {  	v17 =	vld [tilespmem:s29+$0x73F0]  }
0xa6: {  	v57 =	vld [tilespmem:s29+$0x4C00]  }
0xa7: {  	v58 =	vld [tilespmem:s29+$0x7400]  }
0xa8: {  	v59 =	vld [tilespmem:s29+$0x4C10]  }
0xa9: {  	v60 =	vld [tilespmem:s29+$0x7410]  }
0xaa: {  	v61 =	vld [tilespmem:s29+$0x4C20]  }
0xab: {  	v62 =	vld [tilespmem:s29+$0x7420];
	_ =	sdelay $0x2  }
0xac: {  	v16 =	vmul.bf16 v17, v16  }
0xad: {  	v17 =	vmul.bf16 v58, v57  }
0xae: {  	v24 =	vmul.bf16 v60, v59;
	v26 =	vmul.bf16 v62, v61;
	v63 =	vunpack.i.u.bf16.f32 v16  }
0xaf: {  	v16 =	vunpack.i.l.bf16.f32 v16;
	v25 =	vunpack.i.u.bf16.f32 v17;
	v17 =	vunpack.i.l.bf16.f32 v17  }
0xb0: {  	v27 =	vunpack.i.u.bf16.f32 v24;
	v19 =	vunpack.i.l.bf16.f32 v24;
	v28 =	vunpack.i.u.bf16.f32 v26  }
0xb1: {  	v21 =	vunpack.i.l.bf16.f32 v26;
	v16 =	vadd.f32 v16, v63;
	v17 =	vadd.f32 v17, v25  }
0xb2: {  	v18 =	vadd.f32 v19, v27;
	v29 =	vadd.f32 v21, v28;
	_ =	sdelay $0x1  }
0xb3: {  	v16 =	vadd.f32 v17, v16;
	v17 =	vadd.f32 v29, v18;
	_ =	sdelay $0x1  }
0xb4: {  	v16 =	vadd.f32 v17, v16;
	_ =	sdelay $0x1  }
0xb5: {  	[tilespmem:$0x9E90] =	vst v16  }
0xb6: {  	v16 =	vld [tilespmem:s29+$0x4C30]  }
0xb7: {  	v17 =	vld [tilespmem:s29+$0x7430]  }
0xb8: {  	v30 =	vld [tilespmem:s29+$0x4C40]  }
0xb9: {  	v31 =	vld [tilespmem:s29+$0x7440]  }
0xba: {  	v32 =	vld [tilespmem:s29+$0x4C50]  }
0xbb: {  	v33 =	vld [tilespmem:s29+$0x7450]  }
0xbc: {  	v34 =	vld [tilespmem:s29+$0x4C60]  }
0xbd: {  	v35 =	vld [tilespmem:s29+$0x7460];
	_ =	sdelay $0x2  }
0xbe: {  	v16 =	vmul.bf16 v17, v16  }
0xbf: {  	v17 =	vmul.bf16 v31, v30  }
0xc0: {  	v37 =	vmul.bf16 v33, v32;
	v39 =	vmul.bf16 v35, v34;
	v36 =	vunpack.i.u.bf16.f32 v16  }
0xc1: {  	v16 =	vunpack.i.l.bf16.f32 v16;
	v38 =	vunpack.i.u.bf16.f32 v17;
	v17 =	vunpack.i.l.bf16.f32 v17  }
0xc2: {  	v40 =	vunpack.i.u.bf16.f32 v37;
	v19 =	vunpack.i.l.bf16.f32 v37;
	v41 =	vunpack.i.u.bf16.f32 v39  }
0xc3: {  	v21 =	vunpack.i.l.bf16.f32 v39;
	v16 =	vadd.f32 v16, v36;
	v17 =	vadd.f32 v17, v38  }
0xc4: {  	v18 =	vadd.f32 v19, v40;
	v42 =	vadd.f32 v21, v41;
	_ =	sdelay $0x1  }
0xc5: {  	v16 =	vadd.f32 v17, v16;
	v17 =	vadd.f32 v42, v18;
	_ =	sdelay $0x1  }
0xc6: {  	v16 =	vadd.f32 v17, v16;
	_ =	sdelay $0x1  }
0xc7: {  	[tilespmem:$0x9EA0] =	vst v16  }
0xc8: {  	v16 =	vld [tilespmem:s29+$0x4C70]  }
0xc9: {  	v17 =	vld [tilespmem:s29+$0x7470]  }
0xca: {  	v43 =	vld [tilespmem:s29+$0x4C80]  }
0xcb: {  	v44 =	vld [tilespmem:s29+$0x7480]  }
0xcc: {  	v45 =	vld [tilespmem:s29+$0x4C90]  }
0xcd: {  	v46 =	vld [tilespmem:s29+$0x7490]  }
0xce: {  	v47 =	vld [tilespmem:s29+$0x4CA0]  }
0xcf: {  	v48 =	vld [tilespmem:s29+$0x74A0];
	_ =	sdelay $0x2  }
0xd0: {  	v16 =	vmul.bf16 v17, v16  }
0xd1: {  	v17 =	vmul.bf16 v44, v43  }
0xd2: {  	v50 =	vmul.bf16 v46, v45;
	v52 =	vmul.bf16 v48, v47;
	v49 =	vunpack.i.u.bf16.f32 v16  }
0xd3: {  	v16 =	vunpack.i.l.bf16.f32 v16;
	v51 =	vunpack.i.u.bf16.f32 v17;
	v17 =	vunpack.i.l.bf16.f32 v17  }
0xd4: {  	v53 =	vunpack.i.u.bf16.f32 v50;
	v19 =	vunpack.i.l.bf16.f32 v50;
	v54 =	vunpack.i.u.bf16.f32 v52  }
0xd5: {  	v21 =	vunpack.i.l.bf16.f32 v52;
	v16 =	vadd.f32 v16, v49;
	v17 =	vadd.f32 v17, v51  }
0xd6: {  	v18 =	vadd.f32 v19, v53;
	v55 =	vadd.f32 v21, v54;
	_ =	sdelay $0x1  }
0xd7: {  	v16 =	vadd.f32 v17, v16;
	v17 =	vadd.f32 v55, v18;
	_ =	sdelay $0x1  }
0xd8: {  	v16 =	vadd.f32 v17, v16;
	_ =	sdelay $0x1  }
0xd9: {  	[tilespmem:$0x9EB0] =	vst v16  }
0xda: {  	v16 =	vld [tilespmem:s29+$0x4CB0]  }
0xdb: {  	v17 =	vld [tilespmem:s29+$0x74B0]  }
0xdc: {  	v56 =	vld [tilespmem:s29+$0x4CC0]  }
0xdd: {  	v57 =	vld [tilespmem:s29+$0x74C0]  }
0xde: {  	v58 =	vld [tilespmem:s29+$0x4CD0]  }
0xdf: {  	v59 =	vld [tilespmem:s29+$0x74D0]  }
0xe0: {  	v60 =	vld [tilespmem:s29+$0x4CE0]  }
0xe1: {  	v61 =	vld [tilespmem:s29+$0x74E0];
	_ =	sdelay $0x2  }
0xe2: {  	v16 =	vmul.bf16 v17, v16  }
0xe3: {  	v17 =	vmul.bf16 v57, v56  }
0xe4: {  	v63 =	vmul.bf16 v59, v58;
	v25 =	vmul.bf16 v61, v60;
	v62 =	vunpack.i.u.bf16.f32 v16  }
0xe5: {  	v16 =	vunpack.i.l.bf16.f32 v16;
	v24 =	vunpack.i.u.bf16.f32 v17;
	v17 =	vunpack.i.l.bf16.f32 v17  }
0xe6: {  	v26 =	vunpack.i.u.bf16.f32 v63;
	v19 =	vunpack.i.l.bf16.f32 v63;
	v27 =	vunpack.i.u.bf16.f32 v25  }
0xe7: {  	v21 =	vunpack.i.l.bf16.f32 v25;
	v16 =	vadd.f32 v16, v62;
	v17 =	vadd.f32 v17, v24  }
0xe8: {  	v18 =	vadd.f32 v19, v26;
	v28 =	vadd.f32 v21, v27;
	_ =	sdelay $0x1  }
0xe9: {  	v16 =	vadd.f32 v17, v16;
	v17 =	vadd.f32 v28, v18;
	_ =	sdelay $0x1  }
0xea: {  	v16 =	vadd.f32 v17, v16;
	_ =	sdelay $0x1  }
0xeb: {  	[tilespmem:$0x9EC0] =	vst v16  }
0xec: {  	v16 =	vld [tilespmem:s29+$0x4CF0]  }
0xed: {  	v17 =	vld [tilespmem:s29+$0x74F0]  }
0xee: {  	v29 =	vld [tilespmem:s29+$0x4D00]  }
0xef: {  	v30 =	vld [tilespmem:s29+$0x7500]  }
0xf0: {  	v31 =	vld [tilespmem:s29+$0x4D10]  }
0xf1: {  	v32 =	vld [tilespmem:s29+$0x7510]  }
0xf2: {  	v33 =	vld [tilespmem:s29+$0x4D20]  }
0xf3: {  	v34 =	vld [tilespmem:s29+$0x7520];
	_ =	sdelay $0x2  }
0xf4: {  	v16 =	vmul.bf16 v17, v16  }
0xf5: {  	v17 =	vmul.bf16 v30, v29  }
0xf6: {  	v36 =	vmul.bf16 v32, v31;
	v38 =	vmul.bf16 v34, v33;
	v35 =	vunpack.i.u.bf16.f32 v16  }
0xf7: {  	v16 =	vunpack.i.l.bf16.f32 v16;
	v37 =	vunpack.i.u.bf16.f32 v17;
	v17 =	vunpack.i.l.bf16.f32 v17  }
0xf8: {  	v39 =	vunpack.i.u.bf16.f32 v36;
	v19 =	vunpack.i.l.bf16.f32 v36;
	v40 =	vunpack.i.u.bf16.f32 v38  }
0xf9: {  	v21 =	vunpack.i.l.bf16.f32 v38;
	v16 =	vadd.f32 v16, v35;
	v17 =	vadd.f32 v17, v37  }
0xfa: {  	v18 =	vadd.f32 v19, v39;
	v41 =	vadd.f32 v21, v40;
	_ =	sdelay $0x1  }
0xfb: {  	v16 =	vadd.f32 v17, v16;
	v17 =	vadd.f32 v41, v18;
	_ =	sdelay $0x1  }
0xfc: {  	v16 =	vadd.f32 v17, v16;
	_ =	sdelay $0x1  }
0xfd: {  	[tilespmem:$0x9ED0] =	vst v16  }
0xfe: {  	v16 =	vld [tilespmem:s29+$0x4D30]  }
0xff: {  	v17 =	vld [tilespmem:s29+$0x7530]  }
0x100: {  	v42 =	vld [tilespmem:s29+$0x4D40]  }
0x101: {  	v43 =	vld [tilespmem:s29+$0x7540]  }
0x102: {  	v44 =	vld [tilespmem:s29+$0x4D50]  }
0x103: {  	v45 =	vld [tilespmem:s29+$0x7550]  }
0x104: {  	v46 =	vld [tilespmem:s29+$0x4D60]  }
0x105: {  	v47 =	vld [tilespmem:s29+$0x7560];
	_ =	sdelay $0x2  }
0x106: {  	v16 =	vmul.bf16 v17, v16  }
0x107: {  	v17 =	vmul.bf16 v43, v42  }
0x108: {  	v49 =	vmul.bf16 v45, v44;
	v51 =	vmul.bf16 v47, v46;
	v48 =	vunpack.i.u.bf16.f32 v16  }
0x109: {  	v16 =	vunpack.i.l.bf16.f32 v16;
	v50 =	vunpack.i.u.bf16.f32 v17;
	v17 =	vunpack.i.l.bf16.f32 v17  }
0x10a: {  	v52 =	vunpack.i.u.bf16.f32 v49;
	v19 =	vunpack.i.l.bf16.f32 v49;
	v53 =	vunpack.i.u.bf16.f32 v51  }
0x10b: {  	v21 =	vunpack.i.l.bf16.f32 v51;
	v16 =	vadd.f32 v16, v48;
	v17 =	vadd.f32 v17, v50  }
0x10c: {  	v18 =	vadd.f32 v19, v52;
	v54 =	vadd.f32 v21, v53;
	_ =	sdelay $0x1  }
0x10d: {  	v16 =	vadd.f32 v17, v16;
	v17 =	vadd.f32 v54, v18;
	_ =	sdelay $0x1  }
0x10e: {  	v16 =	vadd.f32 v17, v16;
	_ =	sdelay $0x1  }
0x10f: {  	[tilespmem:$0x9EE0] =	vst v16  }
0x110: {  	v16 =	vld [tilespmem:s29+$0x4D70]  }
0x111: {  	v17 =	vld [tilespmem:s29+$0x7570]  }
0x112: {  	v55 =	vld [tilespmem:s29+$0x4D80]  }
0x113: {  	v56 =	vld [tilespmem:s29+$0x7580]  }
0x114: {  	v57 =	vld [tilespmem:s29+$0x4D90]  }
0x115: {  	v58 =	vld [tilespmem:s29+$0x7590]  }
0x116: {  	v59 =	vld [tilespmem:s29+$0x4DA0]  }
0x117: {  	v60 =	vld [tilespmem:s29+$0x75A0];
	_ =	sdelay $0x2  }
0x118: {  	v16 =	vmul.bf16 v17, v16  }
0x119: {  	v17 =	vmul.bf16 v56, v55  }
0x11a: {  	v62 =	vmul.bf16 v58, v57;
	v24 =	vmul.bf16 v60, v59;
	v61 =	vunpack.i.u.bf16.f32 v16  }
0x11b: {  	v16 =	vunpack.i.l.bf16.f32 v16;
	v63 =	vunpack.i.u.bf16.f32 v17;
	v17 =	vunpack.i.l.bf16.f32 v17  }
0x11c: {  	v25 =	vunpack.i.u.bf16.f32 v62;
	v19 =	vunpack.i.l.bf16.f32 v62;
	v26 =	vunpack.i.u.bf16.f32 v24  }
0x11d: {  	v21 =	vunpack.i.l.bf16.f32 v24;
	v16 =	vadd.f32 v16, v61;
	v17 =	vadd.f32 v17, v63  }
0x11e: {  	v18 =	vadd.f32 v19, v25;
	v27 =	vadd.f32 v21, v26;
	_ =	sdelay $0x1  }
0x11f: {  	v16 =	vadd.f32 v17, v16;
	v17 =	vadd.f32 v27, v18;
	_ =	sdelay $0x1  }
0x120: {  	v16 =	vadd.f32 v17, v16;
	_ =	sdelay $0x1  }
0x121: {  	[tilespmem:$0x9EF0] =	vst v16  }
0x122: {  	v16 =	vld [tilespmem:s29+$0x4DB0]  }
0x123: {  	v17 =	vld [tilespmem:s29+$0x75B0]  }
0x124: {  	v28 =	vld [tilespmem:s29+$0x4DC0]  }
0x125: {  	v29 =	vld [tilespmem:s29+$0x75C0]  }
0x126: {  	v30 =	vld [tilespmem:s29+$0x4DD0]  }
0x127: {  	v31 =	vld [tilespmem:s29+$0x75D0]  }
0x128: {  	v32 =	vld [tilespmem:s29+$0x4DE0]  }
0x129: {  	v33 =	vld [tilespmem:s29+$0x75E0];
	_ =	sdelay $0x2  }
0x12a: {  	v16 =	vmul.bf16 v17, v16  }
0x12b: {  	v17 =	vmul.bf16 v29, v28  }
0x12c: {  	v35 =	vmul.bf16 v31, v30;
	v37 =	vmul.bf16 v33, v32;
	v34 =	vunpack.i.u.bf16.f32 v16  }
0x12d: {  	v16 =	vunpack.i.l.bf16.f32 v16;
	v36 =	vunpack.i.u.bf16.f32 v17;
	v17 =	vunpack.i.l.bf16.f32 v17  }
0x12e: {  	v38 =	vunpack.i.u.bf16.f32 v35;
	v19 =	vunpack.i.l.bf16.f32 v35;
	v39 =	vunpack.i.u.bf16.f32 v37  }
0x12f: {  	v21 =	vunpack.i.l.bf16.f32 v37;
	v16 =	vadd.f32 v16, v34;
	v17 =	vadd.f32 v17, v36  }
0x130: {  	v18 =	vadd.f32 v19, v38;
	v40 =	vadd.f32 v21, v39;
	_ =	sdelay $0x1  }
0x131: {  	v16 =	vadd.f32 v17, v16;
	v17 =	vadd.f32 v40, v18;
	_ =	sdelay $0x1  }
0x132: {  	v16 =	vadd.f32 v17, v16;
	_ =	sdelay $0x1  }
0x133: {  	[tilespmem:$0x9F00] =	vst v16  }
0x134: {  	v16 =	vld [tilespmem:s29+$0x4DF0]  }
0x135: {  	v17 =	vld [tilespmem:s29+$0x75F0]  }
0x136: {  	v41 =	vld [tilespmem:s29+$0x4E00]  }
0x137: {  	v42 =	vld [tilespmem:s29+$0x7600]  }
0x138: {  	v43 =	vld [tilespmem:s29+$0x4E10]  }
0x139: {  	v44 =	vld [tilespmem:s29+$0x7610]  }
0x13a: {  	v45 =	vld [tilespmem:s29+$0x4E20]  }
0x13b: {  	v46 =	vld [tilespmem:s29+$0x7620];
	_ =	sdelay $0x2  }
0x13c: {  	v16 =	vmul.bf16 v17, v16  }
0x13d: {  	v17 =	vmul.bf16 v42, v41  }
0x13e: {  	v47 =	vmul.bf16 v44, v43;
	v49 =	vmul.bf16 v46, v45;
	v48 =	vunpack.i.u.bf16.f32 v16  }
0x13f: {  	v16 =	vunpack.i.l.bf16.f32 v16;
	v50 =	vunpack.i.u.bf16.f32 v17;
	v17 =	vunpack.i.l.bf16.f32 v17  }
0x140: {  	v51 =	vunpack.i.u.bf16.f32 v47;
	v18 =	vunpack.i.l.bf16.f32 v47;
	v52 =	vunpack.i.u.bf16.f32 v49  }
0x141: {  	v20 =	vunpack.i.l.bf16.f32 v49;
	v16 =	vadd.f32 v16, v48;
	v17 =	vadd.f32 v17, v50  }
0x142: {  	v18 =	vadd.f32 v18, v51;
	v53 =	vadd.f32 v20, v52;
	_ =	sdelay $0x1  }
0x143: {  	v16 =	vadd.f32 v17, v16;
	v17 =	vadd.f32 v53, v18;
	_ =	sdelay $0x1  }
0x144: {  	v16 =	vadd.f32 v17, v16;
	_ =	sdelay $0x1  }
0x145: {  	[tilespmem:$0x9F10] =	vst v16  }
0x146: {  	v16 =	vld.idx.msk [tilespmem:v0+s17+$0x0], $0xffff;
	_ =	sdelay $0x1  }
0x147: {  	v17 =	vld.idx.msk [tilespmem:v1+s17+$0x0], $0xffff;
	_ =	sdelay $0x1  }
0x148: {  	v54 =	vld.idx.msk [tilespmem:v2+s17+$0x0], $0xffff  }
0x149: {  	v16 =	vadd.f32 $0.0e+00, v16  }
0x14a: {  	v55 =	vld.idx.msk [tilespmem:v3+s17+$0x0], $0xffff  }
0x14b: {  	v16 =	vadd.f32 v17, v16  }
0x14c: {  	v17 =	vld.idx.msk [tilespmem:v4+s17+$0x0], $0xffff  }
0x14d: {  	v16 =	vadd.f32 v54, v16  }
0x14e: {  	v56 =	vld.idx.msk [tilespmem:v5+s17+$0x0], $0xffff  }
0x14f: {  	v16 =	vadd.f32 v55, v16  }
0x150: {  	v57 =	vld.idx.msk [tilespmem:v6+s17+$0x0], $0xffff  }
0x151: {  	v16 =	vadd.f32 v17, v16  }
0x152: {  	v17 =	vld.idx.msk [tilespmem:v7+s17+$0x0], $0xffff  }
0x153: {  	v16 =	vadd.f32 v56, v16  }
0x154: {  	v58 =	vld.idx.msk [tilespmem:v8+s17+$0x0], $0xffff  }
0x155: {  	v16 =	vadd.f32 v57, v16  }
0x156: {  	v59 =	vld.idx.msk [tilespmem:v9+s17+$0x0], $0xffff  }
0x157: {  	v16 =	vadd.f32 v17, v16  }
0x158: {  	v17 =	vld.idx.msk [tilespmem:v10+s17+$0x0], $0xffff  }
0x159: {  	v16 =	vadd.f32 v58, v16  }
0x15a: {  	v60 =	vld.idx.msk [tilespmem:v11+s17+$0x0], $0xffff  }
0x15b: {  	v16 =	vadd.f32 v59, v16  }
0x15c: {  	v61 =	vld.idx.msk [tilespmem:v12+s17+$0x0], $0xffff  }
0x15d: {  	v16 =	vadd.f32 v17, v16  }
0x15e: {  	v17 =	vld.idx.msk [tilespmem:v13+s17+$0x0], $0xffff  }
0x15f: {  	v16 =	vadd.f32 v60, v16  }
0x160: {  	v62 =	vld.idx.msk [tilespmem:v14+s17+$0x0], $0xffff  }
0x161: {  	v16 =	vadd.f32 v61, v16  }
0x162: {  	v63 =	vld.idx.msk [tilespmem:v15+s17+$0x0], $0xffff  }
0x163: {  	v16 =	vadd.f32 v17, v16  }
0x164: {  	p0 =	sne.s32 s26, $0x4FC0  }
.Ltmp0:
0x165: {  	v16 =	vadd.f32 v62, v16;
	(pc) =	sbr.rel @p0 .LBB2_3-.Ltmp0, $3  }
0x166: {  	_ = 	snop  }
0x167: {  	v16 =	vadd.f32 v63, v16;
	_ =	sdelay $0x1  }
0x168: {  	s26 =	sadd.s32 $0x1000, s26;
	[tilespmem:s28+$0x0] =	vst v16;
	s28 =	sadd.s32 $0x10, s28  }
0x169: {  	s26 =	sadd.s32 $0xA0, s25  }
0x16a: {  	[tilespmem:s11], [sflag:$0x1] =	stream.indirect.gather [hbm4b:s1+s10], $0x40, s26, s10, $0xb8;
	[tilespmem:$0xC630] =	vst v63  }
0x16b: {  	s31 =	sadd.s32 $0x27B0, s25  }
0x16c: {  	[tilespmem:s12], [sflag:$0x3] =	stream.indirect.gather [hbm4b:s1+s10], $0x40, s31, s10, $0xb8;
	[tilespmem:$0xC630] =	vst v63  }
0x16d: {  	_ =	swait.ge [sflag:s18], $0x1400  }
0x16e: {  	[sflag:s18] =	ssyncset.done $0x0  }
0x16f: {  	[sflag:s18] =	ssyncadd.s32 $0xFFFFEC00  }
0x170: {  	_ =	swait.ge [sflag:s19], $0x1400  }
0x171: {  	[sflag:s19] =	ssyncset.done $0x0  }
0x172: {  	s25 =	simm.s32 $0x0;
	s26 =	smov.u32 s22;
	[sflag:s19] =	ssyncadd.s32 $0xFFFFEC00  }
.LBB2_5:
0x173: {  	s28 =	sshra.s32 s25, $0x2  }
0x174: {  	v16 =	vld [tilespmem:s28+$0x6220]  }
0x175: {  	v17 =	vld [tilespmem:s28+$0x8A20]  }
0x176: {  	v18 =	vld [tilespmem:s28+$0x6230]  }
0x177: {  	v19 =	vld [tilespmem:s28+$0x8A30]  }
0x178: {  	v20 =	vld [tilespmem:s28+$0x6240]  }
0x179: {  	v21 =	vld [tilespmem:s28+$0x8A40]  }
0x17a: {  	v22 =	vld [tilespmem:s28+$0x6250]  }
0x17b: {  	v23 =	vld [tilespmem:s28+$0x8A50];
	_ =	sdelay $0x2  }
0x17c: {  	v16 =	vmul.bf16 v17, v16  }
0x17d: {  	v17 =	vmul.bf16 v19, v18  }
0x17e: {  	v53 =	vmul.bf16 v21, v20;
	v55 =	vmul.bf16 v23, v22;
	v52 =	vunpack.i.u.bf16.f32 v16  }
0x17f: {  	v16 =	vunpack.i.l.bf16.f32 v16;
	v54 =	vunpack.i.u.bf16.f32 v17;
	v17 =	vunpack.i.l.bf16.f32 v17  }
0x180: {  	v56 =	vunpack.i.u.bf16.f32 v53;
	v19 =	vunpack.i.l.bf16.f32 v53;
	v57 =	vunpack.i.u.bf16.f32 v55  }
0x181: {  	v21 =	vunpack.i.l.bf16.f32 v55;
	v16 =	vadd.f32 v16, v52;
	v17 =	vadd.f32 v17, v54  }
0x182: {  	v18 =	vadd.f32 v19, v56;
	v58 =	vadd.f32 v21, v57;
	_ =	sdelay $0x1  }
0x183: {  	v16 =	vadd.f32 v17, v16;
	v17 =	vadd.f32 v58, v18;
	_ =	sdelay $0x1  }
0x184: {  	v16 =	vadd.f32 v17, v16;
	_ =	sdelay $0x1  }
0x185: {  	[tilespmem:$0x9E20] =	vst v16  }
0x186: {  	v16 =	vld [tilespmem:s28+$0x6260]  }
0x187: {  	v17 =	vld [tilespmem:s28+$0x8A60]  }
0x188: {  	v59 =	vld [tilespmem:s28+$0x6270]  }
0x189: {  	v60 =	vld [tilespmem:s28+$0x8A70]  }
0x18a: {  	v61 =	vld [tilespmem:s28+$0x6280]  }
0x18b: {  	v62 =	vld [tilespmem:s28+$0x8A80]  }
0x18c: {  	v63 =	vld [tilespmem:s28+$0x6290]  }
0x18d: {  	v24 =	vld [tilespmem:s28+$0x8A90];
	_ =	sdelay $0x2  }
0x18e: {  	v16 =	vmul.bf16 v17, v16  }
0x18f: {  	v17 =	vmul.bf16 v60, v59  }
0x190: {  	v26 =	vmul.bf16 v62, v61;
	v28 =	vmul.bf16 v24, v63;
	v25 =	vunpack.i.u.bf16.f32 v16  }
0x191: {  	v16 =	vunpack.i.l.bf16.f32 v16;
	v27 =	vunpack.i.u.bf16.f32 v17;
	v17 =	vunpack.i.l.bf16.f32 v17  }
0x192: {  	v29 =	vunpack.i.u.bf16.f32 v26;
	v19 =	vunpack.i.l.bf16.f32 v26;
	v30 =	vunpack.i.u.bf16.f32 v28  }
0x193: {  	v21 =	vunpack.i.l.bf16.f32 v28;
	v16 =	vadd.f32 v16, v25;
	v17 =	vadd.f32 v17, v27  }
0x194: {  	v18 =	vadd.f32 v19, v29;
	v31 =	vadd.f32 v21, v30;
	_ =	sdelay $0x1  }
0x195: {  	v16 =	vadd.f32 v17, v16;
	v17 =	vadd.f32 v31, v18;
	_ =	sdelay $0x1  }
0x196: {  	v16 =	vadd.f32 v17, v16;
	_ =	sdelay $0x1  }
0x197: {  	[tilespmem:$0x9E30] =	vst v16  }
0x198: {  	v16 =	vld [tilespmem:s28+$0x62A0]  }
0x199: {  	v17 =	vld [tilespmem:s28+$0x8AA0]  }
0x19a: {  	v32 =	vld [tilespmem:s28+$0x62B0]  }
0x19b: {  	v33 =	vld [tilespmem:s28+$0x8AB0]  }
0x19c: {  	v34 =	vld [tilespmem:s28+$0x62C0]  }
0x19d: {  	v35 =	vld [tilespmem:s28+$0x8AC0]  }
0x19e: {  	v36 =	vld [tilespmem:s28+$0x62D0]  }
0x19f: {  	v37 =	vld [tilespmem:s28+$0x8AD0];
	_ =	sdelay $0x2  }
0x1a0: {  	v16 =	vmul.bf16 v17, v16  }
0x1a1: {  	v17 =	vmul.bf16 v33, v32  }
0x1a2: {  	v39 =	vmul.bf16 v35, v34;
	v41 =	vmul.bf16 v37, v36;
	v38 =	vunpack.i.u.bf16.f32 v16  }
0x1a3: {  	v16 =	vunpack.i.l.bf16.f32 v16;
	v40 =	vunpack.i.u.bf16.f32 v17;
	v17 =	vunpack.i.l.bf16.f32 v17  }
0x1a4: {  	v42 =	vunpack.i.u.bf16.f32 v39;
	v19 =	vunpack.i.l.bf16.f32 v39;
	v43 =	vunpack.i.u.bf16.f32 v41  }
0x1a5: {  	v21 =	vunpack.i.l.bf16.f32 v41;
	v16 =	vadd.f32 v16, v38;
	v17 =	vadd.f32 v17, v40  }
0x1a6: {  	v18 =	vadd.f32 v19, v42;
	v44 =	vadd.f32 v21, v43;
	_ =	sdelay $0x1  }
0x1a7: {  	v16 =	vadd.f32 v17, v16;
	v17 =	vadd.f32 v44, v18;
	_ =	sdelay $0x1  }
0x1a8: {  	v16 =	vadd.f32 v17, v16;
	_ =	sdelay $0x1  }
0x1a9: {  	[tilespmem:$0x9E40] =	vst v16  }
0x1aa: {  	v16 =	vld [tilespmem:s28+$0x62E0]  }
0x1ab: {  	v17 =	vld [tilespmem:s28+$0x8AE0]  }
0x1ac: {  	v45 =	vld [tilespmem:s28+$0x62F0]  }
0x1ad: {  	v46 =	vld [tilespmem:s28+$0x8AF0]  }
0x1ae: {  	v47 =	vld [tilespmem:s28+$0x6300]  }
0x1af: {  	v48 =	vld [tilespmem:s28+$0x8B00]  }
0x1b0: {  	v49 =	vld [tilespmem:s28+$0x6310]  }
0x1b1: {  	v50 =	vld [tilespmem:s28+$0x8B10];
	_ =	sdelay $0x2  }
0x1b2: {  	v16 =	vmul.bf16 v17, v16  }
0x1b3: {  	v17 =	vmul.bf16 v46, v45  }
0x1b4: {  	v52 =	vmul.bf16 v48, v47;
	v54 =	vmul.bf16 v50, v49;
	v51 =	vunpack.i.u.bf16.f32 v16  }
0x1b5: {  	v16 =	vunpack.i.l.bf16.f32 v16;
	v53 =	vunpack.i.u.bf16.f32 v17;
	v17 =	vunpack.i.l.bf16.f32 v17  }
0x1b6: {  	v55 =	vunpack.i.u.bf16.f32 v52;
	v19 =	vunpack.i.l.bf16.f32 v52;
	v56 =	vunpack.i.u.bf16.f32 v54  }
0x1b7: {  	v21 =	vunpack.i.l.bf16.f32 v54;
	v16 =	vadd.f32 v16, v51;
	v17 =	vadd.f32 v17, v53  }
0x1b8: {  	v18 =	vadd.f32 v19, v55;
	v57 =	vadd.f32 v21, v56;
	_ =	sdelay $0x1  }
0x1b9: {  	v16 =	vadd.f32 v17, v16;
	v17 =	vadd.f32 v57, v18;
	_ =	sdelay $0x1  }
0x1ba: {  	v16 =	vadd.f32 v17, v16;
	_ =	sdelay $0x1  }
0x1bb: {  	[tilespmem:$0x9E50] =	vst v16  }
0x1bc: {  	v16 =	vld [tilespmem:s28+$0x6320]  }
0x1bd: {  	v17 =	vld [tilespmem:s28+$0x8B20]  }
0x1be: {  	v58 =	vld [tilespmem:s28+$0x6330]  }
0x1bf: {  	v59 =	vld [tilespmem:s28+$0x8B30]  }
0x1c0: {  	v60 =	vld [tilespmem:s28+$0x6340]  }
0x1c1: {  	v61 =	vld [tilespmem:s28+$0x8B40]  }
0x1c2: {  	v62 =	vld [tilespmem:s28+$0x6350]  }
0x1c3: {  	v63 =	vld [tilespmem:s28+$0x8B50];
	_ =	sdelay $0x2  }
0x1c4: {  	v16 =	vmul.bf16 v17, v16  }
0x1c5: {  	v17 =	vmul.bf16 v59, v58  }
0x1c6: {  	v25 =	vmul.bf16 v61, v60;
	v27 =	vmul.bf16 v63, v62;
	v24 =	vunpack.i.u.bf16.f32 v16  }
0x1c7: {  	v16 =	vunpack.i.l.bf16.f32 v16;
	v26 =	vunpack.i.u.bf16.f32 v17;
	v17 =	vunpack.i.l.bf16.f32 v17  }
0x1c8: {  	v28 =	vunpack.i.u.bf16.f32 v25;
	v19 =	vunpack.i.l.bf16.f32 v25;
	v29 =	vunpack.i.u.bf16.f32 v27  }
0x1c9: {  	v21 =	vunpack.i.l.bf16.f32 v27;
	v16 =	vadd.f32 v16, v24;
	v17 =	vadd.f32 v17, v26  }
0x1ca: {  	v18 =	vadd.f32 v19, v28;
	v30 =	vadd.f32 v21, v29;
	_ =	sdelay $0x1  }
0x1cb: {  	v16 =	vadd.f32 v17, v16;
	v17 =	vadd.f32 v30, v18;
	_ =	sdelay $0x1  }
0x1cc: {  	v16 =	vadd.f32 v17, v16;
	_ =	sdelay $0x1  }
0x1cd: {  	[tilespmem:$0x9E60] =	vst v16  }
0x1ce: {  	v16 =	vld [tilespmem:s28+$0x6360]  }
0x1cf: {  	v17 =	vld [tilespmem:s28+$0x8B60]  }
0x1d0: {  	v31 =	vld [tilespmem:s28+$0x6370]  }
0x1d1: {  	v32 =	vld [tilespmem:s28+$0x8B70]  }
0x1d2: {  	v33 =	vld [tilespmem:s28+$0x6380]  }
0x1d3: {  	v34 =	vld [tilespmem:s28+$0x8B80]  }
0x1d4: {  	v35 =	vld [tilespmem:s28+$0x6390]  }
0x1d5: {  	v36 =	vld [tilespmem:s28+$0x8B90];
	_ =	sdelay $0x2  }
0x1d6: {  	v16 =	vmul.bf16 v17, v16  }
0x1d7: {  	v17 =	vmul.bf16 v32, v31  }
0x1d8: {  	v38 =	vmul.bf16 v34, v33;
	v40 =	vmul.bf16 v36, v35;
	v37 =	vunpack.i.u.bf16.f32 v16  }
0x1d9: {  	v16 =	vunpack.i.l.bf16.f32 v16;
	v39 =	vunpack.i.u.bf16.f32 v17;
	v17 =	vunpack.i.l.bf16.f32 v17  }
0x1da: {  	v41 =	vunpack.i.u.bf16.f32 v38;
	v19 =	vunpack.i.l.bf16.f32 v38;
	v42 =	vunpack.i.u.bf16.f32 v40  }
0x1db: {  	v21 =	vunpack.i.l.bf16.f32 v40;
	v16 =	vadd.f32 v16, v37;
	v17 =	vadd.f32 v17, v39  }
0x1dc: {  	v18 =	vadd.f32 v19, v41;
	v43 =	vadd.f32 v21, v42;
	_ =	sdelay $0x1  }
0x1dd: {  	v16 =	vadd.f32 v17, v16;
	v17 =	vadd.f32 v43, v18;
	_ =	sdelay $0x1  }
0x1de: {  	v16 =	vadd.f32 v17, v16;
	_ =	sdelay $0x1  }
0x1df: {  	[tilespmem:$0x9E70] =	vst v16  }
0x1e0: {  	v16 =	vld [tilespmem:s28+$0x63A0]  }
0x1e1: {  	v17 =	vld [tilespmem:s28+$0x8BA0]  }
0x1e2: {  	v44 =	vld [tilespmem:s28+$0x63B0]  }
0x1e3: {  	v45 =	vld [tilespmem:s28+$0x8BB0]  }
0x1e4: {  	v46 =	vld [tilespmem:s28+$0x63C0]  }
0x1e5: {  	v47 =	vld [tilespmem:s28+$0x8BC0]  }
0x1e6: {  	v48 =	vld [tilespmem:s28+$0x63D0]  }
0x1e7: {  	v49 =	vld [tilespmem:s28+$0x8BD0];
	_ =	sdelay $0x2  }
0x1e8: {  	v16 =	vmul.bf16 v17, v16  }
0x1e9: {  	v17 =	vmul.bf16 v45, v44  }
0x1ea: {  	v51 =	vmul.bf16 v47, v46;
	v53 =	vmul.bf16 v49, v48;
	v50 =	vunpack.i.u.bf16.f32 v16  }
0x1eb: {  	v16 =	vunpack.i.l.bf16.f32 v16;
	v52 =	vunpack.i.u.bf16.f32 v17;
	v17 =	vunpack.i.l.bf16.f32 v17  }
0x1ec: {  	v54 =	vunpack.i.u.bf16.f32 v51;
	v19 =	vunpack.i.l.bf16.f32 v51;
	v55 =	vunpack.i.u.bf16.f32 v53  }
0x1ed: {  	v21 =	vunpack.i.l.bf16.f32 v53;
	v16 =	vadd.f32 v16, v50;
	v17 =	vadd.f32 v17, v52  }
0x1ee: {  	v18 =	vadd.f32 v19, v54;
	v56 =	vadd.f32 v21, v55;
	_ =	sdelay $0x1  }
0x1ef: {  	v16 =	vadd.f32 v17, v16;
	v17 =	vadd.f32 v56, v18;
	_ =	sdelay $0x1  }
0x1f0: {  	v16 =	vadd.f32 v17, v16;
	_ =	sdelay $0x1  }
0x1f1: {  	[tilespmem:$0x9E80] =	vst v16  }
0x1f2: {  	v16 =	vld [tilespmem:s28+$0x63E0]  }
0x1f3: {  	v17 =	vld [tilespmem:s28+$0x8BE0]  }
0x1f4: {  	v57 =	vld [tilespmem:s28+$0x63F0]  }
0x1f5: {  	v58 =	vld [tilespmem:s28+$0x8BF0]  }
0x1f6: {  	v59 =	vld [tilespmem:s28+$0x6400]  }
0x1f7: {  	v60 =	vld [tilespmem:s28+$0x8C00]  }
0x1f8: {  	v61 =	vld [tilespmem:s28+$0x6410]  }
0x1f9: {  	v62 =	vld [tilespmem:s28+$0x8C10];
	_ =	sdelay $0x2  }
0x1fa: {  	v16 =	vmul.bf16 v17, v16  }
0x1fb: {  	v17 =	vmul.bf16 v58, v57  }
0x1fc: {  	v24 =	vmul.bf16 v60, v59;
	v26 =	vmul.bf16 v62, v61;
	v63 =	vunpack.i.u.bf16.f32 v16  }
0x1fd: {  	v16 =	vunpack.i.l.bf16.f32 v16;
	v25 =	vunpack.i.u.bf16.f32 v17;
	v17 =	vunpack.i.l.bf16.f32 v17  }
0x1fe: {  	v27 =	vunpack.i.u.bf16.f32 v24;
	v19 =	vunpack.i.l.bf16.f32 v24;
	v28 =	vunpack.i.u.bf16.f32 v26  }
0x1ff: {  	v21 =	vunpack.i.l.bf16.f32 v26;
	v16 =	vadd.f32 v16, v63;
	v17 =	vadd.f32 v17, v25  }
0x200: {  	v18 =	vadd.f32 v19, v27;
	v29 =	vadd.f32 v21, v28;
	_ =	sdelay $0x1  }
0x201: {  	v16 =	vadd.f32 v17, v16;
	v17 =	vadd.f32 v29, v18;
	_ =	sdelay $0x1  }
0x202: {  	v16 =	vadd.f32 v17, v16;
	_ =	sdelay $0x1  }
0x203: {  	[tilespmem:$0x9E90] =	vst v16  }
0x204: {  	v16 =	vld [tilespmem:s28+$0x6420]  }
0x205: {  	v17 =	vld [tilespmem:s28+$0x8C20]  }
0x206: {  	v30 =	vld [tilespmem:s28+$0x6430]  }
0x207: {  	v31 =	vld [tilespmem:s28+$0x8C30]  }
0x208: {  	v32 =	vld [tilespmem:s28+$0x6440]  }
0x209: {  	v33 =	vld [tilespmem:s28+$0x8C40]  }
0x20a: {  	v34 =	vld [tilespmem:s28+$0x6450]  }
0x20b: {  	v35 =	vld [tilespmem:s28+$0x8C50];
	_ =	sdelay $0x2  }
0x20c: {  	v16 =	vmul.bf16 v17, v16  }
0x20d: {  	v17 =	vmul.bf16 v31, v30  }
0x20e: {  	v37 =	vmul.bf16 v33, v32;
	v39 =	vmul.bf16 v35, v34;
	v36 =	vunpack.i.u.bf16.f32 v16  }
0x20f: {  	v16 =	vunpack.i.l.bf16.f32 v16;
	v38 =	vunpack.i.u.bf16.f32 v17;
	v17 =	vunpack.i.l.bf16.f32 v17  }
0x210: {  	v40 =	vunpack.i.u.bf16.f32 v37;
	v19 =	vunpack.i.l.bf16.f32 v37;
	v41 =	vunpack.i.u.bf16.f32 v39  }
0x211: {  	v21 =	vunpack.i.l.bf16.f32 v39;
	v16 =	vadd.f32 v16, v36;
	v17 =	vadd.f32 v17, v38  }
0x212: {  	v18 =	vadd.f32 v19, v40;
	v42 =	vadd.f32 v21, v41;
	_ =	sdelay $0x1  }
0x213: {  	v16 =	vadd.f32 v17, v16;
	v17 =	vadd.f32 v42, v18;
	_ =	sdelay $0x1  }
0x214: {  	v16 =	vadd.f32 v17, v16;
	_ =	sdelay $0x1  }
0x215: {  	[tilespmem:$0x9EA0] =	vst v16  }
0x216: {  	v16 =	vld [tilespmem:s28+$0x6460]  }
0x217: {  	v17 =	vld [tilespmem:s28+$0x8C60]  }
0x218: {  	v43 =	vld [tilespmem:s28+$0x6470]  }
0x219: {  	v44 =	vld [tilespmem:s28+$0x8C70]  }
0x21a: {  	v45 =	vld [tilespmem:s28+$0x6480]  }
0x21b: {  	v46 =	vld [tilespmem:s28+$0x8C80]  }
0x21c: {  	v47 =	vld [tilespmem:s28+$0x6490]  }
0x21d: {  	v48 =	vld [tilespmem:s28+$0x8C90];
	_ =	sdelay $0x2  }
0x21e: {  	v16 =	vmul.bf16 v17, v16  }
0x21f: {  	v17 =	vmul.bf16 v44, v43  }
0x220: {  	v50 =	vmul.bf16 v46, v45;
	v52 =	vmul.bf16 v48, v47;
	v49 =	vunpack.i.u.bf16.f32 v16  }
0x221: {  	v16 =	vunpack.i.l.bf16.f32 v16;
	v51 =	vunpack.i.u.bf16.f32 v17;
	v17 =	vunpack.i.l.bf16.f32 v17  }
0x222: {  	v53 =	vunpack.i.u.bf16.f32 v50;
	v19 =	vunpack.i.l.bf16.f32 v50;
	v54 =	vunpack.i.u.bf16.f32 v52  }
0x223: {  	v21 =	vunpack.i.l.bf16.f32 v52;
	v16 =	vadd.f32 v16, v49;
	v17 =	vadd.f32 v17, v51  }
0x224: {  	v18 =	vadd.f32 v19, v53;
	v55 =	vadd.f32 v21, v54;
	_ =	sdelay $0x1  }
0x225: {  	v16 =	vadd.f32 v17, v16;
	v17 =	vadd.f32 v55, v18;
	_ =	sdelay $0x1  }
0x226: {  	v16 =	vadd.f32 v17, v16;
	_ =	sdelay $0x1  }
0x227: {  	[tilespmem:$0x9EB0] =	vst v16  }
0x228: {  	v16 =	vld [tilespmem:s28+$0x64A0]  }
0x229: {  	v17 =	vld [tilespmem:s28+$0x8CA0]  }
0x22a: {  	v56 =	vld [tilespmem:s28+$0x64B0]  }
0x22b: {  	v57 =	vld [tilespmem:s28+$0x8CB0]  }
0x22c: {  	v58 =	vld [tilespmem:s28+$0x64C0]  }
0x22d: {  	v59 =	vld [tilespmem:s28+$0x8CC0]  }
0x22e: {  	v60 =	vld [tilespmem:s28+$0x64D0]  }
0x22f: {  	v61 =	vld [tilespmem:s28+$0x8CD0];
	_ =	sdelay $0x2  }
0x230: {  	v16 =	vmul.bf16 v17, v16  }
0x231: {  	v17 =	vmul.bf16 v57, v56  }
0x232: {  	v63 =	vmul.bf16 v59, v58;
	v25 =	vmul.bf16 v61, v60;
	v62 =	vunpack.i.u.bf16.f32 v16  }
0x233: {  	v16 =	vunpack.i.l.bf16.f32 v16;
	v24 =	vunpack.i.u.bf16.f32 v17;
	v17 =	vunpack.i.l.bf16.f32 v17  }
0x234: {  	v26 =	vunpack.i.u.bf16.f32 v63;
	v19 =	vunpack.i.l.bf16.f32 v63;
	v27 =	vunpack.i.u.bf16.f32 v25  }
0x235: {  	v21 =	vunpack.i.l.bf16.f32 v25;
	v16 =	vadd.f32 v16, v62;
	v17 =	vadd.f32 v17, v24  }
0x236: {  	v18 =	vadd.f32 v19, v26;
	v28 =	vadd.f32 v21, v27;
	_ =	sdelay $0x1  }
0x237: {  	v16 =	vadd.f32 v17, v16;
	v17 =	vadd.f32 v28, v18;
	_ =	sdelay $0x1  }
0x238: {  	v16 =	vadd.f32 v17, v16;
	_ =	sdelay $0x1  }
0x239: {  	[tilespmem:$0x9EC0] =	vst v16  }
0x23a: {  	v16 =	vld [tilespmem:s28+$0x64E0]  }
0x23b: {  	v17 =	vld [tilespmem:s28+$0x8CE0]  }
0x23c: {  	v29 =	vld [tilespmem:s28+$0x64F0]  }
0x23d: {  	v30 =	vld [tilespmem:s28+$0x8CF0]  }
0x23e: {  	v31 =	vld [tilespmem:s28+$0x6500]  }
0x23f: {  	v32 =	vld [tilespmem:s28+$0x8D00]  }
0x240: {  	v33 =	vld [tilespmem:s28+$0x6510]  }
0x241: {  	v34 =	vld [tilespmem:s28+$0x8D10];
	_ =	sdelay $0x2  }
0x242: {  	v16 =	vmul.bf16 v17, v16  }
0x243: {  	v17 =	vmul.bf16 v30, v29  }
0x244: {  	v36 =	vmul.bf16 v32, v31;
	v38 =	vmul.bf16 v34, v33;
	v35 =	vunpack.i.u.bf16.f32 v16  }
0x245: {  	v16 =	vunpack.i.l.bf16.f32 v16;
	v37 =	vunpack.i.u.bf16.f32 v17;
	v17 =	vunpack.i.l.bf16.f32 v17  }
0x246: {  	v39 =	vunpack.i.u.bf16.f32 v36;
	v19 =	vunpack.i.l.bf16.f32 v36;
	v40 =	vunpack.i.u.bf16.f32 v38  }
0x247: {  	v21 =	vunpack.i.l.bf16.f32 v38;
	v16 =	vadd.f32 v16, v35;
	v17 =	vadd.f32 v17, v37  }
0x248: {  	v18 =	vadd.f32 v19, v39;
	v41 =	vadd.f32 v21, v40;
	_ =	sdelay $0x1  }
0x249: {  	v16 =	vadd.f32 v17, v16;
	v17 =	vadd.f32 v41, v18;
	_ =	sdelay $0x1  }
0x24a: {  	v16 =	vadd.f32 v17, v16;
	_ =	sdelay $0x1  }
0x24b: {  	[tilespmem:$0x9ED0] =	vst v16  }
0x24c: {  	v16 =	vld [tilespmem:s28+$0x6520]  }
0x24d: {  	v17 =	vld [tilespmem:s28+$0x8D20]  }
0x24e: {  	v42 =	vld [tilespmem:s28+$0x6530]  }
0x24f: {  	v43 =	vld [tilespmem:s28+$0x8D30]  }
0x250: {  	v44 =	vld [tilespmem:s28+$0x6540]  }
0x251: {  	v45 =	vld [tilespmem:s28+$0x8D40]  }
0x252: {  	v46 =	vld [tilespmem:s28+$0x6550]  }
0x253: {  	v47 =	vld [tilespmem:s28+$0x8D50];
	_ =	sdelay $0x2  }
0x254: {  	v16 =	vmul.bf16 v17, v16  }
0x255: {  	v17 =	vmul.bf16 v43, v42  }
0x256: {  	v49 =	vmul.bf16 v45, v44;
	v51 =	vmul.bf16 v47, v46;
	v48 =	vunpack.i.u.bf16.f32 v16  }
0x257: {  	v16 =	vunpack.i.l.bf16.f32 v16;
	v50 =	vunpack.i.u.bf16.f32 v17;
	v17 =	vunpack.i.l.bf16.f32 v17  }
0x258: {  	v52 =	vunpack.i.u.bf16.f32 v49;
	v19 =	vunpack.i.l.bf16.f32 v49;
	v53 =	vunpack.i.u.bf16.f32 v51  }
0x259: {  	v21 =	vunpack.i.l.bf16.f32 v51;
	v16 =	vadd.f32 v16, v48;
	v17 =	vadd.f32 v17, v50  }
0x25a: {  	v18 =	vadd.f32 v19, v52;
	v54 =	vadd.f32 v21, v53;
	_ =	sdelay $0x1  }
0x25b: {  	v16 =	vadd.f32 v17, v16;
	v17 =	vadd.f32 v54, v18;
	_ =	sdelay $0x1  }
0x25c: {  	v16 =	vadd.f32 v17, v16;
	_ =	sdelay $0x1  }
0x25d: {  	[tilespmem:$0x9EE0] =	vst v16  }
0x25e: {  	v16 =	vld [tilespmem:s28+$0x6560]  }
0x25f: {  	v17 =	vld [tilespmem:s28+$0x8D60]  }
0x260: {  	v55 =	vld [tilespmem:s28+$0x6570]  }
0x261: {  	v56 =	vld [tilespmem:s28+$0x8D70]  }
0x262: {  	v57 =	vld [tilespmem:s28+$0x6580]  }
0x263: {  	v58 =	vld [tilespmem:s28+$0x8D80]  }
0x264: {  	v59 =	vld [tilespmem:s28+$0x6590]  }
0x265: {  	v60 =	vld [tilespmem:s28+$0x8D90];
	_ =	sdelay $0x2  }
0x266: {  	v16 =	vmul.bf16 v17, v16  }
0x267: {  	v17 =	vmul.bf16 v56, v55  }
0x268: {  	v62 =	vmul.bf16 v58, v57;
	v24 =	vmul.bf16 v60, v59;
	v61 =	vunpack.i.u.bf16.f32 v16  }
0x269: {  	v16 =	vunpack.i.l.bf16.f32 v16;
	v63 =	vunpack.i.u.bf16.f32 v17;
	v17 =	vunpack.i.l.bf16.f32 v17  }
0x26a: {  	v25 =	vunpack.i.u.bf16.f32 v62;
	v19 =	vunpack.i.l.bf16.f32 v62;
	v26 =	vunpack.i.u.bf16.f32 v24  }
0x26b: {  	v21 =	vunpack.i.l.bf16.f32 v24;
	v16 =	vadd.f32 v16, v61;
	v17 =	vadd.f32 v17, v63  }
0x26c: {  	v18 =	vadd.f32 v19, v25;
	v27 =	vadd.f32 v21, v26;
	_ =	sdelay $0x1  }
0x26d: {  	v16 =	vadd.f32 v17, v16;
	v17 =	vadd.f32 v27, v18;
	_ =	sdelay $0x1  }
0x26e: {  	v16 =	vadd.f32 v17, v16;
	_ =	sdelay $0x1  }
0x26f: {  	[tilespmem:$0x9EF0] =	vst v16  }
0x270: {  	v16 =	vld [tilespmem:s28+$0x65A0]  }
0x271: {  	v17 =	vld [tilespmem:s28+$0x8DA0]  }
0x272: {  	v28 =	vld [tilespmem:s28+$0x65B0]  }
0x273: {  	v29 =	vld [tilespmem:s28+$0x8DB0]  }
0x274: {  	v30 =	vld [tilespmem:s28+$0x65C0]  }
0x275: {  	v31 =	vld [tilespmem:s28+$0x8DC0]  }
0x276: {  	v32 =	vld [tilespmem:s28+$0x65D0]  }
0x277: {  	v33 =	vld [tilespmem:s28+$0x8DD0];
	_ =	sdelay $0x2  }
0x278: {  	v16 =	vmul.bf16 v17, v16  }
0x279: {  	v17 =	vmul.bf16 v29, v28  }
0x27a: {  	v35 =	vmul.bf16 v31, v30;
	v37 =	vmul.bf16 v33, v32;
	v34 =	vunpack.i.u.bf16.f32 v16  }
0x27b: {  	v16 =	vunpack.i.l.bf16.f32 v16;
	v36 =	vunpack.i.u.bf16.f32 v17;
	v17 =	vunpack.i.l.bf16.f32 v17  }
0x27c: {  	v38 =	vunpack.i.u.bf16.f32 v35;
	v19 =	vunpack.i.l.bf16.f32 v35;
	v39 =	vunpack.i.u.bf16.f32 v37  }
0x27d: {  	v21 =	vunpack.i.l.bf16.f32 v37;
	v16 =	vadd.f32 v16, v34;
	v17 =	vadd.f32 v17, v36  }
0x27e: {  	v18 =	vadd.f32 v19, v38;
	v40 =	vadd.f32 v21, v39;
	_ =	sdelay $0x1  }
0x27f: {  	v16 =	vadd.f32 v17, v16;
	v17 =	vadd.f32 v40, v18;
	_ =	sdelay $0x1  }
0x280: {  	v16 =	vadd.f32 v17, v16;
	_ =	sdelay $0x1  }
0x281: {  	[tilespmem:$0x9F00] =	vst v16  }
0x282: {  	v16 =	vld [tilespmem:s28+$0x65E0]  }
0x283: {  	v17 =	vld [tilespmem:s28+$0x8DE0]  }
0x284: {  	v41 =	vld [tilespmem:s28+$0x65F0]  }
0x285: {  	v42 =	vld [tilespmem:s28+$0x8DF0]  }
0x286: {  	v43 =	vld [tilespmem:s28+$0x6600]  }
0x287: {  	v44 =	vld [tilespmem:s28+$0x8E00]  }
0x288: {  	v45 =	vld [tilespmem:s28+$0x6610]  }
0x289: {  	v46 =	vld [tilespmem:s28+$0x8E10];
	_ =	sdelay $0x2  }
0x28a: {  	v16 =	vmul.bf16 v17, v16  }
0x28b: {  	v17 =	vmul.bf16 v42, v41  }
0x28c: {  	v47 =	vmul.bf16 v44, v43;
	v49 =	vmul.bf16 v46, v45;
	v48 =	vunpack.i.u.bf16.f32 v16  }
0x28d: {  	v16 =	vunpack.i.l.bf16.f32 v16;
	v50 =	vunpack.i.u.bf16.f32 v17;
	v17 =	vunpack.i.l.bf16.f32 v17  }
0x28e: {  	v51 =	vunpack.i.u.bf16.f32 v47;
	v18 =	vunpack.i.l.bf16.f32 v47;
	v52 =	vunpack.i.u.bf16.f32 v49  }
0x28f: {  	v20 =	vunpack.i.l.bf16.f32 v49;
	v16 =	vadd.f32 v16, v48;
	v17 =	vadd.f32 v17, v50  }
0x290: {  	v18 =	vadd.f32 v18, v51;
	v53 =	vadd.f32 v20, v52;
	_ =	sdelay $0x1  }
0x291: {  	v16 =	vadd.f32 v17, v16;
	v17 =	vadd.f32 v53, v18;
	_ =	sdelay $0x1  }
0x292: {  	v16 =	vadd.f32 v17, v16;
	_ =	sdelay $0x1  }
0x293: {  	[tilespmem:$0x9F10] =	vst v16  }
0x294: {  	v16 =	vld.idx.msk [tilespmem:v0+s17+$0x0], $0xffff;
	_ =	sdelay $0x1  }
0x295: {  	v17 =	vld.idx.msk [tilespmem:v1+s17+$0x0], $0xffff;
	_ =	sdelay $0x1  }
0x296: {  	v54 =	vld.idx.msk [tilespmem:v2+s17+$0x0], $0xffff  }
0x297: {  	v16 =	vadd.f32 $0.0e+00, v16  }
0x298: {  	v55 =	vld.idx.msk [tilespmem:v3+s17+$0x0], $0xffff  }
0x299: {  	v16 =	vadd.f32 v17, v16  }
0x29a: {  	v17 =	vld.idx.msk [tilespmem:v4+s17+$0x0], $0xffff  }
0x29b: {  	v16 =	vadd.f32 v54, v16  }
0x29c: {  	v56 =	vld.idx.msk [tilespmem:v5+s17+$0x0], $0xffff  }
0x29d: {  	v16 =	vadd.f32 v55, v16  }
0x29e: {  	v57 =	vld.idx.msk [tilespmem:v6+s17+$0x0], $0xffff  }
0x29f: {  	v16 =	vadd.f32 v17, v16  }
0x2a0: {  	v17 =	vld.idx.msk [tilespmem:v7+s17+$0x0], $0xffff  }
0x2a1: {  	v16 =	vadd.f32 v56, v16  }
0x2a2: {  	v58 =	vld.idx.msk [tilespmem:v8+s17+$0x0], $0xffff  }
0x2a3: {  	v16 =	vadd.f32 v57, v16  }
0x2a4: {  	v59 =	vld.idx.msk [tilespmem:v9+s17+$0x0], $0xffff  }
0x2a5: {  	v16 =	vadd.f32 v17, v16  }
0x2a6: {  	v17 =	vld.idx.msk [tilespmem:v10+s17+$0x0], $0xffff  }
0x2a7: {  	v16 =	vadd.f32 v58, v16  }
0x2a8: {  	v60 =	vld.idx.msk [tilespmem:v11+s17+$0x0], $0xffff  }
0x2a9: {  	v16 =	vadd.f32 v59, v16  }
0x2aa: {  	v61 =	vld.idx.msk [tilespmem:v12+s17+$0x0], $0xffff  }
0x2ab: {  	v16 =	vadd.f32 v17, v16  }
0x2ac: {  	v17 =	vld.idx.msk [tilespmem:v13+s17+$0x0], $0xffff  }
0x2ad: {  	v16 =	vadd.f32 v60, v16  }
0x2ae: {  	v62 =	vld.idx.msk [tilespmem:v14+s17+$0x0], $0xffff  }
0x2af: {  	v16 =	vadd.f32 v61, v16  }
0x2b0: {  	v63 =	vld.idx.msk [tilespmem:v15+s17+$0x0], $0xffff  }
0x2b1: {  	v16 =	vadd.f32 v17, v16  }
0x2b2: {  	p0 =	sne.s32 s25, $0x4000  }
.Ltmp1:
0x2b3: {  	v16 =	vadd.f32 v62, v16;
	(pc) =	sbr.rel @p0 .LBB2_5-.Ltmp1, $3  }
0x2b4: {  	_ = 	snop  }
0x2b5: {  	v16 =	vadd.f32 v63, v16;
	_ =	sdelay $0x1  }
0x2b6: {  	s25 =	sadd.s32 $0x1000, s25;
	[tilespmem:s26+$0x0] =	vst v16;
	s26 =	sadd.s32 $0x10, s26  }
0x2b7: {  	s24 =	sadd.s32 $0x1, s24  }
0x2b8: {  	p0 =	sne.s32 s24, $0x3E  }
.Ltmp2:
0x2b9: {  	_ = 	snop;
	(pc) =	sbr.rel @p0 .LBB2_2-.Ltmp2, $2  }
0x2ba: {  	_ =	sdelay $0x2  }
0x2bb: {  	s23 =	sadd.s32 $0xA0, s23;
	s22 =	sadd.s32 $0xA0, s22  }
0x2bc: {  	_ =	swait.ge [sflag:s15], $0x1400  }
0x2bd: {  	[sflag:s15] =	ssyncset.done $0x0  }
0x2be: {  	[sflag:s15] =	ssyncadd.s32 $0xFFFFEC00  }
0x2bf: {  	_ =	swait.ge [sflag:s16], $0x1400  }
0x2c0: {  	[sflag:s16] =	ssyncset.done $0x0  }
0x2c1: {  	s22 =	simm.s32 $0xFC0;
	s23 =	simm.s32 $0xC5E0;
	[sflag:s16] =	ssyncadd.s32 $0xFFFFEC00  }
.LBB2_8:
0x2c2: {  	s24 =	sshra.s32 s22, $0x2  }
0x2c3: {  	v16 =	vld [tilespmem:s24+$0x4A30]  }
0x2c4: {  	v17 =	vld [tilespmem:s24+$0x7230]  }
0x2c5: {  	v18 =	vld [tilespmem:s24+$0x4A40]  }
0x2c6: {  	v19 =	vld [tilespmem:s24+$0x7240]  }
0x2c7: {  	v20 =	vld [tilespmem:s24+$0x4A50]  }
0x2c8: {  	v21 =	vld [tilespmem:s24+$0x7250]  }
0x2c9: {  	v22 =	vld [tilespmem:s24+$0x4A60]  }
0x2ca: {  	v23 =	vld [tilespmem:s24+$0x7260];
	_ =	sdelay $0x2  }
0x2cb: {  	v16 =	vmul.bf16 v17, v16  }
0x2cc: {  	v17 =	vmul.bf16 v19, v18  }
0x2cd: {  	v53 =	vmul.bf16 v21, v20;
	v55 =	vmul.bf16 v23, v22;
	v52 =	vunpack.i.u.bf16.f32 v16  }
0x2ce: {  	v16 =	vunpack.i.l.bf16.f32 v16;
	v54 =	vunpack.i.u.bf16.f32 v17;
	v17 =	vunpack.i.l.bf16.f32 v17  }
0x2cf: {  	v56 =	vunpack.i.u.bf16.f32 v53;
	v19 =	vunpack.i.l.bf16.f32 v53;
	v57 =	vunpack.i.u.bf16.f32 v55  }
0x2d0: {  	v21 =	vunpack.i.l.bf16.f32 v55;
	v16 =	vadd.f32 v16, v52;
	v17 =	vadd.f32 v17, v54  }
0x2d1: {  	v18 =	vadd.f32 v19, v56;
	v58 =	vadd.f32 v21, v57;
	_ =	sdelay $0x1  }
0x2d2: {  	v16 =	vadd.f32 v17, v16;
	v17 =	vadd.f32 v58, v18;
	_ =	sdelay $0x1  }
0x2d3: {  	v16 =	vadd.f32 v17, v16;
	_ =	sdelay $0x1  }
0x2d4: {  	[tilespmem:$0x9E20] =	vst v16  }
0x2d5: {  	v16 =	vld [tilespmem:s24+$0x4A70]  }
0x2d6: {  	v17 =	vld [tilespmem:s24+$0x7270]  }
0x2d7: {  	v59 =	vld [tilespmem:s24+$0x4A80]  }
0x2d8: {  	v60 =	vld [tilespmem:s24+$0x7280]  }
0x2d9: {  	v61 =	vld [tilespmem:s24+$0x4A90]  }
0x2da: {  	v62 =	vld [tilespmem:s24+$0x7290]  }
0x2db: {  	v63 =	vld [tilespmem:s24+$0x4AA0]  }
0x2dc: {  	v24 =	vld [tilespmem:s24+$0x72A0];
	_ =	sdelay $0x2  }
0x2dd: {  	v16 =	vmul.bf16 v17, v16  }
0x2de: {  	v17 =	vmul.bf16 v60, v59  }
0x2df: {  	v26 =	vmul.bf16 v62, v61;
	v28 =	vmul.bf16 v24, v63;
	v25 =	vunpack.i.u.bf16.f32 v16  }
0x2e0: {  	v16 =	vunpack.i.l.bf16.f32 v16;
	v27 =	vunpack.i.u.bf16.f32 v17;
	v17 =	vunpack.i.l.bf16.f32 v17  }
0x2e1: {  	v29 =	vunpack.i.u.bf16.f32 v26;
	v19 =	vunpack.i.l.bf16.f32 v26;
	v30 =	vunpack.i.u.bf16.f32 v28  }
0x2e2: {  	v21 =	vunpack.i.l.bf16.f32 v28;
	v16 =	vadd.f32 v16, v25;
	v17 =	vadd.f32 v17, v27  }
0x2e3: {  	v18 =	vadd.f32 v19, v29;
	v31 =	vadd.f32 v21, v30;
	_ =	sdelay $0x1  }
0x2e4: {  	v16 =	vadd.f32 v17, v16;
	v17 =	vadd.f32 v31, v18;
	_ =	sdelay $0x1  }
0x2e5: {  	v16 =	vadd.f32 v17, v16;
	_ =	sdelay $0x1  }
0x2e6: {  	[tilespmem:$0x9E30] =	vst v16  }
0x2e7: {  	v16 =	vld [tilespmem:s24+$0x4AB0]  }
0x2e8: {  	v17 =	vld [tilespmem:s24+$0x72B0]  }
0x2e9: {  	v32 =	vld [tilespmem:s24+$0x4AC0]  }
0x2ea: {  	v33 =	vld [tilespmem:s24+$0x72C0]  }
0x2eb: {  	v34 =	vld [tilespmem:s24+$0x4AD0]  }
0x2ec: {  	v35 =	vld [tilespmem:s24+$0x72D0]  }
0x2ed: {  	v36 =	vld [tilespmem:s24+$0x4AE0]  }
0x2ee: {  	v37 =	vld [tilespmem:s24+$0x72E0];
	_ =	sdelay $0x2  }
0x2ef: {  	v16 =	vmul.bf16 v17, v16  }
0x2f0: {  	v17 =	vmul.bf16 v33, v32  }
0x2f1: {  	v39 =	vmul.bf16 v35, v34;
	v41 =	vmul.bf16 v37, v36;
	v38 =	vunpack.i.u.bf16.f32 v16  }
0x2f2: {  	v16 =	vunpack.i.l.bf16.f32 v16;
	v40 =	vunpack.i.u.bf16.f32 v17;
	v17 =	vunpack.i.l.bf16.f32 v17  }
0x2f3: {  	v42 =	vunpack.i.u.bf16.f32 v39;
	v19 =	vunpack.i.l.bf16.f32 v39;
	v43 =	vunpack.i.u.bf16.f32 v41  }
0x2f4: {  	v21 =	vunpack.i.l.bf16.f32 v41;
	v16 =	vadd.f32 v16, v38;
	v17 =	vadd.f32 v17, v40  }
0x2f5: {  	v18 =	vadd.f32 v19, v42;
	v44 =	vadd.f32 v21, v43;
	_ =	sdelay $0x1  }
0x2f6: {  	v16 =	vadd.f32 v17, v16;
	v17 =	vadd.f32 v44, v18;
	_ =	sdelay $0x1  }
0x2f7: {  	v16 =	vadd.f32 v17, v16;
	_ =	sdelay $0x1  }
0x2f8: {  	[tilespmem:$0x9E40] =	vst v16  }
0x2f9: {  	v16 =	vld [tilespmem:s24+$0x4AF0]  }
0x2fa: {  	v17 =	vld [tilespmem:s24+$0x72F0]  }
0x2fb: {  	v45 =	vld [tilespmem:s24+$0x4B00]  }
0x2fc: {  	v46 =	vld [tilespmem:s24+$0x7300]  }
0x2fd: {  	v47 =	vld [tilespmem:s24+$0x4B10]  }
0x2fe: {  	v48 =	vld [tilespmem:s24+$0x7310]  }
0x2ff: {  	v49 =	vld [tilespmem:s24+$0x4B20]  }
0x300: {  	v50 =	vld [tilespmem:s24+$0x7320];
	_ =	sdelay $0x2  }
0x301: {  	v16 =	vmul.bf16 v17, v16  }
0x302: {  	v17 =	vmul.bf16 v46, v45  }
0x303: {  	v52 =	vmul.bf16 v48, v47;
	v54 =	vmul.bf16 v50, v49;
	v51 =	vunpack.i.u.bf16.f32 v16  }
0x304: {  	v16 =	vunpack.i.l.bf16.f32 v16;
	v53 =	vunpack.i.u.bf16.f32 v17;
	v17 =	vunpack.i.l.bf16.f32 v17  }
0x305: {  	v55 =	vunpack.i.u.bf16.f32 v52;
	v19 =	vunpack.i.l.bf16.f32 v52;
	v56 =	vunpack.i.u.bf16.f32 v54  }
0x306: {  	v21 =	vunpack.i.l.bf16.f32 v54;
	v16 =	vadd.f32 v16, v51;
	v17 =	vadd.f32 v17, v53  }
0x307: {  	v18 =	vadd.f32 v19, v55;
	v57 =	vadd.f32 v21, v56;
	_ =	sdelay $0x1  }
0x308: {  	v16 =	vadd.f32 v17, v16;
	v17 =	vadd.f32 v57, v18;
	_ =	sdelay $0x1  }
0x309: {  	v16 =	vadd.f32 v17, v16;
	_ =	sdelay $0x1  }
0x30a: {  	[tilespmem:$0x9E50] =	vst v16  }
0x30b: {  	v16 =	vld [tilespmem:s24+$0x4B30]  }
0x30c: {  	v17 =	vld [tilespmem:s24+$0x7330]  }
0x30d: {  	v58 =	vld [tilespmem:s24+$0x4B40]  }
0x30e: {  	v59 =	vld [tilespmem:s24+$0x7340]  }
0x30f: {  	v60 =	vld [tilespmem:s24+$0x4B50]  }
0x310: {  	v61 =	vld [tilespmem:s24+$0x7350]  }
0x311: {  	v62 =	vld [tilespmem:s24+$0x4B60]  }
0x312: {  	v63 =	vld [tilespmem:s24+$0x7360];
	_ =	sdelay $0x2  }
0x313: {  	v16 =	vmul.bf16 v17, v16  }
0x314: {  	v17 =	vmul.bf16 v59, v58  }
0x315: {  	v25 =	vmul.bf16 v61, v60;
	v27 =	vmul.bf16 v63, v62;
	v24 =	vunpack.i.u.bf16.f32 v16  }
0x316: {  	v16 =	vunpack.i.l.bf16.f32 v16;
	v26 =	vunpack.i.u.bf16.f32 v17;
	v17 =	vunpack.i.l.bf16.f32 v17  }
0x317: {  	v28 =	vunpack.i.u.bf16.f32 v25;
	v19 =	vunpack.i.l.bf16.f32 v25;
	v29 =	vunpack.i.u.bf16.f32 v27  }
0x318: {  	v21 =	vunpack.i.l.bf16.f32 v27;
	v16 =	vadd.f32 v16, v24;
	v17 =	vadd.f32 v17, v26  }
0x319: {  	v18 =	vadd.f32 v19, v28;
	v30 =	vadd.f32 v21, v29;
	_ =	sdelay $0x1  }
0x31a: {  	v16 =	vadd.f32 v17, v16;
	v17 =	vadd.f32 v30, v18;
	_ =	sdelay $0x1  }
0x31b: {  	v16 =	vadd.f32 v17, v16;
	_ =	sdelay $0x1  }
0x31c: {  	[tilespmem:$0x9E60] =	vst v16  }
0x31d: {  	v16 =	vld [tilespmem:s24+$0x4B70]  }
0x31e: {  	v17 =	vld [tilespmem:s24+$0x7370]  }
0x31f: {  	v31 =	vld [tilespmem:s24+$0x4B80]  }
0x320: {  	v32 =	vld [tilespmem:s24+$0x7380]  }
0x321: {  	v33 =	vld [tilespmem:s24+$0x4B90]  }
0x322: {  	v34 =	vld [tilespmem:s24+$0x7390]  }
0x323: {  	v35 =	vld [tilespmem:s24+$0x4BA0]  }
0x324: {  	v36 =	vld [tilespmem:s24+$0x73A0];
	_ =	sdelay $0x2  }
0x325: {  	v16 =	vmul.bf16 v17, v16  }
0x326: {  	v17 =	vmul.bf16 v32, v31  }
0x327: {  	v38 =	vmul.bf16 v34, v33;
	v40 =	vmul.bf16 v36, v35;
	v37 =	vunpack.i.u.bf16.f32 v16  }
0x328: {  	v16 =	vunpack.i.l.bf16.f32 v16;
	v39 =	vunpack.i.u.bf16.f32 v17;
	v17 =	vunpack.i.l.bf16.f32 v17  }
0x329: {  	v41 =	vunpack.i.u.bf16.f32 v38;
	v19 =	vunpack.i.l.bf16.f32 v38;
	v42 =	vunpack.i.u.bf16.f32 v40  }
0x32a: {  	v21 =	vunpack.i.l.bf16.f32 v40;
	v16 =	vadd.f32 v16, v37;
	v17 =	vadd.f32 v17, v39  }
0x32b: {  	v18 =	vadd.f32 v19, v41;
	v43 =	vadd.f32 v21, v42;
	_ =	sdelay $0x1  }
0x32c: {  	v16 =	vadd.f32 v17, v16;
	v17 =	vadd.f32 v43, v18;
	_ =	sdelay $0x1  }
0x32d: {  	v16 =	vadd.f32 v17, v16;
	_ =	sdelay $0x1  }
0x32e: {  	[tilespmem:$0x9E70] =	vst v16  }
0x32f: {  	v16 =	vld [tilespmem:s24+$0x4BB0]  }
0x330: {  	v17 =	vld [tilespmem:s24+$0x73B0]  }
0x331: {  	v44 =	vld [tilespmem:s24+$0x4BC0]  }
0x332: {  	v45 =	vld [tilespmem:s24+$0x73C0]  }
0x333: {  	v46 =	vld [tilespmem:s24+$0x4BD0]  }
0x334: {  	v47 =	vld [tilespmem:s24+$0x73D0]  }
0x335: {  	v48 =	vld [tilespmem:s24+$0x4BE0]  }
0x336: {  	v49 =	vld [tilespmem:s24+$0x73E0];
	_ =	sdelay $0x2  }
0x337: {  	v16 =	vmul.bf16 v17, v16  }
0x338: {  	v17 =	vmul.bf16 v45, v44  }
0x339: {  	v51 =	vmul.bf16 v47, v46;
	v53 =	vmul.bf16 v49, v48;
	v50 =	vunpack.i.u.bf16.f32 v16  }
0x33a: {  	v16 =	vunpack.i.l.bf16.f32 v16;
	v52 =	vunpack.i.u.bf16.f32 v17;
	v17 =	vunpack.i.l.bf16.f32 v17  }
0x33b: {  	v54 =	vunpack.i.u.bf16.f32 v51;
	v19 =	vunpack.i.l.bf16.f32 v51;
	v55 =	vunpack.i.u.bf16.f32 v53  }
0x33c: {  	v21 =	vunpack.i.l.bf16.f32 v53;
	v16 =	vadd.f32 v16, v50;
	v17 =	vadd.f32 v17, v52  }
0x33d: {  	v18 =	vadd.f32 v19, v54;
	v56 =	vadd.f32 v21, v55;
	_ =	sdelay $0x1  }
0x33e: {  	v16 =	vadd.f32 v17, v16;
	v17 =	vadd.f32 v56, v18;
	_ =	sdelay $0x1  }
0x33f: {  	v16 =	vadd.f32 v17, v16;
	_ =	sdelay $0x1  }
0x340: {  	[tilespmem:$0x9E80] =	vst v16  }
0x341: {  	v16 =	vld [tilespmem:s24+$0x4BF0]  }
0x342: {  	v17 =	vld [tilespmem:s24+$0x73F0]  }
0x343: {  	v57 =	vld [tilespmem:s24+$0x4C00]  }
0x344: {  	v58 =	vld [tilespmem:s24+$0x7400]  }
0x345: {  	v59 =	vld [tilespmem:s24+$0x4C10]  }
0x346: {  	v60 =	vld [tilespmem:s24+$0x7410]  }
0x347: {  	v61 =	vld [tilespmem:s24+$0x4C20]  }
0x348: {  	v62 =	vld [tilespmem:s24+$0x7420];
	_ =	sdelay $0x2  }
0x349: {  	v16 =	vmul.bf16 v17, v16  }
0x34a: {  	v17 =	vmul.bf16 v58, v57  }
0x34b: {  	v24 =	vmul.bf16 v60, v59;
	v26 =	vmul.bf16 v62, v61;
	v63 =	vunpack.i.u.bf16.f32 v16  }
0x34c: {  	v16 =	vunpack.i.l.bf16.f32 v16;
	v25 =	vunpack.i.u.bf16.f32 v17;
	v17 =	vunpack.i.l.bf16.f32 v17  }
0x34d: {  	v27 =	vunpack.i.u.bf16.f32 v24;
	v19 =	vunpack.i.l.bf16.f32 v24;
	v28 =	vunpack.i.u.bf16.f32 v26  }
0x34e: {  	v21 =	vunpack.i.l.bf16.f32 v26;
	v16 =	vadd.f32 v16, v63;
	v17 =	vadd.f32 v17, v25  }
0x34f: {  	v18 =	vadd.f32 v19, v27;
	v29 =	vadd.f32 v21, v28;
	_ =	sdelay $0x1  }
0x350: {  	v16 =	vadd.f32 v17, v16;
	v17 =	vadd.f32 v29, v18;
	_ =	sdelay $0x1  }
0x351: {  	v16 =	vadd.f32 v17, v16;
	_ =	sdelay $0x1  }
0x352: {  	[tilespmem:$0x9E90] =	vst v16  }
0x353: {  	v16 =	vld [tilespmem:s24+$0x4C30]  }
0x354: {  	v17 =	vld [tilespmem:s24+$0x7430]  }
0x355: {  	v30 =	vld [tilespmem:s24+$0x4C40]  }
0x356: {  	v31 =	vld [tilespmem:s24+$0x7440]  }
0x357: {  	v32 =	vld [tilespmem:s24+$0x4C50]  }
0x358: {  	v33 =	vld [tilespmem:s24+$0x7450]  }
0x359: {  	v34 =	vld [tilespmem:s24+$0x4C60]  }
0x35a: {  	v35 =	vld [tilespmem:s24+$0x7460];
	_ =	sdelay $0x2  }
0x35b: {  	v16 =	vmul.bf16 v17, v16  }
0x35c: {  	v17 =	vmul.bf16 v31, v30  }
0x35d: {  	v37 =	vmul.bf16 v33, v32;
	v39 =	vmul.bf16 v35, v34;
	v36 =	vunpack.i.u.bf16.f32 v16  }
0x35e: {  	v16 =	vunpack.i.l.bf16.f32 v16;
	v38 =	vunpack.i.u.bf16.f32 v17;
	v17 =	vunpack.i.l.bf16.f32 v17  }
0x35f: {  	v40 =	vunpack.i.u.bf16.f32 v37;
	v19 =	vunpack.i.l.bf16.f32 v37;
	v41 =	vunpack.i.u.bf16.f32 v39  }
0x360: {  	v21 =	vunpack.i.l.bf16.f32 v39;
	v16 =	vadd.f32 v16, v36;
	v17 =	vadd.f32 v17, v38  }
0x361: {  	v18 =	vadd.f32 v19, v40;
	v42 =	vadd.f32 v21, v41;
	_ =	sdelay $0x1  }
0x362: {  	v16 =	vadd.f32 v17, v16;
	v17 =	vadd.f32 v42, v18;
	_ =	sdelay $0x1  }
0x363: {  	v16 =	vadd.f32 v17, v16;
	_ =	sdelay $0x1  }
0x364: {  	[tilespmem:$0x9EA0] =	vst v16  }
0x365: {  	v16 =	vld [tilespmem:s24+$0x4C70]  }
0x366: {  	v17 =	vld [tilespmem:s24+$0x7470]  }
0x367: {  	v43 =	vld [tilespmem:s24+$0x4C80]  }
0x368: {  	v44 =	vld [tilespmem:s24+$0x7480]  }
0x369: {  	v45 =	vld [tilespmem:s24+$0x4C90]  }
0x36a: {  	v46 =	vld [tilespmem:s24+$0x7490]  }
0x36b: {  	v47 =	vld [tilespmem:s24+$0x4CA0]  }
0x36c: {  	v48 =	vld [tilespmem:s24+$0x74A0];
	_ =	sdelay $0x2  }
0x36d: {  	v16 =	vmul.bf16 v17, v16  }
0x36e: {  	v17 =	vmul.bf16 v44, v43  }
0x36f: {  	v50 =	vmul.bf16 v46, v45;
	v52 =	vmul.bf16 v48, v47;
	v49 =	vunpack.i.u.bf16.f32 v16  }
0x370: {  	v16 =	vunpack.i.l.bf16.f32 v16;
	v51 =	vunpack.i.u.bf16.f32 v17;
	v17 =	vunpack.i.l.bf16.f32 v17  }
0x371: {  	v53 =	vunpack.i.u.bf16.f32 v50;
	v19 =	vunpack.i.l.bf16.f32 v50;
	v54 =	vunpack.i.u.bf16.f32 v52  }
0x372: {  	v21 =	vunpack.i.l.bf16.f32 v52;
	v16 =	vadd.f32 v16, v49;
	v17 =	vadd.f32 v17, v51  }
0x373: {  	v18 =	vadd.f32 v19, v53;
	v55 =	vadd.f32 v21, v54;
	_ =	sdelay $0x1  }
0x374: {  	v16 =	vadd.f32 v17, v16;
	v17 =	vadd.f32 v55, v18;
	_ =	sdelay $0x1  }
0x375: {  	v16 =	vadd.f32 v17, v16;
	_ =	sdelay $0x1  }
0x376: {  	[tilespmem:$0x9EB0] =	vst v16  }
0x377: {  	v16 =	vld [tilespmem:s24+$0x4CB0]  }
0x378: {  	v17 =	vld [tilespmem:s24+$0x74B0]  }
0x379: {  	v56 =	vld [tilespmem:s24+$0x4CC0]  }
0x37a: {  	v57 =	vld [tilespmem:s24+$0x74C0]  }
0x37b: {  	v58 =	vld [tilespmem:s24+$0x4CD0]  }
0x37c: {  	v59 =	vld [tilespmem:s24+$0x74D0]  }
0x37d: {  	v60 =	vld [tilespmem:s24+$0x4CE0]  }
0x37e: {  	v61 =	vld [tilespmem:s24+$0x74E0];
	_ =	sdelay $0x2  }
0x37f: {  	v16 =	vmul.bf16 v17, v16  }
0x380: {  	v17 =	vmul.bf16 v57, v56  }
0x381: {  	v63 =	vmul.bf16 v59, v58;
	v25 =	vmul.bf16 v61, v60;
	v62 =	vunpack.i.u.bf16.f32 v16  }
0x382: {  	v16 =	vunpack.i.l.bf16.f32 v16;
	v24 =	vunpack.i.u.bf16.f32 v17;
	v17 =	vunpack.i.l.bf16.f32 v17  }
0x383: {  	v26 =	vunpack.i.u.bf16.f32 v63;
	v19 =	vunpack.i.l.bf16.f32 v63;
	v27 =	vunpack.i.u.bf16.f32 v25  }
0x384: {  	v21 =	vunpack.i.l.bf16.f32 v25;
	v16 =	vadd.f32 v16, v62;
	v17 =	vadd.f32 v17, v24  }
0x385: {  	v18 =	vadd.f32 v19, v26;
	v28 =	vadd.f32 v21, v27;
	_ =	sdelay $0x1  }
0x386: {  	v16 =	vadd.f32 v17, v16;
	v17 =	vadd.f32 v28, v18;
	_ =	sdelay $0x1  }
0x387: {  	v16 =	vadd.f32 v17, v16;
	_ =	sdelay $0x1  }
0x388: {  	[tilespmem:$0x9EC0] =	vst v16  }
0x389: {  	v16 =	vld [tilespmem:s24+$0x4CF0]  }
0x38a: {  	v17 =	vld [tilespmem:s24+$0x74F0]  }
0x38b: {  	v29 =	vld [tilespmem:s24+$0x4D00]  }
0x38c: {  	v30 =	vld [tilespmem:s24+$0x7500]  }
0x38d: {  	v31 =	vld [tilespmem:s24+$0x4D10]  }
0x38e: {  	v32 =	vld [tilespmem:s24+$0x7510]  }
0x38f: {  	v33 =	vld [tilespmem:s24+$0x4D20]  }
0x390: {  	v34 =	vld [tilespmem:s24+$0x7520];
	_ =	sdelay $0x2  }
0x391: {  	v16 =	vmul.bf16 v17, v16  }
0x392: {  	v17 =	vmul.bf16 v30, v29  }
0x393: {  	v36 =	vmul.bf16 v32, v31;
	v38 =	vmul.bf16 v34, v33;
	v35 =	vunpack.i.u.bf16.f32 v16  }
0x394: {  	v16 =	vunpack.i.l.bf16.f32 v16;
	v37 =	vunpack.i.u.bf16.f32 v17;
	v17 =	vunpack.i.l.bf16.f32 v17  }
0x395: {  	v39 =	vunpack.i.u.bf16.f32 v36;
	v19 =	vunpack.i.l.bf16.f32 v36;
	v40 =	vunpack.i.u.bf16.f32 v38  }
0x396: {  	v21 =	vunpack.i.l.bf16.f32 v38;
	v16 =	vadd.f32 v16, v35;
	v17 =	vadd.f32 v17, v37  }
0x397: {  	v18 =	vadd.f32 v19, v39;
	v41 =	vadd.f32 v21, v40;
	_ =	sdelay $0x1  }
0x398: {  	v16 =	vadd.f32 v17, v16;
	v17 =	vadd.f32 v41, v18;
	_ =	sdelay $0x1  }
0x399: {  	v16 =	vadd.f32 v17, v16;
	_ =	sdelay $0x1  }
0x39a: {  	[tilespmem:$0x9ED0] =	vst v16  }
0x39b: {  	v16 =	vld [tilespmem:s24+$0x4D30]  }
0x39c: {  	v17 =	vld [tilespmem:s24+$0x7530]  }
0x39d: {  	v42 =	vld [tilespmem:s24+$0x4D40]  }
0x39e: {  	v43 =	vld [tilespmem:s24+$0x7540]  }
0x39f: {  	v44 =	vld [tilespmem:s24+$0x4D50]  }
0x3a0: {  	v45 =	vld [tilespmem:s24+$0x7550]  }
0x3a1: {  	v46 =	vld [tilespmem:s24+$0x4D60]  }
0x3a2: {  	v47 =	vld [tilespmem:s24+$0x7560];
	_ =	sdelay $0x2  }
0x3a3: {  	v16 =	vmul.bf16 v17, v16  }
0x3a4: {  	v17 =	vmul.bf16 v43, v42  }
0x3a5: {  	v49 =	vmul.bf16 v45, v44;
	v51 =	vmul.bf16 v47, v46;
	v48 =	vunpack.i.u.bf16.f32 v16  }
0x3a6: {  	v16 =	vunpack.i.l.bf16.f32 v16;
	v50 =	vunpack.i.u.bf16.f32 v17;
	v17 =	vunpack.i.l.bf16.f32 v17  }
0x3a7: {  	v52 =	vunpack.i.u.bf16.f32 v49;
	v19 =	vunpack.i.l.bf16.f32 v49;
	v53 =	vunpack.i.u.bf16.f32 v51  }
0x3a8: {  	v21 =	vunpack.i.l.bf16.f32 v51;
	v16 =	vadd.f32 v16, v48;
	v17 =	vadd.f32 v17, v50  }
0x3a9: {  	v18 =	vadd.f32 v19, v52;
	v54 =	vadd.f32 v21, v53;
	_ =	sdelay $0x1  }
0x3aa: {  	v16 =	vadd.f32 v17, v16;
	v17 =	vadd.f32 v54, v18;
	_ =	sdelay $0x1  }
0x3ab: {  	v16 =	vadd.f32 v17, v16;
	_ =	sdelay $0x1  }
0x3ac: {  	[tilespmem:$0x9EE0] =	vst v16  }
0x3ad: {  	v16 =	vld [tilespmem:s24+$0x4D70]  }
0x3ae: {  	v17 =	vld [tilespmem:s24+$0x7570]  }
0x3af: {  	v55 =	vld [tilespmem:s24+$0x4D80]  }
0x3b0: {  	v56 =	vld [tilespmem:s24+$0x7580]  }
0x3b1: {  	v57 =	vld [tilespmem:s24+$0x4D90]  }
0x3b2: {  	v58 =	vld [tilespmem:s24+$0x7590]  }
0x3b3: {  	v59 =	vld [tilespmem:s24+$0x4DA0]  }
0x3b4: {  	v60 =	vld [tilespmem:s24+$0x75A0];
	_ =	sdelay $0x2  }
0x3b5: {  	v16 =	vmul.bf16 v17, v16  }
0x3b6: {  	v17 =	vmul.bf16 v56, v55  }
0x3b7: {  	v62 =	vmul.bf16 v58, v57;
	v24 =	vmul.bf16 v60, v59;
	v61 =	vunpack.i.u.bf16.f32 v16  }
0x3b8: {  	v16 =	vunpack.i.l.bf16.f32 v16;
	v63 =	vunpack.i.u.bf16.f32 v17;
	v17 =	vunpack.i.l.bf16.f32 v17  }
0x3b9: {  	v25 =	vunpack.i.u.bf16.f32 v62;
	v19 =	vunpack.i.l.bf16.f32 v62;
	v26 =	vunpack.i.u.bf16.f32 v24  }
0x3ba: {  	v21 =	vunpack.i.l.bf16.f32 v24;
	v16 =	vadd.f32 v16, v61;
	v17 =	vadd.f32 v17, v63  }
0x3bb: {  	v18 =	vadd.f32 v19, v25;
	v27 =	vadd.f32 v21, v26;
	_ =	sdelay $0x1  }
0x3bc: {  	v16 =	vadd.f32 v17, v16;
	v17 =	vadd.f32 v27, v18;
	_ =	sdelay $0x1  }
0x3bd: {  	v16 =	vadd.f32 v17, v16;
	_ =	sdelay $0x1  }
0x3be: {  	[tilespmem:$0x9EF0] =	vst v16  }
0x3bf: {  	v16 =	vld [tilespmem:s24+$0x4DB0]  }
0x3c0: {  	v17 =	vld [tilespmem:s24+$0x75B0]  }
0x3c1: {  	v28 =	vld [tilespmem:s24+$0x4DC0]  }
0x3c2: {  	v29 =	vld [tilespmem:s24+$0x75C0]  }
0x3c3: {  	v30 =	vld [tilespmem:s24+$0x4DD0]  }
0x3c4: {  	v31 =	vld [tilespmem:s24+$0x75D0]  }
0x3c5: {  	v32 =	vld [tilespmem:s24+$0x4DE0]  }
0x3c6: {  	v33 =	vld [tilespmem:s24+$0x75E0];
	_ =	sdelay $0x2  }
0x3c7: {  	v16 =	vmul.bf16 v17, v16  }
0x3c8: {  	v17 =	vmul.bf16 v29, v28  }
0x3c9: {  	v35 =	vmul.bf16 v31, v30;
	v37 =	vmul.bf16 v33, v32;
	v34 =	vunpack.i.u.bf16.f32 v16  }
0x3ca: {  	v16 =	vunpack.i.l.bf16.f32 v16;
	v36 =	vunpack.i.u.bf16.f32 v17;
	v17 =	vunpack.i.l.bf16.f32 v17  }
0x3cb: {  	v38 =	vunpack.i.u.bf16.f32 v35;
	v19 =	vunpack.i.l.bf16.f32 v35;
	v39 =	vunpack.i.u.bf16.f32 v37  }
0x3cc: {  	v21 =	vunpack.i.l.bf16.f32 v37;
	v16 =	vadd.f32 v16, v34;
	v17 =	vadd.f32 v17, v36  }
0x3cd: {  	v18 =	vadd.f32 v19, v38;
	v40 =	vadd.f32 v21, v39;
	_ =	sdelay $0x1  }
0x3ce: {  	v16 =	vadd.f32 v17, v16;
	v17 =	vadd.f32 v40, v18;
	_ =	sdelay $0x1  }
0x3cf: {  	v16 =	vadd.f32 v17, v16;
	_ =	sdelay $0x1  }
0x3d0: {  	[tilespmem:$0x9F00] =	vst v16  }
0x3d1: {  	v16 =	vld [tilespmem:s24+$0x4DF0]  }
0x3d2: {  	v17 =	vld [tilespmem:s24+$0x75F0]  }
0x3d3: {  	v41 =	vld [tilespmem:s24+$0x4E00]  }
0x3d4: {  	v42 =	vld [tilespmem:s24+$0x7600]  }
0x3d5: {  	v43 =	vld [tilespmem:s24+$0x4E10]  }
0x3d6: {  	v44 =	vld [tilespmem:s24+$0x7610]  }
0x3d7: {  	v45 =	vld [tilespmem:s24+$0x4E20]  }
0x3d8: {  	v46 =	vld [tilespmem:s24+$0x7620];
	_ =	sdelay $0x2  }
0x3d9: {  	v16 =	vmul.bf16 v17, v16  }
0x3da: {  	v17 =	vmul.bf16 v42, v41  }
0x3db: {  	v47 =	vmul.bf16 v44, v43;
	v49 =	vmul.bf16 v46, v45;
	v48 =	vunpack.i.u.bf16.f32 v16  }
0x3dc: {  	v16 =	vunpack.i.l.bf16.f32 v16;
	v50 =	vunpack.i.u.bf16.f32 v17;
	v17 =	vunpack.i.l.bf16.f32 v17  }
0x3dd: {  	v51 =	vunpack.i.u.bf16.f32 v47;
	v18 =	vunpack.i.l.bf16.f32 v47;
	v52 =	vunpack.i.u.bf16.f32 v49  }
0x3de: {  	v20 =	vunpack.i.l.bf16.f32 v49;
	v16 =	vadd.f32 v16, v48;
	v17 =	vadd.f32 v17, v50  }
0x3df: {  	v18 =	vadd.f32 v18, v51;
	v53 =	vadd.f32 v20, v52;
	_ =	sdelay $0x1  }
0x3e0: {  	v16 =	vadd.f32 v17, v16;
	v17 =	vadd.f32 v53, v18;
	_ =	sdelay $0x1  }
0x3e1: {  	v16 =	vadd.f32 v17, v16;
	_ =	sdelay $0x1  }
0x3e2: {  	[tilespmem:$0x9F10] =	vst v16  }
0x3e3: {  	v16 =	vld.idx.msk [tilespmem:v0+s17+$0x0], $0xffff;
	_ =	sdelay $0x1  }
0x3e4: {  	v17 =	vld.idx.msk [tilespmem:v1+s17+$0x0], $0xffff;
	_ =	sdelay $0x1  }
0x3e5: {  	v54 =	vld.idx.msk [tilespmem:v2+s17+$0x0], $0xffff  }
0x3e6: {  	v16 =	vadd.f32 $0.0e+00, v16  }
0x3e7: {  	v55 =	vld.idx.msk [tilespmem:v3+s17+$0x0], $0xffff  }
0x3e8: {  	v16 =	vadd.f32 v17, v16  }
0x3e9: {  	v17 =	vld.idx.msk [tilespmem:v4+s17+$0x0], $0xffff  }
0x3ea: {  	v16 =	vadd.f32 v54, v16  }
0x3eb: {  	v56 =	vld.idx.msk [tilespmem:v5+s17+$0x0], $0xffff  }
0x3ec: {  	v16 =	vadd.f32 v55, v16  }
0x3ed: {  	v57 =	vld.idx.msk [tilespmem:v6+s17+$0x0], $0xffff  }
0x3ee: {  	v16 =	vadd.f32 v17, v16  }
0x3ef: {  	v17 =	vld.idx.msk [tilespmem:v7+s17+$0x0], $0xffff  }
0x3f0: {  	v16 =	vadd.f32 v56, v16  }
0x3f1: {  	v58 =	vld.idx.msk [tilespmem:v8+s17+$0x0], $0xffff  }
0x3f2: {  	v16 =	vadd.f32 v57, v16  }
0x3f3: {  	v59 =	vld.idx.msk [tilespmem:v9+s17+$0x0], $0xffff  }
0x3f4: {  	v16 =	vadd.f32 v17, v16  }
0x3f5: {  	v17 =	vld.idx.msk [tilespmem:v10+s17+$0x0], $0xffff  }
0x3f6: {  	v16 =	vadd.f32 v58, v16  }
0x3f7: {  	v60 =	vld.idx.msk [tilespmem:v11+s17+$0x0], $0xffff  }
0x3f8: {  	v16 =	vadd.f32 v59, v16  }
0x3f9: {  	v61 =	vld.idx.msk [tilespmem:v12+s17+$0x0], $0xffff  }
0x3fa: {  	v16 =	vadd.f32 v17, v16  }
0x3fb: {  	v17 =	vld.idx.msk [tilespmem:v13+s17+$0x0], $0xffff  }
0x3fc: {  	v16 =	vadd.f32 v60, v16  }
0x3fd: {  	v62 =	vld.idx.msk [tilespmem:v14+s17+$0x0], $0xffff  }
0x3fe: {  	v16 =	vadd.f32 v61, v16  }
0x3ff: {  	v63 =	vld.idx.msk [tilespmem:v15+s17+$0x0], $0xffff  }
0x400: {  	v16 =	vadd.f32 v17, v16  }
0x401: {  	p0 =	sne.s32 s22, $0x4FC0  }
.Ltmp3:
0x402: {  	v16 =	vadd.f32 v62, v16;
	(pc) =	sbr.rel @p0 .LBB2_8-.Ltmp3, $3  }
0x403: {  	_ = 	snop  }
0x404: {  	v16 =	vadd.f32 v63, v16;
	_ =	sdelay $0x1  }
0x405: {  	s22 =	sadd.s32 $0x1000, s22;
	[tilespmem:s23+$0x0] =	vst v16;
	s23 =	sadd.s32 $0x10, s23  }
0x406: {  	s21 =	sadd.s32 $0x1, s21  }
0x407: {  	p0 =	sne.s32 s21, s7  }
.Ltmp4:
0x408: {  	_ = 	snop;
	(pc) =	sbr.rel @p0 .LBB2_1-.Ltmp4, $4  }
0x409: {  	[hbm4b:s6+s3] =	stream.linear.scatter [tilespmem:s20], [sflag:$0x5], $0x2710, $0x38;
	[tilespmem:$0xC630] =	vst v63  }
0x40a: {  	_ =	swait.ge [sflag:s8], $0x2710  }
0x40b: {  	[sflag:s8] =	ssyncset.done $0x0  }
0x40c: {  	[sflag:s8] =	ssyncadd.s32 $0xFFFFD8F0  }
0x40d: {  	_ =	sfence.sel $0x180000  }
0x40e: {  	[bflag:$0x0] =	sbarrier.arrive $0xFFFF  }
0x40f: {  	p0 =	sne.s32 s2, $0x0;
	_ =	strace $0x90000047  }
0x410: {  	s0 =	sadd.s32 @!p0 $0x100000, s0;
	[bflag:$0x2] =	sbarrier.arrive $0xFFFF  }
0x411: {  	[sflag:s0] =	ssyncadd.tile.s32 @!p0 $0x1;
	_ =	shalt  }
.Lfunc_end2:
_tile_overlayer_lowered:
.L_overlay_start_2:
0x412: {  	(tag) =	ssettag $0x2  }
0x413: {  	s0 =	rddreg [dreg:$0x0];
	s2 =	stileid.u32  }
0x414: {  	s1 =	rddreg [dreg:$0x1];
	p0 =	sne.s32 s2, $0x0  }
0x415: {  	s3 =	rddreg [dreg:$0x2];
	[bflag:$0x3] =	sbarrier.arrive $0xFFFF;
	s2 =	simm.s32 @!p0 $0x1C05  }
0x416: {  	[timem:s3], [sflag:s2] =	dma.local @!p0 [hbm:s0], s1  }
0x417: {  	s0 =	simm.s32 @!p0 $0x5  }
0x418: {  	_ =	swait.ge @!p0 [sflag:s0], s1  }
0x419: {  	s1 =	ssub.s32 @!p0 $0x0, s1;
	[sflag:s0] =	ssyncset.done @!p0 $0x0  }
0x41a: {  	[sflag:s0] =	ssyncadd.s32 @!p0 s1  }
0x41b: {  	[bflag:$0x3] =	sbarrier.arrive $0xFFFF  }
0x41c: {  	_ =	shalt  }

</sc_bundles>
